<compile_context>
chip_gen: v7x
topology: tpu7x:2x2x1
jax: 0.10.2.dev20260603
libtpu: 0.0.44.dev20260713+nightly
codegen_flags: <defaults>
</compile_context>

<pallas_src>
import functools

import jax
import jax.numpy as jnp
from jax import lax
from jax.experimental import pallas as pl
from jax.experimental.pallas import tpu as pltpu
from jax.experimental.pallas import tpu_sc as plsc

F32 = jnp.float32
I32 = jnp.int32


def _silu(x):
    return x * (1.0 / (1.0 + jnp.exp(-x)))


def _ceil_to(x, m):
    return ((x + m - 1) // m) * m


def kernel(h, pos, edge_index, We1, be1, We2, be2, Wx1, bx1, Wx2, Wh1, bh1, Wh2, bh2):
    N, D = h.shape
    P = pos.shape[1]
    E = edge_index.shape[1]
    H = We2.shape[0]
    PW = 4

    try:
        info = plsc.get_sparse_core_info()
        NC, NS = info.num_cores, info.num_subcores
    except Exception:
        NC, NS = 2, 16
    NW = NC * NS
    C = 128
    NQ = C // 16
    K = -(-E // (NW * C))
    KH = (K + 1) // 2
    EP = NW * C * K
    NP = _ceil_to(N + 1, 1024)
    RP = NP // NS

    pp = jnp.zeros((NP, PW), F32).at[:N, :P].set(pos)
    src = edge_index[0]
    dst = edge_index[1]
    pad = EP - E
    srcp = jnp.concatenate([src, jnp.zeros((pad,), I32)])
    dstp = jnp.concatenate([dst, jnp.full((pad,), N, I32)])
    src3 = srcp.reshape(NW, K, C)
    dst3 = dstp.reshape(NW, K, C)
    A = We1[:D]
    B = We1[D:2 * D]
    w257 = We1[2 * D:2 * D + 1]
    be1r = be1.reshape(1, H)
    be2r = be2.reshape(1, H)
    bx1r = bx1.reshape(1, H)
    wx2r = Wx2.reshape(1, H)
    Wh1a = Wh1[:D]
    Wh1b = Wh1[D:]
    bh1r = bh1.reshape(1, H)
    bh2r = bh2.reshape(1, D)
    zeros_m = jnp.zeros((NP, H), F32)
    zeros_4 = jnp.zeros((PW * NP,), F32)
    BF = jnp.bfloat16
    Ab = A.astype(BF)
    Bb = B.astype(BF)
    We2b = We2.astype(BF)
    Wx1b = Wx1.astype(BF)
    Wh1ab = Wh1a.astype(BF)
    Wh1bb = Wh1b.astype(BF)
    Wh2b = Wh2.astype(BF)

    RB1 = 1000

    def k1_body(hb, a_ref, b_ref, be1_ref, td, ts):
        hv = hb[...].astype(jnp.bfloat16)
        td[...] = jnp.dot(hv, a_ref[...], preferred_element_type=F32) + be1_ref[...]
        ts[...] = jnp.dot(hv, b_ref[...], preferred_element_type=F32)

    Td, Ts = pl.pallas_call(
        k1_body,
        grid=(N // RB1,),
        in_specs=[
            pl.BlockSpec((RB1, D), lambda i: (i, 0)),
            pl.BlockSpec((D, H), lambda i: (0, 0)),
            pl.BlockSpec((D, H), lambda i: (0, 0)),
            pl.BlockSpec((1, H), lambda i: (0, 0)),
        ],
        out_specs=[
            pl.BlockSpec((RB1, H), lambda i: (i, 0)),
            pl.BlockSpec((RB1, H), lambda i: (i, 0)),
        ],
        out_shape=[
            jax.ShapeDtypeStruct((NP, H), F32),
            jax.ShapeDtypeStruct((NP, H), F32),
        ],
    )(h, Ab, Bb, be1r)

    mesh = plsc.VectorSubcoreMesh(core_axis_name="c", subcore_axis_name="s")

    @functools.partial(
        pl.kernel,
        out_type=(jax.ShapeDtypeStruct((EP, H), F32),
                  jax.ShapeDtypeStruct((EP,), F32),
                  jax.ShapeDtypeStruct((EP,), F32),
                  jax.ShapeDtypeStruct((EP,), F32),
                  jax.ShapeDtypeStruct((EP,), F32)),
        mesh=mesh,
        compiler_params=pltpu.CompilerParams(needs_layout_passes=False),
        scratch_types=[
            pltpu.VMEM((K, C), I32),
            pltpu.VMEM((K, C), I32),
            pltpu.VMEM((NP * PW,), F32),
            pltpu.VMEM((C, H), F32),
            pltpu.VMEM((C, H), F32),
            pltpu.VMEM((4, C), F32),
            pltpu.VMEM((4, C), F32),
            pltpu.SemaphoreType.DMA,
            pltpu.SemaphoreType.DMA,
            pltpu.SemaphoreType.DMA,
            pltpu.SemaphoreType.DMA,
            pltpu.SemaphoreType.DMA,
            pltpu.SemaphoreType.DMA,
        ],
    )
    def k2(td_h, ts_h, dst_h, src_h, pos_h,
           g_h, rx_h, ry_h, rz_h, d2_h,
           idxd, idxs, posv, buf0, buf1, relb0, relb1,
           semgd0, semgd1, semgs0, semgs1, semw0, semw1):
        c = lax.axis_index("c")
        s = lax.axis_index("s")
        wid = s * NC + c
        pltpu.sync_copy(dst_h.at[wid], idxd)
        pltpu.sync_copy(src_h.at[wid], idxs)
        pltpu.sync_copy(pos_h, posv)
        base = wid * K
        lanes = lax.iota(I32, 16)

        def rel_compute(j, relb):
            for q in range(NQ):
                dv = idxd[j, pl.ds(q * 16, 16)] * PW
                sv = idxs[j, pl.ds(q * 16, 16)] * PW
                d2 = jnp.zeros((16,), F32)
                for comp in range(P):
                    rc = (plsc.load_gather(posv, [dv + comp])
                          - plsc.load_gather(posv, [sv + comp]))
                    relb[comp, pl.ds(q * 16, 16)] = rc
                    d2 = d2 + rc * rc
                relb[P, pl.ds(q * 16, 16)] = d2

        def issue_gd(j, buf, sem):
            pltpu.async_copy(td_h.at[idxd.at[j]], buf, sem)

        def wait_gd(j, buf, sem):
            pltpu.make_async_copy(td_h.at[idxd.at[j]], buf, sem).wait()

        def issue_gs(j, buf, sem):
            pltpu.async_copy(ts_h.at[idxs.at[j]], buf, sem, add=True)

        def wait_gs(j, buf, sem):
            pltpu.make_async_copy(ts_h.at[idxs.at[j]], buf, sem).wait()

        def issue_wr(j, buf, relb, sem):
            row0 = (base + j) * C
            pltpu.async_copy(buf, g_h.at[pl.ds(row0, C)], sem)
            pltpu.async_copy(relb.at[0], rx_h.at[pl.ds(row0, C)], sem)
            pltpu.async_copy(relb.at[1], ry_h.at[pl.ds(row0, C)], sem)
            pltpu.async_copy(relb.at[2], rz_h.at[pl.ds(row0, C)], sem)
            pltpu.async_copy(relb.at[3], d2_h.at[pl.ds(row0, C)], sem)

        def drain_wr(buf, relb, sem):
            row0 = base * C
            pltpu.make_async_copy(buf, g_h.at[pl.ds(row0, C)], sem).wait()
            pltpu.make_async_copy(relb.at[0], rx_h.at[pl.ds(row0, C)], sem).wait()
            pltpu.make_async_copy(relb.at[1], ry_h.at[pl.ds(row0, C)], sem).wait()
            pltpu.make_async_copy(relb.at[2], rz_h.at[pl.ds(row0, C)], sem).wait()
            pltpu.make_async_copy(relb.at[3], d2_h.at[pl.ds(row0, C)], sem).wait()

        issue_gd(0, buf0, semgd0)

        def body(jj, carry):
            j0 = 2 * jj
            j1 = j0 + 1
            j2 = j0 + 2
            rel_compute(j0, relb0)
            wait_gd(j0, buf0, semgd0)
            issue_gs(j0, buf0, semgs0)

            @pl.when(j1 < K)
            def _():
                @pl.when(jj > 0)
                def _():
                    drain_wr(buf1, relb1, semw1)
                issue_gd(j1, buf1, semgd1)

            wait_gs(j0, buf0, semgs0)
            issue_wr(j0, buf0, relb0, semw0)

            @pl.when(j1 < K)
            def _():
                rel_compute(j1, relb1)
                wait_gd(j1, buf1, semgd1)
                issue_gs(j1, buf1, semgs1)

                @pl.when(j2 < K)
                def _():
                    drain_wr(buf0, relb0, semw0)
                    issue_gd(j2, buf0, semgd0)

                wait_gs(j1, buf1, semgs1)
                issue_wr(j1, buf1, relb1, semw1)

            return carry

        lax.fori_loop(0, KH, body, 0)
        drain_wr(buf0, relb0, semw0)
        if K >= 2:
            drain_wr(buf1, relb1, semw1)

    G, Rx, Ry, Rz, D2s = k2(Td, Ts, dst3, src3, pp.reshape(NP * PW))

    BE = 4096

    def k3_body(g, rx, ry, rz, d2f, we2, be2_r, wx1, bx1_r, wx2_r, w257_r,
                evm, tx, ty, tz):
        d2 = d2f[...].reshape(BE, 1)
        pre = g[...] + d2 * w257_r[...]
        m = _silu(pre)
        mb = m.astype(jnp.bfloat16)
        m = _silu(jnp.dot(mb, we2[...], preferred_element_type=F32) + be2_r[...])
        t = _silu(jnp.dot(m.astype(jnp.bfloat16), wx1[...],
                          preferred_element_type=F32) + bx1_r[...])
        w = jnp.sum(t * wx2_r[...], axis=1)
        evm[...] = m
        tx[...] = rx[...] * w
        ty[...] = ry[...] * w
        tz[...] = rz[...] * w

    EVm, Tx, Ty, Tz = pl.pallas_call(
        k3_body,
        grid=(EP // BE,),
        in_specs=[
            pl.BlockSpec((BE, H), lambda i: (i, 0)),
            pl.BlockSpec((BE,), lambda i: (i,)),
            pl.BlockSpec((BE,), lambda i: (i,)),
            pl.BlockSpec((BE,), lambda i: (i,)),
            pl.BlockSpec((BE,), lambda i: (i,)),
            pl.BlockSpec((H, H), lambda i: (0, 0)),
            pl.BlockSpec((1, H), lambda i: (0, 0)),
            pl.BlockSpec((H, H), lambda i: (0, 0)),
            pl.BlockSpec((1, H), lambda i: (0, 0)),
            pl.BlockSpec((1, H), lambda i: (0, 0)),
            pl.BlockSpec((1, H), lambda i: (0, 0)),
        ],
        out_specs=[
            pl.BlockSpec((BE, H), lambda i: (i, 0)),
            pl.BlockSpec((BE,), lambda i: (i,)),
            pl.BlockSpec((BE,), lambda i: (i,)),
            pl.BlockSpec((BE,), lambda i: (i,)),
        ],
        out_shape=[
            jax.ShapeDtypeStruct((EP, H), F32),
            jax.ShapeDtypeStruct((EP,), F32),
            jax.ShapeDtypeStruct((EP,), F32),
            jax.ShapeDtypeStruct((EP,), F32),
        ],
    )(G, Rx, Ry, Rz, D2s, We2b, be2r, Wx1b, bx1r, wx2r, w257)

    @functools.partial(
        pl.kernel,
        out_type=(jax.ShapeDtypeStruct((NP, H), F32),
                  jax.ShapeDtypeStruct((NP, H), F32)),
        mesh=mesh,
        compiler_params=pltpu.CompilerParams(needs_layout_passes=False),
        scratch_types=[
            pltpu.VMEM((K, C), I32),
            pltpu.VMEM((C, H), F32),
            pltpu.VMEM((C, H), F32),
            pltpu.VMEM_SHARED((NP, H), F32),
            pltpu.SemaphoreType.DMA,
            pltpu.SemaphoreType.DMA,
        ],
    )
    def k4a(evm_h, dst_h, zm_h, p0_h, p1_h, idxd, m0, m1, accm, semld0, semld1):
        c = lax.axis_index("c")
        s = lax.axis_index("s")
        wid = s * NC + c
        r0 = s * RP
        pltpu.sync_copy(zm_h.at[pl.ds(r0, RP)], accm.at[pl.ds(r0, RP)])
        pltpu.sync_copy(dst_h.at[wid], idxd)
        plsc.subcore_barrier()
        base = wid * K

        def issue_ld(j, buf, sem):
            pltpu.async_copy(evm_h.at[pl.ds((base + j) * C, C)], buf, sem)

        def wait_ld(j, buf, sem):
            pltpu.make_async_copy(evm_h.at[pl.ds((base + j) * C, C)], buf, sem).wait()

        issue_ld(0, m0, semld0)

        def body(jj, carry):
            j0 = 2 * jj
            j1 = j0 + 1
            j2 = j0 + 2
            wait_ld(j0, m0, semld0)

            @pl.when(j1 < K)
            def _():
                issue_ld(j1, m1, semld1)

            pltpu.sync_copy(m0, accm.at[idxd.at[j0]], add=True)

            @pl.when(j1 < K)
            def _():
                wait_ld(j1, m1, semld1)

                @pl.when(j2 < K)
                def _():
                    issue_ld(j2, m0, semld0)

                pltpu.sync_copy(m1, accm.at[idxd.at[j1]], add=True)

            return carry

        lax.fori_loop(0, KH, body, 0)
        plsc.subcore_barrier()

        @pl.when(c == 0)
        def _():
            pltpu.sync_copy(accm.at[pl.ds(r0, RP)], p0_h.at[pl.ds(r0, RP)])

        @pl.when(c == 1)
        def _():
            pltpu.sync_copy(accm.at[pl.ds(r0, RP)], p1_h.at[pl.ds(r0, RP)])

    P0, P1 = k4a(EVm, dst3, zeros_m)

    RB5 = 640
    GB5 = -(-N // RB5)
    @functools.partial(
        pl.kernel,
        out_type=jax.ShapeDtypeStruct((NW, PW * NP), F32),
        mesh=mesh,
        compiler_params=pltpu.CompilerParams(needs_layout_passes=False),
        scratch_types=[
            pltpu.VMEM((K, C), I32),
            pltpu.VMEM((3, C), F32),
            pltpu.VMEM((3, C), F32),
            pltpu.VMEM((PW * NP,), F32),
            pltpu.SemaphoreType.DMA,
            pltpu.SemaphoreType.DMA,
        ],
    )
    def k4b(tx_h, ty_h, tz_h, dst_h, z4_h, t4_h, idxd, t0, t1, acc4,
            semld0, semld1):
        c = lax.axis_index("c")
        s = lax.axis_index("s")
        wid = s * NC + c
        pltpu.sync_copy(z4_h, acc4)
        pltpu.sync_copy(dst_h.at[wid], idxd)
        base = wid * K
        ones = jnp.full((16,), 1.0, F32)

        def issue_ld(j, buf, sem):
            row0 = (base + j) * C
            pltpu.async_copy(tx_h.at[pl.ds(row0, C)], buf.at[0], sem)
            pltpu.async_copy(ty_h.at[pl.ds(row0, C)], buf.at[1], sem)
            pltpu.async_copy(tz_h.at[pl.ds(row0, C)], buf.at[2], sem)

        def wait_ld(j, buf, sem):
            row0 = (base + j) * C
            pltpu.make_async_copy(tx_h.at[pl.ds(row0, C)], buf.at[0], sem).wait()
            pltpu.make_async_copy(ty_h.at[pl.ds(row0, C)], buf.at[1], sem).wait()
            pltpu.make_async_copy(tz_h.at[pl.ds(row0, C)], buf.at[2], sem).wait()

        def scat(j, tbuf):
            for q in range(NQ):
                dv = idxd[j, pl.ds(q * 16, 16)]
                for comp in range(P):
                    tv = tbuf[comp, pl.ds(q * 16, 16)]
                    plsc.addupdate_scatter(acc4, [dv + comp * NP], tv)
                plsc.addupdate_scatter(acc4, [dv + P * NP], ones)

        issue_ld(0, t0, semld0)

        def body(jj, carry):
            j0 = 2 * jj
            j1 = j0 + 1
            j2 = j0 + 2
            wait_ld(j0, t0, semld0)

            @pl.when(j1 < K)
            def _():
                issue_ld(j1, t1, semld1)

            scat(j0, t0)

            @pl.when(j1 < K)
            def _():
                wait_ld(j1, t1, semld1)

                @pl.when(j2 < K)
                def _():
                    issue_ld(j2, t0, semld0)

                scat(j1, t1)

            return carry

        lax.fori_loop(0, KH, body, 0)
        pltpu.sync_copy(acc4, t4_h.at[wid])

    T4 = k4b(Tx, Ty, Tz, dst3, zeros_4)


    def k5_body(hb, pb, p0, p1, txb, tyb, tzb, cntb,
                wh1a, wh1b, bh1_r, wh2, bh2_r, ho, po):
        aggm = p0[...] + p1[...]
        tx = jnp.sum(txb[...], axis=0).reshape(RB5, 1)
        ty = jnp.sum(tyb[...], axis=0).reshape(RB5, 1)
        tz = jnp.sum(tzb[...], axis=0).reshape(RB5, 1)
        cnt = jnp.sum(cntb[...], axis=0).reshape(RB5, 1)
        inv = 1.0 / jnp.maximum(cnt, 1.0)
        aggm = aggm * inv
        hv = hb[...]
        u = _silu(jnp.dot(hv.astype(jnp.bfloat16), wh1a[...],
                          preferred_element_type=F32)
                  + jnp.dot(aggm.astype(jnp.bfloat16), wh1b[...],
                            preferred_element_type=F32)
                  + bh1_r[...])
        ho[...] = hv + jnp.dot(u.astype(jnp.bfloat16), wh2[...],
                               preferred_element_type=F32) + bh2_r[...]
        po[...] = pb[...] + jnp.concatenate(
            [tx * inv, ty * inv, tz * inv, cnt * inv], axis=1)

    NB1 = NP // RB5
    h_out, pos4 = pl.pallas_call(
        k5_body,
        grid=(GB5,),
        in_specs=[
            pl.BlockSpec((RB5, D), lambda i: (i, 0)),
            pl.BlockSpec((RB5, PW), lambda i: (i, 0)),
            pl.BlockSpec((RB5, H), lambda i: (i, 0)),
            pl.BlockSpec((RB5, H), lambda i: (i, 0)),
            pl.BlockSpec((NW, RB5), lambda i: (0, i)),
            pl.BlockSpec((NW, RB5), lambda i: (0, NB1 + i)),
            pl.BlockSpec((NW, RB5), lambda i: (0, 2 * NB1 + i)),
            pl.BlockSpec((NW, RB5), lambda i: (0, 3 * NB1 + i)),
            pl.BlockSpec((D, H), lambda i: (0, 0)),
            pl.BlockSpec((H, H), lambda i: (0, 0)),
            pl.BlockSpec((1, H), lambda i: (0, 0)),
            pl.BlockSpec((H, D), lambda i: (0, 0)),
            pl.BlockSpec((1, D), lambda i: (0, 0)),
        ],
        out_specs=[
            pl.BlockSpec((RB5, D), lambda i: (i, 0)),
            pl.BlockSpec((RB5, PW), lambda i: (i, 0)),
        ],
        out_shape=[
            jax.ShapeDtypeStruct((N, D), F32),
            jax.ShapeDtypeStruct((N, PW), F32),
        ],
    )(h, pp, P0, P1, T4, T4, T4, T4, Wh1ab, Wh1bb, bh1r, Wh2b, bh2r)

    return (h_out, pos4[:, :P])

# --- scband reference (transcript-rebuilt; emitter-appended) ---
"""Pipeline reference for scband-egnn-43568148250635 (READ-ONLY COPY).

The authoritative reference and input builder live on the scoring server;
editing this copy changes nothing except your own understanding.
"""

import jax, jax.numpy as jnp
import numpy as np

N = 10000
E = 320000
D = 128
H = 128
P = 3


def _glorot(key, shape):
    fan_in = shape[0]
    return jax.random.normal(key, shape, jnp.float32) / jnp.sqrt(jnp.float32(fan_in))


def setup_inputs(seed: int = 0) -> dict:
    key = jax.random.key(seed)
    ks = jax.random.split(key, 16)
    h = jax.random.normal(ks[0], (N, D), jnp.float32)
    pos = jax.random.normal(ks[1], (N, P), jnp.float32)
    edge_index = jax.random.randint(ks[2], (2, E), 0, N).astype(jnp.int32)
    # EGNN layer parameters
    We1 = _glorot(ks[3], (2 * D + 1, H))
    be1 = jnp.zeros((H,), jnp.float32)
    We2 = _glorot(ks[4], (H, H))
    be2 = jnp.zeros((H,), jnp.float32)
    Wx1 = _glorot(ks[5], (H, H))
    bx1 = jnp.zeros((H,), jnp.float32)
    Wx2 = _glorot(ks[6], (H, 1))
    Wh1 = _glorot(ks[7], (D + H, H))
    bh1 = jnp.zeros((H,), jnp.float32)
    Wh2 = _glorot(ks[8], (H, D))
    bh2 = jnp.zeros((D,), jnp.float32)
    return {"h": h, "pos": pos, "edge_index": edge_index,
            "We1": We1, "be1": be1, "We2": We2, "be2": be2,
            "Wx1": Wx1, "bx1": bx1, "Wx2": Wx2,
            "Wh1": Wh1, "bh1": bh1, "Wh2": Wh2, "bh2": bh2}


def reference(h, pos, edge_index, We1, be1, We2, be2, Wx1, bx1, Wx2, Wh1, bh1, Wh2, bh2):
    src = edge_index[0]
    dst = edge_index[1]
    hs = jnp.take(h, src, axis=0)
    hd = jnp.take(h, dst, axis=0)
    ps = jnp.take(pos, src, axis=0)
    pd = jnp.take(pos, dst, axis=0)
    rel = pd - ps                                   # [E, P] x_i - x_j
    d2 = jnp.sum(rel * rel, axis=1, keepdims=True)  # [E, 1]
    # edge MLP (message)
    m = jax.nn.silu(jnp.concatenate([hd, hs, d2], axis=1) @ We1 + be1)
    m = jax.nn.silu(m @ We2 + be2)                  # [E, H]
    # coordinate update weight
    w = jax.nn.silu(m @ Wx1 + bx1) @ Wx2            # [E, 1]
    trans = rel * w                                 # [E, P]
    deg = jax.ops.segment_sum(jnp.ones((E,), jnp.float32), dst, num_segments=N)
    denom = jnp.maximum(deg, 1.0)[:, None]
    agg_pos = jax.ops.segment_sum(trans, dst, num_segments=N) / denom
    pos_out = pos + agg_pos
    # node update
    agg_m = jax.ops.segment_sum(m, dst, num_segments=N) / denom
    upd = jax.nn.silu(jnp.concatenate([h, agg_m], axis=1) @ Wh1 + bh1) @ Wh2 + bh2
    h_out = h + upd
    return (h_out, pos_out)

if __name__ == "__main__":
    import jax
    _d = setup_inputs()
    print(jax.jit(kernel)(*tuple(_d.values())))

</pallas_src>

<mosaic_0001>
#map = affine_map<(d0, d1) -> (0)>
#map1 = affine_map<(d0, d1) -> (0, 0, 0)>
#map2 = affine_map<(d0, d1) -> (0, 0)>
module attributes {stable_mosaic.version = 14 : i64} {
  func.func @k4b(%arg0: i32, %arg1: i32, %arg2: memref<323584xf32, #tpu.memory_space<hbm>>, %arg3: memref<323584xf32, #tpu.memory_space<hbm>>, %arg4: memref<323584xf32, #tpu.memory_space<hbm>>, %arg5: memref<32x79x128xi32, #tpu.memory_space<hbm>>, %arg6: memref<40960xf32, #tpu.memory_space<hbm>>, %arg7: memref<32x40960xf32, #tpu.memory_space<hbm>>, %arg8: memref<79x128xi32, #tpu.memory_space<vmem>>, %arg9: memref<3x128xf32, #tpu.memory_space<vmem>>, %arg10: memref<3x128xf32, #tpu.memory_space<vmem>>, %arg11: memref<40960xf32, #tpu.memory_space<vmem>>, %arg12: memref<!tpu.dma_semaphore, #tpu.memory_space<semaphore_mem>>, %arg13: memref<!tpu.dma_semaphore, #tpu.memory_space<semaphore_mem>>) attributes {dimension_semantics = [#tpu.dimension_semantics<core_parallel>, #tpu.dimension_semantics<subcore_parallel>], iteration_bounds = array<i64: 2, 16>, scalar_prefetch = 0 : i64, scratch_operands = 6 : i64, tpu.core_type = #tpu.core_type<sc_vector_subcore>, window_params = [{transform_indices = #map}, {transform_indices = #map}, {transform_indices = #map}, {transform_indices = #map1}, {transform_indices = #map}, {transform_indices = #map2}]} {
    %mul3A = arith.constant 2 : i32
    %mul3A_0 = arith.muli %arg1, %mul3A : i32
    %add3A = arith.addi %mul3A_0, %arg0 : i32
    "tpu.region"() ({
      %run_scoped3A = tpu.sem_alloc : memref<!tpu.dma_semaphore, #tpu.memory_space<semaphore_mem>>
      tpu.enqueue_dma source(%arg6 : memref<40960xf32, #tpu.memory_space<hbm>>) target(%arg11 : memref<40960xf32, #tpu.memory_space<vmem>>) target_semaphore(%run_scoped3A : memref<!tpu.dma_semaphore, #tpu.memory_space<semaphore_mem>>)
      tpu.wait_dma2 semaphore(%run_scoped3A : memref<!tpu.dma_semaphore, #tpu.memory_space<semaphore_mem>>) src(%arg6 : memref<40960xf32, #tpu.memory_space<hbm>>) dst(%arg11 : memref<40960xf32, #tpu.memory_space<vmem>>)
      tpu.yield
    }) : () -> ()
    "tpu.region"() ({
      %run_scoped3A = tpu.sem_alloc : memref<!tpu.dma_semaphore, #tpu.memory_space<semaphore_mem>>
      %dma_start3A_39 = arith.constant 0 : i32
      %dma_start3A_40 = arith.constant 0 : i32
      %dma_start3A_41 = tpu.memref_slice %arg5[%add3A, %dma_start3A_39, %dma_start3A_40] : memref<32x79x128xi32, #tpu.memory_space<hbm>> -> memref<1x79x128xi32, #tpu.memory_space<hbm>>
      %dma_start3A_42 = tpu.memref_squeeze %dma_start3A_41 : memref<1x79x128xi32, #tpu.memory_space<hbm>> -> memref<79x128xi32, #tpu.memory_space<hbm>>
      %dma_start3A_43 = arith.constant 0 : i32
      %dma_start3A_44 = arith.constant 0 : i32
      %dma_start3A_45 = tpu.memref_slice %arg5[%add3A, %dma_start3A_43, %dma_start3A_44] : memref<32x79x128xi32, #tpu.memory_space<hbm>> -> memref<1x79x128xi32, #tpu.memory_space<hbm>>
      %dma_start3A_46 = tpu.memref_squeeze %dma_start3A_45 : memref<1x79x128xi32, #tpu.memory_space<hbm>> -> memref<79x128xi32, #tpu.memory_space<hbm>>
      tpu.enqueue_dma source(%dma_start3A_46 : memref<79x128xi32, #tpu.memory_space<hbm>>) target(%arg8 : memref<79x128xi32, #tpu.memory_space<vmem>>) target_semaphore(%run_scoped3A : memref<!tpu.dma_semaphore, #tpu.memory_space<semaphore_mem>>)
      %dma_wait3A = arith.constant 0 : i32
      %dma_wait3A_47 = arith.constant 0 : i32
      %dma_wait3A_48 = tpu.memref_slice %arg5[%add3A, %dma_wait3A, %dma_wait3A_47] : memref<32x79x128xi32, #tpu.memory_space<hbm>> -> memref<1x79x128xi32, #tpu.memory_space<hbm>>
      %dma_wait3A_49 = tpu.memref_squeeze %dma_wait3A_48 : memref<1x79x128xi32, #tpu.memory_space<hbm>> -> memref<79x128xi32, #tpu.memory_space<hbm>>
      %dma_wait3A_50 = arith.constant 0 : i32
      %dma_wait3A_51 = arith.constant 0 : i32
      %dma_wait3A_52 = tpu.memref_slice %arg5[%add3A, %dma_wait3A_50, %dma_wait3A_51] : memref<32x79x128xi32, #tpu.memory_space<hbm>> -> memref<1x79x128xi32, #tpu.memory_space<hbm>>
      %dma_wait3A_53 = tpu.memref_squeeze %dma_wait3A_52 : memref<1x79x128xi32, #tpu.memory_space<hbm>> -> memref<79x128xi32, #tpu.memory_space<hbm>>
      tpu.wait_dma2 semaphore(%run_scoped3A : memref<!tpu.dma_semaphore, #tpu.memory_space<semaphore_mem>>) src(%dma_wait3A_53 : memref<79x128xi32, #tpu.memory_space<hbm>>) dst(%arg8 : memref<79x128xi32, #tpu.memory_space<vmem>>)
      tpu.yield
    }) : () -> ()
    %mul3A_1 = arith.constant 79 : i32
    %mul3A_2 = arith.muli %add3A, %mul3A_1 : i32
    %broadcast_in_dim3A = arith.constant 1.000000e+00 : f32
    %broadcast_in_dim3A_3 = vector.broadcast %broadcast_in_dim3A : f32 to vector<16xf32>
    %add3A_4 = arith.constant 0 : i32
    %add3A_5 = arith.addi %mul3A_2, %add3A_4 : i32
    %mul3A_6 = arith.constant 128 : i32
    %mul3A_7 = arith.muli %add3A_5, %mul3A_6 : i32
    %dma_start3A = arith.constant 0 : i32
    %dma_start3A_8 = arith.constant 0 : i32
    %dma_start3A_9 = tpu.memref_slice %arg9[%dma_start3A, %dma_start3A_8] : memref<3x128xf32, #tpu.memory_space<vmem>> -> memref<1x128xf32, #tpu.memory_space<vmem>>
    %dma_start3A_10 = tpu.memref_squeeze %dma_start3A_9 : memref<1x128xf32, #tpu.memory_space<vmem>> -> memref<128xf32, #tpu.memory_space<vmem>>
    %dma_start3A_11 = tpu.memref_slice %arg2[%mul3A_7] : memref<323584xf32, #tpu.memory_space<hbm>> -> memref<128xf32, #tpu.memory_space<hbm>>
    %dma_start3A_12 = arith.constant 0 : i32
    %dma_start3A_13 = tpu.memref_slice %arg9[%dma_start3A, %dma_start3A_12] : memref<3x128xf32, #tpu.memory_space<vmem>> -> memref<1x128xf32, #tpu.memory_space<vmem>>
    %dma_start3A_14 = tpu.memref_squeeze %dma_start3A_13 : memref<1x128xf32, #tpu.memory_space<vmem>> -> memref<128xf32, #tpu.memory_space<vmem>>
    %dma_start3A_15 = tpu.memref_slice %arg2[%mul3A_7] : memref<323584xf32, #tpu.memory_space<hbm>> -> memref<128xf32, #tpu.memory_space<hbm>>
    tpu.enqueue_dma source(%dma_start3A_15 : memref<128xf32, #tpu.memory_space<hbm>>) target(%dma_start3A_14 : memref<128xf32, #tpu.memory_space<vmem>>) target_semaphore(%arg12 : memref<!tpu.dma_semaphore, #tpu.memory_space<semaphore_mem>>)
    %dma_start3A_16 = arith.constant 1 : i32
    %dma_start3A_17 = arith.constant 0 : i32
    %dma_start3A_18 = tpu.memref_slice %arg9[%dma_start3A_16, %dma_start3A_17] : memref<3x128xf32, #tpu.memory_space<vmem>> -> memref<1x128xf32, #tpu.memory_space<vmem>>
    %dma_start3A_19 = tpu.memref_squeeze %dma_start3A_18 : memref<1x128xf32, #tpu.memory_space<vmem>> -> memref<128xf32, #tpu.memory_space<vmem>>
    %dma_start3A_20 = tpu.memref_slice %arg3[%mul3A_7] : memref<323584xf32, #tpu.memory_space<hbm>> -> memref<128xf32, #tpu.memory_space<hbm>>
    %dma_start3A_21 = arith.constant 0 : i32
    %dma_start3A_22 = tpu.memref_slice %arg9[%dma_start3A_16, %dma_start3A_21] : memref<3x128xf32, #tpu.memory_space<vmem>> -> memref<1x128xf32, #tpu.memory_space<vmem>>
    %dma_start3A_23 = tpu.memref_squeeze %dma_start3A_22 : memref<1x128xf32, #tpu.memory_space<vmem>> -> memref<128xf32, #tpu.memory_space<vmem>>
    %dma_start3A_24 = tpu.memref_slice %arg3[%mul3A_7] : memref<323584xf32, #tpu.memory_space<hbm>> -> memref<128xf32, #tpu.memory_space<hbm>>
    tpu.enqueue_dma source(%dma_start3A_24 : memref<128xf32, #tpu.memory_space<hbm>>) target(%dma_start3A_23 : memref<128xf32, #tpu.memory_space<vmem>>) target_semaphore(%arg12 : memref<!tpu.dma_semaphore, #tpu.memory_space<semaphore_mem>>)
    %dma_start3A_25 = arith.constant 2 : i32
    %dma_start3A_26 = arith.constant 0 : i32
    %dma_start3A_27 = tpu.memref_slice %arg9[%dma_start3A_25, %dma_start3A_26] : memref<3x128xf32, #tpu.memory_space<vmem>> -> memref<1x128xf32, #tpu.memory_space<vmem>>
    %dma_start3A_28 = tpu.memref_squeeze %dma_start3A_27 : memref<1x128xf32, #tpu.memory_space<vmem>> -> memref<128xf32, #tpu.memory_space<vmem>>
    %dma_start3A_29 = tpu.memref_slice %arg4[%mul3A_7] : memref<323584xf32, #tpu.memory_space<hbm>> -> memref<128xf32, #tpu.memory_space<hbm>>
    %dma_start3A_30 = arith.constant 0 : i32
    %dma_start3A_31 = tpu.memref_slice %arg9[%dma_start3A_25, %dma_start3A_30] : memref<3x128xf32, #tpu.memory_space<vmem>> -> memref<1x128xf32, #tpu.memory_space<vmem>>
    %dma_start3A_32 = tpu.memref_squeeze %dma_start3A_31 : memref<1x128xf32, #tpu.memory_space<vmem>> -> memref<128xf32, #tpu.memory_space<vmem>>
    %dma_start3A_33 = tpu.memref_slice %arg4[%mul3A_7] : memref<323584xf32, #tpu.memory_space<hbm>> -> memref<128xf32, #tpu.memory_space<hbm>>
    tpu.enqueue_dma source(%dma_start3A_33 : memref<128xf32, #tpu.memory_space<hbm>>) target(%dma_start3A_32 : memref<128xf32, #tpu.memory_space<vmem>>) target_semaphore(%arg12 : memref<!tpu.dma_semaphore, #tpu.memory_space<semaphore_mem>>)
    %scan3A = arith.constant 0 : i32
    %scan3A_34 = arith.constant 0 : i32
    %scan3A_35 = arith.constant 40 : i32
    %scan3A_36 = arith.addi %scan3A_34, %scan3A_35 : i32
    %scan3A_37 = arith.constant 1 : i32
    scf.for %scan3A_39 = %scan3A_34 to %scan3A_36 step %scan3A_37  : i32 {
      %mul3A_40 = arith.constant 2 : i32
      %mul3A_41 = arith.muli %mul3A_40, %scan3A_39 : i32
      %add3A_42 = arith.constant 1 : i32
      %add3A_43 = arith.addi %mul3A_41, %add3A_42 : i32
      %add3A_44 = arith.constant 2 : i32
      %add3A_45 = arith.addi %mul3A_41, %add3A_44 : i32
      %add3A_46 = arith.addi %mul3A_2, %mul3A_41 : i32
      %mul3A_47 = arith.constant 128 : i32
      %mul3A_48 = arith.muli %add3A_46, %mul3A_47 : i32
      %dma_wait3A = arith.constant 0 : i32
      %dma_wait3A_49 = arith.constant 0 : i32
      %dma_wait3A_50 = tpu.memref_slice %arg9[%dma_wait3A, %dma_wait3A_49] : memref<3x128xf32, #tpu.memory_space<vmem>> -> memref<1x128xf32, #tpu.memory_space<vmem>>
      %dma_wait3A_51 = tpu.memref_squeeze %dma_wait3A_50 : memref<1x128xf32, #tpu.memory_space<vmem>> -> memref<128xf32, #tpu.memory_space<vmem>>
      %dma_wait3A_52 = tpu.memref_slice %arg2[%mul3A_48] : memref<323584xf32, #tpu.memory_space<hbm>> -> memref<128xf32, #tpu.memory_space<hbm>>
      %dma_wait3A_53 = arith.constant 0 : i32
      %dma_wait3A_54 = tpu.memref_slice %arg9[%dma_wait3A, %dma_wait3A_53] : memref<3x128xf32, #tpu.memory_space<vmem>> -> memref<1x128xf32, #tpu.memory_space<vmem>>
      %dma_wait3A_55 = tpu.memref_squeeze %dma_wait3A_54 : memref<1x128xf32, #tpu.memory_space<vmem>> -> memref<128xf32, #tpu.memory_space<vmem>>
      %dma_wait3A_56 = tpu.memref_slice %arg2[%mul3A_48] : memref<323584xf32, #tpu.memory_space<hbm>> -> memref<128xf32, #tpu.memory_space<hbm>>
      tpu.wait_dma2 semaphore(%arg12 : memref<!tpu.dma_semaphore, #tpu.memory_space<semaphore_mem>>) src(%dma_wait3A_56 : memref<128xf32, #tpu.memory_space<hbm>>) dst(%dma_wait3A_55 : memref<128xf32, #tpu.memory_space<vmem>>)
      %dma_wait3A_57 = arith.constant 1 : i32
      %dma_wait3A_58 = arith.constant 0 : i32
      %dma_wait3A_59 = tpu.memref_slice %arg9[%dma_wait3A_57, %dma_wait3A_58] : memref<3x128xf32, #tpu.memory_space<vmem>> -> memref<1x128xf32, #tpu.memory_space<vmem>>
      %dma_wait3A_60 = tpu.memref_squeeze %dma_wait3A_59 : memref<1x128xf32, #tpu.memory_space<vmem>> -> memref<128xf32, #tpu.memory_space<vmem>>
      %dma_wait3A_61 = tpu.memref_slice %arg3[%mul3A_48] : memref<323584xf32, #tpu.memory_space<hbm>> -> memref<128xf32, #tpu.memory_space<hbm>>
      %dma_wait3A_62 = arith.constant 0 : i32
      %dma_wait3A_63 = tpu.memref_slice %arg9[%dma_wait3A_57, %dma_wait3A_62] : memref<3x128xf32, #tpu.memory_space<vmem>> -> memref<1x128xf32, #tpu.memory_space<vmem>>
      %dma_wait3A_64 = tpu.memref_squeeze %dma_wait3A_63 : memref<1x128xf32, #tpu.memory_space<vmem>> -> memref<128xf32, #tpu.memory_space<vmem>>
      %dma_wait3A_65 = tpu.memref_slice %arg3[%mul3A_48] : memref<323584xf32, #tpu.memory_space<hbm>> -> memref<128xf32, #tpu.memory_space<hbm>>
      tpu.wait_dma2 semaphore(%arg12 : memref<!tpu.dma_semaphore, #tpu.memory_space<semaphore_mem>>) src(%dma_wait3A_65 : memref<128xf32, #tpu.memory_space<hbm>>) dst(%dma_wait3A_64 : memref<128xf32, #tpu.memory_space<vmem>>)
      %dma_wait3A_66 = arith.constant 2 : i32
      %dma_wait3A_67 = arith.constant 0 : i32
      %dma_wait3A_68 = tpu.memref_slice %arg9[%dma_wait3A_66, %dma_wait3A_67] : memref<3x128xf32, #tpu.memory_space<vmem>> -> memref<1x128xf32, #tpu.memory_space<vmem>>
      %dma_wait3A_69 = tpu.memref_squeeze %dma_wait3A_68 : memref<1x128xf32, #tpu.memory_space<vmem>> -> memref<128xf32, #tpu.memory_space<vmem>>
      %dma_wait3A_70 = tpu.memref_slice %arg4[%mul3A_48] : memref<323584xf32, #tpu.memory_space<hbm>> -> memref<128xf32, #tpu.memory_space<hbm>>
      %dma_wait3A_71 = arith.constant 0 : i32
      %dma_wait3A_72 = tpu.memref_slice %arg9[%dma_wait3A_66, %dma_wait3A_71] : memref<3x128xf32, #tpu.memory_space<vmem>> -> memref<1x128xf32, #tpu.memory_space<vmem>>
      %dma_wait3A_73 = tpu.memref_squeeze %dma_wait3A_72 : memref<1x128xf32, #tpu.memory_space<vmem>> -> memref<128xf32, #tpu.memory_space<vmem>>
      %dma_wait3A_74 = tpu.memref_slice %arg4[%mul3A_48] : memref<323584xf32, #tpu.memory_space<hbm>> -> memref<128xf32, #tpu.memory_space<hbm>>
      tpu.wait_dma2 semaphore(%arg12 : memref<!tpu.dma_semaphore, #tpu.memory_space<semaphore_mem>>) src(%dma_wait3A_74 : memref<128xf32, #tpu.memory_space<hbm>>) dst(%dma_wait3A_73 : memref<128xf32, #tpu.memory_space<vmem>>)
      %lt3A = arith.constant 79 : i32
      %lt3A_75 = arith.cmpi slt, %add3A_43, %lt3A : i32
      %convert_element_type3A = arith.extui %lt3A_75 : i1 to i32
      %cond3A = arith.constant 0 : i32
      %cond3A_76 = arith.cmpi ne, %convert_element_type3A, %cond3A : i32
      scf.if %cond3A_76 {
        %add3A_297 = arith.addi %mul3A_2, %add3A_43 : i32
        %mul3A_298 = arith.constant 128 : i32
        %mul3A_299 = arith.muli %add3A_297, %mul3A_298 : i32
        %dma_start3A_300 = arith.constant 0 : i32
        %dma_start3A_301 = arith.constant 0 : i32
        %dma_start3A_302 = tpu.memref_slice %arg10[%dma_start3A_300, %dma_start3A_301] : memref<3x128xf32, #tpu.memory_space<vmem>> -> memref<1x128xf32, #tpu.memory_space<vmem>>
        %dma_start3A_303 = tpu.memref_squeeze %dma_start3A_302 : memref<1x128xf32, #tpu.memory_space<vmem>> -> memref<128xf32, #tpu.memory_space<vmem>>
        %dma_start3A_304 = tpu.memref_slice %arg2[%mul3A_299] : memref<323584xf32, #tpu.memory_space<hbm>> -> memref<128xf32, #tpu.memory_space<hbm>>
        %dma_start3A_305 = arith.constant 0 : i32
        %dma_start3A_306 = tpu.memref_slice %arg10[%dma_start3A_300, %dma_start3A_305] : memref<3x128xf32, #tpu.memory_space<vmem>> -> memref<1x128xf32, #tpu.memory_space<vmem>>
        %dma_start3A_307 = tpu.memref_squeeze %dma_start3A_306 : memref<1x128xf32, #tpu.memory_space<vmem>> -> memref<128xf32, #tpu.memory_space<vmem>>
        %dma_start3A_308 = tpu.memref_slice %arg2[%mul3A_299] : memref<323584xf32, #tpu.memory_space<hbm>> -> memref<128xf32, #tpu.memory_space<hbm>>
        tpu.enqueue_dma source(%dma_start3A_308 : memref<128xf32, #tpu.memory_space<hbm>>) target(%dma_start3A_307 : memref<128xf32, #tpu.memory_space<vmem>>) target_semaphore(%arg13 : memref<!tpu.dma_semaphore, #tpu.memory_space<semaphore_mem>>)
        %dma_start3A_309 = arith.constant 1 : i32
        %dma_start3A_310 = arith.constant 0 : i32
        %dma_start3A_311 = tpu.memref_slice %arg10[%dma_start3A_309, %dma_start3A_310] : memref<3x128xf32, #tpu.memory_space<vmem>> -> memref<1x128xf32, #tpu.memory_space<vmem>>
        %dma_start3A_312 = tpu.memref_squeeze %dma_start3A_311 : memref<1x128xf32, #tpu.memory_space<vmem>> -> memref<128xf32, #tpu.memory_space<vmem>>
        %dma_start3A_313 = tpu.memref_slice %arg3[%mul3A_299] : memref<323584xf32, #tpu.memory_space<hbm>> -> memref<128xf32, #tpu.memory_space<hbm>>
        %dma_start3A_314 = arith.constant 0 : i32
        %dma_start3A_315 = tpu.memref_slice %arg10[%dma_start3A_309, %dma_start3A_314] : memref<3x128xf32, #tpu.memory_space<vmem>> -> memref<1x128xf32, #tpu.memory_space<vmem>>
        %dma_start3A_316 = tpu.memref_squeeze %dma_start3A_315 : memref<1x128xf32, #tpu.memory_space<vmem>> -> memref<128xf32, #tpu.memory_space<vmem>>
        %dma_start3A_317 = tpu.memref_slice %arg3[%mul3A_299] : memref<323584xf32, #tpu.memory_space<hbm>> -> memref<128xf32, #tpu.memory_space<hbm>>
        tpu.enqueue_dma source(%dma_start3A_317 : memref<128xf32, #tpu.memory_space<hbm>>) target(%dma_start3A_316 : memref<128xf32, #tpu.memory_space<vmem>>) target_semaphore(%arg13 : memref<!tpu.dma_semaphore, #tpu.memory_space<semaphore_mem>>)
        %dma_start3A_318 = arith.constant 2 : i32
        %dma_start3A_319 = arith.constant 0 : i32
        %dma_start3A_320 = tpu.memref_slice %arg10[%dma_start3A_318, %dma_start3A_319] : memref<3x128xf32, #tpu.memory_space<vmem>> -> memref<1x128xf32, #tpu.memory_space<vmem>>
        %dma_start3A_321 = tpu.memref_squeeze %dma_start3A_320 : memref<1x128xf32, #tpu.memory_space<vmem>> -> memref<128xf32, #tpu.memory_space<vmem>>
        %dma_start3A_322 = tpu.memref_slice %arg4[%mul3A_299] : memref<323584xf32, #tpu.memory_space<hbm>> -> memref<128xf32, #tpu.memory_space<hbm>>
        %dma_start3A_323 = arith.constant 0 : i32
        %dma_start3A_324 = tpu.memref_slice %arg10[%dma_start3A_318, %dma_start3A_323] : memref<3x128xf32, #tpu.memory_space<vmem>> -> memref<1x128xf32, #tpu.memory_space<vmem>>
        %dma_start3A_325 = tpu.memref_squeeze %dma_start3A_324 : memref<1x128xf32, #tpu.memory_space<vmem>> -> memref<128xf32, #tpu.memory_space<vmem>>
        %dma_start3A_326 = tpu.memref_slice %arg4[%mul3A_299] : memref<323584xf32, #tpu.memory_space<hbm>> -> memref<128xf32, #tpu.memory_space<hbm>>
        tpu.enqueue_dma source(%dma_start3A_326 : memref<128xf32, #tpu.memory_space<hbm>>) target(%dma_start3A_325 : memref<128xf32, #tpu.memory_space<vmem>>) target_semaphore(%arg13 : memref<!tpu.dma_semaphore, #tpu.memory_space<semaphore_mem>>)
      } else {
      }
      %get3A = arith.index_cast %mul3A_41 : i32 to index
      %get3A_77 = arith.constant 0 : index
      %get3A_78 = tpu.vector_load %arg8[%get3A, %get3A_77] {strides = array<i32>} : memref<79x128xi32, #tpu.memory_space<vmem>>, vector<16xi32>,
      %get3A_79 = arith.constant 0 : i32
      %get3A_80 = arith.index_cast %get3A_79 : i32 to index
      %get3A_81 = arith.constant 0 : index
      %get3A_82 = tpu.vector_load %arg9[%get3A_80, %get3A_81] {strides = array<i32>} : memref<3x128xf32, #tpu.memory_space<vmem>>, vector<16xf32>,
      %add3A_83 = arith.constant 0 : i32
      %add3A_84 = vector.broadcast %add3A_83 : i32 to vector<16xi32>
      %add3A_85 = arith.addi %get3A_78, %add3A_84 : vector<16xi32>
      tpu.vector_store_idx %arg11[%add3A_85], %get3A_82 {add = true} : memref<40960xf32, #tpu.memory_space<vmem>>[vector<16xi32>], vector<16xf32>,
      %get3A_86 = arith.constant 1 : i32
      %get3A_87 = arith.index_cast %get3A_86 : i32 to index
      %get3A_88 = arith.constant 0 : index
      %get3A_89 = tpu.vector_load %arg9[%get3A_87, %get3A_88] {strides = array<i32>} : memref<3x128xf32, #tpu.memory_space<vmem>>, vector<16xf32>,
      %add3A_90 = arith.constant 10240 : i32
      %add3A_91 = vector.broadcast %add3A_90 : i32 to vector<16xi32>
      %add3A_92 = arith.addi %get3A_78, %add3A_91 : vector<16xi32>
      tpu.vector_store_idx %arg11[%add3A_92], %get3A_89 {add = true} : memref<40960xf32, #tpu.memory_space<vmem>>[vector<16xi32>], vector<16xf32>,
      %get3A_93 = arith.constant 2 : i32
      %get3A_94 = arith.index_cast %get3A_93 : i32 to index
      %get3A_95 = arith.constant 0 : index
      %get3A_96 = tpu.vector_load %arg9[%get3A_94, %get3A_95] {strides = array<i32>} : memref<3x128xf32, #tpu.memory_space<vmem>>, vector<16xf32>,
      %add3A_97 = arith.constant 20480 : i32
      %add3A_98 = vector.broadcast %add3A_97 : i32 to vector<16xi32>
      %add3A_99 = arith.addi %get3A_78, %add3A_98 : vector<16xi32>
      tpu.vector_store_idx %arg11[%add3A_99], %get3A_96 {add = true} : memref<40960xf32, #tpu.memory_space<vmem>>[vector<16xi32>], vector<16xf32>,
      %add3A_100 = arith.constant 30720 : i32
      %add3A_101 = vector.broadcast %add3A_100 : i32 to vector<16xi32>
      %add3A_102 = arith.addi %get3A_78, %add3A_101 : vector<16xi32>
      tpu.vector_store_idx %arg11[%add3A_102], %broadcast_in_dim3A_3 {add = true} : memref<40960xf32, #tpu.memory_space<vmem>>[vector<16xi32>], vector<16xf32>,
      %get3A_103 = arith.index_cast %mul3A_41 : i32 to index
      %get3A_104 = arith.constant 16 : index
      %get3A_105 = tpu.vector_load %arg8[%get3A_103, %get3A_104] {strides = array<i32>} : memref<79x128xi32, #tpu.memory_space<vmem>>, vector<16xi32>,
      %get3A_106 = arith.constant 0 : i32
      %get3A_107 = arith.index_cast %get3A_106 : i32 to index
      %get3A_108 = arith.constant 16 : index
      %get3A_109 = tpu.vector_load %arg9[%get3A_107, %get3A_108] {strides = array<i32>} : memref<3x128xf32, #tpu.memory_space<vmem>>, vector<16xf32>,
      %add3A_110 = arith.constant 0 : i32
      %add3A_111 = vector.broadcast %add3A_110 : i32 to vector<16xi32>
      %add3A_112 = arith.addi %get3A_105, %add3A_111 : vector<16xi32>
      tpu.vector_store_idx %arg11[%add3A_112], %get3A_109 {add = true} : memref<40960xf32, #tpu.memory_space<vmem>>[vector<16xi32>], vector<16xf32>,
      %get3A_113 = arith.constant 1 : i32
      %get3A_114 = arith.index_cast %get3A_113 : i32 to index
      %get3A_115 = arith.constant 16 : index
      %get3A_116 = tpu.vector_load %arg9[%get3A_114, %get3A_115] {strides = array<i32>} : memref<3x128xf32, #tpu.memory_space<vmem>>, vector<16xf32>,
      %add3A_117 = arith.constant 10240 : i32
      %add3A_118 = vector.broadcast %add3A_117 : i32 to vector<16xi32>
      %add3A_119 = arith.addi %get3A_105, %add3A_118 : vector<16xi32>
      tpu.vector_store_idx %arg11[%add3A_119], %get3A_116 {add = true} : memref<40960xf32, #tpu.memory_space<vmem>>[vector<16xi32>], vector<16xf32>,
      %get3A_120 = arith.constant 2 : i32
      %get3A_121 = arith.index_cast %get3A_120 : i32 to index
      %get3A_122 = arith.constant 16 : index
      %get3A_123 = tpu.vector_load %arg9[%get3A_121, %get3A_122] {strides = array<i32>} : memref<3x128xf32, #tpu.memory_space<vmem>>, vector<16xf32>,
      %add3A_124 = arith.constant 20480 : i32
      %add3A_125 = vector.broadcast %add3A_124 : i32 to vector<16xi32>
      %add3A_126 = arith.addi %get3A_105, %add3A_125 : vector<16xi32>
      tpu.vector_store_idx %arg11[%add3A_126], %get3A_123 {add = true} : memref<40960xf32, #tpu.memory_space<vmem>>[vector<16xi32>], vector<16xf32>,
      %add3A_127 = arith.constant 30720 : i32
      %add3A_128 = vector.broadcast %add3A_127 : i32 to vector<16xi32>
      %add3A_129 = arith.addi %get3A_105, %add3A_128 : vector<16xi32>
      tpu.vector_store_idx %arg11[%add3A_129], %broadcast_in_dim3A_3 {add = true} : memref<40960xf32, #tpu.memory_space<vmem>>[vector<16xi32>], vector<16xf32>,
      %get3A_130 = arith.index_cast %mul3A_41 : i32 to index
      %get3A_131 = arith.constant 32 : index
      %get3A_132 = tpu.vector_load %arg8[%get3A_130, %get3A_131] {strides = array<i32>} : memref<79x128xi32, #tpu.memory_space<vmem>>, vector<16xi32>,
      %get3A_133 = arith.constant 0 : i32
      %get3A_134 = arith.index_cast %get3A_133 : i32 to index
      %get3A_135 = arith.constant 32 : index
      %get3A_136 = tpu.vector_load %arg9[%get3A_134, %get3A_135] {strides = array<i32>} : memref<3x128xf32, #tpu.memory_space<vmem>>, vector<16xf32>,
      %add3A_137 = arith.constant 0 : i32
      %add3A_138 = vector.broadcast %add3A_137 : i32 to vector<16xi32>
      %add3A_139 = arith.addi %get3A_132, %add3A_138 : vector<16xi32>
      tpu.vector_store_idx %arg11[%add3A_139], %get3A_136 {add = true} : memref<40960xf32, #tpu.memory_space<vmem>>[vector<16xi32>], vector<16xf32>,
      %get3A_140 = arith.constant 1 : i32
      %get3A_141 = arith.index_cast %get3A_140 : i32 to index
      %get3A_142 = arith.constant 32 : index
      %get3A_143 = tpu.vector_load %arg9[%get3A_141, %get3A_142] {strides = array<i32>} : memref<3x128xf32, #tpu.memory_space<vmem>>, vector<16xf32>,
      %add3A_144 = arith.constant 10240 : i32
      %add3A_145 = vector.broadcast %add3A_144 : i32 to vector<16xi32>
      %add3A_146 = arith.addi %get3A_132, %add3A_145 : vector<16xi32>
      tpu.vector_store_idx %arg11[%add3A_146], %get3A_143 {add = true} : memref<40960xf32, #tpu.memory_space<vmem>>[vector<16xi32>], vector<16xf32>,
      %get3A_147 = arith.constant 2 : i32
      %get3A_148 = arith.index_cast %get3A_147 : i32 to index
      %get3A_149 = arith.constant 32 : index
      %get3A_150 = tpu.vector_load %arg9[%get3A_148, %get3A_149] {strides = array<i32>} : memref<3x128xf32, #tpu.memory_space<vmem>>, vector<16xf32>,
      %add3A_151 = arith.constant 20480 : i32
      %add3A_152 = vector.broadcast %add3A_151 : i32 to vector<16xi32>
      %add3A_153 = arith.addi %get3A_132, %add3A_152 : vector<16xi32>
      tpu.vector_store_idx %arg11[%add3A_153], %get3A_150 {add = true} : memref<40960xf32, #tpu.memory_space<vmem>>[vector<16xi32>], vector<16xf32>,
      %add3A_154 = arith.constant 30720 : i32
      %add3A_155 = vector.broadcast %add3A_154 : i32 to vector<16xi32>
      %add3A_156 = arith.addi %get3A_132, %add3A_155 : vector<16xi32>
      tpu.vector_store_idx %arg11[%add3A_156], %broadcast_in_dim3A_3 {add = true} : memref<40960xf32, #tpu.memory_space<vmem>>[vector<16xi32>], vector<16xf32>,
      %get3A_157 = arith.index_cast %mul3A_41 : i32 to index
      %get3A_158 = arith.constant 48 : index
      %get3A_159 = tpu.vector_load %arg8[%get3A_157, %get3A_158] {strides = array<i32>} : memref<79x128xi32, #tpu.memory_space<vmem>>, vector<16xi32>,
      %get3A_160 = arith.constant 0 : i32
      %get3A_161 = arith.index_cast %get3A_160 : i32 to index
      %get3A_162 = arith.constant 48 : index
      %get3A_163 = tpu.vector_load %arg9[%get3A_161, %get3A_162] {strides = array<i32>} : memref<3x128xf32, #tpu.memory_space<vmem>>, vector<16xf32>,
      %add3A_164 = arith.constant 0 : i32
      %add3A_165 = vector.broadcast %add3A_164 : i32 to vector<16xi32>
      %add3A_166 = arith.addi %get3A_159, %add3A_165 : vector<16xi32>
      tpu.vector_store_idx %arg11[%add3A_166], %get3A_163 {add = true} : memref<40960xf32, #tpu.memory_space<vmem>>[vector<16xi32>], vector<16xf32>,
      %get3A_167 = arith.constant 1 : i32
      %get3A_168 = arith.index_cast %get3A_167 : i32 to index
      %get3A_169 = arith.constant 48 : index
      %get3A_170 = tpu.vector_load %arg9[%get3A_168, %get3A_169] {strides = array<i32>} : memref<3x128xf32, #tpu.memory_space<vmem>>, vector<16xf32>,
      %add3A_171 = arith.constant 10240 : i32
      %add3A_172 = vector.broadcast %add3A_171 : i32 to vector<16xi32>
      %add3A_173 = arith.addi %get3A_159, %add3A_172 : vector<16xi32>
      tpu.vector_store_idx %arg11[%add3A_173], %get3A_170 {add = true} : memref<40960xf32, #tpu.memory_space<vmem>>[vector<16xi32>], vector<16xf32>,
      %get3A_174 = arith.constant 2 : i32
      %get3A_175 = arith.index_cast %get3A_174 : i32 to index
      %get3A_176 = arith.constant 48 : index
      %get3A_177 = tpu.vector_load %arg9[%get3A_175, %get3A_176] {strides = array<i32>} : memref<3x128xf32, #tpu.memory_space<vmem>>, vector<16xf32>,
      %add3A_178 = arith.constant 20480 : i32
      %add3A_179 = vector.broadcast %add3A_178 : i32 to vector<16xi32>
      %add3A_180 = arith.addi %get3A_159, %add3A_179 : vector<16xi32>
      tpu.vector_store_idx %arg11[%add3A_180], %get3A_177 {add = true} : memref<40960xf32, #tpu.memory_space<vmem>>[vector<16xi32>], vector<16xf32>,
      %add3A_181 = arith.constant 30720 : i32
      %add3A_182 = vector.broadcast %add3A_181 : i32 to vector<16xi32>
      %add3A_183 = arith.addi %get3A_159, %add3A_182 : vector<16xi32>
      tpu.vector_store_idx %arg11[%add3A_183], %broadcast_in_dim3A_3 {add = true} : memref<40960xf32, #tpu.memory_space<vmem>>[vector<16xi32>], vector<16xf32>,
      %get3A_184 = arith.index_cast %mul3A_41 : i32 to index
      %get3A_185 = arith.constant 64 : index
      %get3A_186 = tpu.vector_load %arg8[%get3A_184, %get3A_185] {strides = array<i32>} : memref<79x128xi32, #tpu.memory_space<vmem>>, vector<16xi32>,
      %get3A_187 = arith.constant 0 : i32
      %get3A_188 = arith.index_cast %get3A_187 : i32 to index
      %get3A_189 = arith.constant 64 : index
      %get3A_190 = tpu.vector_load %arg9[%get3A_188, %get3A_189] {strides = array<i32>} : memref<3x128xf32, #tpu.memory_space<vmem>>, vector<16xf32>,
      %add3A_191 = arith.constant 0 : i32
      %add3A_192 = vector.broadcast %add3A_191 : i32 to vector<16xi32>
      %add3A_193 = arith.addi %get3A_186, %add3A_192 : vector<16xi32>
      tpu.vector_store_idx %arg11[%add3A_193], %get3A_190 {add = true} : memref<40960xf32, #tpu.memory_space<vmem>>[vector<16xi32>], vector<16xf32>,
      %get3A_194 = arith.constant 1 : i32
      %get3A_195 = arith.index_cast %get3A_194 : i32 to index
      %get3A_196 = arith.constant 64 : index
      %get3A_197 = tpu.vector_load %arg9[%get3A_195, %get3A_196] {strides = array<i32>} : memref<3x128xf32, #tpu.memory_space<vmem>>, vector<16xf32>,
      %add3A_198 = arith.constant 10240 : i32
      %add3A_199 = vector.broadcast %add3A_198 : i32 to vector<16xi32>
      %add3A_200 = arith.addi %get3A_186, %add3A_199 : vector<16xi32>
      tpu.vector_store_idx %arg11[%add3A_200], %get3A_197 {add = true} : memref<40960xf32, #tpu.memory_space<vmem>>[vector<16xi32>], vector<16xf32>,
      %get3A_201 = arith.constant 2 : i32
      %get3A_202 = arith.index_cast %get3A_201 : i32 to index
      %get3A_203 = arith.constant 64 : index
      %get3A_204 = tpu.vector_load %arg9[%get3A_202, %get3A_203] {strides = array<i32>} : memref<3x128xf32, #tpu.memory_space<vmem>>, vector<16xf32>,
      %add3A_205 = arith.constant 20480 : i32
      %add3A_206 = vector.broadcast %add3A_205 : i32 to vector<16xi32>
      %add3A_207 = arith.addi %get3A_186, %add3A_206 : vector<16xi32>
      tpu.vector_store_idx %arg11[%add3A_207], %get3A_204 {add = true} : memref<40960xf32, #tpu.memory_space<vmem>>[vector<16xi32>], vector<16xf32>,
      %add3A_208 = arith.constant 30720 : i32
      %add3A_209 = vector.broadcast %add3A_208 : i32 to vector<16xi32>
      %add3A_210 = arith.addi %get3A_186, %add3A_209 : vector<16xi32>
      tpu.vector_store_idx %arg11[%add3A_210], %broadcast_in_dim3A_3 {add = true} : memref<40960xf32, #tpu.memory_space<vmem>>[vector<16xi32>], vector<16xf32>,
      %get3A_211 = arith.index_cast %mul3A_41 : i32 to index
      %get3A_212 = arith.constant 80 : index
      %get3A_213 = tpu.vector_load %arg8[%get3A_211, %get3A_212] {strides = array<i32>} : memref<79x128xi32, #tpu.memory_space<vmem>>, vector<16xi32>,
      %get3A_214 = arith.constant 0 : i32
      %get3A_215 = arith.index_cast %get3A_214 : i32 to index
      %get3A_216 = arith.constant 80 : index
      %get3A_217 = tpu.vector_load %arg9[%get3A_215, %get3A_216] {strides = array<i32>} : memref<3x128xf32, #tpu.memory_space<vmem>>, vector<16xf32>,
      %add3A_218 = arith.constant 0 : i32
      %add3A_219 = vector.broadcast %add3A_218 : i32 to vector<16xi32>
      %add3A_220 = arith.addi %get3A_213, %add3A_219 : vector<16xi32>
      tpu.vector_store_idx %arg11[%add3A_220], %get3A_217 {add = true} : memref<40960xf32, #tpu.memory_space<vmem>>[vector<16xi32>], vector<16xf32>,
      %get3A_221 = arith.constant 1 : i32
      %get3A_222 = arith.index_cast %get3A_221 : i32 to index
      %get3A_223 = arith.constant 80 : index
      %get3A_224 = tpu.vector_load %arg9[%get3A_222, %get3A_223] {strides = array<i32>} : memref<3x128xf32, #tpu.memory_space<vmem>>, vector<16xf32>,
      %add3A_225 = arith.constant 10240 : i32
      %add3A_226 = vector.broadcast %add3A_225 : i32 to vector<16xi32>
      %add3A_227 = arith.addi %get3A_213, %add3A_226 : vector<16xi32>
      tpu.vector_store_idx %arg11[%add3A_227], %get3A_224 {add = true} : memref<40960xf32, #tpu.memory_space<vmem>>[vector<16xi32>], vector<16xf32>,
      %get3A_228 = arith.constant 2 : i32
      %get3A_229 = arith.index_cast %get3A_228 : i32 to index
      %get3A_230 = arith.constant 80 : index
      %get3A_231 = tpu.vector_load %arg9[%get3A_229, %get3A_230] {strides = array<i32>} : memref<3x128xf32, #tpu.memory_space<vmem>>, vector<16xf32>,
      %add3A_232 = arith.constant 20480 : i32
      %add3A_233 = vector.broadcast %add3A_232 : i32 to vector<16xi32>
      %add3A_234 = arith.addi %get3A_213, %add3A_233 : vector<16xi32>
      tpu.vector_store_idx %arg11[%add3A_234], %get3A_231 {add = true} : memref<40960xf32, #tpu.memory_space<vmem>>[vector<16xi32>], vector<16xf32>,
      %add3A_235 = arith.constant 30720 : i32
      %add3A_236 = vector.broadcast %add3A_235 : i32 to vector<16xi32>
      %add3A_237 = arith.addi %get3A_213, %add3A_236 : vector<16xi32>
      tpu.vector_store_idx %arg11[%add3A_237], %broadcast_in_dim3A_3 {add = true} : memref<40960xf32, #tpu.memory_space<vmem>>[vector<16xi32>], vector<16xf32>,
      %get3A_238 = arith.index_cast %mul3A_41 : i32 to index
      %get3A_239 = arith.constant 96 : index
      %get3A_240 = tpu.vector_load %arg8[%get3A_238, %get3A_239] {strides = array<i32>} : memref<79x128xi32, #tpu.memory_space<vmem>>, vector<16xi32>,
      %get3A_241 = arith.constant 0 : i32
      %get3A_242 = arith.index_cast %get3A_241 : i32 to index
      %get3A_243 = arith.constant 96 : index
      %get3A_244 = tpu.vector_load %arg9[%get3A_242, %get3A_243] {strides = array<i32>} : memref<3x128xf32, #tpu.memory_space<vmem>>, vector<16xf32>,
      %add3A_245 = arith.constant 0 : i32
      %add3A_246 = vector.broadcast %add3A_245 : i32 to vector<16xi32>
      %add3A_247 = arith.addi %get3A_240, %add3A_246 : vector<16xi32>
      tpu.vector_store_idx %arg11[%add3A_247], %get3A_244 {add = true} : memref<40960xf32, #tpu.memory_space<vmem>>[vector<16xi32>], vector<16xf32>,
      %get3A_248 = arith.constant 1 : i32
      %get3A_249 = arith.index_cast %get3A_248 : i32 to index
      %get3A_250 = arith.constant 96 : index
      %get3A_251 = tpu.vector_load %arg9[%get3A_249, %get3A_250] {strides = array<i32>} : memref<3x128xf32, #tpu.memory_space<vmem>>, vector<16xf32>,
      %add3A_252 = arith.constant 10240 : i32
      %add3A_253 = vector.broadcast %add3A_252 : i32 to vector<16xi32>
      %add3A_254 = arith.addi %get3A_240, %add3A_253 : vector<16xi32>
      tpu.vector_store_idx %arg11[%add3A_254], %get3A_251 {add = true} : memref<40960xf32, #tpu.memory_space<vmem>>[vector<16xi32>], vector<16xf32>,
      %get3A_255 = arith.constant 2 : i32
      %get3A_256 = arith.index_cast %get3A_255 : i32 to index
      %get3A_257 = arith.constant 96 : index
      %get3A_258 = tpu.vector_load %arg9[%get3A_256, %get3A_257] {strides = array<i32>} : memref<3x128xf32, #tpu.memory_space<vmem>>, vector<16xf32>,
      %add3A_259 = arith.constant 20480 : i32
      %add3A_260 = vector.broadcast %add3A_259 : i32 to vector<16xi32>
      %add3A_261 = arith.addi %get3A_240, %add3A_260 : vector<16xi32>
      tpu.vector_store_idx %arg11[%add3A_261], %get3A_258 {add = true} : memref<40960xf32, #tpu.memory_space<vmem>>[vector<16xi32>], vector<16xf32>,
      %add3A_262 = arith.constant 30720 : i32
      %add3A_263 = vector.broadcast %add3A_262 : i32 to vector<16xi32>
      %add3A_264 = arith.addi %get3A_240, %add3A_263 : vector<16xi32>
      tpu.vector_store_idx %arg11[%add3A_264], %broadcast_in_dim3A_3 {add = true} : memref<40960xf32, #tpu.memory_space<vmem>>[vector<16xi32>], vector<16xf32>,
      %get3A_265 = arith.index_cast %mul3A_41 : i32 to index
      %get3A_266 = arith.constant 112 : index
      %get3A_267 = tpu.vector_load %arg8[%get3A_265, %get3A_266] {strides = array<i32>} : memref<79x128xi32, #tpu.memory_space<vmem>>, vector<16xi32>,
      %get3A_268 = arith.constant 0 : i32
      %get3A_269 = arith.index_cast %get3A_268 : i32 to index
      %get3A_270 = arith.constant 112 : index
      %get3A_271 = tpu.vector_load %arg9[%get3A_269, %get3A_270] {strides = array<i32>} : memref<3x128xf32, #tpu.memory_space<vmem>>, vector<16xf32>,
      %add3A_272 = arith.constant 0 : i32
      %add3A_273 = vector.broadcast %add3A_272 : i32 to vector<16xi32>
      %add3A_274 = arith.addi %get3A_267, %add3A_273 : vector<16xi32>
      tpu.vector_store_idx %arg11[%add3A_274], %get3A_271 {add = true} : memref<40960xf32, #tpu.memory_space<vmem>>[vector<16xi32>], vector<16xf32>,
      %get3A_275 = arith.constant 1 : i32
      %get3A_276 = arith.index_cast %get3A_275 : i32 to index
      %get3A_277 = arith.constant 112 : index
      %get3A_278 = tpu.vector_load %arg9[%get3A_276, %get3A_277] {strides = array<i32>} : memref<3x128xf32, #tpu.memory_space<vmem>>, vector<16xf32>,
      %add3A_279 = arith.constant 10240 : i32
      %add3A_280 = vector.broadcast %add3A_279 : i32 to vector<16xi32>
      %add3A_281 = arith.addi %get3A_267, %add3A_280 : vector<16xi32>
      tpu.vector_store_idx %arg11[%add3A_281], %get3A_278 {add = true} : memref<40960xf32, #tpu.memory_space<vmem>>[vector<16xi32>], vector<16xf32>,
      %get3A_282 = arith.constant 2 : i32
      %get3A_283 = arith.index_cast %get3A_282 : i32 to index
      %get3A_284 = arith.constant 112 : index
      %get3A_285 = tpu.vector_load %arg9[%get3A_283, %get3A_284] {strides = array<i32>} : memref<3x128xf32, #tpu.memory_space<vmem>>, vector<16xf32>,
      %add3A_286 = arith.constant 20480 : i32
      %add3A_287 = vector.broadcast %add3A_286 : i32 to vector<16xi32>
      %add3A_288 = arith.addi %get3A_267, %add3A_287 : vector<16xi32>
      tpu.vector_store_idx %arg11[%add3A_288], %get3A_285 {add = true} : memref<40960xf32, #tpu.memory_space<vmem>>[vector<16xi32>], vector<16xf32>,
      %add3A_289 = arith.constant 30720 : i32
      %add3A_290 = vector.broadcast %add3A_289 : i32 to vector<16xi32>
      %add3A_291 = arith.addi %get3A_267, %add3A_290 : vector<16xi32>
      tpu.vector_store_idx %arg11[%add3A_291], %broadcast_in_dim3A_3 {add = true} : memref<40960xf32, #tpu.memory_space<vmem>>[vector<16xi32>], vector<16xf32>,
      %lt3A_292 = arith.constant 79 : i32
      %lt3A_293 = arith.cmpi slt, %add3A_43, %lt3A_292 : i32
      %convert_element_type3A_294 = arith.extui %lt3A_293 : i1 to i32
      %cond3A_295 = arith.constant 0 : i32
      %cond3A_296 = arith.cmpi ne, %convert_element_type3A_294, %cond3A_295 : i32
      scf.if %cond3A_296 {
        %add3A_297 = arith.addi %mul3A_2, %add3A_43 : i32
        %mul3A_298 = arith.constant 128 : i32
        %mul3A_299 = arith.muli %add3A_297, %mul3A_298 : i32
        %dma_wait3A_300 = arith.constant 0 : i32
        %dma_wait3A_301 = arith.constant 0 : i32
        %dma_wait3A_302 = tpu.memref_slice %arg10[%dma_wait3A_300, %dma_wait3A_301] : memref<3x128xf32, #tpu.memory_space<vmem>> -> memref<1x128xf32, #tpu.memory_space<vmem>>
        %dma_wait3A_303 = tpu.memref_squeeze %dma_wait3A_302 : memref<1x128xf32, #tpu.memory_space<vmem>> -> memref<128xf32, #tpu.memory_space<vmem>>
        %dma_wait3A_304 = tpu.memref_slice %arg2[%mul3A_299] : memref<323584xf32, #tpu.memory_space<hbm>> -> memref<128xf32, #tpu.memory_space<hbm>>
        %dma_wait3A_305 = arith.constant 0 : i32
        %dma_wait3A_306 = tpu.memref_slice %arg10[%dma_wait3A_300, %dma_wait3A_305] : memref<3x128xf32, #tpu.memory_space<vmem>> -> memref<1x128xf32, #tpu.memory_space<vmem>>
        %dma_wait3A_307 = tpu.memref_squeeze %dma_wait3A_306 : memref<1x128xf32, #tpu.memory_space<vmem>> -> memref<128xf32, #tpu.memory_space<vmem>>
        %dma_wait3A_308 = tpu.memref_slice %arg2[%mul3A_299] : memref<323584xf32, #tpu.memory_space<hbm>> -> memref<128xf32, #tpu.memory_space<hbm>>
        tpu.wait_dma2 semaphore(%arg13 : memref<!tpu.dma_semaphore, #tpu.memory_space<semaphore_mem>>) src(%dma_wait3A_308 : memref<128xf32, #tpu.memory_space<hbm>>) dst(%dma_wait3A_307 : memref<128xf32, #tpu.memory_space<vmem>>)
        %dma_wait3A_309 = arith.constant 1 : i32
        %dma_wait3A_310 = arith.constant 0 : i32
        %dma_wait3A_311 = tpu.memref_slice %arg10[%dma_wait3A_309, %dma_wait3A_310] : memref<3x128xf32, #tpu.memory_space<vmem>> -> memref<1x128xf32, #tpu.memory_space<vmem>>
        %dma_wait3A_312 = tpu.memref_squeeze %dma_wait3A_311 : memref<1x128xf32, #tpu.memory_space<vmem>> -> memref<128xf32, #tpu.memory_space<vmem>>
        %dma_wait3A_313 = tpu.memref_slice %arg3[%mul3A_299] : memref<323584xf32, #tpu.memory_space<hbm>> -> memref<128xf32, #tpu.memory_space<hbm>>
        %dma_wait3A_314 = arith.constant 0 : i32
        %dma_wait3A_315 = tpu.memref_slice %arg10[%dma_wait3A_309, %dma_wait3A_314] : memref<3x128xf32, #tpu.memory_space<vmem>> -> memref<1x128xf32, #tpu.memory_space<vmem>>
        %dma_wait3A_316 = tpu.memref_squeeze %dma_wait3A_315 : memref<1x128xf32, #tpu.memory_space<vmem>> -> memref<128xf32, #tpu.memory_space<vmem>>
        %dma_wait3A_317 = tpu.memref_slice %arg3[%mul3A_299] : memref<323584xf32, #tpu.memory_space<hbm>> -> memref<128xf32, #tpu.memory_space<hbm>>
        tpu.wait_dma2 semaphore(%arg13 : memref<!tpu.dma_semaphore, #tpu.memory_space<semaphore_mem>>) src(%dma_wait3A_317 : memref<128xf32, #tpu.memory_space<hbm>>) dst(%dma_wait3A_316 : memref<128xf32, #tpu.memory_space<vmem>>)
        %dma_wait3A_318 = arith.constant 2 : i32
        %dma_wait3A_319 = arith.constant 0 : i32
        %dma_wait3A_320 = tpu.memref_slice %arg10[%dma_wait3A_318, %dma_wait3A_319] : memref<3x128xf32, #tpu.memory_space<vmem>> -> memref<1x128xf32, #tpu.memory_space<vmem>>
        %dma_wait3A_321 = tpu.memref_squeeze %dma_wait3A_320 : memref<1x128xf32, #tpu.memory_space<vmem>> -> memref<128xf32, #tpu.memory_space<vmem>>
        %dma_wait3A_322 = tpu.memref_slice %arg4[%mul3A_299] : memref<323584xf32, #tpu.memory_space<hbm>> -> memref<128xf32, #tpu.memory_space<hbm>>
        %dma_wait3A_323 = arith.constant 0 : i32
        %dma_wait3A_324 = tpu.memref_slice %arg10[%dma_wait3A_318, %dma_wait3A_323] : memref<3x128xf32, #tpu.memory_space<vmem>> -> memref<1x128xf32, #tpu.memory_space<vmem>>
        %dma_wait3A_325 = tpu.memref_squeeze %dma_wait3A_324 : memref<1x128xf32, #tpu.memory_space<vmem>> -> memref<128xf32, #tpu.memory_space<vmem>>
        %dma_wait3A_326 = tpu.memref_slice %arg4[%mul3A_299] : memref<323584xf32, #tpu.memory_space<hbm>> -> memref<128xf32, #tpu.memory_space<hbm>>
        tpu.wait_dma2 semaphore(%arg13 : memref<!tpu.dma_semaphore, #tpu.memory_space<semaphore_mem>>) src(%dma_wait3A_326 : memref<128xf32, #tpu.memory_space<hbm>>) dst(%dma_wait3A_325 : memref<128xf32, #tpu.memory_space<vmem>>)
        %lt3A_327 = arith.constant 79 : i32
        %lt3A_328 = arith.cmpi slt, %add3A_45, %lt3A_327 : i32
        %convert_element_type3A_329 = arith.extui %lt3A_328 : i1 to i32
        %cond3A_330 = arith.constant 0 : i32
        %cond3A_331 = arith.cmpi ne, %convert_element_type3A_329, %cond3A_330 : i32
        scf.if %cond3A_331 {
          %add3A_548 = arith.addi %mul3A_2, %add3A_45 : i32
          %mul3A_549 = arith.constant 128 : i32
          %mul3A_550 = arith.muli %add3A_548, %mul3A_549 : i32
          %dma_start3A_551 = arith.constant 0 : i32
          %dma_start3A_552 = arith.constant 0 : i32
          %dma_start3A_553 = tpu.memref_slice %arg9[%dma_start3A_551, %dma_start3A_552] : memref<3x128xf32, #tpu.memory_space<vmem>> -> memref<1x128xf32, #tpu.memory_space<vmem>>
          %dma_start3A_554 = tpu.memref_squeeze %dma_start3A_553 : memref<1x128xf32, #tpu.memory_space<vmem>> -> memref<128xf32, #tpu.memory_space<vmem>>
          %dma_start3A_555 = tpu.memref_slice %arg2[%mul3A_550] : memref<323584xf32, #tpu.memory_space<hbm>> -> memref<128xf32, #tpu.memory_space<hbm>>
          %dma_start3A_556 = arith.constant 0 : i32
          %dma_start3A_557 = tpu.memref_slice %arg9[%dma_start3A_551, %dma_start3A_556] : memref<3x128xf32, #tpu.memory_space<vmem>> -> memref<1x128xf32, #tpu.memory_space<vmem>>
          %dma_start3A_558 = tpu.memref_squeeze %dma_start3A_557 : memref<1x128xf32, #tpu.memory_space<vmem>> -> memref<128xf32, #tpu.memory_space<vmem>>
          %dma_start3A_559 = tpu.memref_slice %arg2[%mul3A_550] : memref<323584xf32, #tpu.memory_space<hbm>> -> memref<128xf32, #tpu.memory_space<hbm>>
          tpu.enqueue_dma source(%dma_start3A_559 : memref<128xf32, #tpu.memory_space<hbm>>) target(%dma_start3A_558 : memref<128xf32, #tpu.memory_space<vmem>>) target_semaphore(%arg12 : memref<!tpu.dma_semaphore, #tpu.memory_space<semaphore_mem>>)
          %dma_start3A_560 = arith.constant 1 : i32
          %dma_start3A_561 = arith.constant 0 : i32
          %dma_start3A_562 = tpu.memref_slice %arg9[%dma_start3A_560, %dma_start3A_561] : memref<3x128xf32, #tpu.memory_space<vmem>> -> memref<1x128xf32, #tpu.memory_space<vmem>>
          %dma_start3A_563 = tpu.memref_squeeze %dma_start3A_562 : memref<1x128xf32, #tpu.memory_space<vmem>> -> memref<128xf32, #tpu.memory_space<vmem>>
          %dma_start3A_564 = tpu.memref_slice %arg3[%mul3A_550] : memref<323584xf32, #tpu.memory_space<hbm>> -> memref<128xf32, #tpu.memory_space<hbm>>
          %dma_start3A_565 = arith.constant 0 : i32
          %dma_start3A_566 = tpu.memref_slice %arg9[%dma_start3A_560, %dma_start3A_565] : memref<3x128xf32, #tpu.memory_space<vmem>> -> memref<1x128xf32, #tpu.memory_space<vmem>>
          %dma_start3A_567 = tpu.memref_squeeze %dma_start3A_566 : memref<1x128xf32, #tpu.memory_space<vmem>> -> memref<128xf32, #tpu.memory_space<vmem>>
          %dma_start3A_568 = tpu.memref_slice %arg3[%mul3A_550] : memref<323584xf32, #tpu.memory_space<hbm>> -> memref<128xf32, #tpu.memory_space<hbm>>
          tpu.enqueue_dma source(%dma_start3A_568 : memref<128xf32, #tpu.memory_space<hbm>>) target(%dma_start3A_567 : memref<128xf32, #tpu.memory_space<vmem>>) target_semaphore(%arg12 : memref<!tpu.dma_semaphore, #tpu.memory_space<semaphore_mem>>)
          %dma_start3A_569 = arith.constant 2 : i32
          %dma_start3A_570 = arith.constant 0 : i32
          %dma_start3A_571 = tpu.memref_slice %arg9[%dma_start3A_569, %dma_start3A_570] : memref<3x128xf32, #tpu.memory_space<vmem>> -> memref<1x128xf32, #tpu.memory_space<vmem>>
          %dma_start3A_572 = tpu.memref_squeeze %dma_start3A_571 : memref<1x128xf32, #tpu.memory_space<vmem>> -> memref<128xf32, #tpu.memory_space<vmem>>
          %dma_start3A_573 = tpu.memref_slice %arg4[%mul3A_550] : memref<323584xf32, #tpu.memory_space<hbm>> -> memref<128xf32, #tpu.memory_space<hbm>>
          %dma_start3A_574 = arith.constant 0 : i32
          %dma_start3A_575 = tpu.memref_slice %arg9[%dma_start3A_569, %dma_start3A_574] : memref<3x128xf32, #tpu.memory_space<vmem>> -> memref<1x128xf32, #tpu.memory_space<vmem>>
          %dma_start3A_576 = tpu.memref_squeeze %dma_start3A_575 : memref<1x128xf32, #tpu.memory_space<vmem>> -> memref<128xf32, #tpu.memory_space<vmem>>
          %dma_start3A_577 = tpu.memref_slice %arg4[%mul3A_550] : memref<323584xf32, #tpu.memory_space<hbm>> -> memref<128xf32, #tpu.memory_space<hbm>>
          tpu.enqueue_dma source(%dma_start3A_577 : memref<128xf32, #tpu.memory_space<hbm>>) target(%dma_start3A_576 : memref<128xf32, #tpu.memory_space<vmem>>) target_semaphore(%arg12 : memref<!tpu.dma_semaphore, #tpu.memory_space<semaphore_mem>>)
        } else {
        }
        %get3A_332 = arith.index_cast %add3A_43 : i32 to index
        %get3A_333 = arith.constant 0 : index
        %get3A_334 = tpu.vector_load %arg8[%get3A_332, %get3A_333] {strides = array<i32>} : memref<79x128xi32, #tpu.memory_space<vmem>>, vector<16xi32>,
        %get3A_335 = arith.constant 0 : i32
        %get3A_336 = arith.index_cast %get3A_335 : i32 to index
        %get3A_337 = arith.constant 0 : index
        %get3A_338 = tpu.vector_load %arg10[%get3A_336, %get3A_337] {strides = array<i32>} : memref<3x128xf32, #tpu.memory_space<vmem>>, vector<16xf32>,
        %add3A_339 = arith.constant 0 : i32
        %add3A_340 = vector.broadcast %add3A_339 : i32 to vector<16xi32>
        %add3A_341 = arith.addi %get3A_334, %add3A_340 : vector<16xi32>
        tpu.vector_store_idx %arg11[%add3A_341], %get3A_338 {add = true} : memref<40960xf32, #tpu.memory_space<vmem>>[vector<16xi32>], vector<16xf32>,
        %get3A_342 = arith.constant 1 : i32
        %get3A_343 = arith.index_cast %get3A_342 : i32 to index
        %get3A_344 = arith.constant 0 : index
        %get3A_345 = tpu.vector_load %arg10[%get3A_343, %get3A_344] {strides = array<i32>} : memref<3x128xf32, #tpu.memory_space<vmem>>, vector<16xf32>,
        %add3A_346 = arith.constant 10240 : i32
        %add3A_347 = vector.broadcast %add3A_346 : i32 to vector<16xi32>
        %add3A_348 = arith.addi %get3A_334, %add3A_347 : vector<16xi32>
        tpu.vector_store_idx %arg11[%add3A_348], %get3A_345 {add = true} : memref<40960xf32, #tpu.memory_space<vmem>>[vector<16xi32>], vector<16xf32>,
        %get3A_349 = arith.constant 2 : i32
        %get3A_350 = arith.index_cast %get3A_349 : i32 to index
        %get3A_351 = arith.constant 0 : index
        %get3A_352 = tpu.vector_load %arg10[%get3A_350, %get3A_351] {strides = array<i32>} : memref<3x128xf32, #tpu.memory_space<vmem>>, vector<16xf32>,
        %add3A_353 = arith.constant 20480 : i32
        %add3A_354 = vector.broadcast %add3A_353 : i32 to vector<16xi32>
        %add3A_355 = arith.addi %get3A_334, %add3A_354 : vector<16xi32>
        tpu.vector_store_idx %arg11[%add3A_355], %get3A_352 {add = true} : memref<40960xf32, #tpu.memory_space<vmem>>[vector<16xi32>], vector<16xf32>,
        %add3A_356 = arith.constant 30720 : i32
        %add3A_357 = vector.broadcast %add3A_356 : i32 to vector<16xi32>
        %add3A_358 = arith.addi %get3A_334, %add3A_357 : vector<16xi32>
        tpu.vector_store_idx %arg11[%add3A_358], %broadcast_in_dim3A_3 {add = true} : memref<40960xf32, #tpu.memory_space<vmem>>[vector<16xi32>], vector<16xf32>,
        %get3A_359 = arith.index_cast %add3A_43 : i32 to index
        %get3A_360 = arith.constant 16 : index
        %get3A_361 = tpu.vector_load %arg8[%get3A_359, %get3A_360] {strides = array<i32>} : memref<79x128xi32, #tpu.memory_space<vmem>>, vector<16xi32>,
        %get3A_362 = arith.constant 0 : i32
        %get3A_363 = arith.index_cast %get3A_362 : i32 to index
        %get3A_364 = arith.constant 16 : index
        %get3A_365 = tpu.vector_load %arg10[%get3A_363, %get3A_364] {strides = array<i32>} : memref<3x128xf32, #tpu.memory_space<vmem>>, vector<16xf32>,
        %add3A_366 = arith.constant 0 : i32
        %add3A_367 = vector.broadcast %add3A_366 : i32 to vector<16xi32>
        %add3A_368 = arith.addi %get3A_361, %add3A_367 : vector<16xi32>
        tpu.vector_store_idx %arg11[%add3A_368], %get3A_365 {add = true} : memref<40960xf32, #tpu.memory_space<vmem>>[vector<16xi32>], vector<16xf32>,
        %get3A_369 = arith.constant 1 : i32
        %get3A_370 = arith.index_cast %get3A_369 : i32 to index
        %get3A_371 = arith.constant 16 : index
        %get3A_372 = tpu.vector_load %arg10[%get3A_370, %get3A_371] {strides = array<i32>} : memref<3x128xf32, #tpu.memory_space<vmem>>, vector<16xf32>,
        %add3A_373 = arith.constant 10240 : i32
        %add3A_374 = vector.broadcast %add3A_373 : i32 to vector<16xi32>
        %add3A_375 = arith.addi %get3A_361, %add3A_374 : vector<16xi32>
        tpu.vector_store_idx %arg11[%add3A_375], %get3A_372 {add = true} : memref<40960xf32, #tpu.memory_space<vmem>>[vector<16xi32>], vector<16xf32>,
        %get3A_376 = arith.constant 2 : i32
        %get3A_377 = arith.index_cast %get3A_376 : i32 to index
        %get3A_378 = arith.constant 16 : index
        %get3A_379 = tpu.vector_load %arg10[%get3A_377, %get3A_378] {strides = array<i32>} : memref<3x128xf32, #tpu.memory_space<vmem>>, vector<16xf32>,
        %add3A_380 = arith.constant 20480 : i32
        %add3A_381 = vector.broadcast %add3A_380 : i32 to vector<16xi32>
        %add3A_382 = arith.addi %get3A_361, %add3A_381 : vector<16xi32>
        tpu.vector_store_idx %arg11[%add3A_382], %get3A_379 {add = true} : memref<40960xf32, #tpu.memory_space<vmem>>[vector<16xi32>], vector<16xf32>,
        %add3A_383 = arith.constant 30720 : i32
        %add3A_384 = vector.broadcast %add3A_383 : i32 to vector<16xi32>
        %add3A_385 = arith.addi %get3A_361, %add3A_384 : vector<16xi32>
        tpu.vector_store_idx %arg11[%add3A_385], %broadcast_in_dim3A_3 {add = true} : memref<40960xf32, #tpu.memory_space<vmem>>[vector<16xi32>], vector<16xf32>,
        %get3A_386 = arith.index_cast %add3A_43 : i32 to index
        %get3A_387 = arith.constant 32 : index
        %get3A_388 = tpu.vector_load %arg8[%get3A_386, %get3A_387] {strides = array<i32>} : memref<79x128xi32, #tpu.memory_space<vmem>>, vector<16xi32>,
        %get3A_389 = arith.constant 0 : i32
        %get3A_390 = arith.index_cast %get3A_389 : i32 to index
        %get3A_391 = arith.constant 32 : index
        %get3A_392 = tpu.vector_load %arg10[%get3A_390, %get3A_391] {strides = array<i32>} : memref<3x128xf32, #tpu.memory_space<vmem>>, vector<16xf32>,
        %add3A_393 = arith.constant 0 : i32
        %add3A_394 = vector.broadcast %add3A_393 : i32 to vector<16xi32>
        %add3A_395 = arith.addi %get3A_388, %add3A_394 : vector<16xi32>
        tpu.vector_store_idx %arg11[%add3A_395], %get3A_392 {add = true} : memref<40960xf32, #tpu.memory_space<vmem>>[vector<16xi32>], vector<16xf32>,
        %get3A_396 = arith.constant 1 : i32
        %get3A_397 = arith.index_cast %get3A_396 : i32 to index
        %get3A_398 = arith.constant 32 : index
        %get3A_399 = tpu.vector_load %arg10[%get3A_397, %get3A_398] {strides = array<i32>} : memref<3x128xf32, #tpu.memory_space<vmem>>, vector<16xf32>,
        %add3A_400 = arith.constant 10240 : i32
        %add3A_401 = vector.broadcast %add3A_400 : i32 to vector<16xi32>
        %add3A_402 = arith.addi %get3A_388, %add3A_401 : vector<16xi32>
        tpu.vector_store_idx %arg11[%add3A_402], %get3A_399 {add = true} : memref<40960xf32, #tpu.memory_space<vmem>>[vector<16xi32>], vector<16xf32>,
        %get3A_403 = arith.constant 2 : i32
        %get3A_404 = arith.index_cast %get3A_403 : i32 to index
        %get3A_405 = arith.constant 32 : index
        %get3A_406 = tpu.vector_load %arg10[%get3A_404, %get3A_405] {strides = array<i32>} : memref<3x128xf32, #tpu.memory_space<vmem>>, vector<16xf32>,
        %add3A_407 = arith.constant 20480 : i32
        %add3A_408 = vector.broadcast %add3A_407 : i32 to vector<16xi32>
        %add3A_409 = arith.addi %get3A_388, %add3A_408 : vector<16xi32>
        tpu.vector_store_idx %arg11[%add3A_409], %get3A_406 {add = true} : memref<40960xf32, #tpu.memory_space<vmem>>[vector<16xi32>], vector<16xf32>,
        %add3A_410 = arith.constant 30720 : i32
        %add3A_411 = vector.broadcast %add3A_410 : i32 to vector<16xi32>
        %add3A_412 = arith.addi %get3A_388, %add3A_411 : vector<16xi32>
        tpu.vector_store_idx %arg11[%add3A_412], %broadcast_in_dim3A_3 {add = true} : memref<40960xf32, #tpu.memory_space<vmem>>[vector<16xi32>], vector<16xf32>,
        %get3A_413 = arith.index_cast %add3A_43 : i32 to index
        %get3A_414 = arith.constant 48 : index
        %get3A_415 = tpu.vector_load %arg8[%get3A_413, %get3A_414] {strides = array<i32>} : memref<79x128xi32, #tpu.memory_space<vmem>>, vector<16xi32>,
        %get3A_416 = arith.constant 0 : i32
        %get3A_417 = arith.index_cast %get3A_416 : i32 to index
        %get3A_418 = arith.constant 48 : index
        %get3A_419 = tpu.vector_load %arg10[%get3A_417, %get3A_418] {strides = array<i32>} : memref<3x128xf32, #tpu.memory_space<vmem>>, vector<16xf32>,
        %add3A_420 = arith.constant 0 : i32
        %add3A_421 = vector.broadcast %add3A_420 : i32 to vector<16xi32>
        %add3A_422 = arith.addi %get3A_415, %add3A_421 : vector<16xi32>
        tpu.vector_store_idx %arg11[%add3A_422], %get3A_419 {add = true} : memref<40960xf32, #tpu.memory_space<vmem>>[vector<16xi32>], vector<16xf32>,
        %get3A_423 = arith.constant 1 : i32
        %get3A_424 = arith.index_cast %get3A_423 : i32 to index
        %get3A_425 = arith.constant 48 : index
        %get3A_426 = tpu.vector_load %arg10[%get3A_424, %get3A_425] {strides = array<i32>} : memref<3x128xf32, #tpu.memory_space<vmem>>, vector<16xf32>,
        %add3A_427 = arith.constant 10240 : i32
        %add3A_428 = vector.broadcast %add3A_427 : i32 to vector<16xi32>
        %add3A_429 = arith.addi %get3A_415, %add3A_428 : vector<16xi32>
        tpu.vector_store_idx %arg11[%add3A_429], %get3A_426 {add = true} : memref<40960xf32, #tpu.memory_space<vmem>>[vector<16xi32>], vector<16xf32>,
        %get3A_430 = arith.constant 2 : i32
        %get3A_431 = arith.index_cast %get3A_430 : i32 to index
        %get3A_432 = arith.constant 48 : index
        %get3A_433 = tpu.vector_load %arg10[%get3A_431, %get3A_432] {strides = array<i32>} : memref<3x128xf32, #tpu.memory_space<vmem>>, vector<16xf32>,
        %add3A_434 = arith.constant 20480 : i32
        %add3A_435 = vector.broadcast %add3A_434 : i32 to vector<16xi32>
        %add3A_436 = arith.addi %get3A_415, %add3A_435 : vector<16xi32>
        tpu.vector_store_idx %arg11[%add3A_436], %get3A_433 {add = true} : memref<40960xf32, #tpu.memory_space<vmem>>[vector<16xi32>], vector<16xf32>,
        %add3A_437 = arith.constant 30720 : i32
        %add3A_438 = vector.broadcast %add3A_437 : i32 to vector<16xi32>
        %add3A_439 = arith.addi %get3A_415, %add3A_438 : vector<16xi32>
        tpu.vector_store_idx %arg11[%add3A_439], %broadcast_in_dim3A_3 {add = true} : memref<40960xf32, #tpu.memory_space<vmem>>[vector<16xi32>], vector<16xf32>,
        %get3A_440 = arith.index_cast %add3A_43 : i32 to index
        %get3A_441 = arith.constant 64 : index
        %get3A_442 = tpu.vector_load %arg8[%get3A_440, %get3A_441] {strides = array<i32>} : memref<79x128xi32, #tpu.memory_space<vmem>>, vector<16xi32>,
        %get3A_443 = arith.constant 0 : i32
        %get3A_444 = arith.index_cast %get3A_443 : i32 to index
        %get3A_445 = arith.constant 64 : index
        %get3A_446 = tpu.vector_load %arg10[%get3A_444, %get3A_445] {strides = array<i32>} : memref<3x128xf32, #tpu.memory_space<vmem>>, vector<16xf32>,
        %add3A_447 = arith.constant 0 : i32
        %add3A_448 = vector.broadcast %add3A_447 : i32 to vector<16xi32>
        %add3A_449 = arith.addi %get3A_442, %add3A_448 : vector<16xi32>
        tpu.vector_store_idx %arg11[%add3A_449], %get3A_446 {add = true} : memref<40960xf32, #tpu.memory_space<vmem>>[vector<16xi32>], vector<16xf32>,
        %get3A_450 = arith.constant 1 : i32
        %get3A_451 = arith.index_cast %get3A_450 : i32 to index
        %get3A_452 = arith.constant 64 : index
        %get3A_453 = tpu.vector_load %arg10[%get3A_451, %get3A_452] {strides = array<i32>} : memref<3x128xf32, #tpu.memory_space<vmem>>, vector<16xf32>,
        %add3A_454 = arith.constant 10240 : i32
        %add3A_455 = vector.broadcast %add3A_454 : i32 to vector<16xi32>
        %add3A_456 = arith.addi %get3A_442, %add3A_455 : vector<16xi32>
        tpu.vector_store_idx %arg11[%add3A_456], %get3A_453 {add = true} : memref<40960xf32, #tpu.memory_space<vmem>>[vector<16xi32>], vector<16xf32>,
        %get3A_457 = arith.constant 2 : i32
        %get3A_458 = arith.index_cast %get3A_457 : i32 to index
        %get3A_459 = arith.constant 64 : index
        %get3A_460 = tpu.vector_load %arg10[%get3A_458, %get3A_459] {strides = array<i32>} : memref<3x128xf32, #tpu.memory_space<vmem>>, vector<16xf32>,
        %add3A_461 = arith.constant 20480 : i32
        %add3A_462 = vector.broadcast %add3A_461 : i32 to vector<16xi32>
        %add3A_463 = arith.addi %get3A_442, %add3A_462 : vector<16xi32>
        tpu.vector_store_idx %arg11[%add3A_463], %get3A_460 {add = true} : memref<40960xf32, #tpu.memory_space<vmem>>[vector<16xi32>], vector<16xf32>,
        %add3A_464 = arith.constant 30720 : i32
        %add3A_465 = vector.broadcast %add3A_464 : i32 to vector<16xi32>
        %add3A_466 = arith.addi %get3A_442, %add3A_465 : vector<16xi32>
        tpu.vector_store_idx %arg11[%add3A_466], %broadcast_in_dim3A_3 {add = true} : memref<40960xf32, #tpu.memory_space<vmem>>[vector<16xi32>], vector<16xf32>,
        %get3A_467 = arith.index_cast %add3A_43 : i32 to index
        %get3A_468 = arith.constant 80 : index
        %get3A_469 = tpu.vector_load %arg8[%get3A_467, %get3A_468] {strides = array<i32>} : memref<79x128xi32, #tpu.memory_space<vmem>>, vector<16xi32>,
        %get3A_470 = arith.constant 0 : i32
        %get3A_471 = arith.index_cast %get3A_470 : i32 to index
        %get3A_472 = arith.constant 80 : index
        %get3A_473 = tpu.vector_load %arg10[%get3A_471, %get3A_472] {strides = array<i32>} : memref<3x128xf32, #tpu.memory_space<vmem>>, vector<16xf32>,
        %add3A_474 = arith.constant 0 : i32
        %add3A_475 = vector.broadcast %add3A_474 : i32 to vector<16xi32>
        %add3A_476 = arith.addi %get3A_469, %add3A_475 : vector<16xi32>
        tpu.vector_store_idx %arg11[%add3A_476], %get3A_473 {add = true} : memref<40960xf32, #tpu.memory_space<vmem>>[vector<16xi32>], vector<16xf32>,
        %get3A_477 = arith.constant 1 : i32
        %get3A_478 = arith.index_cast %get3A_477 : i32 to index
        %get3A_479 = arith.constant 80 : index
        %get3A_480 = tpu.vector_load %arg10[%get3A_478, %get3A_479] {strides = array<i32>} : memref<3x128xf32, #tpu.memory_space<vmem>>, vector<16xf32>,
        %add3A_481 = arith.constant 10240 : i32
        %add3A_482 = vector.broadcast %add3A_481 : i32 to vector<16xi32>
        %add3A_483 = arith.addi %get3A_469, %add3A_482 : vector<16xi32>
        tpu.vector_store_idx %arg11[%add3A_483], %get3A_480 {add = true} : memref<40960xf32, #tpu.memory_space<vmem>>[vector<16xi32>], vector<16xf32>,
        %get3A_484 = arith.constant 2 : i32
        %get3A_485 = arith.index_cast %get3A_484 : i32 to index
        %get3A_486 = arith.constant 80 : index
        %get3A_487 = tpu.vector_load %arg10[%get3A_485, %get3A_486] {strides = array<i32>} : memref<3x128xf32, #tpu.memory_space<vmem>>, vector<16xf32>,
        %add3A_488 = arith.constant 20480 : i32
        %add3A_489 = vector.broadcast %add3A_488 : i32 to vector<16xi32>
        %add3A_490 = arith.addi %get3A_469, %add3A_489 : vector<16xi32>
        tpu.vector_store_idx %arg11[%add3A_490], %get3A_487 {add = true} : memref<40960xf32, #tpu.memory_space<vmem>>[vector<16xi32>], vector<16xf32>,
        %add3A_491 = arith.constant 30720 : i32
        %add3A_492 = vector.broadcast %add3A_491 : i32 to vector<16xi32>
        %add3A_493 = arith.addi %get3A_469, %add3A_492 : vector<16xi32>
        tpu.vector_store_idx %arg11[%add3A_493], %broadcast_in_dim3A_3 {add = true} : memref<40960xf32, #tpu.memory_space<vmem>>[vector<16xi32>], vector<16xf32>,
        %get3A_494 = arith.index_cast %add3A_43 : i32 to index
        %get3A_495 = arith.constant 96 : index
        %get3A_496 = tpu.vector_load %arg8[%get3A_494, %get3A_495] {strides = array<i32>} : memref<79x128xi32, #tpu.memory_space<vmem>>, vector<16xi32>,
        %get3A_497 = arith.constant 0 : i32
        %get3A_498 = arith.index_cast %get3A_497 : i32 to index
        %get3A_499 = arith.constant 96 : index
        %get3A_500 = tpu.vector_load %arg10[%get3A_498, %get3A_499] {strides = array<i32>} : memref<3x128xf32, #tpu.memory_space<vmem>>, vector<16xf32>,
        %add3A_501 = arith.constant 0 : i32
        %add3A_502 = vector.broadcast %add3A_501 : i32 to vector<16xi32>
        %add3A_503 = arith.addi %get3A_496, %add3A_502 : vector<16xi32>
        tpu.vector_store_idx %arg11[%add3A_503], %get3A_500 {add = true} : memref<40960xf32, #tpu.memory_space<vmem>>[vector<16xi32>], vector<16xf32>,
        %get3A_504 = arith.constant 1 : i32
        %get3A_505 = arith.index_cast %get3A_504 : i32 to index
        %get3A_506 = arith.constant 96 : index
        %get3A_507 = tpu.vector_load %arg10[%get3A_505, %get3A_506] {strides = array<i32>} : memref<3x128xf32, #tpu.memory_space<vmem>>, vector<16xf32>,
        %add3A_508 = arith.constant 10240 : i32
        %add3A_509 = vector.broadcast %add3A_508 : i32 to vector<16xi32>
        %add3A_510 = arith.addi %get3A_496, %add3A_509 : vector<16xi32>
        tpu.vector_store_idx %arg11[%add3A_510], %get3A_507 {add = true} : memref<40960xf32, #tpu.memory_space<vmem>>[vector<16xi32>], vector<16xf32>,
        %get3A_511 = arith.constant 2 : i32
        %get3A_512 = arith.index_cast %get3A_511 : i32 to index
        %get3A_513 = arith.constant 96 : index
        %get3A_514 = tpu.vector_load %arg10[%get3A_512, %get3A_513] {strides = array<i32>} : memref<3x128xf32, #tpu.memory_space<vmem>>, vector<16xf32>,
        %add3A_515 = arith.constant 20480 : i32
        %add3A_516 = vector.broadcast %add3A_515 : i32 to vector<16xi32>
        %add3A_517 = arith.addi %get3A_496, %add3A_516 : vector<16xi32>
        tpu.vector_store_idx %arg11[%add3A_517], %get3A_514 {add = true} : memref<40960xf32, #tpu.memory_space<vmem>>[vector<16xi32>], vector<16xf32>,
        %add3A_518 = arith.constant 30720 : i32
        %add3A_519 = vector.broadcast %add3A_518 : i32 to vector<16xi32>
        %add3A_520 = arith.addi %get3A_496, %add3A_519 : vector<16xi32>
        tpu.vector_store_idx %arg11[%add3A_520], %broadcast_in_dim3A_3 {add = true} : memref<40960xf32, #tpu.memory_space<vmem>>[vector<16xi32>], vector<16xf32>,
        %get3A_521 = arith.index_cast %add3A_43 : i32 to index
        %get3A_522 = arith.constant 112 : index
        %get3A_523 = tpu.vector_load %arg8[%get3A_521, %get3A_522] {strides = array<i32>} : memref<79x128xi32, #tpu.memory_space<vmem>>, vector<16xi32>,
        %get3A_524 = arith.constant 0 : i32
        %get3A_525 = arith.index_cast %get3A_524 : i32 to index
        %get3A_526 = arith.constant 112 : index
        %get3A_527 = tpu.vector_load %arg10[%get3A_525, %get3A_526] {strides = array<i32>} : memref<3x128xf32, #tpu.memory_space<vmem>>, vector<16xf32>,
        %add3A_528 = arith.constant 0 : i32
        %add3A_529 = vector.broadcast %add3A_528 : i32 to vector<16xi32>
        %add3A_530 = arith.addi %get3A_523, %add3A_529 : vector<16xi32>
        tpu.vector_store_idx %arg11[%add3A_530], %get3A_527 {add = true} : memref<40960xf32, #tpu.memory_space<vmem>>[vector<16xi32>], vector<16xf32>,
        %get3A_531 = arith.constant 1 : i32
        %get3A_532 = arith.index_cast %get3A_531 : i32 to index
        %get3A_533 = arith.constant 112 : index
        %get3A_534 = tpu.vector_load %arg10[%get3A_532, %get3A_533] {strides = array<i32>} : memref<3x128xf32, #tpu.memory_space<vmem>>, vector<16xf32>,
        %add3A_535 = arith.constant 10240 : i32
        %add3A_536 = vector.broadcast %add3A_535 : i32 to vector<16xi32>
        %add3A_537 = arith.addi %get3A_523, %add3A_536 : vector<16xi32>
        tpu.vector_store_idx %arg11[%add3A_537], %get3A_534 {add = true} : memref<40960xf32, #tpu.memory_space<vmem>>[vector<16xi32>], vector<16xf32>,
        %get3A_538 = arith.constant 2 : i32
        %get3A_539 = arith.index_cast %get3A_538 : i32 to index
        %get3A_540 = arith.constant 112 : index
        %get3A_541 = tpu.vector_load %arg10[%get3A_539, %get3A_540] {strides = array<i32>} : memref<3x128xf32, #tpu.memory_space<vmem>>, vector<16xf32>,
        %add3A_542 = arith.constant 20480 : i32
        %add3A_543 = vector.broadcast %add3A_542 : i32 to vector<16xi32>
        %add3A_544 = arith.addi %get3A_523, %add3A_543 : vector<16xi32>
        tpu.vector_store_idx %arg11[%add3A_544], %get3A_541 {add = true} : memref<40960xf32, #tpu.memory_space<vmem>>[vector<16xi32>], vector<16xf32>,
        %add3A_545 = arith.constant 30720 : i32
        %add3A_546 = vector.broadcast %add3A_545 : i32 to vector<16xi32>
        %add3A_547 = arith.addi %get3A_523, %add3A_546 : vector<16xi32>
        tpu.vector_store_idx %arg11[%add3A_547], %broadcast_in_dim3A_3 {add = true} : memref<40960xf32, #tpu.memory_space<vmem>>[vector<16xi32>], vector<16xf32>,
      } else {
      }
    }
    %scan3A_38 = arith.constant 40 : i32
    "tpu.region"() ({
      %run_scoped3A = tpu.sem_alloc : memref<!tpu.dma_semaphore, #tpu.memory_space<semaphore_mem>>
      %dma_start3A_39 = arith.constant 0 : i32
      %dma_start3A_40 = tpu.memref_slice %arg7[%add3A, %dma_start3A_39] : memref<32x40960xf32, #tpu.memory_space<hbm>> -> memref<1x40960xf32, #tpu.memory_space<hbm>>
      %dma_start3A_41 = tpu.memref_squeeze %dma_start3A_40 : memref<1x40960xf32, #tpu.memory_space<hbm>> -> memref<40960xf32, #tpu.memory_space<hbm>>
      %dma_start3A_42 = arith.constant 0 : i32
      %dma_start3A_43 = tpu.memref_slice %arg7[%add3A, %dma_start3A_42] : memref<32x40960xf32, #tpu.memory_space<hbm>> -> memref<1x40960xf32, #tpu.memory_space<hbm>>
      %dma_start3A_44 = tpu.memref_squeeze %dma_start3A_43 : memref<1x40960xf32, #tpu.memory_space<hbm>> -> memref<40960xf32, #tpu.memory_space<hbm>>
      tpu.enqueue_dma source(%arg11 : memref<40960xf32, #tpu.memory_space<vmem>>) target(%dma_start3A_44 : memref<40960xf32, #tpu.memory_space<hbm>>) target_semaphore(%run_scoped3A : memref<!tpu.dma_semaphore, #tpu.memory_space<semaphore_mem>>)
      %dma_wait3A = arith.constant 0 : i32
      %dma_wait3A_45 = tpu.memref_slice %arg7[%add3A, %dma_wait3A] : memref<32x40960xf32, #tpu.memory_space<hbm>> -> memref<1x40960xf32, #tpu.memory_space<hbm>>
      %dma_wait3A_46 = tpu.memref_squeeze %dma_wait3A_45 : memref<1x40960xf32, #tpu.memory_space<hbm>> -> memref<40960xf32, #tpu.memory_space<hbm>>
      %dma_wait3A_47 = arith.constant 0 : i32
      %dma_wait3A_48 = tpu.memref_slice %arg7[%add3A, %dma_wait3A_47] : memref<32x40960xf32, #tpu.memory_space<hbm>> -> memref<1x40960xf32, #tpu.memory_space<hbm>>
      %dma_wait3A_49 = tpu.memref_squeeze %dma_wait3A_48 : memref<1x40960xf32, #tpu.memory_space<hbm>> -> memref<40960xf32, #tpu.memory_space<hbm>>
      tpu.wait_dma2 semaphore(%run_scoped3A : memref<!tpu.dma_semaphore, #tpu.memory_space<semaphore_mem>>) src(%arg11 : memref<40960xf32, #tpu.memory_space<vmem>>) dst(%dma_wait3A_49 : memref<40960xf32, #tpu.memory_space<hbm>>)
      tpu.yield
    }) : () -> ()
    return
  }
}

#map = affine_map<(d0, d1) -> (0, 0)>
#map1 = affine_map<(d0, d1) -> (0, 0, 0)>
#map2 = affine_map<(d0, d1) -> (0)>
module attributes {stable_mosaic.version = 14 : i64} {
  func.func @k2(%arg0: i32, %arg1: i32, %arg2: memref<10240x128xf32, #tpu.memory_space<hbm>>, %arg3: memref<10240x128xf32, #tpu.memory_space<hbm>>, %arg4: memref<32x79x128xi32, #tpu.memory_space<hbm>>, %arg5: memref<32x79x128xi32, #tpu.memory_space<hbm>>, %arg6: memref<40960xf32, #tpu.memory_space<hbm>>, %arg7: memref<323584x128xf32, #tpu.memory_space<hbm>>, %arg8: memref<323584xf32, #tpu.memory_space<hbm>>, %arg9: memref<323584xf32, #tpu.memory_space<hbm>>, %arg10: memref<323584xf32, #tpu.memory_space<hbm>>, %arg11: memref<323584xf32, #tpu.memory_space<hbm>>, %arg12: memref<79x128xi32, #tpu.memory_space<vmem>>, %arg13: memref<79x128xi32, #tpu.memory_space<vmem>>, %arg14: memref<40960xf32, #tpu.memory_space<vmem>>, %arg15: memref<128x128xf32, #tpu.memory_space<vmem>>, %arg16: memref<128x128xf32, #tpu.memory_space<vmem>>, %arg17: memref<4x128xf32, #tpu.memory_space<vmem>>, %arg18: memref<4x128xf32, #tpu.memory_space<vmem>>, %arg19: memref<!tpu.dma_semaphore, #tpu.memory_space<semaphore_mem>>, %arg20: memref<!tpu.dma_semaphore, #tpu.memory_space<semaphore_mem>>, %arg21: memref<!tpu.dma_semaphore, #tpu.memory_space<semaphore_mem>>, %arg22: memref<!tpu.dma_semaphore, #tpu.memory_space<semaphore_mem>>, %arg23: memref<!tpu.dma_semaphore, #tpu.memory_space<semaphore_mem>>, %arg24: memref<!tpu.dma_semaphore, #tpu.memory_space<semaphore_mem>>) attributes {dimension_semantics = [#tpu.dimension_semantics<core_parallel>, #tpu.dimension_semantics<subcore_parallel>], iteration_bounds = array<i64: 2, 16>, scalar_prefetch = 0 : i64, scratch_operands = 13 : i64, tpu.core_type = #tpu.core_type<sc_vector_subcore>, window_params = [{transform_indices = #map}, {transform_indices = #map}, {transform_indices = #map1}, {transform_indices = #map1}, {transform_indices = #map2}, {transform_indices = #map}, {transform_indices = #map2}, {transform_indices = #map2}, {transform_indices = #map2}, {transform_indices = #map2}]} {
    %mul3A = arith.constant 2 : i32
    %mul3A_0 = arith.muli %arg1, %mul3A : i32
    %add3A = arith.addi %mul3A_0, %arg0 : i32
    "tpu.region"() ({
      %run_scoped3A = tpu.sem_alloc : memref<!tpu.dma_semaphore, #tpu.memory_space<semaphore_mem>>
      %dma_start3A_97 = arith.constant 0 : i32
      %dma_start3A_98 = arith.constant 0 : i32
      %dma_start3A_99 = tpu.memref_slice %arg4[%add3A, %dma_start3A_97, %dma_start3A_98] : memref<32x79x128xi32, #tpu.memory_space<hbm>> -> memref<1x79x128xi32, #tpu.memory_space<hbm>>
      %dma_start3A_100 = tpu.memref_squeeze %dma_start3A_99 : memref<1x79x128xi32, #tpu.memory_space<hbm>> -> memref<79x128xi32, #tpu.memory_space<hbm>>
      %dma_start3A_101 = arith.constant 0 : i32
      %dma_start3A_102 = arith.constant 0 : i32
      %dma_start3A_103 = tpu.memref_slice %arg4[%add3A, %dma_start3A_101, %dma_start3A_102] : memref<32x79x128xi32, #tpu.memory_space<hbm>> -> memref<1x79x128xi32, #tpu.memory_space<hbm>>
      %dma_start3A_104 = tpu.memref_squeeze %dma_start3A_103 : memref<1x79x128xi32, #tpu.memory_space<hbm>> -> memref<79x128xi32, #tpu.memory_space<hbm>>
      tpu.enqueue_dma source(%dma_start3A_104 : memref<79x128xi32, #tpu.memory_space<hbm>>) target(%arg12 : memref<79x128xi32, #tpu.memory_space<vmem>>) target_semaphore(%run_scoped3A : memref<!tpu.dma_semaphore, #tpu.memory_space<semaphore_mem>>)
      %dma_wait3A_105 = arith.constant 0 : i32
      %dma_wait3A_106 = arith.constant 0 : i32
      %dma_wait3A_107 = tpu.memref_slice %arg4[%add3A, %dma_wait3A_105, %dma_wait3A_106] : memref<32x79x128xi32, #tpu.memory_space<hbm>> -> memref<1x79x128xi32, #tpu.memory_space<hbm>>
      %dma_wait3A_108 = tpu.memref_squeeze %dma_wait3A_107 : memref<1x79x128xi32, #tpu.memory_space<hbm>> -> memref<79x128xi32, #tpu.memory_space<hbm>>
      %dma_wait3A_109 = arith.constant 0 : i32
      %dma_wait3A_110 = arith.constant 0 : i32
      %dma_wait3A_111 = tpu.memref_slice %arg4[%add3A, %dma_wait3A_109, %dma_wait3A_110] : memref<32x79x128xi32, #tpu.memory_space<hbm>> -> memref<1x79x128xi32, #tpu.memory_space<hbm>>
      %dma_wait3A_112 = tpu.memref_squeeze %dma_wait3A_111 : memref<1x79x128xi32, #tpu.memory_space<hbm>> -> memref<79x128xi32, #tpu.memory_space<hbm>>
      tpu.wait_dma2 semaphore(%run_scoped3A : memref<!tpu.dma_semaphore, #tpu.memory_space<semaphore_mem>>) src(%dma_wait3A_112 : memref<79x128xi32, #tpu.memory_space<hbm>>) dst(%arg12 : memref<79x128xi32, #tpu.memory_space<vmem>>)
      tpu.yield
    }) : () -> ()
    "tpu.region"() ({
      %run_scoped3A = tpu.sem_alloc : memref<!tpu.dma_semaphore, #tpu.memory_space<semaphore_mem>>
      %dma_start3A_97 = arith.constant 0 : i32
      %dma_start3A_98 = arith.constant 0 : i32
      %dma_start3A_99 = tpu.memref_slice %arg5[%add3A, %dma_start3A_97, %dma_start3A_98] : memref<32x79x128xi32, #tpu.memory_space<hbm>> -> memref<1x79x128xi32, #tpu.memory_space<hbm>>
      %dma_start3A_100 = tpu.memref_squeeze %dma_start3A_99 : memref<1x79x128xi32, #tpu.memory_space<hbm>> -> memref<79x128xi32, #tpu.memory_space<hbm>>
      %dma_start3A_101 = arith.constant 0 : i32
      %dma_start3A_102 = arith.constant 0 : i32
      %dma_start3A_103 = tpu.memref_slice %arg5[%add3A, %dma_start3A_101, %dma_start3A_102] : memref<32x79x128xi32, #tpu.memory_space<hbm>> -> memref<1x79x128xi32, #tpu.memory_space<hbm>>
      %dma_start3A_104 = tpu.memref_squeeze %dma_start3A_103 : memref<1x79x128xi32, #tpu.memory_space<hbm>> -> memref<79x128xi32, #tpu.memory_space<hbm>>
      tpu.enqueue_dma source(%dma_start3A_104 : memref<79x128xi32, #tpu.memory_space<hbm>>) target(%arg13 : memref<79x128xi32, #tpu.memory_space<vmem>>) target_semaphore(%run_scoped3A : memref<!tpu.dma_semaphore, #tpu.memory_space<semaphore_mem>>)
      %dma_wait3A_105 = arith.constant 0 : i32
      %dma_wait3A_106 = arith.constant 0 : i32
      %dma_wait3A_107 = tpu.memref_slice %arg5[%add3A, %dma_wait3A_105, %dma_wait3A_106] : memref<32x79x128xi32, #tpu.memory_space<hbm>> -> memref<1x79x128xi32, #tpu.memory_space<hbm>>
      %dma_wait3A_108 = tpu.memref_squeeze %dma_wait3A_107 : memref<1x79x128xi32, #tpu.memory_space<hbm>> -> memref<79x128xi32, #tpu.memory_space<hbm>>
      %dma_wait3A_109 = arith.constant 0 : i32
      %dma_wait3A_110 = arith.constant 0 : i32
      %dma_wait3A_111 = tpu.memref_slice %arg5[%add3A, %dma_wait3A_109, %dma_wait3A_110] : memref<32x79x128xi32, #tpu.memory_space<hbm>> -> memref<1x79x128xi32, #tpu.memory_space<hbm>>
      %dma_wait3A_112 = tpu.memref_squeeze %dma_wait3A_111 : memref<1x79x128xi32, #tpu.memory_space<hbm>> -> memref<79x128xi32, #tpu.memory_space<hbm>>
      tpu.wait_dma2 semaphore(%run_scoped3A : memref<!tpu.dma_semaphore, #tpu.memory_space<semaphore_mem>>) src(%dma_wait3A_112 : memref<79x128xi32, #tpu.memory_space<hbm>>) dst(%arg13 : memref<79x128xi32, #tpu.memory_space<vmem>>)
      tpu.yield
    }) : () -> ()
    "tpu.region"() ({
      %run_scoped3A = tpu.sem_alloc : memref<!tpu.dma_semaphore, #tpu.memory_space<semaphore_mem>>
      tpu.enqueue_dma source(%arg6 : memref<40960xf32, #tpu.memory_space<hbm>>) target(%arg14 : memref<40960xf32, #tpu.memory_space<vmem>>) target_semaphore(%run_scoped3A : memref<!tpu.dma_semaphore, #tpu.memory_space<semaphore_mem>>)
      tpu.wait_dma2 semaphore(%run_scoped3A : memref<!tpu.dma_semaphore, #tpu.memory_space<semaphore_mem>>) src(%arg6 : memref<40960xf32, #tpu.memory_space<hbm>>) dst(%arg14 : memref<40960xf32, #tpu.memory_space<vmem>>)
      tpu.yield
    }) : () -> ()
    %mul3A_1 = arith.constant 79 : i32
    %mul3A_2 = arith.muli %add3A, %mul3A_1 : i32
    %iota3A = tpu.iota {dimensions = array<i32: 0>} : vector<16xi32>
    %dma_start3A = arith.constant 0 : i32
    %dma_start3A_3 = arith.constant 0 : i32
    %dma_start3A_4 = tpu.memref_slice %arg12[%dma_start3A, %dma_start3A_3] : memref<79x128xi32, #tpu.memory_space<vmem>> -> memref<1x128xi32, #tpu.memory_space<vmem>>
    %dma_start3A_5 = tpu.memref_squeeze %dma_start3A_4 : memref<1x128xi32, #tpu.memory_space<vmem>> -> memref<128xi32, #tpu.memory_space<vmem>>
    %dma_start3A_6 = arith.constant 0 : i32
    %dma_start3A_7 = arith.constant 0 : i32
    %dma_start3A_8 = tpu.memref_slice %arg2[%dma_start3A_6, %dma_start3A_7] : memref<10240x128xf32, #tpu.memory_space<hbm>> -> memref<10240x128xf32, #tpu.memory_space<hbm>>
    tpu.enqueue_indirect_dma source(%dma_start3A_8 : memref<10240x128xf32, #tpu.memory_space<hbm>>) target(%arg15 : memref<128x128xf32, #tpu.memory_space<vmem>>) offsets(%dma_start3A_5 : memref<128xi32, #tpu.memory_space<vmem>>) semaphore(%arg19 : memref<!tpu.dma_semaphore, #tpu.memory_space<semaphore_mem>>)
    %scan3A = arith.constant 0 : i32
    %scan3A_9 = arith.constant 0 : i32
    %scan3A_10 = arith.constant 40 : i32
    %scan3A_11 = arith.addi %scan3A_9, %scan3A_10 : i32
    %scan3A_12 = arith.constant 1 : i32
    scf.for %scan3A_97 = %scan3A_9 to %scan3A_11 step %scan3A_12  : i32 {
      %mul3A_98 = arith.constant 2 : i32
      %mul3A_99 = arith.muli %mul3A_98, %scan3A_97 : i32
      %add3A_100 = arith.constant 1 : i32
      %add3A_101 = arith.addi %mul3A_99, %add3A_100 : i32
      %add3A_102 = arith.constant 2 : i32
      %add3A_103 = arith.addi %mul3A_99, %add3A_102 : i32
      %get3A = arith.index_cast %mul3A_99 : i32 to index
      %get3A_104 = arith.constant 0 : index
      %get3A_105 = tpu.vector_load %arg12[%get3A, %get3A_104] {strides = array<i32>} : memref<79x128xi32, #tpu.memory_space<vmem>>, vector<16xi32>,
      %mul3A_106 = arith.constant 4 : i32
      %mul3A_107 = vector.broadcast %mul3A_106 : i32 to vector<16xi32>
      %mul3A_108 = arith.muli %get3A_105, %mul3A_107 : vector<16xi32>
      %get3A_109 = arith.index_cast %mul3A_99 : i32 to index
      %get3A_110 = arith.constant 0 : index
      %get3A_111 = tpu.vector_load %arg13[%get3A_109, %get3A_110] {strides = array<i32>} : memref<79x128xi32, #tpu.memory_space<vmem>>, vector<16xi32>,
      %mul3A_112 = arith.constant 4 : i32
      %mul3A_113 = vector.broadcast %mul3A_112 : i32 to vector<16xi32>
      %mul3A_114 = arith.muli %get3A_111, %mul3A_113 : vector<16xi32>
      %broadcast_in_dim3A = arith.constant 0.000000e+00 : f32
      %broadcast_in_dim3A_115 = vector.broadcast %broadcast_in_dim3A : f32 to vector<16xf32>
      %add3A_116 = arith.constant 0 : i32
      %add3A_117 = vector.broadcast %add3A_116 : i32 to vector<16xi32>
      %add3A_118 = arith.addi %mul3A_108, %add3A_117 : vector<16xi32>
      %gather3A = tpu.vector_load_idx %arg14[%add3A_118] : memref<40960xf32, #tpu.memory_space<vmem>>[vector<16xi32>], vector<16xf32>,
      %add3A_119 = arith.constant 0 : i32
      %add3A_120 = vector.broadcast %add3A_119 : i32 to vector<16xi32>
      %add3A_121 = arith.addi %mul3A_114, %add3A_120 : vector<16xi32>
      %gather3A_122 = tpu.vector_load_idx %arg14[%add3A_121] : memref<40960xf32, #tpu.memory_space<vmem>>[vector<16xi32>], vector<16xf32>,
      %sub3A = arith.subf %gather3A, %gather3A_122 : vector<16xf32>
      %swap3A = arith.constant 0 : i32
      %swap3A_123 = arith.index_cast %swap3A : i32 to index
      %swap3A_124 = arith.constant 0 : index
      %swap3A_125 = tpu.vector_load %arg17[%swap3A_123, %swap3A_124] {strides = array<i32>} : memref<4x128xf32, #tpu.memory_space<vmem>>, vector<16xf32>,
      tpu.vector_store %arg17[%swap3A_123, %swap3A_124], %sub3A {strides = array<i32>} : memref<4x128xf32, #tpu.memory_space<vmem>>, vector<16xf32>,
      %mul3A_126 = arith.mulf %sub3A, %sub3A : vector<16xf32>
      %add3A_127 = arith.addf %broadcast_in_dim3A_115, %mul3A_126 : vector<16xf32>
      %add3A_128 = arith.constant 1 : i32
      %add3A_129 = vector.broadcast %add3A_128 : i32 to vector<16xi32>
      %add3A_130 = arith.addi %mul3A_108, %add3A_129 : vector<16xi32>
      %gather3A_131 = tpu.vector_load_idx %arg14[%add3A_130] : memref<40960xf32, #tpu.memory_space<vmem>>[vector<16xi32>], vector<16xf32>,
      %add3A_132 = arith.constant 1 : i32
      %add3A_133 = vector.broadcast %add3A_132 : i32 to vector<16xi32>
      %add3A_134 = arith.addi %mul3A_114, %add3A_133 : vector<16xi32>
      %gather3A_135 = tpu.vector_load_idx %arg14[%add3A_134] : memref<40960xf32, #tpu.memory_space<vmem>>[vector<16xi32>], vector<16xf32>,
      %sub3A_136 = arith.subf %gather3A_131, %gather3A_135 : vector<16xf32>
      %swap3A_137 = arith.constant 1 : i32
      %swap3A_138 = arith.index_cast %swap3A_137 : i32 to index
      %swap3A_139 = arith.constant 0 : index
      %swap3A_140 = tpu.vector_load %arg17[%swap3A_138, %swap3A_139] {strides = array<i32>} : memref<4x128xf32, #tpu.memory_space<vmem>>, vector<16xf32>,
      tpu.vector_store %arg17[%swap3A_138, %swap3A_139], %sub3A_136 {strides = array<i32>} : memref<4x128xf32, #tpu.memory_space<vmem>>, vector<16xf32>,
      %mul3A_141 = arith.mulf %sub3A_136, %sub3A_136 : vector<16xf32>
      %add3A_142 = arith.addf %add3A_127, %mul3A_141 : vector<16xf32>
      %add3A_143 = arith.constant 2 : i32
      %add3A_144 = vector.broadcast %add3A_143 : i32 to vector<16xi32>
      %add3A_145 = arith.addi %mul3A_108, %add3A_144 : vector<16xi32>
      %gather3A_146 = tpu.vector_load_idx %arg14[%add3A_145] : memref<40960xf32, #tpu.memory_space<vmem>>[vector<16xi32>], vector<16xf32>,
      %add3A_147 = arith.constant 2 : i32
      %add3A_148 = vector.broadcast %add3A_147 : i32 to vector<16xi32>
      %add3A_149 = arith.addi %mul3A_114, %add3A_148 : vector<16xi32>
      %gather3A_150 = tpu.vector_load_idx %arg14[%add3A_149] : memref<40960xf32, #tpu.memory_space<vmem>>[vector<16xi32>], vector<16xf32>,
      %sub3A_151 = arith.subf %gather3A_146, %gather3A_150 : vector<16xf32>
      %swap3A_152 = arith.constant 2 : i32
      %swap3A_153 = arith.index_cast %swap3A_152 : i32 to index
      %swap3A_154 = arith.constant 0 : index
      %swap3A_155 = tpu.vector_load %arg17[%swap3A_153, %swap3A_154] {strides = array<i32>} : memref<4x128xf32, #tpu.memory_space<vmem>>, vector<16xf32>,
      tpu.vector_store %arg17[%swap3A_153, %swap3A_154], %sub3A_151 {strides = array<i32>} : memref<4x128xf32, #tpu.memory_space<vmem>>, vector<16xf32>,
      %mul3A_156 = arith.mulf %sub3A_151, %sub3A_151 : vector<16xf32>
      %add3A_157 = arith.addf %add3A_142, %mul3A_156 : vector<16xf32>
      %swap3A_158 = arith.constant 3 : i32
      %swap3A_159 = arith.index_cast %swap3A_158 : i32 to index
      %swap3A_160 = arith.constant 0 : index
      %swap3A_161 = tpu.vector_load %arg17[%swap3A_159, %swap3A_160] {strides = array<i32>} : memref<4x128xf32, #tpu.memory_space<vmem>>, vector<16xf32>,
      tpu.vector_store %arg17[%swap3A_159, %swap3A_160], %add3A_157 {strides = array<i32>} : memref<4x128xf32, #tpu.memory_space<vmem>>, vector<16xf32>,
      %get3A_162 = arith.index_cast %mul3A_99 : i32 to index
      %get3A_163 = arith.constant 16 : index
      %get3A_164 = tpu.vector_load %arg12[%get3A_162, %get3A_163] {strides = array<i32>} : memref<79x128xi32, #tpu.memory_space<vmem>>, vector<16xi32>,
      %mul3A_165 = arith.constant 4 : i32
      %mul3A_166 = vector.broadcast %mul3A_165 : i32 to vector<16xi32>
      %mul3A_167 = arith.muli %get3A_164, %mul3A_166 : vector<16xi32>
      %get3A_168 = arith.index_cast %mul3A_99 : i32 to index
      %get3A_169 = arith.constant 16 : index
      %get3A_170 = tpu.vector_load %arg13[%get3A_168, %get3A_169] {strides = array<i32>} : memref<79x128xi32, #tpu.memory_space<vmem>>, vector<16xi32>,
      %mul3A_171 = arith.constant 4 : i32
      %mul3A_172 = vector.broadcast %mul3A_171 : i32 to vector<16xi32>
      %mul3A_173 = arith.muli %get3A_170, %mul3A_172 : vector<16xi32>
      %broadcast_in_dim3A_174 = arith.constant 0.000000e+00 : f32
      %broadcast_in_dim3A_175 = vector.broadcast %broadcast_in_dim3A_174 : f32 to vector<16xf32>
      %add3A_176 = arith.constant 0 : i32
      %add3A_177 = vector.broadcast %add3A_176 : i32 to vector<16xi32>
      %add3A_178 = arith.addi %mul3A_167, %add3A_177 : vector<16xi32>
      %gather3A_179 = tpu.vector_load_idx %arg14[%add3A_178] : memref<40960xf32, #tpu.memory_space<vmem>>[vector<16xi32>], vector<16xf32>,
      %add3A_180 = arith.constant 0 : i32
      %add3A_181 = vector.broadcast %add3A_180 : i32 to vector<16xi32>
      %add3A_182 = arith.addi %mul3A_173, %add3A_181 : vector<16xi32>
      %gather3A_183 = tpu.vector_load_idx %arg14[%add3A_182] : memref<40960xf32, #tpu.memory_space<vmem>>[vector<16xi32>], vector<16xf32>,
      %sub3A_184 = arith.subf %gather3A_179, %gather3A_183 : vector<16xf32>
      %swap3A_185 = arith.constant 0 : i32
      %swap3A_186 = arith.index_cast %swap3A_185 : i32 to index
      %swap3A_187 = arith.constant 16 : index
      %swap3A_188 = tpu.vector_load %arg17[%swap3A_186, %swap3A_187] {strides = array<i32>} : memref<4x128xf32, #tpu.memory_space<vmem>>, vector<16xf32>,
      tpu.vector_store %arg17[%swap3A_186, %swap3A_187], %sub3A_184 {strides = array<i32>} : memref<4x128xf32, #tpu.memory_space<vmem>>, vector<16xf32>,
      %mul3A_189 = arith.mulf %sub3A_184, %sub3A_184 : vector<16xf32>
      %add3A_190 = arith.addf %broadcast_in_dim3A_175, %mul3A_189 : vector<16xf32>
      %add3A_191 = arith.constant 1 : i32
      %add3A_192 = vector.broadcast %add3A_191 : i32 to vector<16xi32>
      %add3A_193 = arith.addi %mul3A_167, %add3A_192 : vector<16xi32>
      %gather3A_194 = tpu.vector_load_idx %arg14[%add3A_193] : memref<40960xf32, #tpu.memory_space<vmem>>[vector<16xi32>], vector<16xf32>,
      %add3A_195 = arith.constant 1 : i32
      %add3A_196 = vector.broadcast %add3A_195 : i32 to vector<16xi32>
      %add3A_197 = arith.addi %mul3A_173, %add3A_196 : vector<16xi32>
      %gather3A_198 = tpu.vector_load_idx %arg14[%add3A_197] : memref<40960xf32, #tpu.memory_space<vmem>>[vector<16xi32>], vector<16xf32>,
      %sub3A_199 = arith.subf %gather3A_194, %gather3A_198 : vector<16xf32>
      %swap3A_200 = arith.constant 1 : i32
      %swap3A_201 = arith.index_cast %swap3A_200 : i32 to index
      %swap3A_202 = arith.constant 16 : index
      %swap3A_203 = tpu.vector_load %arg17[%swap3A_201, %swap3A_202] {strides = array<i32>} : memref<4x128xf32, #tpu.memory_space<vmem>>, vector<16xf32>,
      tpu.vector_store %arg17[%swap3A_201, %swap3A_202], %sub3A_199 {strides = array<i32>} : memref<4x128xf32, #tpu.memory_space<vmem>>, vector<16xf32>,
      %mul3A_204 = arith.mulf %sub3A_199, %sub3A_199 : vector<16xf32>
      %add3A_205 = arith.addf %add3A_190, %mul3A_204 : vector<16xf32>
      %add3A_206 = arith.constant 2 : i32
      %add3A_207 = vector.broadcast %add3A_206 : i32 to vector<16xi32>
      %add3A_208 = arith.addi %mul3A_167, %add3A_207 : vector<16xi32>
      %gather3A_209 = tpu.vector_load_idx %arg14[%add3A_208] : memref<40960xf32, #tpu.memory_space<vmem>>[vector<16xi32>], vector<16xf32>,
      %add3A_210 = arith.constant 2 : i32
      %add3A_211 = vector.broadcast %add3A_210 : i32 to vector<16xi32>
      %add3A_212 = arith.addi %mul3A_173, %add3A_211 : vector<16xi32>
      %gather3A_213 = tpu.vector_load_idx %arg14[%add3A_212] : memref<40960xf32, #tpu.memory_space<vmem>>[vector<16xi32>], vector<16xf32>,
      %sub3A_214 = arith.subf %gather3A_209, %gather3A_213 : vector<16xf32>
      %swap3A_215 = arith.constant 2 : i32
      %swap3A_216 = arith.index_cast %swap3A_215 : i32 to index
      %swap3A_217 = arith.constant 16 : index
      %swap3A_218 = tpu.vector_load %arg17[%swap3A_216, %swap3A_217] {strides = array<i32>} : memref<4x128xf32, #tpu.memory_space<vmem>>, vector<16xf32>,
      tpu.vector_store %arg17[%swap3A_216, %swap3A_217], %sub3A_214 {strides = array<i32>} : memref<4x128xf32, #tpu.memory_space<vmem>>, vector<16xf32>,
      %mul3A_219 = arith.mulf %sub3A_214, %sub3A_214 : vector<16xf32>
      %add3A_220 = arith.addf %add3A_205, %mul3A_219 : vector<16xf32>
      %swap3A_221 = arith.constant 3 : i32
      %swap3A_222 = arith.index_cast %swap3A_221 : i32 to index
      %swap3A_223 = arith.constant 16 : index
      %swap3A_224 = tpu.vector_load %arg17[%swap3A_222, %swap3A_223] {strides = array<i32>} : memref<4x128xf32, #tpu.memory_space<vmem>>, vector<16xf32>,
      tpu.vector_store %arg17[%swap3A_222, %swap3A_223], %add3A_220 {strides = array<i32>} : memref<4x128xf32, #tpu.memory_space<vmem>>, vector<16xf32>,
      %get3A_225 = arith.index_cast %mul3A_99 : i32 to index
      %get3A_226 = arith.constant 32 : index
      %get3A_227 = tpu.vector_load %arg12[%get3A_225, %get3A_226] {strides = array<i32>} : memref<79x128xi32, #tpu.memory_space<vmem>>, vector<16xi32>,
      %mul3A_228 = arith.constant 4 : i32
      %mul3A_229 = vector.broadcast %mul3A_228 : i32 to vector<16xi32>
      %mul3A_230 = arith.muli %get3A_227, %mul3A_229 : vector<16xi32>
      %get3A_231 = arith.index_cast %mul3A_99 : i32 to index
      %get3A_232 = arith.constant 32 : index
      %get3A_233 = tpu.vector_load %arg13[%get3A_231, %get3A_232] {strides = array<i32>} : memref<79x128xi32, #tpu.memory_space<vmem>>, vector<16xi32>,
      %mul3A_234 = arith.constant 4 : i32
      %mul3A_235 = vector.broadcast %mul3A_234 : i32 to vector<16xi32>
      %mul3A_236 = arith.muli %get3A_233, %mul3A_235 : vector<16xi32>
      %broadcast_in_dim3A_237 = arith.constant 0.000000e+00 : f32
      %broadcast_in_dim3A_238 = vector.broadcast %broadcast_in_dim3A_237 : f32 to vector<16xf32>
      %add3A_239 = arith.constant 0 : i32
      %add3A_240 = vector.broadcast %add3A_239 : i32 to vector<16xi32>
      %add3A_241 = arith.addi %mul3A_230, %add3A_240 : vector<16xi32>
      %gather3A_242 = tpu.vector_load_idx %arg14[%add3A_241] : memref<40960xf32, #tpu.memory_space<vmem>>[vector<16xi32>], vector<16xf32>,
      %add3A_243 = arith.constant 0 : i32
      %add3A_244 = vector.broadcast %add3A_243 : i32 to vector<16xi32>
      %add3A_245 = arith.addi %mul3A_236, %add3A_244 : vector<16xi32>
      %gather3A_246 = tpu.vector_load_idx %arg14[%add3A_245] : memref<40960xf32, #tpu.memory_space<vmem>>[vector<16xi32>], vector<16xf32>,
      %sub3A_247 = arith.subf %gather3A_242, %gather3A_246 : vector<16xf32>
      %swap3A_248 = arith.constant 0 : i32
      %swap3A_249 = arith.index_cast %swap3A_248 : i32 to index
      %swap3A_250 = arith.constant 32 : index
      %swap3A_251 = tpu.vector_load %arg17[%swap3A_249, %swap3A_250] {strides = array<i32>} : memref<4x128xf32, #tpu.memory_space<vmem>>, vector<16xf32>,
      tpu.vector_store %arg17[%swap3A_249, %swap3A_250], %sub3A_247 {strides = array<i32>} : memref<4x128xf32, #tpu.memory_space<vmem>>, vector<16xf32>,
      %mul3A_252 = arith.mulf %sub3A_247, %sub3A_247 : vector<16xf32>
      %add3A_253 = arith.addf %broadcast_in_dim3A_238, %mul3A_252 : vector<16xf32>
      %add3A_254 = arith.constant 1 : i32
      %add3A_255 = vector.broadcast %add3A_254 : i32 to vector<16xi32>
      %add3A_256 = arith.addi %mul3A_230, %add3A_255 : vector<16xi32>
      %gather3A_257 = tpu.vector_load_idx %arg14[%add3A_256] : memref<40960xf32, #tpu.memory_space<vmem>>[vector<16xi32>], vector<16xf32>,
      %add3A_258 = arith.constant 1 : i32
      %add3A_259 = vector.broadcast %add3A_258 : i32 to vector<16xi32>
      %add3A_260 = arith.addi %mul3A_236, %add3A_259 : vector<16xi32>
      %gather3A_261 = tpu.vector_load_idx %arg14[%add3A_260] : memref<40960xf32, #tpu.memory_space<vmem>>[vector<16xi32>], vector<16xf32>,
      %sub3A_262 = arith.subf %gather3A_257, %gather3A_261 : vector<16xf32>
      %swap3A_263 = arith.constant 1 : i32
      %swap3A_264 = arith.index_cast %swap3A_263 : i32 to index
      %swap3A_265 = arith.constant 32 : index
      %swap3A_266 = tpu.vector_load %arg17[%swap3A_264, %swap3A_265] {strides = array<i32>} : memref<4x128xf32, #tpu.memory_space<vmem>>, vector<16xf32>,
      tpu.vector_store %arg17[%swap3A_264, %swap3A_265], %sub3A_262 {strides = array<i32>} : memref<4x128xf32, #tpu.memory_space<vmem>>, vector<16xf32>,
      %mul3A_267 = arith.mulf %sub3A_262, %sub3A_262 : vector<16xf32>
      %add3A_268 = arith.addf %add3A_253, %mul3A_267 : vector<16xf32>
      %add3A_269 = arith.constant 2 : i32
      %add3A_270 = vector.broadcast %add3A_269 : i32 to vector<16xi32>
      %add3A_271 = arith.addi %mul3A_230, %add3A_270 : vector<16xi32>
      %gather3A_272 = tpu.vector_load_idx %arg14[%add3A_271] : memref<40960xf32, #tpu.memory_space<vmem>>[vector<16xi32>], vector<16xf32>,
      %add3A_273 = arith.constant 2 : i32
      %add3A_274 = vector.broadcast %add3A_273 : i32 to vector<16xi32>
      %add3A_275 = arith.addi %mul3A_236, %add3A_274 : vector<16xi32>
      %gather3A_276 = tpu.vector_load_idx %arg14[%add3A_275] : memref<40960xf32, #tpu.memory_space<vmem>>[vector<16xi32>], vector<16xf32>,
      %sub3A_277 = arith.subf %gather3A_272, %gather3A_276 : vector<16xf32>
      %swap3A_278 = arith.constant 2 : i32
      %swap3A_279 = arith.index_cast %swap3A_278 : i32 to index
      %swap3A_280 = arith.constant 32 : index
      %swap3A_281 = tpu.vector_load %arg17[%swap3A_279, %swap3A_280] {strides = array<i32>} : memref<4x128xf32, #tpu.memory_space<vmem>>, vector<16xf32>,
      tpu.vector_store %arg17[%swap3A_279, %swap3A_280], %sub3A_277 {strides = array<i32>} : memref<4x128xf32, #tpu.memory_space<vmem>>, vector<16xf32>,
      %mul3A_282 = arith.mulf %sub3A_277, %sub3A_277 : vector<16xf32>
      %add3A_283 = arith.addf %add3A_268, %mul3A_282 : vector<16xf32>
      %swap3A_284 = arith.constant 3 : i32
      %swap3A_285 = arith.index_cast %swap3A_284 : i32 to index
      %swap3A_286 = arith.constant 32 : index
      %swap3A_287 = tpu.vector_load %arg17[%swap3A_285, %swap3A_286] {strides = array<i32>} : memref<4x128xf32, #tpu.memory_space<vmem>>, vector<16xf32>,
      tpu.vector_store %arg17[%swap3A_285, %swap3A_286], %add3A_283 {strides = array<i32>} : memref<4x128xf32, #tpu.memory_space<vmem>>, vector<16xf32>,
      %get3A_288 = arith.index_cast %mul3A_99 : i32 to index
      %get3A_289 = arith.constant 48 : index
      %get3A_290 = tpu.vector_load %arg12[%get3A_288, %get3A_289] {strides = array<i32>} : memref<79x128xi32, #tpu.memory_space<vmem>>, vector<16xi32>,
      %mul3A_291 = arith.constant 4 : i32
      %mul3A_292 = vector.broadcast %mul3A_291 : i32 to vector<16xi32>
      %mul3A_293 = arith.muli %get3A_290, %mul3A_292 : vector<16xi32>
      %get3A_294 = arith.index_cast %mul3A_99 : i32 to index
      %get3A_295 = arith.constant 48 : index
      %get3A_296 = tpu.vector_load %arg13[%get3A_294, %get3A_295] {strides = array<i32>} : memref<79x128xi32, #tpu.memory_space<vmem>>, vector<16xi32>,
      %mul3A_297 = arith.constant 4 : i32
      %mul3A_298 = vector.broadcast %mul3A_297 : i32 to vector<16xi32>
      %mul3A_299 = arith.muli %get3A_296, %mul3A_298 : vector<16xi32>
      %broadcast_in_dim3A_300 = arith.constant 0.000000e+00 : f32
      %broadcast_in_dim3A_301 = vector.broadcast %broadcast_in_dim3A_300 : f32 to vector<16xf32>
      %add3A_302 = arith.constant 0 : i32
      %add3A_303 = vector.broadcast %add3A_302 : i32 to vector<16xi32>
      %add3A_304 = arith.addi %mul3A_293, %add3A_303 : vector<16xi32>
      %gather3A_305 = tpu.vector_load_idx %arg14[%add3A_304] : memref<40960xf32, #tpu.memory_space<vmem>>[vector<16xi32>], vector<16xf32>,
      %add3A_306 = arith.constant 0 : i32
      %add3A_307 = vector.broadcast %add3A_306 : i32 to vector<16xi32>
      %add3A_308 = arith.addi %mul3A_299, %add3A_307 : vector<16xi32>
      %gather3A_309 = tpu.vector_load_idx %arg14[%add3A_308] : memref<40960xf32, #tpu.memory_space<vmem>>[vector<16xi32>], vector<16xf32>,
      %sub3A_310 = arith.subf %gather3A_305, %gather3A_309 : vector<16xf32>
      %swap3A_311 = arith.constant 0 : i32
      %swap3A_312 = arith.index_cast %swap3A_311 : i32 to index
      %swap3A_313 = arith.constant 48 : index
      %swap3A_314 = tpu.vector_load %arg17[%swap3A_312, %swap3A_313] {strides = array<i32>} : memref<4x128xf32, #tpu.memory_space<vmem>>, vector<16xf32>,
      tpu.vector_store %arg17[%swap3A_312, %swap3A_313], %sub3A_310 {strides = array<i32>} : memref<4x128xf32, #tpu.memory_space<vmem>>, vector<16xf32>,
      %mul3A_315 = arith.mulf %sub3A_310, %sub3A_310 : vector<16xf32>
      %add3A_316 = arith.addf %broadcast_in_dim3A_301, %mul3A_315 : vector<16xf32>
      %add3A_317 = arith.constant 1 : i32
      %add3A_318 = vector.broadcast %add3A_317 : i32 to vector<16xi32>
      %add3A_319 = arith.addi %mul3A_293, %add3A_318 : vector<16xi32>
      %gather3A_320 = tpu.vector_load_idx %arg14[%add3A_319] : memref<40960xf32, #tpu.memory_space<vmem>>[vector<16xi32>], vector<16xf32>,
      %add3A_321 = arith.constant 1 : i32
      %add3A_322 = vector.broadcast %add3A_321 : i32 to vector<16xi32>
      %add3A_323 = arith.addi %mul3A_299, %add3A_322 : vector<16xi32>
      %gather3A_324 = tpu.vector_load_idx %arg14[%add3A_323] : memref<40960xf32, #tpu.memory_space<vmem>>[vector<16xi32>], vector<16xf32>,
      %sub3A_325 = arith.subf %gather3A_320, %gather3A_324 : vector<16xf32>
      %swap3A_326 = arith.constant 1 : i32
      %swap3A_327 = arith.index_cast %swap3A_326 : i32 to index
      %swap3A_328 = arith.constant 48 : index
      %swap3A_329 = tpu.vector_load %arg17[%swap3A_327, %swap3A_328] {strides = array<i32>} : memref<4x128xf32, #tpu.memory_space<vmem>>, vector<16xf32>,
      tpu.vector_store %arg17[%swap3A_327, %swap3A_328], %sub3A_325 {strides = array<i32>} : memref<4x128xf32, #tpu.memory_space<vmem>>, vector<16xf32>,
      %mul3A_330 = arith.mulf %sub3A_325, %sub3A_325 : vector<16xf32>
      %add3A_331 = arith.addf %add3A_316, %mul3A_330 : vector<16xf32>
      %add3A_332 = arith.constant 2 : i32
      %add3A_333 = vector.broadcast %add3A_332 : i32 to vector<16xi32>
      %add3A_334 = arith.addi %mul3A_293, %add3A_333 : vector<16xi32>
      %gather3A_335 = tpu.vector_load_idx %arg14[%add3A_334] : memref<40960xf32, #tpu.memory_space<vmem>>[vector<16xi32>], vector<16xf32>,
      %add3A_336 = arith.constant 2 : i32
      %add3A_337 = vector.broadcast %add3A_336 : i32 to vector<16xi32>
      %add3A_338 = arith.addi %mul3A_299, %add3A_337 : vector<16xi32>
      %gather3A_339 = tpu.vector_load_idx %arg14[%add3A_338] : memref<40960xf32, #tpu.memory_space<vmem>>[vector<16xi32>], vector<16xf32>,
      %sub3A_340 = arith.subf %gather3A_335, %gather3A_339 : vector<16xf32>
      %swap3A_341 = arith.constant 2 : i32
      %swap3A_342 = arith.index_cast %swap3A_341 : i32 to index
      %swap3A_343 = arith.constant 48 : index
      %swap3A_344 = tpu.vector_load %arg17[%swap3A_342, %swap3A_343] {strides = array<i32>} : memref<4x128xf32, #tpu.memory_space<vmem>>, vector<16xf32>,
      tpu.vector_store %arg17[%swap3A_342, %swap3A_343], %sub3A_340 {strides = array<i32>} : memref<4x128xf32, #tpu.memory_space<vmem>>, vector<16xf32>,
      %mul3A_345 = arith.mulf %sub3A_340, %sub3A_340 : vector<16xf32>
      %add3A_346 = arith.addf %add3A_331, %mul3A_345 : vector<16xf32>
      %swap3A_347 = arith.constant 3 : i32
      %swap3A_348 = arith.index_cast %swap3A_347 : i32 to index
      %swap3A_349 = arith.constant 48 : index
      %swap3A_350 = tpu.vector_load %arg17[%swap3A_348, %swap3A_349] {strides = array<i32>} : memref<4x128xf32, #tpu.memory_space<vmem>>, vector<16xf32>,
      tpu.vector_store %arg17[%swap3A_348, %swap3A_349], %add3A_346 {strides = array<i32>} : memref<4x128xf32, #tpu.memory_space<vmem>>, vector<16xf32>,
      %get3A_351 = arith.index_cast %mul3A_99 : i32 to index
      %get3A_352 = arith.constant 64 : index
      %get3A_353 = tpu.vector_load %arg12[%get3A_351, %get3A_352] {strides = array<i32>} : memref<79x128xi32, #tpu.memory_space<vmem>>, vector<16xi32>,
      %mul3A_354 = arith.constant 4 : i32
      %mul3A_355 = vector.broadcast %mul3A_354 : i32 to vector<16xi32>
      %mul3A_356 = arith.muli %get3A_353, %mul3A_355 : vector<16xi32>
      %get3A_357 = arith.index_cast %mul3A_99 : i32 to index
      %get3A_358 = arith.constant 64 : index
      %get3A_359 = tpu.vector_load %arg13[%get3A_357, %get3A_358] {strides = array<i32>} : memref<79x128xi32, #tpu.memory_space<vmem>>, vector<16xi32>,
      %mul3A_360 = arith.constant 4 : i32
      %mul3A_361 = vector.broadcast %mul3A_360 : i32 to vector<16xi32>
      %mul3A_362 = arith.muli %get3A_359, %mul3A_361 : vector<16xi32>
      %broadcast_in_dim3A_363 = arith.constant 0.000000e+00 : f32
      %broadcast_in_dim3A_364 = vector.broadcast %broadcast_in_dim3A_363 : f32 to vector<16xf32>
      %add3A_365 = arith.constant 0 : i32
      %add3A_366 = vector.broadcast %add3A_365 : i32 to vector<16xi32>
      %add3A_367 = arith.addi %mul3A_356, %add3A_366 : vector<16xi32>
      %gather3A_368 = tpu.vector_load_idx %arg14[%add3A_367] : memref<40960xf32, #tpu.memory_space<vmem>>[vector<16xi32>], vector<16xf32>,
      %add3A_369 = arith.constant 0 : i32
      %add3A_370 = vector.broadcast %add3A_369 : i32 to vector<16xi32>
      %add3A_371 = arith.addi %mul3A_362, %add3A_370 : vector<16xi32>
      %gather3A_372 = tpu.vector_load_idx %arg14[%add3A_371] : memref<40960xf32, #tpu.memory_space<vmem>>[vector<16xi32>], vector<16xf32>,
      %sub3A_373 = arith.subf %gather3A_368, %gather3A_372 : vector<16xf32>
      %swap3A_374 = arith.constant 0 : i32
      %swap3A_375 = arith.index_cast %swap3A_374 : i32 to index
      %swap3A_376 = arith.constant 64 : index
      %swap3A_377 = tpu.vector_load %arg17[%swap3A_375, %swap3A_376] {strides = array<i32>} : memref<4x128xf32, #tpu.memory_space<vmem>>, vector<16xf32>,
      tpu.vector_store %arg17[%swap3A_375, %swap3A_376], %sub3A_373 {strides = array<i32>} : memref<4x128xf32, #tpu.memory_space<vmem>>, vector<16xf32>,
      %mul3A_378 = arith.mulf %sub3A_373, %sub3A_373 : vector<16xf32>
      %add3A_379 = arith.addf %broadcast_in_dim3A_364, %mul3A_378 : vector<16xf32>
      %add3A_380 = arith.constant 1 : i32
      %add3A_381 = vector.broadcast %add3A_380 : i32 to vector<16xi32>
      %add3A_382 = arith.addi %mul3A_356, %add3A_381 : vector<16xi32>
      %gather3A_383 = tpu.vector_load_idx %arg14[%add3A_382] : memref<40960xf32, #tpu.memory_space<vmem>>[vector<16xi32>], vector<16xf32>,
      %add3A_384 = arith.constant 1 : i32
      %add3A_385 = vector.broadcast %add3A_384 : i32 to vector<16xi32>
      %add3A_386 = arith.addi %mul3A_362, %add3A_385 : vector<16xi32>
      %gather3A_387 = tpu.vector_load_idx %arg14[%add3A_386] : memref<40960xf32, #tpu.memory_space<vmem>>[vector<16xi32>], vector<16xf32>,
      %sub3A_388 = arith.subf %gather3A_383, %gather3A_387 : vector<16xf32>
      %swap3A_389 = arith.constant 1 : i32
      %swap3A_390 = arith.index_cast %swap3A_389 : i32 to index
      %swap3A_391 = arith.constant 64 : index
      %swap3A_392 = tpu.vector_load %arg17[%swap3A_390, %swap3A_391] {strides = array<i32>} : memref<4x128xf32, #tpu.memory_space<vmem>>, vector<16xf32>,
      tpu.vector_store %arg17[%swap3A_390, %swap3A_391], %sub3A_388 {strides = array<i32>} : memref<4x128xf32, #tpu.memory_space<vmem>>, vector<16xf32>,
      %mul3A_393 = arith.mulf %sub3A_388, %sub3A_388 : vector<16xf32>
      %add3A_394 = arith.addf %add3A_379, %mul3A_393 : vector<16xf32>
      %add3A_395 = arith.constant 2 : i32
      %add3A_396 = vector.broadcast %add3A_395 : i32 to vector<16xi32>
      %add3A_397 = arith.addi %mul3A_356, %add3A_396 : vector<16xi32>
      %gather3A_398 = tpu.vector_load_idx %arg14[%add3A_397] : memref<40960xf32, #tpu.memory_space<vmem>>[vector<16xi32>], vector<16xf32>,
      %add3A_399 = arith.constant 2 : i32
      %add3A_400 = vector.broadcast %add3A_399 : i32 to vector<16xi32>
      %add3A_401 = arith.addi %mul3A_362, %add3A_400 : vector<16xi32>
      %gather3A_402 = tpu.vector_load_idx %arg14[%add3A_401] : memref<40960xf32, #tpu.memory_space<vmem>>[vector<16xi32>], vector<16xf32>,
      %sub3A_403 = arith.subf %gather3A_398, %gather3A_402 : vector<16xf32>
      %swap3A_404 = arith.constant 2 : i32
      %swap3A_405 = arith.index_cast %swap3A_404 : i32 to index
      %swap3A_406 = arith.constant 64 : index
      %swap3A_407 = tpu.vector_load %arg17[%swap3A_405, %swap3A_406] {strides = array<i32>} : memref<4x128xf32, #tpu.memory_space<vmem>>, vector<16xf32>,
      tpu.vector_store %arg17[%swap3A_405, %swap3A_406], %sub3A_403 {strides = array<i32>} : memref<4x128xf32, #tpu.memory_space<vmem>>, vector<16xf32>,
      %mul3A_408 = arith.mulf %sub3A_403, %sub3A_403 : vector<16xf32>
      %add3A_409 = arith.addf %add3A_394, %mul3A_408 : vector<16xf32>
      %swap3A_410 = arith.constant 3 : i32
      %swap3A_411 = arith.index_cast %swap3A_410 : i32 to index
      %swap3A_412 = arith.constant 64 : index
      %swap3A_413 = tpu.vector_load %arg17[%swap3A_411, %swap3A_412] {strides = array<i32>} : memref<4x128xf32, #tpu.memory_space<vmem>>, vector<16xf32>,
      tpu.vector_store %arg17[%swap3A_411, %swap3A_412], %add3A_409 {strides = array<i32>} : memref<4x128xf32, #tpu.memory_space<vmem>>, vector<16xf32>,
      %get3A_414 = arith.index_cast %mul3A_99 : i32 to index
      %get3A_415 = arith.constant 80 : index
      %get3A_416 = tpu.vector_load %arg12[%get3A_414, %get3A_415] {strides = array<i32>} : memref<79x128xi32, #tpu.memory_space<vmem>>, vector<16xi32>,
      %mul3A_417 = arith.constant 4 : i32
      %mul3A_418 = vector.broadcast %mul3A_417 : i32 to vector<16xi32>
      %mul3A_419 = arith.muli %get3A_416, %mul3A_418 : vector<16xi32>
      %get3A_420 = arith.index_cast %mul3A_99 : i32 to index
      %get3A_421 = arith.constant 80 : index
      %get3A_422 = tpu.vector_load %arg13[%get3A_420, %get3A_421] {strides = array<i32>} : memref<79x128xi32, #tpu.memory_space<vmem>>, vector<16xi32>,
      %mul3A_423 = arith.constant 4 : i32
      %mul3A_424 = vector.broadcast %mul3A_423 : i32 to vector<16xi32>
      %mul3A_425 = arith.muli %get3A_422, %mul3A_424 : vector<16xi32>
      %broadcast_in_dim3A_426 = arith.constant 0.000000e+00 : f32
      %broadcast_in_dim3A_427 = vector.broadcast %broadcast_in_dim3A_426 : f32 to vector<16xf32>
      %add3A_428 = arith.constant 0 : i32
      %add3A_429 = vector.broadcast %add3A_428 : i32 to vector<16xi32>
      %add3A_430 = arith.addi %mul3A_419, %add3A_429 : vector<16xi32>
      %gather3A_431 = tpu.vector_load_idx %arg14[%add3A_430] : memref<40960xf32, #tpu.memory_space<vmem>>[vector<16xi32>], vector<16xf32>,
      %add3A_432 = arith.constant 0 : i32
      %add3A_433 = vector.broadcast %add3A_432 : i32 to vector<16xi32>
      %add3A_434 = arith.addi %mul3A_425, %add3A_433 : vector<16xi32>
      %gather3A_435 = tpu.vector_load_idx %arg14[%add3A_434] : memref<40960xf32, #tpu.memory_space<vmem>>[vector<16xi32>], vector<16xf32>,
      %sub3A_436 = arith.subf %gather3A_431, %gather3A_435 : vector<16xf32>
      %swap3A_437 = arith.constant 0 : i32
      %swap3A_438 = arith.index_cast %swap3A_437 : i32 to index
      %swap3A_439 = arith.constant 80 : index
      %swap3A_440 = tpu.vector_load %arg17[%swap3A_438, %swap3A_439] {strides = array<i32>} : memref<4x128xf32, #tpu.memory_space<vmem>>, vector<16xf32>,
      tpu.vector_store %arg17[%swap3A_438, %swap3A_439], %sub3A_436 {strides = array<i32>} : memref<4x128xf32, #tpu.memory_space<vmem>>, vector<16xf32>,
      %mul3A_441 = arith.mulf %sub3A_436, %sub3A_436 : vector<16xf32>
      %add3A_442 = arith.addf %broadcast_in_dim3A_427, %mul3A_441 : vector<16xf32>
      %add3A_443 = arith.constant 1 : i32
      %add3A_444 = vector.broadcast %add3A_443 : i32 to vector<16xi32>
      %add3A_445 = arith.addi %mul3A_419, %add3A_444 : vector<16xi32>
      %gather3A_446 = tpu.vector_load_idx %arg14[%add3A_445] : memref<40960xf32, #tpu.memory_space<vmem>>[vector<16xi32>], vector<16xf32>,
      %add3A_447 = arith.constant 1 : i32
      %add3A_448 = vector.broadcast %add3A_447 : i32 to vector<16xi32>
      %add3A_449 = arith.addi %mul3A_425, %add3A_448 : vector<16xi32>
      %gather3A_450 = tpu.vector_load_idx %arg14[%add3A_449] : memref<40960xf32, #tpu.memory_space<vmem>>[vector<16xi32>], vector<16xf32>,
      %sub3A_451 = arith.subf %gather3A_446, %gather3A_450 : vector<16xf32>
      %swap3A_452 = arith.constant 1 : i32
      %swap3A_453 = arith.index_cast %swap3A_452 : i32 to index
      %swap3A_454 = arith.constant 80 : index
      %swap3A_455 = tpu.vector_load %arg17[%swap3A_453, %swap3A_454] {strides = array<i32>} : memref<4x128xf32, #tpu.memory_space<vmem>>, vector<16xf32>,
      tpu.vector_store %arg17[%swap3A_453, %swap3A_454], %sub3A_451 {strides = array<i32>} : memref<4x128xf32, #tpu.memory_space<vmem>>, vector<16xf32>,
      %mul3A_456 = arith.mulf %sub3A_451, %sub3A_451 : vector<16xf32>
      %add3A_457 = arith.addf %add3A_442, %mul3A_456 : vector<16xf32>
      %add3A_458 = arith.constant 2 : i32
      %add3A_459 = vector.broadcast %add3A_458 : i32 to vector<16xi32>
      %add3A_460 = arith.addi %mul3A_419, %add3A_459 : vector<16xi32>
      %gather3A_461 = tpu.vector_load_idx %arg14[%add3A_460] : memref<40960xf32, #tpu.memory_space<vmem>>[vector<16xi32>], vector<16xf32>,
      %add3A_462 = arith.constant 2 : i32
      %add3A_463 = vector.broadcast %add3A_462 : i32 to vector<16xi32>
      %add3A_464 = arith.addi %mul3A_425, %add3A_463 : vector<16xi32>
      %gather3A_465 = tpu.vector_load_idx %arg14[%add3A_464] : memref<40960xf32, #tpu.memory_space<vmem>>[vector<16xi32>], vector<16xf32>,
      %sub3A_466 = arith.subf %gather3A_461, %gather3A_465 : vector<16xf32>
      %swap3A_467 = arith.constant 2 : i32
      %swap3A_468 = arith.index_cast %swap3A_467 : i32 to index
      %swap3A_469 = arith.constant 80 : index
      %swap3A_470 = tpu.vector_load %arg17[%swap3A_468, %swap3A_469] {strides = array<i32>} : memref<4x128xf32, #tpu.memory_space<vmem>>, vector<16xf32>,
      tpu.vector_store %arg17[%swap3A_468, %swap3A_469], %sub3A_466 {strides = array<i32>} : memref<4x128xf32, #tpu.memory_space<vmem>>, vector<16xf32>,
      %mul3A_471 = arith.mulf %sub3A_466, %sub3A_466 : vector<16xf32>
      %add3A_472 = arith.addf %add3A_457, %mul3A_471 : vector<16xf32>
      %swap3A_473 = arith.constant 3 : i32
      %swap3A_474 = arith.index_cast %swap3A_473 : i32 to index
      %swap3A_475 = arith.constant 80 : index
      %swap3A_476 = tpu.vector_load %arg17[%swap3A_474, %swap3A_475] {strides = array<i32>} : memref<4x128xf32, #tpu.memory_space<vmem>>, vector<16xf32>,
      tpu.vector_store %arg17[%swap3A_474, %swap3A_475], %add3A_472 {strides = array<i32>} : memref<4x128xf32, #tpu.memory_space<vmem>>, vector<16xf32>,
      %get3A_477 = arith.index_cast %mul3A_99 : i32 to index
      %get3A_478 = arith.constant 96 : index
      %get3A_479 = tpu.vector_load %arg12[%get3A_477, %get3A_478] {strides = array<i32>} : memref<79x128xi32, #tpu.memory_space<vmem>>, vector<16xi32>,
      %mul3A_480 = arith.constant 4 : i32
      %mul3A_481 = vector.broadcast %mul3A_480 : i32 to vector<16xi32>
      %mul3A_482 = arith.muli %get3A_479, %mul3A_481 : vector<16xi32>
      %get3A_483 = arith.index_cast %mul3A_99 : i32 to index
      %get3A_484 = arith.constant 96 : index
      %get3A_485 = tpu.vector_load %arg13[%get3A_483, %get3A_484] {strides = array<i32>} : memref<79x128xi32, #tpu.memory_space<vmem>>, vector<16xi32>,
      %mul3A_486 = arith.constant 4 : i32
      %mul3A_487 = vector.broadcast %mul3A_486 : i32 to vector<16xi32>
      %mul3A_488 = arith.muli %get3A_485, %mul3A_487 : vector<16xi32>
      %broadcast_in_dim3A_489 = arith.constant 0.000000e+00 : f32
      %broadcast_in_dim3A_490 = vector.broadcast %broadcast_in_dim3A_489 : f32 to vector<16xf32>
      %add3A_491 = arith.constant 0 : i32
      %add3A_492 = vector.broadcast %add3A_491 : i32 to vector<16xi32>
      %add3A_493 = arith.addi %mul3A_482, %add3A_492 : vector<16xi32>
      %gather3A_494 = tpu.vector_load_idx %arg14[%add3A_493] : memref<40960xf32, #tpu.memory_space<vmem>>[vector<16xi32>], vector<16xf32>,
      %add3A_495 = arith.constant 0 : i32
      %add3A_496 = vector.broadcast %add3A_495 : i32 to vector<16xi32>
      %add3A_497 = arith.addi %mul3A_488, %add3A_496 : vector<16xi32>
      %gather3A_498 = tpu.vector_load_idx %arg14[%add3A_497] : memref<40960xf32, #tpu.memory_space<vmem>>[vector<16xi32>], vector<16xf32>,
      %sub3A_499 = arith.subf %gather3A_494, %gather3A_498 : vector<16xf32>
      %swap3A_500 = arith.constant 0 : i32
      %swap3A_501 = arith.index_cast %swap3A_500 : i32 to index
      %swap3A_502 = arith.constant 96 : index
      %swap3A_503 = tpu.vector_load %arg17[%swap3A_501, %swap3A_502] {strides = array<i32>} : memref<4x128xf32, #tpu.memory_space<vmem>>, vector<16xf32>,
      tpu.vector_store %arg17[%swap3A_501, %swap3A_502], %sub3A_499 {strides = array<i32>} : memref<4x128xf32, #tpu.memory_space<vmem>>, vector<16xf32>,
      %mul3A_504 = arith.mulf %sub3A_499, %sub3A_499 : vector<16xf32>
      %add3A_505 = arith.addf %broadcast_in_dim3A_490, %mul3A_504 : vector<16xf32>
      %add3A_506 = arith.constant 1 : i32
      %add3A_507 = vector.broadcast %add3A_506 : i32 to vector<16xi32>
      %add3A_508 = arith.addi %mul3A_482, %add3A_507 : vector<16xi32>
      %gather3A_509 = tpu.vector_load_idx %arg14[%add3A_508] : memref<40960xf32, #tpu.memory_space<vmem>>[vector<16xi32>], vector<16xf32>,
      %add3A_510 = arith.constant 1 : i32
      %add3A_511 = vector.broadcast %add3A_510 : i32 to vector<16xi32>
      %add3A_512 = arith.addi %mul3A_488, %add3A_511 : vector<16xi32>
      %gather3A_513 = tpu.vector_load_idx %arg14[%add3A_512] : memref<40960xf32, #tpu.memory_space<vmem>>[vector<16xi32>], vector<16xf32>,
      %sub3A_514 = arith.subf %gather3A_509, %gather3A_513 : vector<16xf32>
      %swap3A_515 = arith.constant 1 : i32
      %swap3A_516 = arith.index_cast %swap3A_515 : i32 to index
      %swap3A_517 = arith.constant 96 : index
      %swap3A_518 = tpu.vector_load %arg17[%swap3A_516, %swap3A_517] {strides = array<i32>} : memref<4x128xf32, #tpu.memory_space<vmem>>, vector<16xf32>,
      tpu.vector_store %arg17[%swap3A_516, %swap3A_517], %sub3A_514 {strides = array<i32>} : memref<4x128xf32, #tpu.memory_space<vmem>>, vector<16xf32>,
      %mul3A_519 = arith.mulf %sub3A_514, %sub3A_514 : vector<16xf32>
      %add3A_520 = arith.addf %add3A_505, %mul3A_519 : vector<16xf32>
      %add3A_521 = arith.constant 2 : i32
      %add3A_522 = vector.broadcast %add3A_521 : i32 to vector<16xi32>
      %add3A_523 = arith.addi %mul3A_482, %add3A_522 : vector<16xi32>
      %gather3A_524 = tpu.vector_load_idx %arg14[%add3A_523] : memref<40960xf32, #tpu.memory_space<vmem>>[vector<16xi32>], vector<16xf32>,
      %add3A_525 = arith.constant 2 : i32
      %add3A_526 = vector.broadcast %add3A_525 : i32 to vector<16xi32>
      %add3A_527 = arith.addi %mul3A_488, %add3A_526 : vector<16xi32>
      %gather3A_528 = tpu.vector_load_idx %arg14[%add3A_527] : memref<40960xf32, #tpu.memory_space<vmem>>[vector<16xi32>], vector<16xf32>,
      %sub3A_529 = arith.subf %gather3A_524, %gather3A_528 : vector<16xf32>
      %swap3A_530 = arith.constant 2 : i32
      %swap3A_531 = arith.index_cast %swap3A_530 : i32 to index
      %swap3A_532 = arith.constant 96 : index
      %swap3A_533 = tpu.vector_load %arg17[%swap3A_531, %swap3A_532] {strides = array<i32>} : memref<4x128xf32, #tpu.memory_space<vmem>>, vector<16xf32>,
      tpu.vector_store %arg17[%swap3A_531, %swap3A_532], %sub3A_529 {strides = array<i32>} : memref<4x128xf32, #tpu.memory_space<vmem>>, vector<16xf32>,
      %mul3A_534 = arith.mulf %sub3A_529, %sub3A_529 : vector<16xf32>
      %add3A_535 = arith.addf %add3A_520, %mul3A_534 : vector<16xf32>
      %swap3A_536 = arith.constant 3 : i32
      %swap3A_537 = arith.index_cast %swap3A_536 : i32 to index
      %swap3A_538 = arith.constant 96 : index
      %swap3A_539 = tpu.vector_load %arg17[%swap3A_537, %swap3A_538] {strides = array<i32>} : memref<4x128xf32, #tpu.memory_space<vmem>>, vector<16xf32>,
      tpu.vector_store %arg17[%swap3A_537, %swap3A_538], %add3A_535 {strides = array<i32>} : memref<4x128xf32, #tpu.memory_space<vmem>>, vector<16xf32>,
      %get3A_540 = arith.index_cast %mul3A_99 : i32 to index
      %get3A_541 = arith.constant 112 : index
      %get3A_542 = tpu.vector_load %arg12[%get3A_540, %get3A_541] {strides = array<i32>} : memref<79x128xi32, #tpu.memory_space<vmem>>, vector<16xi32>,
      %mul3A_543 = arith.constant 4 : i32
      %mul3A_544 = vector.broadcast %mul3A_543 : i32 to vector<16xi32>
      %mul3A_545 = arith.muli %get3A_542, %mul3A_544 : vector<16xi32>
      %get3A_546 = arith.index_cast %mul3A_99 : i32 to index
      %get3A_547 = arith.constant 112 : index
      %get3A_548 = tpu.vector_load %arg13[%get3A_546, %get3A_547] {strides = array<i32>} : memref<79x128xi32, #tpu.memory_space<vmem>>, vector<16xi32>,
      %mul3A_549 = arith.constant 4 : i32
      %mul3A_550 = vector.broadcast %mul3A_549 : i32 to vector<16xi32>
      %mul3A_551 = arith.muli %get3A_548, %mul3A_550 : vector<16xi32>
      %broadcast_in_dim3A_552 = arith.constant 0.000000e+00 : f32
      %broadcast_in_dim3A_553 = vector.broadcast %broadcast_in_dim3A_552 : f32 to vector<16xf32>
      %add3A_554 = arith.constant 0 : i32
      %add3A_555 = vector.broadcast %add3A_554 : i32 to vector<16xi32>
      %add3A_556 = arith.addi %mul3A_545, %add3A_555 : vector<16xi32>
      %gather3A_557 = tpu.vector_load_idx %arg14[%add3A_556] : memref<40960xf32, #tpu.memory_space<vmem>>[vector<16xi32>], vector<16xf32>,
      %add3A_558 = arith.constant 0 : i32
      %add3A_559 = vector.broadcast %add3A_558 : i32 to vector<16xi32>
      %add3A_560 = arith.addi %mul3A_551, %add3A_559 : vector<16xi32>
      %gather3A_561 = tpu.vector_load_idx %arg14[%add3A_560] : memref<40960xf32, #tpu.memory_space<vmem>>[vector<16xi32>], vector<16xf32>,
      %sub3A_562 = arith.subf %gather3A_557, %gather3A_561 : vector<16xf32>
      %swap3A_563 = arith.constant 0 : i32
      %swap3A_564 = arith.index_cast %swap3A_563 : i32 to index
      %swap3A_565 = arith.constant 112 : index
      %swap3A_566 = tpu.vector_load %arg17[%swap3A_564, %swap3A_565] {strides = array<i32>} : memref<4x128xf32, #tpu.memory_space<vmem>>, vector<16xf32>,
      tpu.vector_store %arg17[%swap3A_564, %swap3A_565], %sub3A_562 {strides = array<i32>} : memref<4x128xf32, #tpu.memory_space<vmem>>, vector<16xf32>,
      %mul3A_567 = arith.mulf %sub3A_562, %sub3A_562 : vector<16xf32>
      %add3A_568 = arith.addf %broadcast_in_dim3A_553, %mul3A_567 : vector<16xf32>
      %add3A_569 = arith.constant 1 : i32
      %add3A_570 = vector.broadcast %add3A_569 : i32 to vector<16xi32>
      %add3A_571 = arith.addi %mul3A_545, %add3A_570 : vector<16xi32>
      %gather3A_572 = tpu.vector_load_idx %arg14[%add3A_571] : memref<40960xf32, #tpu.memory_space<vmem>>[vector<16xi32>], vector<16xf32>,
      %add3A_573 = arith.constant 1 : i32
      %add3A_574 = vector.broadcast %add3A_573 : i32 to vector<16xi32>
      %add3A_575 = arith.addi %mul3A_551, %add3A_574 : vector<16xi32>
      %gather3A_576 = tpu.vector_load_idx %arg14[%add3A_575] : memref<40960xf32, #tpu.memory_space<vmem>>[vector<16xi32>], vector<16xf32>,
      %sub3A_577 = arith.subf %gather3A_572, %gather3A_576 : vector<16xf32>
      %swap3A_578 = arith.constant 1 : i32
      %swap3A_579 = arith.index_cast %swap3A_578 : i32 to index
      %swap3A_580 = arith.constant 112 : index
      %swap3A_581 = tpu.vector_load %arg17[%swap3A_579, %swap3A_580] {strides = array<i32>} : memref<4x128xf32, #tpu.memory_space<vmem>>, vector<16xf32>,
      tpu.vector_store %arg17[%swap3A_579, %swap3A_580], %sub3A_577 {strides = array<i32>} : memref<4x128xf32, #tpu.memory_space<vmem>>, vector<16xf32>,
      %mul3A_582 = arith.mulf %sub3A_577, %sub3A_577 : vector<16xf32>
      %add3A_583 = arith.addf %add3A_568, %mul3A_582 : vector<16xf32>
      %add3A_584 = arith.constant 2 : i32
      %add3A_585 = vector.broadcast %add3A_584 : i32 to vector<16xi32>
      %add3A_586 = arith.addi %mul3A_545, %add3A_585 : vector<16xi32>
      %gather3A_587 = tpu.vector_load_idx %arg14[%add3A_586] : memref<40960xf32, #tpu.memory_space<vmem>>[vector<16xi32>], vector<16xf32>,
      %add3A_588 = arith.constant 2 : i32
      %add3A_589 = vector.broadcast %add3A_588 : i32 to vector<16xi32>
      %add3A_590 = arith.addi %mul3A_551, %add3A_589 : vector<16xi32>
      %gather3A_591 = tpu.vector_load_idx %arg14[%add3A_590] : memref<40960xf32, #tpu.memory_space<vmem>>[vector<16xi32>], vector<16xf32>,
      %sub3A_592 = arith.subf %gather3A_587, %gather3A_591 : vector<16xf32>
      %swap3A_593 = arith.constant 2 : i32
      %swap3A_594 = arith.index_cast %swap3A_593 : i32 to index
      %swap3A_595 = arith.constant 112 : index
      %swap3A_596 = tpu.vector_load %arg17[%swap3A_594, %swap3A_595] {strides = array<i32>} : memref<4x128xf32, #tpu.memory_space<vmem>>, vector<16xf32>,
      tpu.vector_store %arg17[%swap3A_594, %swap3A_595], %sub3A_592 {strides = array<i32>} : memref<4x128xf32, #tpu.memory_space<vmem>>, vector<16xf32>,
      %mul3A_597 = arith.mulf %sub3A_592, %sub3A_592 : vector<16xf32>
      %add3A_598 = arith.addf %add3A_583, %mul3A_597 : vector<16xf32>
      %swap3A_599 = arith.constant 3 : i32
      %swap3A_600 = arith.index_cast %swap3A_599 : i32 to index
      %swap3A_601 = arith.constant 112 : index
      %swap3A_602 = tpu.vector_load %arg17[%swap3A_600, %swap3A_601] {strides = array<i32>} : memref<4x128xf32, #tpu.memory_space<vmem>>, vector<16xf32>,
      tpu.vector_store %arg17[%swap3A_600, %swap3A_601], %add3A_598 {strides = array<i32>} : memref<4x128xf32, #tpu.memory_space<vmem>>, vector<16xf32>,
      %dma_wait3A_603 = arith.constant 0 : i32
      %dma_wait3A_604 = tpu.memref_slice %arg12[%mul3A_99, %dma_wait3A_603] : memref<79x128xi32, #tpu.memory_space<vmem>> -> memref<1x128xi32, #tpu.memory_space<vmem>>
      %dma_wait3A_605 = tpu.memref_squeeze %dma_wait3A_604 : memref<1x128xi32, #tpu.memory_space<vmem>> -> memref<128xi32, #tpu.memory_space<vmem>>
      %dma_wait3A_606 = arith.constant 0 : i32
      %dma_wait3A_607 = arith.constant 0 : i32
      %dma_wait3A_608 = tpu.memref_slice %arg2[%dma_wait3A_606, %dma_wait3A_607] : memref<10240x128xf32, #tpu.memory_space<hbm>> -> memref<10240x128xf32, #tpu.memory_space<hbm>>
      tpu.wait_indirect_dma semaphore(%arg19 : memref<!tpu.dma_semaphore, #tpu.memory_space<semaphore_mem>>) src(%dma_wait3A_608 : memref<10240x128xf32, #tpu.memory_space<hbm>>) dst(%arg15 : memref<128x128xf32, #tpu.memory_space<vmem>>)
      %dma_start3A_609 = arith.constant 0 : i32
      %dma_start3A_610 = tpu.memref_slice %arg13[%mul3A_99, %dma_start3A_609] : memref<79x128xi32, #tpu.memory_space<vmem>> -> memref<1x128xi32, #tpu.memory_space<vmem>>
      %dma_start3A_611 = tpu.memref_squeeze %dma_start3A_610 : memref<1x128xi32, #tpu.memory_space<vmem>> -> memref<128xi32, #tpu.memory_space<vmem>>
      %dma_start3A_612 = arith.constant 0 : i32
      %dma_start3A_613 = arith.constant 0 : i32
      %dma_start3A_614 = tpu.memref_slice %arg3[%dma_start3A_612, %dma_start3A_613] : memref<10240x128xf32, #tpu.memory_space<hbm>> -> memref<10240x128xf32, #tpu.memory_space<hbm>>
      tpu.enqueue_indirect_dma source(%dma_start3A_614 : memref<10240x128xf32, #tpu.memory_space<hbm>>) target(%arg15 : memref<128x128xf32, #tpu.memory_space<vmem>>) offsets(%dma_start3A_611 : memref<128xi32, #tpu.memory_space<vmem>>) semaphore(%arg21 : memref<!tpu.dma_semaphore, #tpu.memory_space<semaphore_mem>>) {add = true}
      %lt3A = arith.constant 79 : i32
      %lt3A_615 = arith.cmpi slt, %add3A_101, %lt3A : i32
      %convert_element_type3A = arith.extui %lt3A_615 : i1 to i32
      %cond3A = arith.constant 0 : i32
      %cond3A_616 = arith.cmpi ne, %convert_element_type3A, %cond3A : i32
      scf.if %cond3A_616 {
        %gt3A = arith.constant 0 : i32
        %gt3A_671 = arith.cmpi sgt, %scan3A_97, %gt3A : i32
        %convert_element_type3A_672 = arith.extui %gt3A_671 : i1 to i32
        %cond3A_673 = arith.constant 0 : i32
        %cond3A_674 = arith.cmpi ne, %convert_element_type3A_672, %cond3A_673 : i32
        scf.if %cond3A_674 {
          %mul3A_681 = arith.constant 128 : i32
          %mul3A_682 = arith.muli %mul3A_2, %mul3A_681 : i32
          %dma_wait3A_683 = arith.constant 0 : i32
          %dma_wait3A_684 = tpu.memref_slice %arg7[%mul3A_682, %dma_wait3A_683] : memref<323584x128xf32, #tpu.memory_space<hbm>> -> memref<128x128xf32, #tpu.memory_space<hbm>>
          %dma_wait3A_685 = arith.constant 0 : i32
          %dma_wait3A_686 = tpu.memref_slice %arg7[%mul3A_682, %dma_wait3A_685] : memref<323584x128xf32, #tpu.memory_space<hbm>> -> memref<128x128xf32, #tpu.memory_space<hbm>>
          tpu.wait_dma2 semaphore(%arg24 : memref<!tpu.dma_semaphore, #tpu.memory_space<semaphore_mem>>) src(%arg16 : memref<128x128xf32, #tpu.memory_space<vmem>>) dst(%dma_wait3A_686 : memref<128x128xf32, #tpu.memory_space<hbm>>)
          %dma_wait3A_687 = arith.constant 0 : i32
          %dma_wait3A_688 = arith.constant 0 : i32
          %dma_wait3A_689 = tpu.memref_slice %arg18[%dma_wait3A_687, %dma_wait3A_688] : memref<4x128xf32, #tpu.memory_space<vmem>> -> memref<1x128xf32, #tpu.memory_space<vmem>>
          %dma_wait3A_690 = tpu.memref_squeeze %dma_wait3A_689 : memref<1x128xf32, #tpu.memory_space<vmem>> -> memref<128xf32, #tpu.memory_space<vmem>>
          %dma_wait3A_691 = tpu.memref_slice %arg8[%mul3A_682] : memref<323584xf32, #tpu.memory_space<hbm>> -> memref<128xf32, #tpu.memory_space<hbm>>
          %dma_wait3A_692 = tpu.memref_slice %arg8[%mul3A_682] : memref<323584xf32, #tpu.memory_space<hbm>> -> memref<128xf32, #tpu.memory_space<hbm>>
          %dma_wait3A_693 = arith.constant 0 : i32
          %dma_wait3A_694 = tpu.memref_slice %arg18[%dma_wait3A_687, %dma_wait3A_693] : memref<4x128xf32, #tpu.memory_space<vmem>> -> memref<1x128xf32, #tpu.memory_space<vmem>>
          %dma_wait3A_695 = tpu.memref_squeeze %dma_wait3A_694 : memref<1x128xf32, #tpu.memory_space<vmem>> -> memref<128xf32, #tpu.memory_space<vmem>>
          tpu.wait_dma2 semaphore(%arg24 : memref<!tpu.dma_semaphore, #tpu.memory_space<semaphore_mem>>) src(%dma_wait3A_695 : memref<128xf32, #tpu.memory_space<vmem>>) dst(%dma_wait3A_692 : memref<128xf32, #tpu.memory_space<hbm>>)
          %dma_wait3A_696 = arith.constant 1 : i32
          %dma_wait3A_697 = arith.constant 0 : i32
          %dma_wait3A_698 = tpu.memref_slice %arg18[%dma_wait3A_696, %dma_wait3A_697] : memref<4x128xf32, #tpu.memory_space<vmem>> -> memref<1x128xf32, #tpu.memory_space<vmem>>
          %dma_wait3A_699 = tpu.memref_squeeze %dma_wait3A_698 : memref<1x128xf32, #tpu.memory_space<vmem>> -> memref<128xf32, #tpu.memory_space<vmem>>
          %dma_wait3A_700 = tpu.memref_slice %arg9[%mul3A_682] : memref<323584xf32, #tpu.memory_space<hbm>> -> memref<128xf32, #tpu.memory_space<hbm>>
          %dma_wait3A_701 = tpu.memref_slice %arg9[%mul3A_682] : memref<323584xf32, #tpu.memory_space<hbm>> -> memref<128xf32, #tpu.memory_space<hbm>>
          %dma_wait3A_702 = arith.constant 0 : i32
          %dma_wait3A_703 = tpu.memref_slice %arg18[%dma_wait3A_696, %dma_wait3A_702] : memref<4x128xf32, #tpu.memory_space<vmem>> -> memref<1x128xf32, #tpu.memory_space<vmem>>
          %dma_wait3A_704 = tpu.memref_squeeze %dma_wait3A_703 : memref<1x128xf32, #tpu.memory_space<vmem>> -> memref<128xf32, #tpu.memory_space<vmem>>
          tpu.wait_dma2 semaphore(%arg24 : memref<!tpu.dma_semaphore, #tpu.memory_space<semaphore_mem>>) src(%dma_wait3A_704 : memref<128xf32, #tpu.memory_space<vmem>>) dst(%dma_wait3A_701 : memref<128xf32, #tpu.memory_space<hbm>>)
          %dma_wait3A_705 = arith.constant 2 : i32
          %dma_wait3A_706 = arith.constant 0 : i32
          %dma_wait3A_707 = tpu.memref_slice %arg18[%dma_wait3A_705, %dma_wait3A_706] : memref<4x128xf32, #tpu.memory_space<vmem>> -> memref<1x128xf32, #tpu.memory_space<vmem>>
          %dma_wait3A_708 = tpu.memref_squeeze %dma_wait3A_707 : memref<1x128xf32, #tpu.memory_space<vmem>> -> memref<128xf32, #tpu.memory_space<vmem>>
          %dma_wait3A_709 = tpu.memref_slice %arg10[%mul3A_682] : memref<323584xf32, #tpu.memory_space<hbm>> -> memref<128xf32, #tpu.memory_space<hbm>>
          %dma_wait3A_710 = tpu.memref_slice %arg10[%mul3A_682] : memref<323584xf32, #tpu.memory_space<hbm>> -> memref<128xf32, #tpu.memory_space<hbm>>
          %dma_wait3A_711 = arith.constant 0 : i32
          %dma_wait3A_712 = tpu.memref_slice %arg18[%dma_wait3A_705, %dma_wait3A_711] : memref<4x128xf32, #tpu.memory_space<vmem>> -> memref<1x128xf32, #tpu.memory_space<vmem>>
          %dma_wait3A_713 = tpu.memref_squeeze %dma_wait3A_712 : memref<1x128xf32, #tpu.memory_space<vmem>> -> memref<128xf32, #tpu.memory_space<vmem>>
          tpu.wait_dma2 semaphore(%arg24 : memref<!tpu.dma_semaphore, #tpu.memory_space<semaphore_mem>>) src(%dma_wait3A_713 : memref<128xf32, #tpu.memory_space<vmem>>) dst(%dma_wait3A_710 : memref<128xf32, #tpu.memory_space<hbm>>)
          %dma_wait3A_714 = arith.constant 3 : i32
          %dma_wait3A_715 = arith.constant 0 : i32
          %dma_wait3A_716 = tpu.memref_slice %arg18[%dma_wait3A_714, %dma_wait3A_715] : memref<4x128xf32, #tpu.memory_space<vmem>> -> memref<1x128xf32, #tpu.memory_space<vmem>>
          %dma_wait3A_717 = tpu.memref_squeeze %dma_wait3A_716 : memref<1x128xf32, #tpu.memory_space<vmem>> -> memref<128xf32, #tpu.memory_space<vmem>>
          %dma_wait3A_718 = tpu.memref_slice %arg11[%mul3A_682] : memref<323584xf32, #tpu.memory_space<hbm>> -> memref<128xf32, #tpu.memory_space<hbm>>
          %dma_wait3A_719 = tpu.memref_slice %arg11[%mul3A_682] : memref<323584xf32, #tpu.memory_space<hbm>> -> memref<128xf32, #tpu.memory_space<hbm>>
          %dma_wait3A_720 = arith.constant 0 : i32
          %dma_wait3A_721 = tpu.memref_slice %arg18[%dma_wait3A_714, %dma_wait3A_720] : memref<4x128xf32, #tpu.memory_space<vmem>> -> memref<1x128xf32, #tpu.memory_space<vmem>>
          %dma_wait3A_722 = tpu.memref_squeeze %dma_wait3A_721 : memref<1x128xf32, #tpu.memory_space<vmem>> -> memref<128xf32, #tpu.memory_space<vmem>>
          tpu.wait_dma2 semaphore(%arg24 : memref<!tpu.dma_semaphore, #tpu.memory_space<semaphore_mem>>) src(%dma_wait3A_722 : memref<128xf32, #tpu.memory_space<vmem>>) dst(%dma_wait3A_719 : memref<128xf32, #tpu.memory_space<hbm>>)
        } else {
        }
        %dma_start3A_675 = arith.constant 0 : i32
        %dma_start3A_676 = tpu.memref_slice %arg12[%add3A_101, %dma_start3A_675] : memref<79x128xi32, #tpu.memory_space<vmem>> -> memref<1x128xi32, #tpu.memory_space<vmem>>
        %dma_start3A_677 = tpu.memref_squeeze %dma_start3A_676 : memref<1x128xi32, #tpu.memory_space<vmem>> -> memref<128xi32, #tpu.memory_space<vmem>>
        %dma_start3A_678 = arith.constant 0 : i32
        %dma_start3A_679 = arith.constant 0 : i32
        %dma_start3A_680 = tpu.memref_slice %arg2[%dma_start3A_678, %dma_start3A_679] : memref<10240x128xf32, #tpu.memory_space<hbm>> -> memref<10240x128xf32, #tpu.memory_space<hbm>>
        tpu.enqueue_indirect_dma source(%dma_start3A_680 : memref<10240x128xf32, #tpu.memory_space<hbm>>) target(%arg16 : memref<128x128xf32, #tpu.memory_space<vmem>>) offsets(%dma_start3A_677 : memref<128xi32, #tpu.memory_space<vmem>>) semaphore(%arg20 : memref<!tpu.dma_semaphore, #tpu.memory_space<semaphore_mem>>)
      } else {
      }
      %dma_wait3A_617 = arith.constant 0 : i32
      %dma_wait3A_618 = tpu.memref_slice %arg13[%mul3A_99, %dma_wait3A_617] : memref<79x128xi32, #tpu.memory_space<vmem>> -> memref<1x128xi32, #tpu.memory_space<vmem>>
      %dma_wait3A_619 = tpu.memref_squeeze %dma_wait3A_618 : memref<1x128xi32, #tpu.memory_space<vmem>> -> memref<128xi32, #tpu.memory_space<vmem>>
      %dma_wait3A_620 = arith.constant 0 : i32
      %dma_wait3A_621 = arith.constant 0 : i32
      %dma_wait3A_622 = tpu.memref_slice %arg3[%dma_wait3A_620, %dma_wait3A_621] : memref<10240x128xf32, #tpu.memory_space<hbm>> -> memref<10240x128xf32, #tpu.memory_space<hbm>>
      tpu.wait_indirect_dma semaphore(%arg21 : memref<!tpu.dma_semaphore, #tpu.memory_space<semaphore_mem>>) src(%dma_wait3A_622 : memref<10240x128xf32, #tpu.memory_space<hbm>>) dst(%arg15 : memref<128x128xf32, #tpu.memory_space<vmem>>)
      %add3A_623 = arith.addi %mul3A_2, %mul3A_99 : i32
      %mul3A_624 = arith.constant 128 : i32
      %mul3A_625 = arith.muli %add3A_623, %mul3A_624 : i32
      %dma_start3A_626 = arith.constant 0 : i32
      %dma_start3A_627 = tpu.memref_slice %arg7[%mul3A_625, %dma_start3A_626] : memref<323584x128xf32, #tpu.memory_space<hbm>> -> memref<128x128xf32, #tpu.memory_space<hbm>>
      %dma_start3A_628 = arith.constant 0 : i32
      %dma_start3A_629 = tpu.memref_slice %arg7[%mul3A_625, %dma_start3A_628] : memref<323584x128xf32, #tpu.memory_space<hbm>> -> memref<128x128xf32, #tpu.memory_space<hbm>>
      tpu.enqueue_dma source(%arg15 : memref<128x128xf32, #tpu.memory_space<vmem>>) target(%dma_start3A_629 : memref<128x128xf32, #tpu.memory_space<hbm>>) target_semaphore(%arg23 : memref<!tpu.dma_semaphore, #tpu.memory_space<semaphore_mem>>)
      %dma_start3A_630 = arith.constant 0 : i32
      %dma_start3A_631 = arith.constant 0 : i32
      %dma_start3A_632 = tpu.memref_slice %arg17[%dma_start3A_630, %dma_start3A_631] : memref<4x128xf32, #tpu.memory_space<vmem>> -> memref<1x128xf32, #tpu.memory_space<vmem>>
      %dma_start3A_633 = tpu.memref_squeeze %dma_start3A_632 : memref<1x128xf32, #tpu.memory_space<vmem>> -> memref<128xf32, #tpu.memory_space<vmem>>
      %dma_start3A_634 = tpu.memref_slice %arg8[%mul3A_625] : memref<323584xf32, #tpu.memory_space<hbm>> -> memref<128xf32, #tpu.memory_space<hbm>>
      %dma_start3A_635 = tpu.memref_slice %arg8[%mul3A_625] : memref<323584xf32, #tpu.memory_space<hbm>> -> memref<128xf32, #tpu.memory_space<hbm>>
      %dma_start3A_636 = arith.constant 0 : i32
      %dma_start3A_637 = tpu.memref_slice %arg17[%dma_start3A_630, %dma_start3A_636] : memref<4x128xf32, #tpu.memory_space<vmem>> -> memref<1x128xf32, #tpu.memory_space<vmem>>
      %dma_start3A_638 = tpu.memref_squeeze %dma_start3A_637 : memref<1x128xf32, #tpu.memory_space<vmem>> -> memref<128xf32, #tpu.memory_space<vmem>>
      tpu.enqueue_dma source(%dma_start3A_638 : memref<128xf32, #tpu.memory_space<vmem>>) target(%dma_start3A_635 : memref<128xf32, #tpu.memory_space<hbm>>) target_semaphore(%arg23 : memref<!tpu.dma_semaphore, #tpu.memory_space<semaphore_mem>>)
      %dma_start3A_639 = arith.constant 1 : i32
      %dma_start3A_640 = arith.constant 0 : i32
      %dma_start3A_641 = tpu.memref_slice %arg17[%dma_start3A_639, %dma_start3A_640] : memref<4x128xf32, #tpu.memory_space<vmem>> -> memref<1x128xf32, #tpu.memory_space<vmem>>
      %dma_start3A_642 = tpu.memref_squeeze %dma_start3A_641 : memref<1x128xf32, #tpu.memory_space<vmem>> -> memref<128xf32, #tpu.memory_space<vmem>>
      %dma_start3A_643 = tpu.memref_slice %arg9[%mul3A_625] : memref<323584xf32, #tpu.memory_space<hbm>> -> memref<128xf32, #tpu.memory_space<hbm>>
      %dma_start3A_644 = tpu.memref_slice %arg9[%mul3A_625] : memref<323584xf32, #tpu.memory_space<hbm>> -> memref<128xf32, #tpu.memory_space<hbm>>
      %dma_start3A_645 = arith.constant 0 : i32
      %dma_start3A_646 = tpu.memref_slice %arg17[%dma_start3A_639, %dma_start3A_645] : memref<4x128xf32, #tpu.memory_space<vmem>> -> memref<1x128xf32, #tpu.memory_space<vmem>>
      %dma_start3A_647 = tpu.memref_squeeze %dma_start3A_646 : memref<1x128xf32, #tpu.memory_space<vmem>> -> memref<128xf32, #tpu.memory_space<vmem>>
      tpu.enqueue_dma source(%dma_start3A_647 : memref<128xf32, #tpu.memory_space<vmem>>) target(%dma_start3A_644 : memref<128xf32, #tpu.memory_space<hbm>>) target_semaphore(%arg23 : memref<!tpu.dma_semaphore, #tpu.memory_space<semaphore_mem>>)
      %dma_start3A_648 = arith.constant 2 : i32
      %dma_start3A_649 = arith.constant 0 : i32
      %dma_start3A_650 = tpu.memref_slice %arg17[%dma_start3A_648, %dma_start3A_649] : memref<4x128xf32, #tpu.memory_space<vmem>> -> memref<1x128xf32, #tpu.memory_space<vmem>>
      %dma_start3A_651 = tpu.memref_squeeze %dma_start3A_650 : memref<1x128xf32, #tpu.memory_space<vmem>> -> memref<128xf32, #tpu.memory_space<vmem>>
      %dma_start3A_652 = tpu.memref_slice %arg10[%mul3A_625] : memref<323584xf32, #tpu.memory_space<hbm>> -> memref<128xf32, #tpu.memory_space<hbm>>
      %dma_start3A_653 = tpu.memref_slice %arg10[%mul3A_625] : memref<323584xf32, #tpu.memory_space<hbm>> -> memref<128xf32, #tpu.memory_space<hbm>>
      %dma_start3A_654 = arith.constant 0 : i32
      %dma_start3A_655 = tpu.memref_slice %arg17[%dma_start3A_648, %dma_start3A_654] : memref<4x128xf32, #tpu.memory_space<vmem>> -> memref<1x128xf32, #tpu.memory_space<vmem>>
      %dma_start3A_656 = tpu.memref_squeeze %dma_start3A_655 : memref<1x128xf32, #tpu.memory_space<vmem>> -> memref<128xf32, #tpu.memory_space<vmem>>
      tpu.enqueue_dma source(%dma_start3A_656 : memref<128xf32, #tpu.memory_space<vmem>>) target(%dma_start3A_653 : memref<128xf32, #tpu.memory_space<hbm>>) target_semaphore(%arg23 : memref<!tpu.dma_semaphore, #tpu.memory_space<semaphore_mem>>)
      %dma_start3A_657 = arith.constant 3 : i32
      %dma_start3A_658 = arith.constant 0 : i32
      %dma_start3A_659 = tpu.memref_slice %arg17[%dma_start3A_657, %dma_start3A_658] : memref<4x128xf32, #tpu.memory_space<vmem>> -> memref<1x128xf32, #tpu.memory_space<vmem>>
      %dma_start3A_660 = tpu.memref_squeeze %dma_start3A_659 : memref<1x128xf32, #tpu.memory_space<vmem>> -> memref<128xf32, #tpu.memory_space<vmem>>
      %dma_start3A_661 = tpu.memref_slice %arg11[%mul3A_625] : memref<323584xf32, #tpu.memory_space<hbm>> -> memref<128xf32, #tpu.memory_space<hbm>>
      %dma_start3A_662 = tpu.memref_slice %arg11[%mul3A_625] : memref<323584xf32, #tpu.memory_space<hbm>> -> memref<128xf32, #tpu.memory_space<hbm>>
      %dma_start3A_663 = arith.constant 0 : i32
      %dma_start3A_664 = tpu.memref_slice %arg17[%dma_start3A_657, %dma_start3A_663] : memref<4x128xf32, #tpu.memory_space<vmem>> -> memref<1x128xf32, #tpu.memory_space<vmem>>
      %dma_start3A_665 = tpu.memref_squeeze %dma_start3A_664 : memref<1x128xf32, #tpu.memory_space<vmem>> -> memref<128xf32, #tpu.memory_space<vmem>>
      tpu.enqueue_dma source(%dma_start3A_665 : memref<128xf32, #tpu.memory_space<vmem>>) target(%dma_start3A_662 : memref<128xf32, #tpu.memory_space<hbm>>) target_semaphore(%arg23 : memref<!tpu.dma_semaphore, #tpu.memory_space<semaphore_mem>>)
      %lt3A_666 = arith.constant 79 : i32
      %lt3A_667 = arith.cmpi slt, %add3A_101, %lt3A_666 : i32
      %convert_element_type3A_668 = arith.extui %lt3A_667 : i1 to i32
      %cond3A_669 = arith.constant 0 : i32
      %cond3A_670 = arith.cmpi ne, %convert_element_type3A_668, %cond3A_669 : i32
      scf.if %cond3A_670 {
        %get3A_671 = arith.index_cast %add3A_101 : i32 to index
        %get3A_672 = arith.constant 0 : index
        %get3A_673 = tpu.vector_load %arg12[%get3A_671, %get3A_672] {strides = array<i32>} : memref<79x128xi32, #tpu.memory_space<vmem>>, vector<16xi32>,
        %mul3A_674 = arith.constant 4 : i32
        %mul3A_675 = vector.broadcast %mul3A_674 : i32 to vector<16xi32>
        %mul3A_676 = arith.muli %get3A_673, %mul3A_675 : vector<16xi32>
        %get3A_677 = arith.index_cast %add3A_101 : i32 to index
        %get3A_678 = arith.constant 0 : index
        %get3A_679 = tpu.vector_load %arg13[%get3A_677, %get3A_678] {strides = array<i32>} : memref<79x128xi32, #tpu.memory_space<vmem>>, vector<16xi32>,
        %mul3A_680 = arith.constant 4 : i32
        %mul3A_681 = vector.broadcast %mul3A_680 : i32 to vector<16xi32>
        %mul3A_682 = arith.muli %get3A_679, %mul3A_681 : vector<16xi32>
        %broadcast_in_dim3A_683 = arith.constant 0.000000e+00 : f32
        %broadcast_in_dim3A_684 = vector.broadcast %broadcast_in_dim3A_683 : f32 to vector<16xf32>
        %add3A_685 = arith.constant 0 : i32
        %add3A_686 = vector.broadcast %add3A_685 : i32 to vector<16xi32>
        %add3A_687 = arith.addi %mul3A_676, %add3A_686 : vector<16xi32>
        %gather3A_688 = tpu.vector_load_idx %arg14[%add3A_687] : memref<40960xf32, #tpu.memory_space<vmem>>[vector<16xi32>], vector<16xf32>,
        %add3A_689 = arith.constant 0 : i32
        %add3A_690 = vector.broadcast %add3A_689 : i32 to vector<16xi32>
        %add3A_691 = arith.addi %mul3A_682, %add3A_690 : vector<16xi32>
        %gather3A_692 = tpu.vector_load_idx %arg14[%add3A_691] : memref<40960xf32, #tpu.memory_space<vmem>>[vector<16xi32>], vector<16xf32>,
        %sub3A_693 = arith.subf %gather3A_688, %gather3A_692 : vector<16xf32>
        %swap3A_694 = arith.constant 0 : i32
        %swap3A_695 = arith.index_cast %swap3A_694 : i32 to index
        %swap3A_696 = arith.constant 0 : index
        %swap3A_697 = tpu.vector_load %arg18[%swap3A_695, %swap3A_696] {strides = array<i32>} : memref<4x128xf32, #tpu.memory_space<vmem>>, vector<16xf32>,
        tpu.vector_store %arg18[%swap3A_695, %swap3A_696], %sub3A_693 {strides = array<i32>} : memref<4x128xf32, #tpu.memory_space<vmem>>, vector<16xf32>,
        %mul3A_698 = arith.mulf %sub3A_693, %sub3A_693 : vector<16xf32>
        %add3A_699 = arith.addf %broadcast_in_dim3A_684, %mul3A_698 : vector<16xf32>
        %add3A_700 = arith.constant 1 : i32
        %add3A_701 = vector.broadcast %add3A_700 : i32 to vector<16xi32>
        %add3A_702 = arith.addi %mul3A_676, %add3A_701 : vector<16xi32>
        %gather3A_703 = tpu.vector_load_idx %arg14[%add3A_702] : memref<40960xf32, #tpu.memory_space<vmem>>[vector<16xi32>], vector<16xf32>,
        %add3A_704 = arith.constant 1 : i32
        %add3A_705 = vector.broadcast %add3A_704 : i32 to vector<16xi32>
        %add3A_706 = arith.addi %mul3A_682, %add3A_705 : vector<16xi32>
        %gather3A_707 = tpu.vector_load_idx %arg14[%add3A_706] : memref<40960xf32, #tpu.memory_space<vmem>>[vector<16xi32>], vector<16xf32>,
        %sub3A_708 = arith.subf %gather3A_703, %gather3A_707 : vector<16xf32>
        %swap3A_709 = arith.constant 1 : i32
        %swap3A_710 = arith.index_cast %swap3A_709 : i32 to index
        %swap3A_711 = arith.constant 0 : index
        %swap3A_712 = tpu.vector_load %arg18[%swap3A_710, %swap3A_711] {strides = array<i32>} : memref<4x128xf32, #tpu.memory_space<vmem>>, vector<16xf32>,
        tpu.vector_store %arg18[%swap3A_710, %swap3A_711], %sub3A_708 {strides = array<i32>} : memref<4x128xf32, #tpu.memory_space<vmem>>, vector<16xf32>,
        %mul3A_713 = arith.mulf %sub3A_708, %sub3A_708 : vector<16xf32>
        %add3A_714 = arith.addf %add3A_699, %mul3A_713 : vector<16xf32>
        %add3A_715 = arith.constant 2 : i32
        %add3A_716 = vector.broadcast %add3A_715 : i32 to vector<16xi32>
        %add3A_717 = arith.addi %mul3A_676, %add3A_716 : vector<16xi32>
        %gather3A_718 = tpu.vector_load_idx %arg14[%add3A_717] : memref<40960xf32, #tpu.memory_space<vmem>>[vector<16xi32>], vector<16xf32>,
        %add3A_719 = arith.constant 2 : i32
        %add3A_720 = vector.broadcast %add3A_719 : i32 to vector<16xi32>
        %add3A_721 = arith.addi %mul3A_682, %add3A_720 : vector<16xi32>
        %gather3A_722 = tpu.vector_load_idx %arg14[%add3A_721] : memref<40960xf32, #tpu.memory_space<vmem>>[vector<16xi32>], vector<16xf32>,
        %sub3A_723 = arith.subf %gather3A_718, %gather3A_722 : vector<16xf32>
        %swap3A_724 = arith.constant 2 : i32
        %swap3A_725 = arith.index_cast %swap3A_724 : i32 to index
        %swap3A_726 = arith.constant 0 : index
        %swap3A_727 = tpu.vector_load %arg18[%swap3A_725, %swap3A_726] {strides = array<i32>} : memref<4x128xf32, #tpu.memory_space<vmem>>, vector<16xf32>,
        tpu.vector_store %arg18[%swap3A_725, %swap3A_726], %sub3A_723 {strides = array<i32>} : memref<4x128xf32, #tpu.memory_space<vmem>>, vector<16xf32>,
        %mul3A_728 = arith.mulf %sub3A_723, %sub3A_723 : vector<16xf32>
        %add3A_729 = arith.addf %add3A_714, %mul3A_728 : vector<16xf32>
        %swap3A_730 = arith.constant 3 : i32
        %swap3A_731 = arith.index_cast %swap3A_730 : i32 to index
        %swap3A_732 = arith.constant 0 : index
        %swap3A_733 = tpu.vector_load %arg18[%swap3A_731, %swap3A_732] {strides = array<i32>} : memref<4x128xf32, #tpu.memory_space<vmem>>, vector<16xf32>,
        tpu.vector_store %arg18[%swap3A_731, %swap3A_732], %add3A_729 {strides = array<i32>} : memref<4x128xf32, #tpu.memory_space<vmem>>, vector<16xf32>,
        %get3A_734 = arith.index_cast %add3A_101 : i32 to index
        %get3A_735 = arith.constant 16 : index
        %get3A_736 = tpu.vector_load %arg12[%get3A_734, %get3A_735] {strides = array<i32>} : memref<79x128xi32, #tpu.memory_space<vmem>>, vector<16xi32>,
        %mul3A_737 = arith.constant 4 : i32
        %mul3A_738 = vector.broadcast %mul3A_737 : i32 to vector<16xi32>
        %mul3A_739 = arith.muli %get3A_736, %mul3A_738 : vector<16xi32>
        %get3A_740 = arith.index_cast %add3A_101 : i32 to index
        %get3A_741 = arith.constant 16 : index
        %get3A_742 = tpu.vector_load %arg13[%get3A_740, %get3A_741] {strides = array<i32>} : memref<79x128xi32, #tpu.memory_space<vmem>>, vector<16xi32>,
        %mul3A_743 = arith.constant 4 : i32
        %mul3A_744 = vector.broadcast %mul3A_743 : i32 to vector<16xi32>
        %mul3A_745 = arith.muli %get3A_742, %mul3A_744 : vector<16xi32>
        %broadcast_in_dim3A_746 = arith.constant 0.000000e+00 : f32
        %broadcast_in_dim3A_747 = vector.broadcast %broadcast_in_dim3A_746 : f32 to vector<16xf32>
        %add3A_748 = arith.constant 0 : i32
        %add3A_749 = vector.broadcast %add3A_748 : i32 to vector<16xi32>
        %add3A_750 = arith.addi %mul3A_739, %add3A_749 : vector<16xi32>
        %gather3A_751 = tpu.vector_load_idx %arg14[%add3A_750] : memref<40960xf32, #tpu.memory_space<vmem>>[vector<16xi32>], vector<16xf32>,
        %add3A_752 = arith.constant 0 : i32
        %add3A_753 = vector.broadcast %add3A_752 : i32 to vector<16xi32>
        %add3A_754 = arith.addi %mul3A_745, %add3A_753 : vector<16xi32>
        %gather3A_755 = tpu.vector_load_idx %arg14[%add3A_754] : memref<40960xf32, #tpu.memory_space<vmem>>[vector<16xi32>], vector<16xf32>,
        %sub3A_756 = arith.subf %gather3A_751, %gather3A_755 : vector<16xf32>
        %swap3A_757 = arith.constant 0 : i32
        %swap3A_758 = arith.index_cast %swap3A_757 : i32 to index
        %swap3A_759 = arith.constant 16 : index
        %swap3A_760 = tpu.vector_load %arg18[%swap3A_758, %swap3A_759] {strides = array<i32>} : memref<4x128xf32, #tpu.memory_space<vmem>>, vector<16xf32>,
        tpu.vector_store %arg18[%swap3A_758, %swap3A_759], %sub3A_756 {strides = array<i32>} : memref<4x128xf32, #tpu.memory_space<vmem>>, vector<16xf32>,
        %mul3A_761 = arith.mulf %sub3A_756, %sub3A_756 : vector<16xf32>
        %add3A_762 = arith.addf %broadcast_in_dim3A_747, %mul3A_761 : vector<16xf32>
        %add3A_763 = arith.constant 1 : i32
        %add3A_764 = vector.broadcast %add3A_763 : i32 to vector<16xi32>
        %add3A_765 = arith.addi %mul3A_739, %add3A_764 : vector<16xi32>
        %gather3A_766 = tpu.vector_load_idx %arg14[%add3A_765] : memref<40960xf32, #tpu.memory_space<vmem>>[vector<16xi32>], vector<16xf32>,
        %add3A_767 = arith.constant 1 : i32
        %add3A_768 = vector.broadcast %add3A_767 : i32 to vector<16xi32>
        %add3A_769 = arith.addi %mul3A_745, %add3A_768 : vector<16xi32>
        %gather3A_770 = tpu.vector_load_idx %arg14[%add3A_769] : memref<40960xf32, #tpu.memory_space<vmem>>[vector<16xi32>], vector<16xf32>,
        %sub3A_771 = arith.subf %gather3A_766, %gather3A_770 : vector<16xf32>
        %swap3A_772 = arith.constant 1 : i32
        %swap3A_773 = arith.index_cast %swap3A_772 : i32 to index
        %swap3A_774 = arith.constant 16 : index
        %swap3A_775 = tpu.vector_load %arg18[%swap3A_773, %swap3A_774] {strides = array<i32>} : memref<4x128xf32, #tpu.memory_space<vmem>>, vector<16xf32>,
        tpu.vector_store %arg18[%swap3A_773, %swap3A_774], %sub3A_771 {strides = array<i32>} : memref<4x128xf32, #tpu.memory_space<vmem>>, vector<16xf32>,
        %mul3A_776 = arith.mulf %sub3A_771, %sub3A_771 : vector<16xf32>
        %add3A_777 = arith.addf %add3A_762, %mul3A_776 : vector<16xf32>
        %add3A_778 = arith.constant 2 : i32
        %add3A_779 = vector.broadcast %add3A_778 : i32 to vector<16xi32>
        %add3A_780 = arith.addi %mul3A_739, %add3A_779 : vector<16xi32>
        %gather3A_781 = tpu.vector_load_idx %arg14[%add3A_780] : memref<40960xf32, #tpu.memory_space<vmem>>[vector<16xi32>], vector<16xf32>,
        %add3A_782 = arith.constant 2 : i32
        %add3A_783 = vector.broadcast %add3A_782 : i32 to vector<16xi32>
        %add3A_784 = arith.addi %mul3A_745, %add3A_783 : vector<16xi32>
        %gather3A_785 = tpu.vector_load_idx %arg14[%add3A_784] : memref<40960xf32, #tpu.memory_space<vmem>>[vector<16xi32>], vector<16xf32>,
        %sub3A_786 = arith.subf %gather3A_781, %gather3A_785 : vector<16xf32>
        %swap3A_787 = arith.constant 2 : i32
        %swap3A_788 = arith.index_cast %swap3A_787 : i32 to index
        %swap3A_789 = arith.constant 16 : index
        %swap3A_790 = tpu.vector_load %arg18[%swap3A_788, %swap3A_789] {strides = array<i32>} : memref<4x128xf32, #tpu.memory_space<vmem>>, vector<16xf32>,
        tpu.vector_store %arg18[%swap3A_788, %swap3A_789], %sub3A_786 {strides = array<i32>} : memref<4x128xf32, #tpu.memory_space<vmem>>, vector<16xf32>,
        %mul3A_791 = arith.mulf %sub3A_786, %sub3A_786 : vector<16xf32>
        %add3A_792 = arith.addf %add3A_777, %mul3A_791 : vector<16xf32>
        %swap3A_793 = arith.constant 3 : i32
        %swap3A_794 = arith.index_cast %swap3A_793 : i32 to index
        %swap3A_795 = arith.constant 16 : index
        %swap3A_796 = tpu.vector_load %arg18[%swap3A_794, %swap3A_795] {strides = array<i32>} : memref<4x128xf32, #tpu.memory_space<vmem>>, vector<16xf32>,
        tpu.vector_store %arg18[%swap3A_794, %swap3A_795], %add3A_792 {strides = array<i32>} : memref<4x128xf32, #tpu.memory_space<vmem>>, vector<16xf32>,
        %get3A_797 = arith.index_cast %add3A_101 : i32 to index
        %get3A_798 = arith.constant 32 : index
        %get3A_799 = tpu.vector_load %arg12[%get3A_797, %get3A_798] {strides = array<i32>} : memref<79x128xi32, #tpu.memory_space<vmem>>, vector<16xi32>,
        %mul3A_800 = arith.constant 4 : i32
        %mul3A_801 = vector.broadcast %mul3A_800 : i32 to vector<16xi32>
        %mul3A_802 = arith.muli %get3A_799, %mul3A_801 : vector<16xi32>
        %get3A_803 = arith.index_cast %add3A_101 : i32 to index
        %get3A_804 = arith.constant 32 : index
        %get3A_805 = tpu.vector_load %arg13[%get3A_803, %get3A_804] {strides = array<i32>} : memref<79x128xi32, #tpu.memory_space<vmem>>, vector<16xi32>,
        %mul3A_806 = arith.constant 4 : i32
        %mul3A_807 = vector.broadcast %mul3A_806 : i32 to vector<16xi32>
        %mul3A_808 = arith.muli %get3A_805, %mul3A_807 : vector<16xi32>
        %broadcast_in_dim3A_809 = arith.constant 0.000000e+00 : f32
        %broadcast_in_dim3A_810 = vector.broadcast %broadcast_in_dim3A_809 : f32 to vector<16xf32>
        %add3A_811 = arith.constant 0 : i32
        %add3A_812 = vector.broadcast %add3A_811 : i32 to vector<16xi32>
        %add3A_813 = arith.addi %mul3A_802, %add3A_812 : vector<16xi32>
        %gather3A_814 = tpu.vector_load_idx %arg14[%add3A_813] : memref<40960xf32, #tpu.memory_space<vmem>>[vector<16xi32>], vector<16xf32>,
        %add3A_815 = arith.constant 0 : i32
        %add3A_816 = vector.broadcast %add3A_815 : i32 to vector<16xi32>
        %add3A_817 = arith.addi %mul3A_808, %add3A_816 : vector<16xi32>
        %gather3A_818 = tpu.vector_load_idx %arg14[%add3A_817] : memref<40960xf32, #tpu.memory_space<vmem>>[vector<16xi32>], vector<16xf32>,
        %sub3A_819 = arith.subf %gather3A_814, %gather3A_818 : vector<16xf32>
        %swap3A_820 = arith.constant 0 : i32
        %swap3A_821 = arith.index_cast %swap3A_820 : i32 to index
        %swap3A_822 = arith.constant 32 : index
        %swap3A_823 = tpu.vector_load %arg18[%swap3A_821, %swap3A_822] {strides = array<i32>} : memref<4x128xf32, #tpu.memory_space<vmem>>, vector<16xf32>,
        tpu.vector_store %arg18[%swap3A_821, %swap3A_822], %sub3A_819 {strides = array<i32>} : memref<4x128xf32, #tpu.memory_space<vmem>>, vector<16xf32>,
        %mul3A_824 = arith.mulf %sub3A_819, %sub3A_819 : vector<16xf32>
        %add3A_825 = arith.addf %broadcast_in_dim3A_810, %mul3A_824 : vector<16xf32>
        %add3A_826 = arith.constant 1 : i32
        %add3A_827 = vector.broadcast %add3A_826 : i32 to vector<16xi32>
        %add3A_828 = arith.addi %mul3A_802, %add3A_827 : vector<16xi32>
        %gather3A_829 = tpu.vector_load_idx %arg14[%add3A_828] : memref<40960xf32, #tpu.memory_space<vmem>>[vector<16xi32>], vector<16xf32>,
        %add3A_830 = arith.constant 1 : i32
        %add3A_831 = vector.broadcast %add3A_830 : i32 to vector<16xi32>
        %add3A_832 = arith.addi %mul3A_808, %add3A_831 : vector<16xi32>
        %gather3A_833 = tpu.vector_load_idx %arg14[%add3A_832] : memref<40960xf32, #tpu.memory_space<vmem>>[vector<16xi32>], vector<16xf32>,
        %sub3A_834 = arith.subf %gather3A_829, %gather3A_833 : vector<16xf32>
        %swap3A_835 = arith.constant 1 : i32
        %swap3A_836 = arith.index_cast %swap3A_835 : i32 to index
        %swap3A_837 = arith.constant 32 : index
        %swap3A_838 = tpu.vector_load %arg18[%swap3A_836, %swap3A_837] {strides = array<i32>} : memref<4x128xf32, #tpu.memory_space<vmem>>, vector<16xf32>,
        tpu.vector_store %arg18[%swap3A_836, %swap3A_837], %sub3A_834 {strides = array<i32>} : memref<4x128xf32, #tpu.memory_space<vmem>>, vector<16xf32>,
        %mul3A_839 = arith.mulf %sub3A_834, %sub3A_834 : vector<16xf32>
        %add3A_840 = arith.addf %add3A_825, %mul3A_839 : vector<16xf32>
        %add3A_841 = arith.constant 2 : i32
        %add3A_842 = vector.broadcast %add3A_841 : i32 to vector<16xi32>
        %add3A_843 = arith.addi %mul3A_802, %add3A_842 : vector<16xi32>
        %gather3A_844 = tpu.vector_load_idx %arg14[%add3A_843] : memref<40960xf32, #tpu.memory_space<vmem>>[vector<16xi32>], vector<16xf32>,
        %add3A_845 = arith.constant 2 : i32
        %add3A_846 = vector.broadcast %add3A_845 : i32 to vector<16xi32>
        %add3A_847 = arith.addi %mul3A_808, %add3A_846 : vector<16xi32>
        %gather3A_848 = tpu.vector_load_idx %arg14[%add3A_847] : memref<40960xf32, #tpu.memory_space<vmem>>[vector<16xi32>], vector<16xf32>,
        %sub3A_849 = arith.subf %gather3A_844, %gather3A_848 : vector<16xf32>
        %swap3A_850 = arith.constant 2 : i32
        %swap3A_851 = arith.index_cast %swap3A_850 : i32 to index
        %swap3A_852 = arith.constant 32 : index
        %swap3A_853 = tpu.vector_load %arg18[%swap3A_851, %swap3A_852] {strides = array<i32>} : memref<4x128xf32, #tpu.memory_space<vmem>>, vector<16xf32>,
        tpu.vector_store %arg18[%swap3A_851, %swap3A_852], %sub3A_849 {strides = array<i32>} : memref<4x128xf32, #tpu.memory_space<vmem>>, vector<16xf32>,
        %mul3A_854 = arith.mulf %sub3A_849, %sub3A_849 : vector<16xf32>
        %add3A_855 = arith.addf %add3A_840, %mul3A_854 : vector<16xf32>
        %swap3A_856 = arith.constant 3 : i32
        %swap3A_857 = arith.index_cast %swap3A_856 : i32 to index
        %swap3A_858 = arith.constant 32 : index
        %swap3A_859 = tpu.vector_load %arg18[%swap3A_857, %swap3A_858] {strides = array<i32>} : memref<4x128xf32, #tpu.memory_space<vmem>>, vector<16xf32>,
        tpu.vector_store %arg18[%swap3A_857, %swap3A_858], %add3A_855 {strides = array<i32>} : memref<4x128xf32, #tpu.memory_space<vmem>>, vector<16xf32>,
        %get3A_860 = arith.index_cast %add3A_101 : i32 to index
        %get3A_861 = arith.constant 48 : index
        %get3A_862 = tpu.vector_load %arg12[%get3A_860, %get3A_861] {strides = array<i32>} : memref<79x128xi32, #tpu.memory_space<vmem>>, vector<16xi32>,
        %mul3A_863 = arith.constant 4 : i32
        %mul3A_864 = vector.broadcast %mul3A_863 : i32 to vector<16xi32>
        %mul3A_865 = arith.muli %get3A_862, %mul3A_864 : vector<16xi32>
        %get3A_866 = arith.index_cast %add3A_101 : i32 to index
        %get3A_867 = arith.constant 48 : index
        %get3A_868 = tpu.vector_load %arg13[%get3A_866, %get3A_867] {strides = array<i32>} : memref<79x128xi32, #tpu.memory_space<vmem>>, vector<16xi32>,
        %mul3A_869 = arith.constant 4 : i32
        %mul3A_870 = vector.broadcast %mul3A_869 : i32 to vector<16xi32>
        %mul3A_871 = arith.muli %get3A_868, %mul3A_870 : vector<16xi32>
        %broadcast_in_dim3A_872 = arith.constant 0.000000e+00 : f32
        %broadcast_in_dim3A_873 = vector.broadcast %broadcast_in_dim3A_872 : f32 to vector<16xf32>
        %add3A_874 = arith.constant 0 : i32
        %add3A_875 = vector.broadcast %add3A_874 : i32 to vector<16xi32>
        %add3A_876 = arith.addi %mul3A_865, %add3A_875 : vector<16xi32>
        %gather3A_877 = tpu.vector_load_idx %arg14[%add3A_876] : memref<40960xf32, #tpu.memory_space<vmem>>[vector<16xi32>], vector<16xf32>,
        %add3A_878 = arith.constant 0 : i32
        %add3A_879 = vector.broadcast %add3A_878 : i32 to vector<16xi32>
        %add3A_880 = arith.addi %mul3A_871, %add3A_879 : vector<16xi32>
        %gather3A_881 = tpu.vector_load_idx %arg14[%add3A_880] : memref<40960xf32, #tpu.memory_space<vmem>>[vector<16xi32>], vector<16xf32>,
        %sub3A_882 = arith.subf %gather3A_877, %gather3A_881 : vector<16xf32>
        %swap3A_883 = arith.constant 0 : i32
        %swap3A_884 = arith.index_cast %swap3A_883 : i32 to index
        %swap3A_885 = arith.constant 48 : index
        %swap3A_886 = tpu.vector_load %arg18[%swap3A_884, %swap3A_885] {strides = array<i32>} : memref<4x128xf32, #tpu.memory_space<vmem>>, vector<16xf32>,
        tpu.vector_store %arg18[%swap3A_884, %swap3A_885], %sub3A_882 {strides = array<i32>} : memref<4x128xf32, #tpu.memory_space<vmem>>, vector<16xf32>,
        %mul3A_887 = arith.mulf %sub3A_882, %sub3A_882 : vector<16xf32>
        %add3A_888 = arith.addf %broadcast_in_dim3A_873, %mul3A_887 : vector<16xf32>
        %add3A_889 = arith.constant 1 : i32
        %add3A_890 = vector.broadcast %add3A_889 : i32 to vector<16xi32>
        %add3A_891 = arith.addi %mul3A_865, %add3A_890 : vector<16xi32>
        %gather3A_892 = tpu.vector_load_idx %arg14[%add3A_891] : memref<40960xf32, #tpu.memory_space<vmem>>[vector<16xi32>], vector<16xf32>,
        %add3A_893 = arith.constant 1 : i32
        %add3A_894 = vector.broadcast %add3A_893 : i32 to vector<16xi32>
        %add3A_895 = arith.addi %mul3A_871, %add3A_894 : vector<16xi32>
        %gather3A_896 = tpu.vector_load_idx %arg14[%add3A_895] : memref<40960xf32, #tpu.memory_space<vmem>>[vector<16xi32>], vector<16xf32>,
        %sub3A_897 = arith.subf %gather3A_892, %gather3A_896 : vector<16xf32>
        %swap3A_898 = arith.constant 1 : i32
        %swap3A_899 = arith.index_cast %swap3A_898 : i32 to index
        %swap3A_900 = arith.constant 48 : index
        %swap3A_901 = tpu.vector_load %arg18[%swap3A_899, %swap3A_900] {strides = array<i32>} : memref<4x128xf32, #tpu.memory_space<vmem>>, vector<16xf32>,
        tpu.vector_store %arg18[%swap3A_899, %swap3A_900], %sub3A_897 {strides = array<i32>} : memref<4x128xf32, #tpu.memory_space<vmem>>, vector<16xf32>,
        %mul3A_902 = arith.mulf %sub3A_897, %sub3A_897 : vector<16xf32>
        %add3A_903 = arith.addf %add3A_888, %mul3A_902 : vector<16xf32>
        %add3A_904 = arith.constant 2 : i32
        %add3A_905 = vector.broadcast %add3A_904 : i32 to vector<16xi32>
        %add3A_906 = arith.addi %mul3A_865, %add3A_905 : vector<16xi32>
        %gather3A_907 = tpu.vector_load_idx %arg14[%add3A_906] : memref<40960xf32, #tpu.memory_space<vmem>>[vector<16xi32>], vector<16xf32>,
        %add3A_908 = arith.constant 2 : i32
        %add3A_909 = vector.broadcast %add3A_908 : i32 to vector<16xi32>
        %add3A_910 = arith.addi %mul3A_871, %add3A_909 : vector<16xi32>
        %gather3A_911 = tpu.vector_load_idx %arg14[%add3A_910] : memref<40960xf32, #tpu.memory_space<vmem>>[vector<16xi32>], vector<16xf32>,
        %sub3A_912 = arith.subf %gather3A_907, %gather3A_911 : vector<16xf32>
        %swap3A_913 = arith.constant 2 : i32
        %swap3A_914 = arith.index_cast %swap3A_913 : i32 to index
        %swap3A_915 = arith.constant 48 : index
        %swap3A_916 = tpu.vector_load %arg18[%swap3A_914, %swap3A_915] {strides = array<i32>} : memref<4x128xf32, #tpu.memory_space<vmem>>, vector<16xf32>,
        tpu.vector_store %arg18[%swap3A_914, %swap3A_915], %sub3A_912 {strides = array<i32>} : memref<4x128xf32, #tpu.memory_space<vmem>>, vector<16xf32>,
        %mul3A_917 = arith.mulf %sub3A_912, %sub3A_912 : vector<16xf32>
        %add3A_918 = arith.addf %add3A_903, %mul3A_917 : vector<16xf32>
        %swap3A_919 = arith.constant 3 : i32
        %swap3A_920 = arith.index_cast %swap3A_919 : i32 to index
        %swap3A_921 = arith.constant 48 : index
        %swap3A_922 = tpu.vector_load %arg18[%swap3A_920, %swap3A_921] {strides = array<i32>} : memref<4x128xf32, #tpu.memory_space<vmem>>, vector<16xf32>,
        tpu.vector_store %arg18[%swap3A_920, %swap3A_921], %add3A_918 {strides = array<i32>} : memref<4x128xf32, #tpu.memory_space<vmem>>, vector<16xf32>,
        %get3A_923 = arith.index_cast %add3A_101 : i32 to index
        %get3A_924 = arith.constant 64 : index
        %get3A_925 = tpu.vector_load %arg12[%get3A_923, %get3A_924] {strides = array<i32>} : memref<79x128xi32, #tpu.memory_space<vmem>>, vector<16xi32>,
        %mul3A_926 = arith.constant 4 : i32
        %mul3A_927 = vector.broadcast %mul3A_926 : i32 to vector<16xi32>
        %mul3A_928 = arith.muli %get3A_925, %mul3A_927 : vector<16xi32>
        %get3A_929 = arith.index_cast %add3A_101 : i32 to index
        %get3A_930 = arith.constant 64 : index
        %get3A_931 = tpu.vector_load %arg13[%get3A_929, %get3A_930] {strides = array<i32>} : memref<79x128xi32, #tpu.memory_space<vmem>>, vector<16xi32>,
        %mul3A_932 = arith.constant 4 : i32
        %mul3A_933 = vector.broadcast %mul3A_932 : i32 to vector<16xi32>
        %mul3A_934 = arith.muli %get3A_931, %mul3A_933 : vector<16xi32>
        %broadcast_in_dim3A_935 = arith.constant 0.000000e+00 : f32
        %broadcast_in_dim3A_936 = vector.broadcast %broadcast_in_dim3A_935 : f32 to vector<16xf32>
        %add3A_937 = arith.constant 0 : i32
        %add3A_938 = vector.broadcast %add3A_937 : i32 to vector<16xi32>
        %add3A_939 = arith.addi %mul3A_928, %add3A_938 : vector<16xi32>
        %gather3A_940 = tpu.vector_load_idx %arg14[%add3A_939] : memref<40960xf32, #tpu.memory_space<vmem>>[vector<16xi32>], vector<16xf32>,
        %add3A_941 = arith.constant 0 : i32
        %add3A_942 = vector.broadcast %add3A_941 : i32 to vector<16xi32>
        %add3A_943 = arith.addi %mul3A_934, %add3A_942 : vector<16xi32>
        %gather3A_944 = tpu.vector_load_idx %arg14[%add3A_943] : memref<40960xf32, #tpu.memory_space<vmem>>[vector<16xi32>], vector<16xf32>,
        %sub3A_945 = arith.subf %gather3A_940, %gather3A_944 : vector<16xf32>
        %swap3A_946 = arith.constant 0 : i32
        %swap3A_947 = arith.index_cast %swap3A_946 : i32 to index
        %swap3A_948 = arith.constant 64 : index
        %swap3A_949 = tpu.vector_load %arg18[%swap3A_947, %swap3A_948] {strides = array<i32>} : memref<4x128xf32, #tpu.memory_space<vmem>>, vector<16xf32>,
        tpu.vector_store %arg18[%swap3A_947, %swap3A_948], %sub3A_945 {strides = array<i32>} : memref<4x128xf32, #tpu.memory_space<vmem>>, vector<16xf32>,
        %mul3A_950 = arith.mulf %sub3A_945, %sub3A_945 : vector<16xf32>
        %add3A_951 = arith.addf %broadcast_in_dim3A_936, %mul3A_950 : vector<16xf32>
        %add3A_952 = arith.constant 1 : i32
        %add3A_953 = vector.broadcast %add3A_952 : i32 to vector<16xi32>
        %add3A_954 = arith.addi %mul3A_928, %add3A_953 : vector<16xi32>
        %gather3A_955 = tpu.vector_load_idx %arg14[%add3A_954] : memref<40960xf32, #tpu.memory_space<vmem>>[vector<16xi32>], vector<16xf32>,
        %add3A_956 = arith.constant 1 : i32
        %add3A_957 = vector.broadcast %add3A_956 : i32 to vector<16xi32>
        %add3A_958 = arith.addi %mul3A_934, %add3A_957 : vector<16xi32>
        %gather3A_959 = tpu.vector_load_idx %arg14[%add3A_958] : memref<40960xf32, #tpu.memory_space<vmem>>[vector<16xi32>], vector<16xf32>,
        %sub3A_960 = arith.subf %gather3A_955, %gather3A_959 : vector<16xf32>
        %swap3A_961 = arith.constant 1 : i32
        %swap3A_962 = arith.index_cast %swap3A_961 : i32 to index
        %swap3A_963 = arith.constant 64 : index
        %swap3A_964 = tpu.vector_load %arg18[%swap3A_962, %swap3A_963] {strides = array<i32>} : memref<4x128xf32, #tpu.memory_space<vmem>>, vector<16xf32>,
        tpu.vector_store %arg18[%swap3A_962, %swap3A_963], %sub3A_960 {strides = array<i32>} : memref<4x128xf32, #tpu.memory_space<vmem>>, vector<16xf32>,
        %mul3A_965 = arith.mulf %sub3A_960, %sub3A_960 : vector<16xf32>
        %add3A_966 = arith.addf %add3A_951, %mul3A_965 : vector<16xf32>
        %add3A_967 = arith.constant 2 : i32
        %add3A_968 = vector.broadcast %add3A_967 : i32 to vector<16xi32>
        %add3A_969 = arith.addi %mul3A_928, %add3A_968 : vector<16xi32>
        %gather3A_970 = tpu.vector_load_idx %arg14[%add3A_969] : memref<40960xf32, #tpu.memory_space<vmem>>[vector<16xi32>], vector<16xf32>,
        %add3A_971 = arith.constant 2 : i32
        %add3A_972 = vector.broadcast %add3A_971 : i32 to vector<16xi32>
        %add3A_973 = arith.addi %mul3A_934, %add3A_972 : vector<16xi32>
        %gather3A_974 = tpu.vector_load_idx %arg14[%add3A_973] : memref<40960xf32, #tpu.memory_space<vmem>>[vector<16xi32>], vector<16xf32>,
        %sub3A_975 = arith.subf %gather3A_970, %gather3A_974 : vector<16xf32>
        %swap3A_976 = arith.constant 2 : i32
        %swap3A_977 = arith.index_cast %swap3A_976 : i32 to index
        %swap3A_978 = arith.constant 64 : index
        %swap3A_979 = tpu.vector_load %arg18[%swap3A_977, %swap3A_978] {strides = array<i32>} : memref<4x128xf32, #tpu.memory_space<vmem>>, vector<16xf32>,
        tpu.vector_store %arg18[%swap3A_977, %swap3A_978], %sub3A_975 {strides = array<i32>} : memref<4x128xf32, #tpu.memory_space<vmem>>, vector<16xf32>,
        %mul3A_980 = arith.mulf %sub3A_975, %sub3A_975 : vector<16xf32>
        %add3A_981 = arith.addf %add3A_966, %mul3A_980 : vector<16xf32>
        %swap3A_982 = arith.constant 3 : i32
        %swap3A_983 = arith.index_cast %swap3A_982 : i32 to index
        %swap3A_984 = arith.constant 64 : index
        %swap3A_985 = tpu.vector_load %arg18[%swap3A_983, %swap3A_984] {strides = array<i32>} : memref<4x128xf32, #tpu.memory_space<vmem>>, vector<16xf32>,
        tpu.vector_store %arg18[%swap3A_983, %swap3A_984], %add3A_981 {strides = array<i32>} : memref<4x128xf32, #tpu.memory_space<vmem>>, vector<16xf32>,
        %get3A_986 = arith.index_cast %add3A_101 : i32 to index
        %get3A_987 = arith.constant 80 : index
        %get3A_988 = tpu.vector_load %arg12[%get3A_986, %get3A_987] {strides = array<i32>} : memref<79x128xi32, #tpu.memory_space<vmem>>, vector<16xi32>,
        %mul3A_989 = arith.constant 4 : i32
        %mul3A_990 = vector.broadcast %mul3A_989 : i32 to vector<16xi32>
        %mul3A_991 = arith.muli %get3A_988, %mul3A_990 : vector<16xi32>
        %get3A_992 = arith.index_cast %add3A_101 : i32 to index
        %get3A_993 = arith.constant 80 : index
        %get3A_994 = tpu.vector_load %arg13[%get3A_992, %get3A_993] {strides = array<i32>} : memref<79x128xi32, #tpu.memory_space<vmem>>, vector<16xi32>,
        %mul3A_995 = arith.constant 4 : i32
        %mul3A_996 = vector.broadcast %mul3A_995 : i32 to vector<16xi32>
        %mul3A_997 = arith.muli %get3A_994, %mul3A_996 : vector<16xi32>
        %broadcast_in_dim3A_998 = arith.constant 0.000000e+00 : f32
        %broadcast_in_dim3A_999 = vector.broadcast %broadcast_in_dim3A_998 : f32 to vector<16xf32>
        %add3A_1000 = arith.constant 0 : i32
        %add3A_1001 = vector.broadcast %add3A_1000 : i32 to vector<16xi32>
        %add3A_1002 = arith.addi %mul3A_991, %add3A_1001 : vector<16xi32>
        %gather3A_1003 = tpu.vector_load_idx %arg14[%add3A_1002] : memref<40960xf32, #tpu.memory_space<vmem>>[vector<16xi32>], vector<16xf32>,
        %add3A_1004 = arith.constant 0 : i32
        %add3A_1005 = vector.broadcast %add3A_1004 : i32 to vector<16xi32>
        %add3A_1006 = arith.addi %mul3A_997, %add3A_1005 : vector<16xi32>
        %gather3A_1007 = tpu.vector_load_idx %arg14[%add3A_1006] : memref<40960xf32, #tpu.memory_space<vmem>>[vector<16xi32>], vector<16xf32>,
        %sub3A_1008 = arith.subf %gather3A_1003, %gather3A_1007 : vector<16xf32>
        %swap3A_1009 = arith.constant 0 : i32
        %swap3A_1010 = arith.index_cast %swap3A_1009 : i32 to index
        %swap3A_1011 = arith.constant 80 : index
        %swap3A_1012 = tpu.vector_load %arg18[%swap3A_1010, %swap3A_1011] {strides = array<i32>} : memref<4x128xf32, #tpu.memory_space<vmem>>, vector<16xf32>,
        tpu.vector_store %arg18[%swap3A_1010, %swap3A_1011], %sub3A_1008 {strides = array<i32>} : memref<4x128xf32, #tpu.memory_space<vmem>>, vector<16xf32>,
        %mul3A_1013 = arith.mulf %sub3A_1008, %sub3A_1008 : vector<16xf32>
        %add3A_1014 = arith.addf %broadcast_in_dim3A_999, %mul3A_1013 : vector<16xf32>
        %add3A_1015 = arith.constant 1 : i32
        %add3A_1016 = vector.broadcast %add3A_1015 : i32 to vector<16xi32>
        %add3A_1017 = arith.addi %mul3A_991, %add3A_1016 : vector<16xi32>
        %gather3A_1018 = tpu.vector_load_idx %arg14[%add3A_1017] : memref<40960xf32, #tpu.memory_space<vmem>>[vector<16xi32>], vector<16xf32>,
        %add3A_1019 = arith.constant 1 : i32
        %add3A_1020 = vector.broadcast %add3A_1019 : i32 to vector<16xi32>
        %add3A_1021 = arith.addi %mul3A_997, %add3A_1020 : vector<16xi32>
        %gather3A_1022 = tpu.vector_load_idx %arg14[%add3A_1021] : memref<40960xf32, #tpu.memory_space<vmem>>[vector<16xi32>], vector<16xf32>,
        %sub3A_1023 = arith.subf %gather3A_1018, %gather3A_1022 : vector<16xf32>
        %swap3A_1024 = arith.constant 1 : i32
        %swap3A_1025 = arith.index_cast %swap3A_1024 : i32 to index
        %swap3A_1026 = arith.constant 80 : index
        %swap3A_1027 = tpu.vector_load %arg18[%swap3A_1025, %swap3A_1026] {strides = array<i32>} : memref<4x128xf32, #tpu.memory_space<vmem>>, vector<16xf32>,
        tpu.vector_store %arg18[%swap3A_1025, %swap3A_1026], %sub3A_1023 {strides = array<i32>} : memref<4x128xf32, #tpu.memory_space<vmem>>, vector<16xf32>,
        %mul3A_1028 = arith.mulf %sub3A_1023, %sub3A_1023 : vector<16xf32>
        %add3A_1029 = arith.addf %add3A_1014, %mul3A_1028 : vector<16xf32>
        %add3A_1030 = arith.constant 2 : i32
        %add3A_1031 = vector.broadcast %add3A_1030 : i32 to vector<16xi32>
        %add3A_1032 = arith.addi %mul3A_991, %add3A_1031 : vector<16xi32>
        %gather3A_1033 = tpu.vector_load_idx %arg14[%add3A_1032] : memref<40960xf32, #tpu.memory_space<vmem>>[vector<16xi32>], vector<16xf32>,
        %add3A_1034 = arith.constant 2 : i32
        %add3A_1035 = vector.broadcast %add3A_1034 : i32 to vector<16xi32>
        %add3A_1036 = arith.addi %mul3A_997, %add3A_1035 : vector<16xi32>
        %gather3A_1037 = tpu.vector_load_idx %arg14[%add3A_1036] : memref<40960xf32, #tpu.memory_space<vmem>>[vector<16xi32>], vector<16xf32>,
        %sub3A_1038 = arith.subf %gather3A_1033, %gather3A_1037 : vector<16xf32>
        %swap3A_1039 = arith.constant 2 : i32
        %swap3A_1040 = arith.index_cast %swap3A_1039 : i32 to index
        %swap3A_1041 = arith.constant 80 : index
        %swap3A_1042 = tpu.vector_load %arg18[%swap3A_1040, %swap3A_1041] {strides = array<i32>} : memref<4x128xf32, #tpu.memory_space<vmem>>, vector<16xf32>,
        tpu.vector_store %arg18[%swap3A_1040, %swap3A_1041], %sub3A_1038 {strides = array<i32>} : memref<4x128xf32, #tpu.memory_space<vmem>>, vector<16xf32>,
        %mul3A_1043 = arith.mulf %sub3A_1038, %sub3A_1038 : vector<16xf32>
        %add3A_1044 = arith.addf %add3A_1029, %mul3A_1043 : vector<16xf32>
        %swap3A_1045 = arith.constant 3 : i32
        %swap3A_1046 = arith.index_cast %swap3A_1045 : i32 to index
        %swap3A_1047 = arith.constant 80 : index
        %swap3A_1048 = tpu.vector_load %arg18[%swap3A_1046, %swap3A_1047] {strides = array<i32>} : memref<4x128xf32, #tpu.memory_space<vmem>>, vector<16xf32>,
        tpu.vector_store %arg18[%swap3A_1046, %swap3A_1047], %add3A_1044 {strides = array<i32>} : memref<4x128xf32, #tpu.memory_space<vmem>>, vector<16xf32>,
        %get3A_1049 = arith.index_cast %add3A_101 : i32 to index
        %get3A_1050 = arith.constant 96 : index
        %get3A_1051 = tpu.vector_load %arg12[%get3A_1049, %get3A_1050] {strides = array<i32>} : memref<79x128xi32, #tpu.memory_space<vmem>>, vector<16xi32>,
        %mul3A_1052 = arith.constant 4 : i32
        %mul3A_1053 = vector.broadcast %mul3A_1052 : i32 to vector<16xi32>
        %mul3A_1054 = arith.muli %get3A_1051, %mul3A_1053 : vector<16xi32>
        %get3A_1055 = arith.index_cast %add3A_101 : i32 to index
        %get3A_1056 = arith.constant 96 : index
        %get3A_1057 = tpu.vector_load %arg13[%get3A_1055, %get3A_1056] {strides = array<i32>} : memref<79x128xi32, #tpu.memory_space<vmem>>, vector<16xi32>,
        %mul3A_1058 = arith.constant 4 : i32
        %mul3A_1059 = vector.broadcast %mul3A_1058 : i32 to vector<16xi32>
        %mul3A_1060 = arith.muli %get3A_1057, %mul3A_1059 : vector<16xi32>
        %broadcast_in_dim3A_1061 = arith.constant 0.000000e+00 : f32
        %broadcast_in_dim3A_1062 = vector.broadcast %broadcast_in_dim3A_1061 : f32 to vector<16xf32>
        %add3A_1063 = arith.constant 0 : i32
        %add3A_1064 = vector.broadcast %add3A_1063 : i32 to vector<16xi32>
        %add3A_1065 = arith.addi %mul3A_1054, %add3A_1064 : vector<16xi32>
        %gather3A_1066 = tpu.vector_load_idx %arg14[%add3A_1065] : memref<40960xf32, #tpu.memory_space<vmem>>[vector<16xi32>], vector<16xf32>,
        %add3A_1067 = arith.constant 0 : i32
        %add3A_1068 = vector.broadcast %add3A_1067 : i32 to vector<16xi32>
        %add3A_1069 = arith.addi %mul3A_1060, %add3A_1068 : vector<16xi32>
        %gather3A_1070 = tpu.vector_load_idx %arg14[%add3A_1069] : memref<40960xf32, #tpu.memory_space<vmem>>[vector<16xi32>], vector<16xf32>,
        %sub3A_1071 = arith.subf %gather3A_1066, %gather3A_1070 : vector<16xf32>
        %swap3A_1072 = arith.constant 0 : i32
        %swap3A_1073 = arith.index_cast %swap3A_1072 : i32 to index
        %swap3A_1074 = arith.constant 96 : index
        %swap3A_1075 = tpu.vector_load %arg18[%swap3A_1073, %swap3A_1074] {strides = array<i32>} : memref<4x128xf32, #tpu.memory_space<vmem>>, vector<16xf32>,
        tpu.vector_store %arg18[%swap3A_1073, %swap3A_1074], %sub3A_1071 {strides = array<i32>} : memref<4x128xf32, #tpu.memory_space<vmem>>, vector<16xf32>,
        %mul3A_1076 = arith.mulf %sub3A_1071, %sub3A_1071 : vector<16xf32>
        %add3A_1077 = arith.addf %broadcast_in_dim3A_1062, %mul3A_1076 : vector<16xf32>
        %add3A_1078 = arith.constant 1 : i32
        %add3A_1079 = vector.broadcast %add3A_1078 : i32 to vector<16xi32>
        %add3A_1080 = arith.addi %mul3A_1054, %add3A_1079 : vector<16xi32>
        %gather3A_1081 = tpu.vector_load_idx %arg14[%add3A_1080] : memref<40960xf32, #tpu.memory_space<vmem>>[vector<16xi32>], vector<16xf32>,
        %add3A_1082 = arith.constant 1 : i32
        %add3A_1083 = vector.broadcast %add3A_1082 : i32 to vector<16xi32>
        %add3A_1084 = arith.addi %mul3A_1060, %add3A_1083 : vector<16xi32>
        %gather3A_1085 = tpu.vector_load_idx %arg14[%add3A_1084] : memref<40960xf32, #tpu.memory_space<vmem>>[vector<16xi32>], vector<16xf32>,
        %sub3A_1086 = arith.subf %gather3A_1081, %gather3A_1085 : vector<16xf32>
        %swap3A_1087 = arith.constant 1 : i32
        %swap3A_1088 = arith.index_cast %swap3A_1087 : i32 to index
        %swap3A_1089 = arith.constant 96 : index
        %swap3A_1090 = tpu.vector_load %arg18[%swap3A_1088, %swap3A_1089] {strides = array<i32>} : memref<4x128xf32, #tpu.memory_space<vmem>>, vector<16xf32>,
        tpu.vector_store %arg18[%swap3A_1088, %swap3A_1089], %sub3A_1086 {strides = array<i32>} : memref<4x128xf32, #tpu.memory_space<vmem>>, vector<16xf32>,
        %mul3A_1091 = arith.mulf %sub3A_1086, %sub3A_1086 : vector<16xf32>
        %add3A_1092 = arith.addf %add3A_1077, %mul3A_1091 : vector<16xf32>
        %add3A_1093 = arith.constant 2 : i32
        %add3A_1094 = vector.broadcast %add3A_1093 : i32 to vector<16xi32>
        %add3A_1095 = arith.addi %mul3A_1054, %add3A_1094 : vector<16xi32>
        %gather3A_1096 = tpu.vector_load_idx %arg14[%add3A_1095] : memref<40960xf32, #tpu.memory_space<vmem>>[vector<16xi32>], vector<16xf32>,
        %add3A_1097 = arith.constant 2 : i32
        %add3A_1098 = vector.broadcast %add3A_1097 : i32 to vector<16xi32>
        %add3A_1099 = arith.addi %mul3A_1060, %add3A_1098 : vector<16xi32>
        %gather3A_1100 = tpu.vector_load_idx %arg14[%add3A_1099] : memref<40960xf32, #tpu.memory_space<vmem>>[vector<16xi32>], vector<16xf32>,
        %sub3A_1101 = arith.subf %gather3A_1096, %gather3A_1100 : vector<16xf32>
        %swap3A_1102 = arith.constant 2 : i32
        %swap3A_1103 = arith.index_cast %swap3A_1102 : i32 to index
        %swap3A_1104 = arith.constant 96 : index
        %swap3A_1105 = tpu.vector_load %arg18[%swap3A_1103, %swap3A_1104] {strides = array<i32>} : memref<4x128xf32, #tpu.memory_space<vmem>>, vector<16xf32>,
        tpu.vector_store %arg18[%swap3A_1103, %swap3A_1104], %sub3A_1101 {strides = array<i32>} : memref<4x128xf32, #tpu.memory_space<vmem>>, vector<16xf32>,
        %mul3A_1106 = arith.mulf %sub3A_1101, %sub3A_1101 : vector<16xf32>
        %add3A_1107 = arith.addf %add3A_1092, %mul3A_1106 : vector<16xf32>
        %swap3A_1108 = arith.constant 3 : i32
        %swap3A_1109 = arith.index_cast %swap3A_1108 : i32 to index
        %swap3A_1110 = arith.constant 96 : index
        %swap3A_1111 = tpu.vector_load %arg18[%swap3A_1109, %swap3A_1110] {strides = array<i32>} : memref<4x128xf32, #tpu.memory_space<vmem>>, vector<16xf32>,
        tpu.vector_store %arg18[%swap3A_1109, %swap3A_1110], %add3A_1107 {strides = array<i32>} : memref<4x128xf32, #tpu.memory_space<vmem>>, vector<16xf32>,
        %get3A_1112 = arith.index_cast %add3A_101 : i32 to index
        %get3A_1113 = arith.constant 112 : index
        %get3A_1114 = tpu.vector_load %arg12[%get3A_1112, %get3A_1113] {strides = array<i32>} : memref<79x128xi32, #tpu.memory_space<vmem>>, vector<16xi32>,
        %mul3A_1115 = arith.constant 4 : i32
        %mul3A_1116 = vector.broadcast %mul3A_1115 : i32 to vector<16xi32>
        %mul3A_1117 = arith.muli %get3A_1114, %mul3A_1116 : vector<16xi32>
        %get3A_1118 = arith.index_cast %add3A_101 : i32 to index
        %get3A_1119 = arith.constant 112 : index
        %get3A_1120 = tpu.vector_load %arg13[%get3A_1118, %get3A_1119] {strides = array<i32>} : memref<79x128xi32, #tpu.memory_space<vmem>>, vector<16xi32>,
        %mul3A_1121 = arith.constant 4 : i32
        %mul3A_1122 = vector.broadcast %mul3A_1121 : i32 to vector<16xi32>
        %mul3A_1123 = arith.muli %get3A_1120, %mul3A_1122 : vector<16xi32>
        %broadcast_in_dim3A_1124 = arith.constant 0.000000e+00 : f32
        %broadcast_in_dim3A_1125 = vector.broadcast %broadcast_in_dim3A_1124 : f32 to vector<16xf32>
        %add3A_1126 = arith.constant 0 : i32
        %add3A_1127 = vector.broadcast %add3A_1126 : i32 to vector<16xi32>
        %add3A_1128 = arith.addi %mul3A_1117, %add3A_1127 : vector<16xi32>
        %gather3A_1129 = tpu.vector_load_idx %arg14[%add3A_1128] : memref<40960xf32, #tpu.memory_space<vmem>>[vector<16xi32>], vector<16xf32>,
        %add3A_1130 = arith.constant 0 : i32
        %add3A_1131 = vector.broadcast %add3A_1130 : i32 to vector<16xi32>
        %add3A_1132 = arith.addi %mul3A_1123, %add3A_1131 : vector<16xi32>
        %gather3A_1133 = tpu.vector_load_idx %arg14[%add3A_1132] : memref<40960xf32, #tpu.memory_space<vmem>>[vector<16xi32>], vector<16xf32>,
        %sub3A_1134 = arith.subf %gather3A_1129, %gather3A_1133 : vector<16xf32>
        %swap3A_1135 = arith.constant 0 : i32
        %swap3A_1136 = arith.index_cast %swap3A_1135 : i32 to index
        %swap3A_1137 = arith.constant 112 : index
        %swap3A_1138 = tpu.vector_load %arg18[%swap3A_1136, %swap3A_1137] {strides = array<i32>} : memref<4x128xf32, #tpu.memory_space<vmem>>, vector<16xf32>,
        tpu.vector_store %arg18[%swap3A_1136, %swap3A_1137], %sub3A_1134 {strides = array<i32>} : memref<4x128xf32, #tpu.memory_space<vmem>>, vector<16xf32>,
        %mul3A_1139 = arith.mulf %sub3A_1134, %sub3A_1134 : vector<16xf32>
        %add3A_1140 = arith.addf %broadcast_in_dim3A_1125, %mul3A_1139 : vector<16xf32>
        %add3A_1141 = arith.constant 1 : i32
        %add3A_1142 = vector.broadcast %add3A_1141 : i32 to vector<16xi32>
        %add3A_1143 = arith.addi %mul3A_1117, %add3A_1142 : vector<16xi32>
        %gather3A_1144 = tpu.vector_load_idx %arg14[%add3A_1143] : memref<40960xf32, #tpu.memory_space<vmem>>[vector<16xi32>], vector<16xf32>,
        %add3A_1145 = arith.constant 1 : i32
        %add3A_1146 = vector.broadcast %add3A_1145 : i32 to vector<16xi32>
        %add3A_1147 = arith.addi %mul3A_1123, %add3A_1146 : vector<16xi32>
        %gather3A_1148 = tpu.vector_load_idx %arg14[%add3A_1147] : memref<40960xf32, #tpu.memory_space<vmem>>[vector<16xi32>], vector<16xf32>,
        %sub3A_1149 = arith.subf %gather3A_1144, %gather3A_1148 : vector<16xf32>
        %swap3A_1150 = arith.constant 1 : i32
        %swap3A_1151 = arith.index_cast %swap3A_1150 : i32 to index
        %swap3A_1152 = arith.constant 112 : index
        %swap3A_1153 = tpu.vector_load %arg18[%swap3A_1151, %swap3A_1152] {strides = array<i32>} : memref<4x128xf32, #tpu.memory_space<vmem>>, vector<16xf32>,
        tpu.vector_store %arg18[%swap3A_1151, %swap3A_1152], %sub3A_1149 {strides = array<i32>} : memref<4x128xf32, #tpu.memory_space<vmem>>, vector<16xf32>,
        %mul3A_1154 = arith.mulf %sub3A_1149, %sub3A_1149 : vector<16xf32>
        %add3A_1155 = arith.addf %add3A_1140, %mul3A_1154 : vector<16xf32>
        %add3A_1156 = arith.constant 2 : i32
        %add3A_1157 = vector.broadcast %add3A_1156 : i32 to vector<16xi32>
        %add3A_1158 = arith.addi %mul3A_1117, %add3A_1157 : vector<16xi32>
        %gather3A_1159 = tpu.vector_load_idx %arg14[%add3A_1158] : memref<40960xf32, #tpu.memory_space<vmem>>[vector<16xi32>], vector<16xf32>,
        %add3A_1160 = arith.constant 2 : i32
        %add3A_1161 = vector.broadcast %add3A_1160 : i32 to vector<16xi32>
        %add3A_1162 = arith.addi %mul3A_1123, %add3A_1161 : vector<16xi32>
        %gather3A_1163 = tpu.vector_load_idx %arg14[%add3A_1162] : memref<40960xf32, #tpu.memory_space<vmem>>[vector<16xi32>], vector<16xf32>,
        %sub3A_1164 = arith.subf %gather3A_1159, %gather3A_1163 : vector<16xf32>
        %swap3A_1165 = arith.constant 2 : i32
        %swap3A_1166 = arith.index_cast %swap3A_1165 : i32 to index
        %swap3A_1167 = arith.constant 112 : index
        %swap3A_1168 = tpu.vector_load %arg18[%swap3A_1166, %swap3A_1167] {strides = array<i32>} : memref<4x128xf32, #tpu.memory_space<vmem>>, vector<16xf32>,
        tpu.vector_store %arg18[%swap3A_1166, %swap3A_1167], %sub3A_1164 {strides = array<i32>} : memref<4x128xf32, #tpu.memory_space<vmem>>, vector<16xf32>,
        %mul3A_1169 = arith.mulf %sub3A_1164, %sub3A_1164 : vector<16xf32>
        %add3A_1170 = arith.addf %add3A_1155, %mul3A_1169 : vector<16xf32>
        %swap3A_1171 = arith.constant 3 : i32
        %swap3A_1172 = arith.index_cast %swap3A_1171 : i32 to index
        %swap3A_1173 = arith.constant 112 : index
        %swap3A_1174 = tpu.vector_load %arg18[%swap3A_1172, %swap3A_1173] {strides = array<i32>} : memref<4x128xf32, #tpu.memory_space<vmem>>, vector<16xf32>,
        tpu.vector_store %arg18[%swap3A_1172, %swap3A_1173], %add3A_1170 {strides = array<i32>} : memref<4x128xf32, #tpu.memory_space<vmem>>, vector<16xf32>,
        %dma_wait3A_1175 = arith.constant 0 : i32
        %dma_wait3A_1176 = tpu.memref_slice %arg12[%add3A_101, %dma_wait3A_1175] : memref<79x128xi32, #tpu.memory_space<vmem>> -> memref<1x128xi32, #tpu.memory_space<vmem>>
        %dma_wait3A_1177 = tpu.memref_squeeze %dma_wait3A_1176 : memref<1x128xi32, #tpu.memory_space<vmem>> -> memref<128xi32, #tpu.memory_space<vmem>>
        %dma_wait3A_1178 = arith.constant 0 : i32
        %dma_wait3A_1179 = arith.constant 0 : i32
        %dma_wait3A_1180 = tpu.memref_slice %arg2[%dma_wait3A_1178, %dma_wait3A_1179] : memref<10240x128xf32, #tpu.memory_space<hbm>> -> memref<10240x128xf32, #tpu.memory_space<hbm>>
        tpu.wait_indirect_dma semaphore(%arg20 : memref<!tpu.dma_semaphore, #tpu.memory_space<semaphore_mem>>) src(%dma_wait3A_1180 : memref<10240x128xf32, #tpu.memory_space<hbm>>) dst(%arg16 : memref<128x128xf32, #tpu.memory_space<vmem>>)
        %dma_start3A_1181 = arith.constant 0 : i32
        %dma_start3A_1182 = tpu.memref_slice %arg13[%add3A_101, %dma_start3A_1181] : memref<79x128xi32, #tpu.memory_space<vmem>> -> memref<1x128xi32, #tpu.memory_space<vmem>>
        %dma_start3A_1183 = tpu.memref_squeeze %dma_start3A_1182 : memref<1x128xi32, #tpu.memory_space<vmem>> -> memref<128xi32, #tpu.memory_space<vmem>>
        %dma_start3A_1184 = arith.constant 0 : i32
        %dma_start3A_1185 = arith.constant 0 : i32
        %dma_start3A_1186 = tpu.memref_slice %arg3[%dma_start3A_1184, %dma_start3A_1185] : memref<10240x128xf32, #tpu.memory_space<hbm>> -> memref<10240x128xf32, #tpu.memory_space<hbm>>
        tpu.enqueue_indirect_dma source(%dma_start3A_1186 : memref<10240x128xf32, #tpu.memory_space<hbm>>) target(%arg16 : memref<128x128xf32, #tpu.memory_space<vmem>>) offsets(%dma_start3A_1183 : memref<128xi32, #tpu.memory_space<vmem>>) semaphore(%arg22 : memref<!tpu.dma_semaphore, #tpu.memory_space<semaphore_mem>>) {add = true}
        %lt3A_1187 = arith.constant 79 : i32
        %lt3A_1188 = arith.cmpi slt, %add3A_103, %lt3A_1187 : i32
        %convert_element_type3A_1189 = arith.extui %lt3A_1188 : i1 to i32
        %cond3A_1190 = arith.constant 0 : i32
        %cond3A_1191 = arith.cmpi ne, %convert_element_type3A_1189, %cond3A_1190 : i32
        scf.if %cond3A_1191 {
          %mul3A_1241 = arith.constant 128 : i32
          %mul3A_1242 = arith.muli %mul3A_2, %mul3A_1241 : i32
          %dma_wait3A_1243 = arith.constant 0 : i32
          %dma_wait3A_1244 = tpu.memref_slice %arg7[%mul3A_1242, %dma_wait3A_1243] : memref<323584x128xf32, #tpu.memory_space<hbm>> -> memref<128x128xf32, #tpu.memory_space<hbm>>
          %dma_wait3A_1245 = arith.constant 0 : i32
          %dma_wait3A_1246 = tpu.memref_slice %arg7[%mul3A_1242, %dma_wait3A_1245] : memref<323584x128xf32, #tpu.memory_space<hbm>> -> memref<128x128xf32, #tpu.memory_space<hbm>>
          tpu.wait_dma2 semaphore(%arg23 : memref<!tpu.dma_semaphore, #tpu.memory_space<semaphore_mem>>) src(%arg15 : memref<128x128xf32, #tpu.memory_space<vmem>>) dst(%dma_wait3A_1246 : memref<128x128xf32, #tpu.memory_space<hbm>>)
          %dma_wait3A_1247 = arith.constant 0 : i32
          %dma_wait3A_1248 = arith.constant 0 : i32
          %dma_wait3A_1249 = tpu.memref_slice %arg17[%dma_wait3A_1247, %dma_wait3A_1248] : memref<4x128xf32, #tpu.memory_space<vmem>> -> memref<1x128xf32, #tpu.memory_space<vmem>>
          %dma_wait3A_1250 = tpu.memref_squeeze %dma_wait3A_1249 : memref<1x128xf32, #tpu.memory_space<vmem>> -> memref<128xf32, #tpu.memory_space<vmem>>
          %dma_wait3A_1251 = tpu.memref_slice %arg8[%mul3A_1242] : memref<323584xf32, #tpu.memory_space<hbm>> -> memref<128xf32, #tpu.memory_space<hbm>>
          %dma_wait3A_1252 = tpu.memref_slice %arg8[%mul3A_1242] : memref<323584xf32, #tpu.memory_space<hbm>> -> memref<128xf32, #tpu.memory_space<hbm>>
          %dma_wait3A_1253 = arith.constant 0 : i32
          %dma_wait3A_1254 = tpu.memref_slice %arg17[%dma_wait3A_1247, %dma_wait3A_1253] : memref<4x128xf32, #tpu.memory_space<vmem>> -> memref<1x128xf32, #tpu.memory_space<vmem>>
          %dma_wait3A_1255 = tpu.memref_squeeze %dma_wait3A_1254 : memref<1x128xf32, #tpu.memory_space<vmem>> -> memref<128xf32, #tpu.memory_space<vmem>>
          tpu.wait_dma2 semaphore(%arg23 : memref<!tpu.dma_semaphore, #tpu.memory_space<semaphore_mem>>) src(%dma_wait3A_1255 : memref<128xf32, #tpu.memory_space<vmem>>) dst(%dma_wait3A_1252 : memref<128xf32, #tpu.memory_space<hbm>>)
          %dma_wait3A_1256 = arith.constant 1 : i32
          %dma_wait3A_1257 = arith.constant 0 : i32
          %dma_wait3A_1258 = tpu.memref_slice %arg17[%dma_wait3A_1256, %dma_wait3A_1257] : memref<4x128xf32, #tpu.memory_space<vmem>> -> memref<1x128xf32, #tpu.memory_space<vmem>>
          %dma_wait3A_1259 = tpu.memref_squeeze %dma_wait3A_1258 : memref<1x128xf32, #tpu.memory_space<vmem>> -> memref<128xf32, #tpu.memory_space<vmem>>
          %dma_wait3A_1260 = tpu.memref_slice %arg9[%mul3A_1242] : memref<323584xf32, #tpu.memory_space<hbm>> -> memref<128xf32, #tpu.memory_space<hbm>>
          %dma_wait3A_1261 = tpu.memref_slice %arg9[%mul3A_1242] : memref<323584xf32, #tpu.memory_space<hbm>> -> memref<128xf32, #tpu.memory_space<hbm>>
          %dma_wait3A_1262 = arith.constant 0 : i32
          %dma_wait3A_1263 = tpu.memref_slice %arg17[%dma_wait3A_1256, %dma_wait3A_1262] : memref<4x128xf32, #tpu.memory_space<vmem>> -> memref<1x128xf32, #tpu.memory_space<vmem>>
          %dma_wait3A_1264 = tpu.memref_squeeze %dma_wait3A_1263 : memref<1x128xf32, #tpu.memory_space<vmem>> -> memref<128xf32, #tpu.memory_space<vmem>>
          tpu.wait_dma2 semaphore(%arg23 : memref<!tpu.dma_semaphore, #tpu.memory_space<semaphore_mem>>) src(%dma_wait3A_1264 : memref<128xf32, #tpu.memory_space<vmem>>) dst(%dma_wait3A_1261 : memref<128xf32, #tpu.memory_space<hbm>>)
          %dma_wait3A_1265 = arith.constant 2 : i32
          %dma_wait3A_1266 = arith.constant 0 : i32
          %dma_wait3A_1267 = tpu.memref_slice %arg17[%dma_wait3A_1265, %dma_wait3A_1266] : memref<4x128xf32, #tpu.memory_space<vmem>> -> memref<1x128xf32, #tpu.memory_space<vmem>>
          %dma_wait3A_1268 = tpu.memref_squeeze %dma_wait3A_1267 : memref<1x128xf32, #tpu.memory_space<vmem>> -> memref<128xf32, #tpu.memory_space<vmem>>
          %dma_wait3A_1269 = tpu.memref_slice %arg10[%mul3A_1242] : memref<323584xf32, #tpu.memory_space<hbm>> -> memref<128xf32, #tpu.memory_space<hbm>>
          %dma_wait3A_1270 = tpu.memref_slice %arg10[%mul3A_1242] : memref<323584xf32, #tpu.memory_space<hbm>> -> memref<128xf32, #tpu.memory_space<hbm>>
          %dma_wait3A_1271 = arith.constant 0 : i32
          %dma_wait3A_1272 = tpu.memref_slice %arg17[%dma_wait3A_1265, %dma_wait3A_1271] : memref<4x128xf32, #tpu.memory_space<vmem>> -> memref<1x128xf32, #tpu.memory_space<vmem>>
          %dma_wait3A_1273 = tpu.memref_squeeze %dma_wait3A_1272 : memref<1x128xf32, #tpu.memory_space<vmem>> -> memref<128xf32, #tpu.memory_space<vmem>>
          tpu.wait_dma2 semaphore(%arg23 : memref<!tpu.dma_semaphore, #tpu.memory_space<semaphore_mem>>) src(%dma_wait3A_1273 : memref<128xf32, #tpu.memory_space<vmem>>) dst(%dma_wait3A_1270 : memref<128xf32, #tpu.memory_space<hbm>>)
          %dma_wait3A_1274 = arith.constant 3 : i32
          %dma_wait3A_1275 = arith.constant 0 : i32
          %dma_wait3A_1276 = tpu.memref_slice %arg17[%dma_wait3A_1274, %dma_wait3A_1275] : memref<4x128xf32, #tpu.memory_space<vmem>> -> memref<1x128xf32, #tpu.memory_space<vmem>>
          %dma_wait3A_1277 = tpu.memref_squeeze %dma_wait3A_1276 : memref<1x128xf32, #tpu.memory_space<vmem>> -> memref<128xf32, #tpu.memory_space<vmem>>
          %dma_wait3A_1278 = tpu.memref_slice %arg11[%mul3A_1242] : memref<323584xf32, #tpu.memory_space<hbm>> -> memref<128xf32, #tpu.memory_space<hbm>>
          %dma_wait3A_1279 = tpu.memref_slice %arg11[%mul3A_1242] : memref<323584xf32, #tpu.memory_space<hbm>> -> memref<128xf32, #tpu.memory_space<hbm>>
          %dma_wait3A_1280 = arith.constant 0 : i32
          %dma_wait3A_1281 = tpu.memref_slice %arg17[%dma_wait3A_1274, %dma_wait3A_1280] : memref<4x128xf32, #tpu.memory_space<vmem>> -> memref<1x128xf32, #tpu.memory_space<vmem>>
          %dma_wait3A_1282 = tpu.memref_squeeze %dma_wait3A_1281 : memref<1x128xf32, #tpu.memory_space<vmem>> -> memref<128xf32, #tpu.memory_space<vmem>>
          tpu.wait_dma2 semaphore(%arg23 : memref<!tpu.dma_semaphore, #tpu.memory_space<semaphore_mem>>) src(%dma_wait3A_1282 : memref<128xf32, #tpu.memory_space<vmem>>) dst(%dma_wait3A_1279 : memref<128xf32, #tpu.memory_space<hbm>>)
          %dma_start3A_1283 = arith.constant 0 : i32
          %dma_start3A_1284 = tpu.memref_slice %arg12[%add3A_103, %dma_start3A_1283] : memref<79x128xi32, #tpu.memory_space<vmem>> -> memref<1x128xi32, #tpu.memory_space<vmem>>
          %dma_start3A_1285 = tpu.memref_squeeze %dma_start3A_1284 : memref<1x128xi32, #tpu.memory_space<vmem>> -> memref<128xi32, #tpu.memory_space<vmem>>
          %dma_start3A_1286 = arith.constant 0 : i32
          %dma_start3A_1287 = arith.constant 0 : i32
          %dma_start3A_1288 = tpu.memref_slice %arg2[%dma_start3A_1286, %dma_start3A_1287] : memref<10240x128xf32, #tpu.memory_space<hbm>> -> memref<10240x128xf32, #tpu.memory_space<hbm>>
          tpu.enqueue_indirect_dma source(%dma_start3A_1288 : memref<10240x128xf32, #tpu.memory_space<hbm>>) target(%arg15 : memref<128x128xf32, #tpu.memory_space<vmem>>) offsets(%dma_start3A_1285 : memref<128xi32, #tpu.memory_space<vmem>>) semaphore(%arg19 : memref<!tpu.dma_semaphore, #tpu.memory_space<semaphore_mem>>)
        } else {
        }
        %dma_wait3A_1192 = arith.constant 0 : i32
        %dma_wait3A_1193 = tpu.memref_slice %arg13[%add3A_101, %dma_wait3A_1192] : memref<79x128xi32, #tpu.memory_space<vmem>> -> memref<1x128xi32, #tpu.memory_space<vmem>>
        %dma_wait3A_1194 = tpu.memref_squeeze %dma_wait3A_1193 : memref<1x128xi32, #tpu.memory_space<vmem>> -> memref<128xi32, #tpu.memory_space<vmem>>
        %dma_wait3A_1195 = arith.constant 0 : i32
        %dma_wait3A_1196 = arith.constant 0 : i32
        %dma_wait3A_1197 = tpu.memref_slice %arg3[%dma_wait3A_1195, %dma_wait3A_1196] : memref<10240x128xf32, #tpu.memory_space<hbm>> -> memref<10240x128xf32, #tpu.memory_space<hbm>>
        tpu.wait_indirect_dma semaphore(%arg22 : memref<!tpu.dma_semaphore, #tpu.memory_space<semaphore_mem>>) src(%dma_wait3A_1197 : memref<10240x128xf32, #tpu.memory_space<hbm>>) dst(%arg16 : memref<128x128xf32, #tpu.memory_space<vmem>>)
        %add3A_1198 = arith.addi %mul3A_2, %add3A_101 : i32
        %mul3A_1199 = arith.constant 128 : i32
        %mul3A_1200 = arith.muli %add3A_1198, %mul3A_1199 : i32
        %dma_start3A_1201 = arith.constant 0 : i32
        %dma_start3A_1202 = tpu.memref_slice %arg7[%mul3A_1200, %dma_start3A_1201] : memref<323584x128xf32, #tpu.memory_space<hbm>> -> memref<128x128xf32, #tpu.memory_space<hbm>>
        %dma_start3A_1203 = arith.constant 0 : i32
        %dma_start3A_1204 = tpu.memref_slice %arg7[%mul3A_1200, %dma_start3A_1203] : memref<323584x128xf32, #tpu.memory_space<hbm>> -> memref<128x128xf32, #tpu.memory_space<hbm>>
        tpu.enqueue_dma source(%arg16 : memref<128x128xf32, #tpu.memory_space<vmem>>) target(%dma_start3A_1204 : memref<128x128xf32, #tpu.memory_space<hbm>>) target_semaphore(%arg24 : memref<!tpu.dma_semaphore, #tpu.memory_space<semaphore_mem>>)
        %dma_start3A_1205 = arith.constant 0 : i32
        %dma_start3A_1206 = arith.constant 0 : i32
        %dma_start3A_1207 = tpu.memref_slice %arg18[%dma_start3A_1205, %dma_start3A_1206] : memref<4x128xf32, #tpu.memory_space<vmem>> -> memref<1x128xf32, #tpu.memory_space<vmem>>
        %dma_start3A_1208 = tpu.memref_squeeze %dma_start3A_1207 : memref<1x128xf32, #tpu.memory_space<vmem>> -> memref<128xf32, #tpu.memory_space<vmem>>
        %dma_start3A_1209 = tpu.memref_slice %arg8[%mul3A_1200] : memref<323584xf32, #tpu.memory_space<hbm>> -> memref<128xf32, #tpu.memory_space<hbm>>
        %dma_start3A_1210 = tpu.memref_slice %arg8[%mul3A_1200] : memref<323584xf32, #tpu.memory_space<hbm>> -> memref<128xf32, #tpu.memory_space<hbm>>
        %dma_start3A_1211 = arith.constant 0 : i32
        %dma_start3A_1212 = tpu.memref_slice %arg18[%dma_start3A_1205, %dma_start3A_1211] : memref<4x128xf32, #tpu.memory_space<vmem>> -> memref<1x128xf32, #tpu.memory_space<vmem>>
        %dma_start3A_1213 = tpu.memref_squeeze %dma_start3A_1212 : memref<1x128xf32, #tpu.memory_space<vmem>> -> memref<128xf32, #tpu.memory_space<vmem>>
        tpu.enqueue_dma source(%dma_start3A_1213 : memref<128xf32, #tpu.memory_space<vmem>>) target(%dma_start3A_1210 : memref<128xf32, #tpu.memory_space<hbm>>) target_semaphore(%arg24 : memref<!tpu.dma_semaphore, #tpu.memory_space<semaphore_mem>>)
        %dma_start3A_1214 = arith.constant 1 : i32
        %dma_start3A_1215 = arith.constant 0 : i32
        %dma_start3A_1216 = tpu.memref_slice %arg18[%dma_start3A_1214, %dma_start3A_1215] : memref<4x128xf32, #tpu.memory_space<vmem>> -> memref<1x128xf32, #tpu.memory_space<vmem>>
        %dma_start3A_1217 = tpu.memref_squeeze %dma_start3A_1216 : memref<1x128xf32, #tpu.memory_space<vmem>> -> memref<128xf32, #tpu.memory_space<vmem>>
        %dma_start3A_1218 = tpu.memref_slice %arg9[%mul3A_1200] : memref<323584xf32, #tpu.memory_space<hbm>> -> memref<128xf32, #tpu.memory_space<hbm>>
        %dma_start3A_1219 = tpu.memref_slice %arg9[%mul3A_1200] : memref<323584xf32, #tpu.memory_space<hbm>> -> memref<128xf32, #tpu.memory_space<hbm>>
        %dma_start3A_1220 = arith.constant 0 : i32
        %dma_start3A_1221 = tpu.memref_slice %arg18[%dma_start3A_1214, %dma_start3A_1220] : memref<4x128xf32, #tpu.memory_space<vmem>> -> memref<1x128xf32, #tpu.memory_space<vmem>>
        %dma_start3A_1222 = tpu.memref_squeeze %dma_start3A_1221 : memref<1x128xf32, #tpu.memory_space<vmem>> -> memref<128xf32, #tpu.memory_space<vmem>>
        tpu.enqueue_dma source(%dma_start3A_1222 : memref<128xf32, #tpu.memory_space<vmem>>) target(%dma_start3A_1219 : memref<128xf32, #tpu.memory_space<hbm>>) target_semaphore(%arg24 : memref<!tpu.dma_semaphore, #tpu.memory_space<semaphore_mem>>)
        %dma_start3A_1223 = arith.constant 2 : i32
        %dma_start3A_1224 = arith.constant 0 : i32
        %dma_start3A_1225 = tpu.memref_slice %arg18[%dma_start3A_1223, %dma_start3A_1224] : memref<4x128xf32, #tpu.memory_space<vmem>> -> memref<1x128xf32, #tpu.memory_space<vmem>>
        %dma_start3A_1226 = tpu.memref_squeeze %dma_start3A_1225 : memref<1x128xf32, #tpu.memory_space<vmem>> -> memref<128xf32, #tpu.memory_space<vmem>>
        %dma_start3A_1227 = tpu.memref_slice %arg10[%mul3A_1200] : memref<323584xf32, #tpu.memory_space<hbm>> -> memref<128xf32, #tpu.memory_space<hbm>>
        %dma_start3A_1228 = tpu.memref_slice %arg10[%mul3A_1200] : memref<323584xf32, #tpu.memory_space<hbm>> -> memref<128xf32, #tpu.memory_space<hbm>>
        %dma_start3A_1229 = arith.constant 0 : i32
        %dma_start3A_1230 = tpu.memref_slice %arg18[%dma_start3A_1223, %dma_start3A_1229] : memref<4x128xf32, #tpu.memory_space<vmem>> -> memref<1x128xf32, #tpu.memory_space<vmem>>
        %dma_start3A_1231 = tpu.memref_squeeze %dma_start3A_1230 : memref<1x128xf32, #tpu.memory_space<vmem>> -> memref<128xf32, #tpu.memory_space<vmem>>
        tpu.enqueue_dma source(%dma_start3A_1231 : memref<128xf32, #tpu.memory_space<vmem>>) target(%dma_start3A_1228 : memref<128xf32, #tpu.memory_space<hbm>>) target_semaphore(%arg24 : memref<!tpu.dma_semaphore, #tpu.memory_space<semaphore_mem>>)
        %dma_start3A_1232 = arith.constant 3 : i32
        %dma_start3A_1233 = arith.constant 0 : i32
        %dma_start3A_1234 = tpu.memref_slice %arg18[%dma_start3A_1232, %dma_start3A_1233] : memref<4x128xf32, #tpu.memory_space<vmem>> -> memref<1x128xf32, #tpu.memory_space<vmem>>
        %dma_start3A_1235 = tpu.memref_squeeze %dma_start3A_1234 : memref<1x128xf32, #tpu.memory_space<vmem>> -> memref<128xf32, #tpu.memory_space<vmem>>
        %dma_start3A_1236 = tpu.memref_slice %arg11[%mul3A_1200] : memref<323584xf32, #tpu.memory_space<hbm>> -> memref<128xf32, #tpu.memory_space<hbm>>
        %dma_start3A_1237 = tpu.memref_slice %arg11[%mul3A_1200] : memref<323584xf32, #tpu.memory_space<hbm>> -> memref<128xf32, #tpu.memory_space<hbm>>
        %dma_start3A_1238 = arith.constant 0 : i32
        %dma_start3A_1239 = tpu.memref_slice %arg18[%dma_start3A_1232, %dma_start3A_1238] : memref<4x128xf32, #tpu.memory_space<vmem>> -> memref<1x128xf32, #tpu.memory_space<vmem>>
        %dma_start3A_1240 = tpu.memref_squeeze %dma_start3A_1239 : memref<1x128xf32, #tpu.memory_space<vmem>> -> memref<128xf32, #tpu.memory_space<vmem>>
        tpu.enqueue_dma source(%dma_start3A_1240 : memref<128xf32, #tpu.memory_space<vmem>>) target(%dma_start3A_1237 : memref<128xf32, #tpu.memory_space<hbm>>) target_semaphore(%arg24 : memref<!tpu.dma_semaphore, #tpu.memory_space<semaphore_mem>>)
      } else {
      }
    }
    %scan3A_13 = arith.constant 40 : i32
    %mul3A_14 = arith.constant 128 : i32
    %mul3A_15 = arith.muli %mul3A_2, %mul3A_14 : i32
    %dma_wait3A = arith.constant 0 : i32
    %dma_wait3A_16 = tpu.memref_slice %arg7[%mul3A_15, %dma_wait3A] : memref<323584x128xf32, #tpu.memory_space<hbm>> -> memref<128x128xf32, #tpu.memory_space<hbm>>
    %dma_wait3A_17 = arith.constant 0 : i32
    %dma_wait3A_18 = tpu.memref_slice %arg7[%mul3A_15, %dma_wait3A_17] : memref<323584x128xf32, #tpu.memory_space<hbm>> -> memref<128x128xf32, #tpu.memory_space<hbm>>
    tpu.wait_dma2 semaphore(%arg23 : memref<!tpu.dma_semaphore, #tpu.memory_space<semaphore_mem>>) src(%arg15 : memref<128x128xf32, #tpu.memory_space<vmem>>) dst(%dma_wait3A_18 : memref<128x128xf32, #tpu.memory_space<hbm>>)
    %dma_wait3A_19 = arith.constant 0 : i32
    %dma_wait3A_20 = arith.constant 0 : i32
    %dma_wait3A_21 = tpu.memref_slice %arg17[%dma_wait3A_19, %dma_wait3A_20] : memref<4x128xf32, #tpu.memory_space<vmem>> -> memref<1x128xf32, #tpu.memory_space<vmem>>
    %dma_wait3A_22 = tpu.memref_squeeze %dma_wait3A_21 : memref<1x128xf32, #tpu.memory_space<vmem>> -> memref<128xf32, #tpu.memory_space<vmem>>
    %dma_wait3A_23 = tpu.memref_slice %arg8[%mul3A_15] : memref<323584xf32, #tpu.memory_space<hbm>> -> memref<128xf32, #tpu.memory_space<hbm>>
    %dma_wait3A_24 = tpu.memref_slice %arg8[%mul3A_15] : memref<323584xf32, #tpu.memory_space<hbm>> -> memref<128xf32, #tpu.memory_space<hbm>>
    %dma_wait3A_25 = arith.constant 0 : i32
    %dma_wait3A_26 = tpu.memref_slice %arg17[%dma_wait3A_19, %dma_wait3A_25] : memref<4x128xf32, #tpu.memory_space<vmem>> -> memref<1x128xf32, #tpu.memory_space<vmem>>
    %dma_wait3A_27 = tpu.memref_squeeze %dma_wait3A_26 : memref<1x128xf32, #tpu.memory_space<vmem>> -> memref<128xf32, #tpu.memory_space<vmem>>
    tpu.wait_dma2 semaphore(%arg23 : memref<!tpu.dma_semaphore, #tpu.memory_space<semaphore_mem>>) src(%dma_wait3A_27 : memref<128xf32, #tpu.memory_space<vmem>>) dst(%dma_wait3A_24 : memref<128xf32, #tpu.memory_space<hbm>>)
    %dma_wait3A_28 = arith.constant 1 : i32
    %dma_wait3A_29 = arith.constant 0 : i32
    %dma_wait3A_30 = tpu.memref_slice %arg17[%dma_wait3A_28, %dma_wait3A_29] : memref<4x128xf32, #tpu.memory_space<vmem>> -> memref<1x128xf32, #tpu.memory_space<vmem>>
    %dma_wait3A_31 = tpu.memref_squeeze %dma_wait3A_30 : memref<1x128xf32, #tpu.memory_space<vmem>> -> memref<128xf32, #tpu.memory_space<vmem>>
    %dma_wait3A_32 = tpu.memref_slice %arg9[%mul3A_15] : memref<323584xf32, #tpu.memory_space<hbm>> -> memref<128xf32, #tpu.memory_space<hbm>>
    %dma_wait3A_33 = tpu.memref_slice %arg9[%mul3A_15] : memref<323584xf32, #tpu.memory_space<hbm>> -> memref<128xf32, #tpu.memory_space<hbm>>
    %dma_wait3A_34 = arith.constant 0 : i32
    %dma_wait3A_35 = tpu.memref_slice %arg17[%dma_wait3A_28, %dma_wait3A_34] : memref<4x128xf32, #tpu.memory_space<vmem>> -> memref<1x128xf32, #tpu.memory_space<vmem>>
    %dma_wait3A_36 = tpu.memref_squeeze %dma_wait3A_35 : memref<1x128xf32, #tpu.memory_space<vmem>> -> memref<128xf32, #tpu.memory_space<vmem>>
    tpu.wait_dma2 semaphore(%arg23 : memref<!tpu.dma_semaphore, #tpu.memory_space<semaphore_mem>>) src(%dma_wait3A_36 : memref<128xf32, #tpu.memory_space<vmem>>) dst(%dma_wait3A_33 : memref<128xf32, #tpu.memory_space<hbm>>)
    %dma_wait3A_37 = arith.constant 2 : i32
    %dma_wait3A_38 = arith.constant 0 : i32
    %dma_wait3A_39 = tpu.memref_slice %arg17[%dma_wait3A_37, %dma_wait3A_38] : memref<4x128xf32, #tpu.memory_space<vmem>> -> memref<1x128xf32, #tpu.memory_space<vmem>>
    %dma_wait3A_40 = tpu.memref_squeeze %dma_wait3A_39 : memref<1x128xf32, #tpu.memory_space<vmem>> -> memref<128xf32, #tpu.memory_space<vmem>>
    %dma_wait3A_41 = tpu.memref_slice %arg10[%mul3A_15] : memref<323584xf32, #tpu.memory_space<hbm>> -> memref<128xf32, #tpu.memory_space<hbm>>
    %dma_wait3A_42 = tpu.memref_slice %arg10[%mul3A_15] : memref<323584xf32, #tpu.memory_space<hbm>> -> memref<128xf32, #tpu.memory_space<hbm>>
    %dma_wait3A_43 = arith.constant 0 : i32
    %dma_wait3A_44 = tpu.memref_slice %arg17[%dma_wait3A_37, %dma_wait3A_43] : memref<4x128xf32, #tpu.memory_space<vmem>> -> memref<1x128xf32, #tpu.memory_space<vmem>>
    %dma_wait3A_45 = tpu.memref_squeeze %dma_wait3A_44 : memref<1x128xf32, #tpu.memory_space<vmem>> -> memref<128xf32, #tpu.memory_space<vmem>>
    tpu.wait_dma2 semaphore(%arg23 : memref<!tpu.dma_semaphore, #tpu.memory_space<semaphore_mem>>) src(%dma_wait3A_45 : memref<128xf32, #tpu.memory_space<vmem>>) dst(%dma_wait3A_42 : memref<128xf32, #tpu.memory_space<hbm>>)
    %dma_wait3A_46 = arith.constant 3 : i32
    %dma_wait3A_47 = arith.constant 0 : i32
    %dma_wait3A_48 = tpu.memref_slice %arg17[%dma_wait3A_46, %dma_wait3A_47] : memref<4x128xf32, #tpu.memory_space<vmem>> -> memref<1x128xf32, #tpu.memory_space<vmem>>
    %dma_wait3A_49 = tpu.memref_squeeze %dma_wait3A_48 : memref<1x128xf32, #tpu.memory_space<vmem>> -> memref<128xf32, #tpu.memory_space<vmem>>
    %dma_wait3A_50 = tpu.memref_slice %arg11[%mul3A_15] : memref<323584xf32, #tpu.memory_space<hbm>> -> memref<128xf32, #tpu.memory_space<hbm>>
    %dma_wait3A_51 = tpu.memref_slice %arg11[%mul3A_15] : memref<323584xf32, #tpu.memory_space<hbm>> -> memref<128xf32, #tpu.memory_space<hbm>>
    %dma_wait3A_52 = arith.constant 0 : i32
    %dma_wait3A_53 = tpu.memref_slice %arg17[%dma_wait3A_46, %dma_wait3A_52] : memref<4x128xf32, #tpu.memory_space<vmem>> -> memref<1x128xf32, #tpu.memory_space<vmem>>
    %dma_wait3A_54 = tpu.memref_squeeze %dma_wait3A_53 : memref<1x128xf32, #tpu.memory_space<vmem>> -> memref<128xf32, #tpu.memory_space<vmem>>
    tpu.wait_dma2 semaphore(%arg23 : memref<!tpu.dma_semaphore, #tpu.memory_space<semaphore_mem>>) src(%dma_wait3A_54 : memref<128xf32, #tpu.memory_space<vmem>>) dst(%dma_wait3A_51 : memref<128xf32, #tpu.memory_space<hbm>>)
    %mul3A_55 = arith.constant 128 : i32
    %mul3A_56 = arith.muli %mul3A_2, %mul3A_55 : i32
    %dma_wait3A_57 = arith.constant 0 : i32
    %dma_wait3A_58 = tpu.memref_slice %arg7[%mul3A_56, %dma_wait3A_57] : memref<323584x128xf32, #tpu.memory_space<hbm>> -> memref<128x128xf32, #tpu.memory_space<hbm>>
    %dma_wait3A_59 = arith.constant 0 : i32
    %dma_wait3A_60 = tpu.memref_slice %arg7[%mul3A_56, %dma_wait3A_59] : memref<323584x128xf32, #tpu.memory_space<hbm>> -> memref<128x128xf32, #tpu.memory_space<hbm>>
    tpu.wait_dma2 semaphore(%arg24 : memref<!tpu.dma_semaphore, #tpu.memory_space<semaphore_mem>>) src(%arg16 : memref<128x128xf32, #tpu.memory_space<vmem>>) dst(%dma_wait3A_60 : memref<128x128xf32, #tpu.memory_space<hbm>>)
    %dma_wait3A_61 = arith.constant 0 : i32
    %dma_wait3A_62 = arith.constant 0 : i32
    %dma_wait3A_63 = tpu.memref_slice %arg18[%dma_wait3A_61, %dma_wait3A_62] : memref<4x128xf32, #tpu.memory_space<vmem>> -> memref<1x128xf32, #tpu.memory_space<vmem>>
    %dma_wait3A_64 = tpu.memref_squeeze %dma_wait3A_63 : memref<1x128xf32, #tpu.memory_space<vmem>> -> memref<128xf32, #tpu.memory_space<vmem>>
    %dma_wait3A_65 = tpu.memref_slice %arg8[%mul3A_56] : memref<323584xf32, #tpu.memory_space<hbm>> -> memref<128xf32, #tpu.memory_space<hbm>>
    %dma_wait3A_66 = tpu.memref_slice %arg8[%mul3A_56] : memref<323584xf32, #tpu.memory_space<hbm>> -> memref<128xf32, #tpu.memory_space<hbm>>
    %dma_wait3A_67 = arith.constant 0 : i32
    %dma_wait3A_68 = tpu.memref_slice %arg18[%dma_wait3A_61, %dma_wait3A_67] : memref<4x128xf32, #tpu.memory_space<vmem>> -> memref<1x128xf32, #tpu.memory_space<vmem>>
    %dma_wait3A_69 = tpu.memref_squeeze %dma_wait3A_68 : memref<1x128xf32, #tpu.memory_space<vmem>> -> memref<128xf32, #tpu.memory_space<vmem>>
    tpu.wait_dma2 semaphore(%arg24 : memref<!tpu.dma_semaphore, #tpu.memory_space<semaphore_mem>>) src(%dma_wait3A_69 : memref<128xf32, #tpu.memory_space<vmem>>) dst(%dma_wait3A_66 : memref<128xf32, #tpu.memory_space<hbm>>)
    %dma_wait3A_70 = arith.constant 1 : i32
    %dma_wait3A_71 = arith.constant 0 : i32
    %dma_wait3A_72 = tpu.memref_slice %arg18[%dma_wait3A_70, %dma_wait3A_71] : memref<4x128xf32, #tpu.memory_space<vmem>> -> memref<1x128xf32, #tpu.memory_space<vmem>>
    %dma_wait3A_73 = tpu.memref_squeeze %dma_wait3A_72 : memref<1x128xf32, #tpu.memory_space<vmem>> -> memref<128xf32, #tpu.memory_space<vmem>>
    %dma_wait3A_74 = tpu.memref_slice %arg9[%mul3A_56] : memref<323584xf32, #tpu.memory_space<hbm>> -> memref<128xf32, #tpu.memory_space<hbm>>
    %dma_wait3A_75 = tpu.memref_slice %arg9[%mul3A_56] : memref<323584xf32, #tpu.memory_space<hbm>> -> memref<128xf32, #tpu.memory_space<hbm>>
    %dma_wait3A_76 = arith.constant 0 : i32
    %dma_wait3A_77 = tpu.memref_slice %arg18[%dma_wait3A_70, %dma_wait3A_76] : memref<4x128xf32, #tpu.memory_space<vmem>> -> memref<1x128xf32, #tpu.memory_space<vmem>>
    %dma_wait3A_78 = tpu.memref_squeeze %dma_wait3A_77 : memref<1x128xf32, #tpu.memory_space<vmem>> -> memref<128xf32, #tpu.memory_space<vmem>>
    tpu.wait_dma2 semaphore(%arg24 : memref<!tpu.dma_semaphore, #tpu.memory_space<semaphore_mem>>) src(%dma_wait3A_78 : memref<128xf32, #tpu.memory_space<vmem>>) dst(%dma_wait3A_75 : memref<128xf32, #tpu.memory_space<hbm>>)
    %dma_wait3A_79 = arith.constant 2 : i32
    %dma_wait3A_80 = arith.constant 0 : i32
    %dma_wait3A_81 = tpu.memref_slice %arg18[%dma_wait3A_79, %dma_wait3A_80] : memref<4x128xf32, #tpu.memory_space<vmem>> -> memref<1x128xf32, #tpu.memory_space<vmem>>
    %dma_wait3A_82 = tpu.memref_squeeze %dma_wait3A_81 : memref<1x128xf32, #tpu.memory_space<vmem>> -> memref<128xf32, #tpu.memory_space<vmem>>
    %dma_wait3A_83 = tpu.memref_slice %arg10[%mul3A_56] : memref<323584xf32, #tpu.memory_space<hbm>> -> memref<128xf32, #tpu.memory_space<hbm>>
    %dma_wait3A_84 = tpu.memref_slice %arg10[%mul3A_56] : memref<323584xf32, #tpu.memory_space<hbm>> -> memref<128xf32, #tpu.memory_space<hbm>>
    %dma_wait3A_85 = arith.constant 0 : i32
    %dma_wait3A_86 = tpu.memref_slice %arg18[%dma_wait3A_79, %dma_wait3A_85] : memref<4x128xf32, #tpu.memory_space<vmem>> -> memref<1x128xf32, #tpu.memory_space<vmem>>
    %dma_wait3A_87 = tpu.memref_squeeze %dma_wait3A_86 : memref<1x128xf32, #tpu.memory_space<vmem>> -> memref<128xf32, #tpu.memory_space<vmem>>
    tpu.wait_dma2 semaphore(%arg24 : memref<!tpu.dma_semaphore, #tpu.memory_space<semaphore_mem>>) src(%dma_wait3A_87 : memref<128xf32, #tpu.memory_space<vmem>>) dst(%dma_wait3A_84 : memref<128xf32, #tpu.memory_space<hbm>>)
    %dma_wait3A_88 = arith.constant 3 : i32
    %dma_wait3A_89 = arith.constant 0 : i32
    %dma_wait3A_90 = tpu.memref_slice %arg18[%dma_wait3A_88, %dma_wait3A_89] : memref<4x128xf32, #tpu.memory_space<vmem>> -> memref<1x128xf32, #tpu.memory_space<vmem>>
    %dma_wait3A_91 = tpu.memref_squeeze %dma_wait3A_90 : memref<1x128xf32, #tpu.memory_space<vmem>> -> memref<128xf32, #tpu.memory_space<vmem>>
    %dma_wait3A_92 = tpu.memref_slice %arg11[%mul3A_56] : memref<323584xf32, #tpu.memory_space<hbm>> -> memref<128xf32, #tpu.memory_space<hbm>>
    %dma_wait3A_93 = tpu.memref_slice %arg11[%mul3A_56] : memref<323584xf32, #tpu.memory_space<hbm>> -> memref<128xf32, #tpu.memory_space<hbm>>
    %dma_wait3A_94 = arith.constant 0 : i32
    %dma_wait3A_95 = tpu.memref_slice %arg18[%dma_wait3A_88, %dma_wait3A_94] : memref<4x128xf32, #tpu.memory_space<vmem>> -> memref<1x128xf32, #tpu.memory_space<vmem>>
    %dma_wait3A_96 = tpu.memref_squeeze %dma_wait3A_95 : memref<1x128xf32, #tpu.memory_space<vmem>> -> memref<128xf32, #tpu.memory_space<vmem>>
    tpu.wait_dma2 semaphore(%arg24 : memref<!tpu.dma_semaphore, #tpu.memory_space<semaphore_mem>>) src(%dma_wait3A_96 : memref<128xf32, #tpu.memory_space<vmem>>) dst(%dma_wait3A_93 : memref<128xf32, #tpu.memory_space<hbm>>)
    return
  }
}

#map = affine_map<(d0, d1) -> (0, 0)>
#map1 = affine_map<(d0, d1) -> (0, 0, 0)>
module attributes {stable_mosaic.version = 14 : i64} {
  func.func @k4a(%arg0: i32, %arg1: i32, %arg2: memref<323584x128xf32, #tpu.memory_space<hbm>>, %arg3: memref<32x79x128xi32, #tpu.memory_space<hbm>>, %arg4: memref<10240x128xf32, #tpu.memory_space<hbm>>, %arg5: memref<10240x128xf32, #tpu.memory_space<hbm>>, %arg6: memref<10240x128xf32, #tpu.memory_space<hbm>>, %arg7: memref<79x128xi32, #tpu.memory_space<vmem>>, %arg8: memref<128x128xf32, #tpu.memory_space<vmem>>, %arg9: memref<128x128xf32, #tpu.memory_space<vmem>>, %arg10: memref<10240x128xf32, #tpu.memory_space<vmem_shared>>, %arg11: memref<!tpu.dma_semaphore, #tpu.memory_space<semaphore_mem>>, %arg12: memref<!tpu.dma_semaphore, #tpu.memory_space<semaphore_mem>>) attributes {dimension_semantics = [#tpu.dimension_semantics<core_parallel>, #tpu.dimension_semantics<subcore_parallel>], iteration_bounds = array<i64: 2, 16>, scalar_prefetch = 0 : i64, scratch_operands = 6 : i64, tpu.core_type = #tpu.core_type<sc_vector_subcore>, window_params = [{transform_indices = #map}, {transform_indices = #map1}, {transform_indices = #map}, {transform_indices = #map}, {transform_indices = #map}]} {
    %mul3A = arith.constant 2 : i32
    %mul3A_0 = arith.muli %arg1, %mul3A : i32
    %add3A = arith.addi %mul3A_0, %arg0 : i32
    %mul3A_1 = arith.constant 640 : i32
    %mul3A_2 = arith.muli %arg1, %mul3A_1 : i32
    "tpu.region"() ({
      %run_scoped3A = tpu.sem_alloc : memref<!tpu.dma_semaphore, #tpu.memory_space<semaphore_mem>>
      %dma_start3A_25 = arith.constant 0 : i32
      %dma_start3A_26 = tpu.memref_slice %arg10[%mul3A_2, %dma_start3A_25] : memref<10240x128xf32, #tpu.memory_space<vmem_shared>> -> memref<640x128xf32, #tpu.memory_space<vmem_shared>>
      %dma_start3A_27 = arith.constant 0 : i32
      %dma_start3A_28 = tpu.memref_slice %arg4[%mul3A_2, %dma_start3A_27] : memref<10240x128xf32, #tpu.memory_space<hbm>> -> memref<640x128xf32, #tpu.memory_space<hbm>>
      tpu.enqueue_dma source(%dma_start3A_28 : memref<640x128xf32, #tpu.memory_space<hbm>>) target(%dma_start3A_26 : memref<640x128xf32, #tpu.memory_space<vmem_shared>>) target_semaphore(%run_scoped3A : memref<!tpu.dma_semaphore, #tpu.memory_space<semaphore_mem>>)
      %dma_wait3A = arith.constant 0 : i32
      %dma_wait3A_29 = tpu.memref_slice %arg10[%mul3A_2, %dma_wait3A] : memref<10240x128xf32, #tpu.memory_space<vmem_shared>> -> memref<640x128xf32, #tpu.memory_space<vmem_shared>>
      %dma_wait3A_30 = arith.constant 0 : i32
      %dma_wait3A_31 = tpu.memref_slice %arg4[%mul3A_2, %dma_wait3A_30] : memref<10240x128xf32, #tpu.memory_space<hbm>> -> memref<640x128xf32, #tpu.memory_space<hbm>>
      tpu.wait_dma2 semaphore(%run_scoped3A : memref<!tpu.dma_semaphore, #tpu.memory_space<semaphore_mem>>) src(%dma_wait3A_31 : memref<640x128xf32, #tpu.memory_space<hbm>>) dst(%dma_wait3A_29 : memref<640x128xf32, #tpu.memory_space<vmem_shared>>)
      tpu.yield
    }) : () -> ()
    "tpu.region"() ({
      %run_scoped3A = tpu.sem_alloc : memref<!tpu.dma_semaphore, #tpu.memory_space<semaphore_mem>>
      %dma_start3A_25 = arith.constant 0 : i32
      %dma_start3A_26 = arith.constant 0 : i32
      %dma_start3A_27 = tpu.memref_slice %arg3[%add3A, %dma_start3A_25, %dma_start3A_26] : memref<32x79x128xi32, #tpu.memory_space<hbm>> -> memref<1x79x128xi32, #tpu.memory_space<hbm>>
      %dma_start3A_28 = tpu.memref_squeeze %dma_start3A_27 : memref<1x79x128xi32, #tpu.memory_space<hbm>> -> memref<79x128xi32, #tpu.memory_space<hbm>>
      %dma_start3A_29 = arith.constant 0 : i32
      %dma_start3A_30 = arith.constant 0 : i32
      %dma_start3A_31 = tpu.memref_slice %arg3[%add3A, %dma_start3A_29, %dma_start3A_30] : memref<32x79x128xi32, #tpu.memory_space<hbm>> -> memref<1x79x128xi32, #tpu.memory_space<hbm>>
      %dma_start3A_32 = tpu.memref_squeeze %dma_start3A_31 : memref<1x79x128xi32, #tpu.memory_space<hbm>> -> memref<79x128xi32, #tpu.memory_space<hbm>>
      tpu.enqueue_dma source(%dma_start3A_32 : memref<79x128xi32, #tpu.memory_space<hbm>>) target(%arg7 : memref<79x128xi32, #tpu.memory_space<vmem>>) target_semaphore(%run_scoped3A : memref<!tpu.dma_semaphore, #tpu.memory_space<semaphore_mem>>)
      %dma_wait3A = arith.constant 0 : i32
      %dma_wait3A_33 = arith.constant 0 : i32
      %dma_wait3A_34 = tpu.memref_slice %arg3[%add3A, %dma_wait3A, %dma_wait3A_33] : memref<32x79x128xi32, #tpu.memory_space<hbm>> -> memref<1x79x128xi32, #tpu.memory_space<hbm>>
      %dma_wait3A_35 = tpu.memref_squeeze %dma_wait3A_34 : memref<1x79x128xi32, #tpu.memory_space<hbm>> -> memref<79x128xi32, #tpu.memory_space<hbm>>
      %dma_wait3A_36 = arith.constant 0 : i32
      %dma_wait3A_37 = arith.constant 0 : i32
      %dma_wait3A_38 = tpu.memref_slice %arg3[%add3A, %dma_wait3A_36, %dma_wait3A_37] : memref<32x79x128xi32, #tpu.memory_space<hbm>> -> memref<1x79x128xi32, #tpu.memory_space<hbm>>
      %dma_wait3A_39 = tpu.memref_squeeze %dma_wait3A_38 : memref<1x79x128xi32, #tpu.memory_space<hbm>> -> memref<79x128xi32, #tpu.memory_space<hbm>>
      tpu.wait_dma2 semaphore(%run_scoped3A : memref<!tpu.dma_semaphore, #tpu.memory_space<semaphore_mem>>) src(%dma_wait3A_39 : memref<79x128xi32, #tpu.memory_space<hbm>>) dst(%arg7 : memref<79x128xi32, #tpu.memory_space<vmem>>)
      tpu.yield
    }) : () -> ()
    %barrier3A = arith.constant 0 : index
    tpu.barrier barrier_id(%barrier3A)
    %mul3A_3 = arith.constant 79 : i32
    %mul3A_4 = arith.muli %add3A, %mul3A_3 : i32
    %add3A_5 = arith.constant 0 : i32
    %add3A_6 = arith.addi %mul3A_4, %add3A_5 : i32
    %mul3A_7 = arith.constant 128 : i32
    %mul3A_8 = arith.muli %add3A_6, %mul3A_7 : i32
    %dma_start3A = arith.constant 0 : i32
    %dma_start3A_9 = tpu.memref_slice %arg2[%mul3A_8, %dma_start3A] : memref<323584x128xf32, #tpu.memory_space<hbm>> -> memref<128x128xf32, #tpu.memory_space<hbm>>
    %dma_start3A_10 = arith.constant 0 : i32
    %dma_start3A_11 = tpu.memref_slice %arg2[%mul3A_8, %dma_start3A_10] : memref<323584x128xf32, #tpu.memory_space<hbm>> -> memref<128x128xf32, #tpu.memory_space<hbm>>
    tpu.enqueue_dma source(%dma_start3A_11 : memref<128x128xf32, #tpu.memory_space<hbm>>) target(%arg8 : memref<128x128xf32, #tpu.memory_space<vmem>>) target_semaphore(%arg11 : memref<!tpu.dma_semaphore, #tpu.memory_space<semaphore_mem>>)
    %scan3A = arith.constant 0 : i32
    %scan3A_12 = arith.constant 0 : i32
    %scan3A_13 = arith.constant 40 : i32
    %scan3A_14 = arith.addi %scan3A_12, %scan3A_13 : i32
    %scan3A_15 = arith.constant 1 : i32
    scf.for %scan3A_25 = %scan3A_12 to %scan3A_14 step %scan3A_15  : i32 {
      %mul3A_26 = arith.constant 2 : i32
      %mul3A_27 = arith.muli %mul3A_26, %scan3A_25 : i32
      %add3A_28 = arith.constant 1 : i32
      %add3A_29 = arith.addi %mul3A_27, %add3A_28 : i32
      %add3A_30 = arith.constant 2 : i32
      %add3A_31 = arith.addi %mul3A_27, %add3A_30 : i32
      %add3A_32 = arith.addi %mul3A_4, %mul3A_27 : i32
      %mul3A_33 = arith.constant 128 : i32
      %mul3A_34 = arith.muli %add3A_32, %mul3A_33 : i32
      %dma_wait3A = arith.constant 0 : i32
      %dma_wait3A_35 = tpu.memref_slice %arg2[%mul3A_34, %dma_wait3A] : memref<323584x128xf32, #tpu.memory_space<hbm>> -> memref<128x128xf32, #tpu.memory_space<hbm>>
      %dma_wait3A_36 = arith.constant 0 : i32
      %dma_wait3A_37 = tpu.memref_slice %arg2[%mul3A_34, %dma_wait3A_36] : memref<323584x128xf32, #tpu.memory_space<hbm>> -> memref<128x128xf32, #tpu.memory_space<hbm>>
      tpu.wait_dma2 semaphore(%arg11 : memref<!tpu.dma_semaphore, #tpu.memory_space<semaphore_mem>>) src(%dma_wait3A_37 : memref<128x128xf32, #tpu.memory_space<hbm>>) dst(%arg8 : memref<128x128xf32, #tpu.memory_space<vmem>>)
      %lt3A = arith.constant 79 : i32
      %lt3A_38 = arith.cmpi slt, %add3A_29, %lt3A : i32
      %convert_element_type3A_39 = arith.extui %lt3A_38 : i1 to i32
      %cond3A_40 = arith.constant 0 : i32
      %cond3A_41 = arith.cmpi ne, %convert_element_type3A_39, %cond3A_40 : i32
      scf.if %cond3A_41 {
        %add3A_47 = arith.addi %mul3A_4, %add3A_29 : i32
        %mul3A_48 = arith.constant 128 : i32
        %mul3A_49 = arith.muli %add3A_47, %mul3A_48 : i32
        %dma_start3A_50 = arith.constant 0 : i32
        %dma_start3A_51 = tpu.memref_slice %arg2[%mul3A_49, %dma_start3A_50] : memref<323584x128xf32, #tpu.memory_space<hbm>> -> memref<128x128xf32, #tpu.memory_space<hbm>>
        %dma_start3A_52 = arith.constant 0 : i32
        %dma_start3A_53 = tpu.memref_slice %arg2[%mul3A_49, %dma_start3A_52] : memref<323584x128xf32, #tpu.memory_space<hbm>> -> memref<128x128xf32, #tpu.memory_space<hbm>>
        tpu.enqueue_dma source(%dma_start3A_53 : memref<128x128xf32, #tpu.memory_space<hbm>>) target(%arg9 : memref<128x128xf32, #tpu.memory_space<vmem>>) target_semaphore(%arg12 : memref<!tpu.dma_semaphore, #tpu.memory_space<semaphore_mem>>)
      } else {
      }
      "tpu.region"() ({
        %run_scoped3A = tpu.sem_alloc : memref<!tpu.dma_semaphore, #tpu.memory_space<semaphore_mem>>
        %dma_start3A_47 = arith.constant 0 : i32
        %dma_start3A_48 = tpu.memref_slice %arg7[%mul3A_27, %dma_start3A_47] : memref<79x128xi32, #tpu.memory_space<vmem>> -> memref<1x128xi32, #tpu.memory_space<vmem>>
        %dma_start3A_49 = tpu.memref_squeeze %dma_start3A_48 : memref<1x128xi32, #tpu.memory_space<vmem>> -> memref<128xi32, #tpu.memory_space<vmem>>
        %dma_start3A_50 = arith.constant 0 : i32
        %dma_start3A_51 = arith.constant 0 : i32
        %dma_start3A_52 = tpu.memref_slice %arg10[%dma_start3A_50, %dma_start3A_51] : memref<10240x128xf32, #tpu.memory_space<vmem_shared>> -> memref<10240x128xf32, #tpu.memory_space<vmem_shared>>
        tpu.enqueue_indirect_dma source(%arg8 : memref<128x128xf32, #tpu.memory_space<vmem>>) target(%dma_start3A_52 : memref<10240x128xf32, #tpu.memory_space<vmem_shared>>) offsets(%dma_start3A_49 : memref<128xi32, #tpu.memory_space<vmem>>) semaphore(%run_scoped3A : memref<!tpu.dma_semaphore, #tpu.memory_space<semaphore_mem>>) {add = true}
        %dma_wait3A_53 = arith.constant 0 : i32
        %dma_wait3A_54 = tpu.memref_slice %arg7[%mul3A_27, %dma_wait3A_53] : memref<79x128xi32, #tpu.memory_space<vmem>> -> memref<1x128xi32, #tpu.memory_space<vmem>>
        %dma_wait3A_55 = tpu.memref_squeeze %dma_wait3A_54 : memref<1x128xi32, #tpu.memory_space<vmem>> -> memref<128xi32, #tpu.memory_space<vmem>>
        %dma_wait3A_56 = arith.constant 0 : i32
        %dma_wait3A_57 = arith.constant 0 : i32
        %dma_wait3A_58 = tpu.memref_slice %arg10[%dma_wait3A_56, %dma_wait3A_57] : memref<10240x128xf32, #tpu.memory_space<vmem_shared>> -> memref<10240x128xf32, #tpu.memory_space<vmem_shared>>
        tpu.wait_indirect_dma semaphore(%run_scoped3A : memref<!tpu.dma_semaphore, #tpu.memory_space<semaphore_mem>>) src(%arg8 : memref<128x128xf32, #tpu.memory_space<vmem>>) dst(%dma_wait3A_58 : memref<10240x128xf32, #tpu.memory_space<vmem_shared>>)
        tpu.yield
      }) : () -> ()
      %lt3A_42 = arith.constant 79 : i32
      %lt3A_43 = arith.cmpi slt, %add3A_29, %lt3A_42 : i32
      %convert_element_type3A_44 = arith.extui %lt3A_43 : i1 to i32
      %cond3A_45 = arith.constant 0 : i32
      %cond3A_46 = arith.cmpi ne, %convert_element_type3A_44, %cond3A_45 : i32
      scf.if %cond3A_46 {
        %add3A_47 = arith.addi %mul3A_4, %add3A_29 : i32
        %mul3A_48 = arith.constant 128 : i32
        %mul3A_49 = arith.muli %add3A_47, %mul3A_48 : i32
        %dma_wait3A_50 = arith.constant 0 : i32
        %dma_wait3A_51 = tpu.memref_slice %arg2[%mul3A_49, %dma_wait3A_50] : memref<323584x128xf32, #tpu.memory_space<hbm>> -> memref<128x128xf32, #tpu.memory_space<hbm>>
        %dma_wait3A_52 = arith.constant 0 : i32
        %dma_wait3A_53 = tpu.memref_slice %arg2[%mul3A_49, %dma_wait3A_52] : memref<323584x128xf32, #tpu.memory_space<hbm>> -> memref<128x128xf32, #tpu.memory_space<hbm>>
        tpu.wait_dma2 semaphore(%arg12 : memref<!tpu.dma_semaphore, #tpu.memory_space<semaphore_mem>>) src(%dma_wait3A_53 : memref<128x128xf32, #tpu.memory_space<hbm>>) dst(%arg9 : memref<128x128xf32, #tpu.memory_space<vmem>>)
        %lt3A_54 = arith.constant 79 : i32
        %lt3A_55 = arith.cmpi slt, %add3A_31, %lt3A_54 : i32
        %convert_element_type3A_56 = arith.extui %lt3A_55 : i1 to i32
        %cond3A_57 = arith.constant 0 : i32
        %cond3A_58 = arith.cmpi ne, %convert_element_type3A_56, %cond3A_57 : i32
        scf.if %cond3A_58 {
          %add3A_59 = arith.addi %mul3A_4, %add3A_31 : i32
          %mul3A_60 = arith.constant 128 : i32
          %mul3A_61 = arith.muli %add3A_59, %mul3A_60 : i32
          %dma_start3A_62 = arith.constant 0 : i32
          %dma_start3A_63 = tpu.memref_slice %arg2[%mul3A_61, %dma_start3A_62] : memref<323584x128xf32, #tpu.memory_space<hbm>> -> memref<128x128xf32, #tpu.memory_space<hbm>>
          %dma_start3A_64 = arith.constant 0 : i32
          %dma_start3A_65 = tpu.memref_slice %arg2[%mul3A_61, %dma_start3A_64] : memref<323584x128xf32, #tpu.memory_space<hbm>> -> memref<128x128xf32, #tpu.memory_space<hbm>>
          tpu.enqueue_dma source(%dma_start3A_65 : memref<128x128xf32, #tpu.memory_space<hbm>>) target(%arg8 : memref<128x128xf32, #tpu.memory_space<vmem>>) target_semaphore(%arg11 : memref<!tpu.dma_semaphore, #tpu.memory_space<semaphore_mem>>)
        } else {
        }
        "tpu.region"() ({
          %run_scoped3A = tpu.sem_alloc : memref<!tpu.dma_semaphore, #tpu.memory_space<semaphore_mem>>
          %dma_start3A_59 = arith.constant 0 : i32
          %dma_start3A_60 = tpu.memref_slice %arg7[%add3A_29, %dma_start3A_59] : memref<79x128xi32, #tpu.memory_space<vmem>> -> memref<1x128xi32, #tpu.memory_space<vmem>>
          %dma_start3A_61 = tpu.memref_squeeze %dma_start3A_60 : memref<1x128xi32, #tpu.memory_space<vmem>> -> memref<128xi32, #tpu.memory_space<vmem>>
          %dma_start3A_62 = arith.constant 0 : i32
          %dma_start3A_63 = arith.constant 0 : i32
          %dma_start3A_64 = tpu.memref_slice %arg10[%dma_start3A_62, %dma_start3A_63] : memref<10240x128xf32, #tpu.memory_space<vmem_shared>> -> memref<10240x128xf32, #tpu.memory_space<vmem_shared>>
          tpu.enqueue_indirect_dma source(%arg9 : memref<128x128xf32, #tpu.memory_space<vmem>>) target(%dma_start3A_64 : memref<10240x128xf32, #tpu.memory_space<vmem_shared>>) offsets(%dma_start3A_61 : memref<128xi32, #tpu.memory_space<vmem>>) semaphore(%run_scoped3A : memref<!tpu.dma_semaphore, #tpu.memory_space<semaphore_mem>>) {add = true}
          %dma_wait3A_65 = arith.constant 0 : i32
          %dma_wait3A_66 = tpu.memref_slice %arg7[%add3A_29, %dma_wait3A_65] : memref<79x128xi32, #tpu.memory_space<vmem>> -> memref<1x128xi32, #tpu.memory_space<vmem>>
          %dma_wait3A_67 = tpu.memref_squeeze %dma_wait3A_66 : memref<1x128xi32, #tpu.memory_space<vmem>> -> memref<128xi32, #tpu.memory_space<vmem>>
          %dma_wait3A_68 = arith.constant 0 : i32
          %dma_wait3A_69 = arith.constant 0 : i32
          %dma_wait3A_70 = tpu.memref_slice %arg10[%dma_wait3A_68, %dma_wait3A_69] : memref<10240x128xf32, #tpu.memory_space<vmem_shared>> -> memref<10240x128xf32, #tpu.memory_space<vmem_shared>>
          tpu.wait_indirect_dma semaphore(%run_scoped3A : memref<!tpu.dma_semaphore, #tpu.memory_space<semaphore_mem>>) src(%arg9 : memref<128x128xf32, #tpu.memory_space<vmem>>) dst(%dma_wait3A_70 : memref<10240x128xf32, #tpu.memory_space<vmem_shared>>)
          tpu.yield
        }) : () -> ()
      } else {
      }
    }
    %scan3A_16 = arith.constant 40 : i32
    %barrier3A_17 = arith.constant 0 : index
    tpu.barrier barrier_id(%barrier3A_17)
    %eq3A = arith.constant 0 : i32
    %eq3A_18 = arith.cmpi eq, %arg0, %eq3A : i32
    %convert_element_type3A = arith.extui %eq3A_18 : i1 to i32
    %cond3A = arith.constant 0 : i32
    %cond3A_19 = arith.cmpi ne, %convert_element_type3A, %cond3A : i32
    scf.if %cond3A_19 {
      "tpu.region"() ({
        %run_scoped3A = tpu.sem_alloc : memref<!tpu.dma_semaphore, #tpu.memory_space<semaphore_mem>>
        %dma_start3A_25 = arith.constant 0 : i32
        %dma_start3A_26 = tpu.memref_slice %arg5[%mul3A_2, %dma_start3A_25] : memref<10240x128xf32, #tpu.memory_space<hbm>> -> memref<640x128xf32, #tpu.memory_space<hbm>>
        %dma_start3A_27 = arith.constant 0 : i32
        %dma_start3A_28 = tpu.memref_slice %arg10[%mul3A_2, %dma_start3A_27] : memref<10240x128xf32, #tpu.memory_space<vmem_shared>> -> memref<640x128xf32, #tpu.memory_space<vmem_shared>>
        tpu.enqueue_dma source(%dma_start3A_28 : memref<640x128xf32, #tpu.memory_space<vmem_shared>>) target(%dma_start3A_26 : memref<640x128xf32, #tpu.memory_space<hbm>>) target_semaphore(%run_scoped3A : memref<!tpu.dma_semaphore, #tpu.memory_space<semaphore_mem>>)
        %dma_wait3A = arith.constant 0 : i32
        %dma_wait3A_29 = tpu.memref_slice %arg5[%mul3A_2, %dma_wait3A] : memref<10240x128xf32, #tpu.memory_space<hbm>> -> memref<640x128xf32, #tpu.memory_space<hbm>>
        %dma_wait3A_30 = arith.constant 0 : i32
        %dma_wait3A_31 = tpu.memref_slice %arg10[%mul3A_2, %dma_wait3A_30] : memref<10240x128xf32, #tpu.memory_space<vmem_shared>> -> memref<640x128xf32, #tpu.memory_space<vmem_shared>>
        tpu.wait_dma2 semaphore(%run_scoped3A : memref<!tpu.dma_semaphore, #tpu.memory_space<semaphore_mem>>) src(%dma_wait3A_31 : memref<640x128xf32, #tpu.memory_space<vmem_shared>>) dst(%dma_wait3A_29 : memref<640x128xf32, #tpu.memory_space<hbm>>)
        tpu.yield
      }) : () -> ()
    } else {
    }
    %eq3A_20 = arith.constant 1 : i32
    %eq3A_21 = arith.cmpi eq, %arg0, %eq3A_20 : i32
    %convert_element_type3A_22 = arith.extui %eq3A_21 : i1 to i32
    %cond3A_23 = arith.constant 0 : i32
    %cond3A_24 = arith.cmpi ne, %convert_element_type3A_22, %cond3A_23 : i32
    scf.if %cond3A_24 {
      "tpu.region"() ({
        %run_scoped3A = tpu.sem_alloc : memref<!tpu.dma_semaphore, #tpu.memory_space<semaphore_mem>>
        %dma_start3A_25 = arith.constant 0 : i32
        %dma_start3A_26 = tpu.memref_slice %arg6[%mul3A_2, %dma_start3A_25] : memref<10240x128xf32, #tpu.memory_space<hbm>> -> memref<640x128xf32, #tpu.memory_space<hbm>>
        %dma_start3A_27 = arith.constant 0 : i32
        %dma_start3A_28 = tpu.memref_slice %arg10[%mul3A_2, %dma_start3A_27] : memref<10240x128xf32, #tpu.memory_space<vmem_shared>> -> memref<640x128xf32, #tpu.memory_space<vmem_shared>>
        tpu.enqueue_dma source(%dma_start3A_28 : memref<640x128xf32, #tpu.memory_space<vmem_shared>>) target(%dma_start3A_26 : memref<640x128xf32, #tpu.memory_space<hbm>>) target_semaphore(%run_scoped3A : memref<!tpu.dma_semaphore, #tpu.memory_space<semaphore_mem>>)
        %dma_wait3A = arith.constant 0 : i32
        %dma_wait3A_29 = tpu.memref_slice %arg6[%mul3A_2, %dma_wait3A] : memref<10240x128xf32, #tpu.memory_space<hbm>> -> memref<640x128xf32, #tpu.memory_space<hbm>>
        %dma_wait3A_30 = arith.constant 0 : i32
        %dma_wait3A_31 = tpu.memref_slice %arg10[%mul3A_2, %dma_wait3A_30] : memref<10240x128xf32, #tpu.memory_space<vmem_shared>> -> memref<640x128xf32, #tpu.memory_space<vmem_shared>>
        tpu.wait_dma2 semaphore(%run_scoped3A : memref<!tpu.dma_semaphore, #tpu.memory_space<semaphore_mem>>) src(%dma_wait3A_31 : memref<640x128xf32, #tpu.memory_space<vmem_shared>>) dst(%dma_wait3A_29 : memref<640x128xf32, #tpu.memory_space<hbm>>)
        tpu.yield
      }) : () -> ()
    } else {
    }
    return
  }
}

module attributes {stable_mosaic.version = 14 : i64} {
  func.func @k1_body(%arg0: i32, %arg1: memref<1000x128xf32, #tpu.memory_space<vmem>>, %arg2: memref<128x128xbf16, #tpu.memory_space<vmem>>, %arg3: memref<128x128xbf16, #tpu.memory_space<vmem>>, %arg4: memref<1x128xf32, #tpu.memory_space<vmem>>, %arg5: memref<1000x128xf32, #tpu.memory_space<vmem>>, %arg6: memref<1000x128xf32, #tpu.memory_space<vmem>>) attributes {dimension_semantics = [#tpu.dimension_semantics<arbitrary>], iteration_bounds = array<i64: 10>, scalar_prefetch = 0 : i64, scratch_operands = 0 : i64, tpu.core_type = #tpu.core_type<tc>, window_params = [{transform_indices = @transform_0, window_bounds = array<i64: 1000, 128>}, {pipeline_mode = #tpu.pipeline_mode<synchronous>, transform_indices = @transform_1, window_bounds = array<i64: 128, 128>}, {pipeline_mode = #tpu.pipeline_mode<synchronous>, transform_indices = @transform_2, window_bounds = array<i64: 128, 128>}, {pipeline_mode = #tpu.pipeline_mode<synchronous>, transform_indices = @transform_3, window_bounds = array<i64: 1, 128>}, {transform_indices = @transform_4, window_bounds = array<i64: 1000, 128>}, {transform_indices = @transform_5, window_bounds = array<i64: 1000, 128>}]} {
    %get3A = arith.constant 0 : index
    %get3A_0 = arith.constant 0 : index
    %get3A_1 = vector.load %arg1[%get3A, %get3A_0] : memref<1000x128xf32, #tpu.memory_space<vmem>>, vector<1000x128xf32>
    %convert_element_type3A = arith.truncf %get3A_1 : vector<1000x128xf32> to vector<1000x128xbf16>
    %get3A_2 = arith.constant 0 : index
    %get3A_3 = arith.constant 0 : index
    %get3A_4 = vector.load %arg2[%get3A_2, %get3A_3] : memref<128x128xbf16, #tpu.memory_space<vmem>>, vector<128x128xbf16>
    %dot_general3A = arith.constant dense<0.000000e+00> : vector<1000x128xf32>
    %dot_general3A_5 = tpu.matmul %convert_element_type3A, %get3A_4, %dot_general3A {dimension_numbers = #tpu.dot_dimension_numbers<[1], [0], [0], [1], [0, 0, 1, 1], [], []>, transpose_lhs_hint = false} : vector<1000x128xbf16>, vector<128x128xbf16>, vector<1000x128xf32> -> vector<1000x128xf32>
    %get3A_6 = arith.constant 0 : index
    %get3A_7 = arith.constant 0 : index
    %get3A_8 = vector.load %arg4[%get3A_6, %get3A_7] : memref<1x128xf32, #tpu.memory_space<vmem>>, vector<1x128xf32>
    %add3A = vector.broadcast %get3A_8 : vector<1x128xf32> to vector<1000x128xf32>
    %add3A_9 = arith.addf %dot_general3A_5, %add3A : vector<1000x128xf32>
    %swap3A = arith.constant 0 : index
    %swap3A_10 = arith.constant 0 : index
    %swap3A_11 = vector.load %arg5[%swap3A, %swap3A_10] : memref<1000x128xf32, #tpu.memory_space<vmem>>, vector<1000x128xf32>
    tpu.vector_store %arg5[%swap3A, %swap3A_10], %add3A_9 {strides = array<i32>} : memref<1000x128xf32, #tpu.memory_space<vmem>>, vector<1000x128xf32>,
    %get3A_12 = arith.constant 0 : index
    %get3A_13 = arith.constant 0 : index
    %get3A_14 = vector.load %arg3[%get3A_12, %get3A_13] : memref<128x128xbf16, #tpu.memory_space<vmem>>, vector<128x128xbf16>
    %dot_general3A_15 = arith.constant dense<0.000000e+00> : vector<1000x128xf32>
    %dot_general3A_16 = tpu.matmul %convert_element_type3A, %get3A_14, %dot_general3A_15 {dimension_numbers = #tpu.dot_dimension_numbers<[1], [0], [0], [1], [0, 0, 1, 1], [], []>, transpose_lhs_hint = false} : vector<1000x128xbf16>, vector<128x128xbf16>, vector<1000x128xf32> -> vector<1000x128xf32>
    %swap3A_17 = arith.constant 0 : index
    %swap3A_18 = arith.constant 0 : index
    %swap3A_19 = vector.load %arg6[%swap3A_17, %swap3A_18] : memref<1000x128xf32, #tpu.memory_space<vmem>>, vector<1000x128xf32>
    tpu.vector_store %arg6[%swap3A_17, %swap3A_18], %dot_general3A_16 {strides = array<i32>} : memref<1000x128xf32, #tpu.memory_space<vmem>>, vector<1000x128xf32>,
    return
  }
  func.func @transform_0(%arg0: i32) -> (i32, i32) {
    %c0_i32 = arith.constant 0 : i32
    %c0_i32_0 = arith.constant 0 : i32
    return %arg0, %c0_i32 : i32, i32
  }
  func.func @transform_1(%arg0: i32) -> (i32, i32) {
    %c0_i32 = arith.constant 0 : i32
    %c0_i32_0 = arith.constant 0 : i32
    %c0_i32_1 = arith.constant 0 : i32
    return %c0_i32, %c0_i32_0 : i32, i32
  }
  func.func @transform_2(%arg0: i32) -> (i32, i32) {
    %c0_i32 = arith.constant 0 : i32
    %c0_i32_0 = arith.constant 0 : i32
    %c0_i32_1 = arith.constant 0 : i32
    return %c0_i32, %c0_i32_0 : i32, i32
  }
  func.func @transform_3(%arg0: i32) -> (i32, i32) {
    %c0_i32 = arith.constant 0 : i32
    %c0_i32_0 = arith.constant 0 : i32
    %c0_i32_1 = arith.constant 0 : i32
    return %c0_i32, %c0_i32_0 : i32, i32
  }
  func.func @transform_4(%arg0: i32) -> (i32, i32) {
    %c0_i32 = arith.constant 0 : i32
    %c0_i32_0 = arith.constant 0 : i32
    return %arg0, %c0_i32 : i32, i32
  }
  func.func @transform_5(%arg0: i32) -> (i32, i32) {
    %c0_i32 = arith.constant 0 : i32
    %c0_i32_0 = arith.constant 0 : i32
    return %arg0, %c0_i32 : i32, i32
  }
}

module attributes {stable_mosaic.version = 14 : i64} {
  func.func @k3_body(%arg0: i32, %arg1: memref<4096x128xf32, #tpu.memory_space<vmem>>, %arg2: memref<4096xf32, #tpu.memory_space<vmem>>, %arg3: memref<4096xf32, #tpu.memory_space<vmem>>, %arg4: memref<4096xf32, #tpu.memory_space<vmem>>, %arg5: memref<4096xf32, #tpu.memory_space<vmem>>, %arg6: memref<128x128xbf16, #tpu.memory_space<vmem>>, %arg7: memref<1x128xf32, #tpu.memory_space<vmem>>, %arg8: memref<128x128xbf16, #tpu.memory_space<vmem>>, %arg9: memref<1x128xf32, #tpu.memory_space<vmem>>, %arg10: memref<1x128xf32, #tpu.memory_space<vmem>>, %arg11: memref<1x128xf32, #tpu.memory_space<vmem>>, %arg12: memref<4096x128xf32, #tpu.memory_space<vmem>>, %arg13: memref<4096xf32, #tpu.memory_space<vmem>>, %arg14: memref<4096xf32, #tpu.memory_space<vmem>>, %arg15: memref<4096xf32, #tpu.memory_space<vmem>>) attributes {dimension_semantics = [#tpu.dimension_semantics<arbitrary>], iteration_bounds = array<i64: 79>, scalar_prefetch = 0 : i64, scratch_operands = 0 : i64, tpu.core_type = #tpu.core_type<tc>, window_params = [{transform_indices = @transform_0, window_bounds = array<i64: 4096, 128>}, {transform_indices = @transform_1, window_bounds = array<i64: 4096>}, {transform_indices = @transform_2, window_bounds = array<i64: 4096>}, {transform_indices = @transform_3, window_bounds = array<i64: 4096>}, {transform_indices = @transform_4, window_bounds = array<i64: 4096>}, {pipeline_mode = #tpu.pipeline_mode<synchronous>, transform_indices = @transform_5, window_bounds = array<i64: 128, 128>}, {pipeline_mode = #tpu.pipeline_mode<synchronous>, transform_indices = @transform_6, window_bounds = array<i64: 1, 128>}, {pipeline_mode = #tpu.pipeline_mode<synchronous>, transform_indices = @transform_7, window_bounds = array<i64: 128, 128>}, {pipeline_mode = #tpu.pipeline_mode<synchronous>, transform_indices = @transform_8, window_bounds = array<i64: 1, 128>}, {pipeline_mode = #tpu.pipeline_mode<synchronous>, transform_indices = @transform_9, window_bounds = array<i64: 1, 128>}, {pipeline_mode = #tpu.pipeline_mode<synchronous>, transform_indices = @transform_10, window_bounds = array<i64: 1, 128>}, {transform_indices = @transform_11, window_bounds = array<i64: 4096, 128>}, {transform_indices = @transform_12, window_bounds = array<i64: 4096>}, {transform_indices = @transform_13, window_bounds = array<i64: 4096>}, {transform_indices = @transform_14, window_bounds = array<i64: 4096>}]} {
    %get3A = arith.constant 0 : index
    %get3A_0 = vector.load %arg5[%get3A] : memref<4096xf32, #tpu.memory_space<vmem>>, vector<4096xf32>
    %reshape3A = vector.shape_cast %get3A_0 : vector<4096xf32> to vector<4096x1xf32>
    %get3A_1 = arith.constant 0 : index
    %get3A_2 = arith.constant 0 : index
    %get3A_3 = vector.load %arg1[%get3A_1, %get3A_2] : memref<4096x128xf32, #tpu.memory_space<vmem>>, vector<4096x128xf32>
    %get3A_4 = arith.constant 0 : index
    %get3A_5 = arith.constant 0 : index
    %get3A_6 = vector.load %arg11[%get3A_4, %get3A_5] : memref<1x128xf32, #tpu.memory_space<vmem>>, vector<1x128xf32>
    %mul3A = vector.broadcast %reshape3A : vector<4096x1xf32> to vector<4096x128xf32>
    %mul3A_7 = vector.broadcast %get3A_6 : vector<1x128xf32> to vector<4096x128xf32>
    %mul3A_8 = arith.mulf %mul3A, %mul3A_7 : vector<4096x128xf32>
    %add3A = arith.addf %get3A_3, %mul3A_8 : vector<4096x128xf32>
    %neg3A = arith.constant 0.000000e+00 : f32
    %neg3A_9 = vector.broadcast %neg3A : f32 to vector<4096x128xf32>
    %neg3A_10 = arith.subf %neg3A_9, %add3A : vector<4096x128xf32>
    %exp3A = math.exp %neg3A_10 : vector<4096x128xf32>
    %add3A_11 = arith.constant 1.000000e+00 : f32
    %add3A_12 = vector.broadcast %add3A_11 : f32 to vector<4096x128xf32>
    %add3A_13 = arith.addf %add3A_12, %exp3A : vector<4096x128xf32>
    %div3A = arith.constant 1.000000e+00 : f32
    %div3A_14 = vector.broadcast %div3A : f32 to vector<4096x128xf32>
    %div3A_15 = arith.divf %div3A_14, %add3A_13 : vector<4096x128xf32>
    %mul3A_16 = arith.mulf %add3A, %div3A_15 : vector<4096x128xf32>
    %convert_element_type3A = arith.truncf %mul3A_16 : vector<4096x128xf32> to vector<4096x128xbf16>
    %get3A_17 = arith.constant 0 : index
    %get3A_18 = arith.constant 0 : index
    %get3A_19 = vector.load %arg6[%get3A_17, %get3A_18] : memref<128x128xbf16, #tpu.memory_space<vmem>>, vector<128x128xbf16>
    %dot_general3A = arith.constant dense<0.000000e+00> : vector<4096x128xf32>
    %dot_general3A_20 = tpu.matmul %convert_element_type3A, %get3A_19, %dot_general3A {dimension_numbers = #tpu.dot_dimension_numbers<[1], [0], [0], [1], [0, 0, 1, 1], [], []>, transpose_lhs_hint = false} : vector<4096x128xbf16>, vector<128x128xbf16>, vector<4096x128xf32> -> vector<4096x128xf32>
    %get3A_21 = arith.constant 0 : index
    %get3A_22 = arith.constant 0 : index
    %get3A_23 = vector.load %arg7[%get3A_21, %get3A_22] : memref<1x128xf32, #tpu.memory_space<vmem>>, vector<1x128xf32>
    %add3A_24 = vector.broadcast %get3A_23 : vector<1x128xf32> to vector<4096x128xf32>
    %add3A_25 = arith.addf %dot_general3A_20, %add3A_24 : vector<4096x128xf32>
    %neg3A_26 = arith.constant 0.000000e+00 : f32
    %neg3A_27 = vector.broadcast %neg3A_26 : f32 to vector<4096x128xf32>
    %neg3A_28 = arith.subf %neg3A_27, %add3A_25 : vector<4096x128xf32>
    %exp3A_29 = math.exp %neg3A_28 : vector<4096x128xf32>
    %add3A_30 = arith.constant 1.000000e+00 : f32
    %add3A_31 = vector.broadcast %add3A_30 : f32 to vector<4096x128xf32>
    %add3A_32 = arith.addf %add3A_31, %exp3A_29 : vector<4096x128xf32>
    %div3A_33 = arith.constant 1.000000e+00 : f32
    %div3A_34 = vector.broadcast %div3A_33 : f32 to vector<4096x128xf32>
    %div3A_35 = arith.divf %div3A_34, %add3A_32 : vector<4096x128xf32>
    %mul3A_36 = arith.mulf %add3A_25, %div3A_35 : vector<4096x128xf32>
    %convert_element_type3A_37 = arith.truncf %mul3A_36 : vector<4096x128xf32> to vector<4096x128xbf16>
    %get3A_38 = arith.constant 0 : index
    %get3A_39 = arith.constant 0 : index
    %get3A_40 = vector.load %arg8[%get3A_38, %get3A_39] : memref<128x128xbf16, #tpu.memory_space<vmem>>, vector<128x128xbf16>
    %dot_general3A_41 = arith.constant dense<0.000000e+00> : vector<4096x128xf32>
    %dot_general3A_42 = tpu.matmul %convert_element_type3A_37, %get3A_40, %dot_general3A_41 {dimension_numbers = #tpu.dot_dimension_numbers<[1], [0], [0], [1], [0, 0, 1, 1], [], []>, transpose_lhs_hint = false} : vector<4096x128xbf16>, vector<128x128xbf16>, vector<4096x128xf32> -> vector<4096x128xf32>
    %get3A_43 = arith.constant 0 : index
    %get3A_44 = arith.constant 0 : index
    %get3A_45 = vector.load %arg9[%get3A_43, %get3A_44] : memref<1x128xf32, #tpu.memory_space<vmem>>, vector<1x128xf32>
    %add3A_46 = vector.broadcast %get3A_45 : vector<1x128xf32> to vector<4096x128xf32>
    %add3A_47 = arith.addf %dot_general3A_42, %add3A_46 : vector<4096x128xf32>
    %neg3A_48 = arith.constant 0.000000e+00 : f32
    %neg3A_49 = vector.broadcast %neg3A_48 : f32 to vector<4096x128xf32>
    %neg3A_50 = arith.subf %neg3A_49, %add3A_47 : vector<4096x128xf32>
    %exp3A_51 = math.exp %neg3A_50 : vector<4096x128xf32>
    %add3A_52 = arith.constant 1.000000e+00 : f32
    %add3A_53 = vector.broadcast %add3A_52 : f32 to vector<4096x128xf32>
    %add3A_54 = arith.addf %add3A_53, %exp3A_51 : vector<4096x128xf32>
    %div3A_55 = arith.constant 1.000000e+00 : f32
    %div3A_56 = vector.broadcast %div3A_55 : f32 to vector<4096x128xf32>
    %div3A_57 = arith.divf %div3A_56, %add3A_54 : vector<4096x128xf32>
    %mul3A_58 = arith.mulf %add3A_47, %div3A_57 : vector<4096x128xf32>
    %get3A_59 = arith.constant 0 : index
    %get3A_60 = arith.constant 0 : index
    %get3A_61 = vector.load %arg10[%get3A_59, %get3A_60] : memref<1x128xf32, #tpu.memory_space<vmem>>, vector<1x128xf32>
    %mul3A_62 = vector.broadcast %get3A_61 : vector<1x128xf32> to vector<4096x128xf32>
    %mul3A_63 = arith.mulf %mul3A_58, %mul3A_62 : vector<4096x128xf32>
    %reduce_sum3A = arith.constant dense<0.000000e+00> : vector<4096xf32>
    %reduce_sum3A_64 = vector.multi_reduction <add>, %mul3A_63, %reduce_sum3A [1] : vector<4096x128xf32> to vector<4096xf32>
    %swap3A = arith.constant 0 : index
    %swap3A_65 = arith.constant 0 : index
    %swap3A_66 = vector.load %arg12[%swap3A, %swap3A_65] : memref<4096x128xf32, #tpu.memory_space<vmem>>, vector<4096x128xf32>
    tpu.vector_store %arg12[%swap3A, %swap3A_65], %mul3A_36 {strides = array<i32>} : memref<4096x128xf32, #tpu.memory_space<vmem>>, vector<4096x128xf32>,
    %get3A_67 = arith.constant 0 : index
    %get3A_68 = vector.load %arg2[%get3A_67] : memref<4096xf32, #tpu.memory_space<vmem>>, vector<4096xf32>
    %mul3A_69 = arith.mulf %get3A_68, %reduce_sum3A_64 : vector<4096xf32>
    %swap3A_70 = arith.constant 0 : index
    %swap3A_71 = vector.load %arg13[%swap3A_70] : memref<4096xf32, #tpu.memory_space<vmem>>, vector<4096xf32>
    tpu.vector_store %arg13[%swap3A_70], %mul3A_69 {strides = array<i32>} : memref<4096xf32, #tpu.memory_space<vmem>>, vector<4096xf32>,
    %get3A_72 = arith.constant 0 : index
    %get3A_73 = vector.load %arg3[%get3A_72] : memref<4096xf32, #tpu.memory_space<vmem>>, vector<4096xf32>
    %mul3A_74 = arith.mulf %get3A_73, %reduce_sum3A_64 : vector<4096xf32>
    %swap3A_75 = arith.constant 0 : index
    %swap3A_76 = vector.load %arg14[%swap3A_75] : memref<4096xf32, #tpu.memory_space<vmem>>, vector<4096xf32>
    tpu.vector_store %arg14[%swap3A_75], %mul3A_74 {strides = array<i32>} : memref<4096xf32, #tpu.memory_space<vmem>>, vector<4096xf32>,
    %get3A_77 = arith.constant 0 : index
    %get3A_78 = vector.load %arg4[%get3A_77] : memref<4096xf32, #tpu.memory_space<vmem>>, vector<4096xf32>
    %mul3A_79 = arith.mulf %get3A_78, %reduce_sum3A_64 : vector<4096xf32>
    %swap3A_80 = arith.constant 0 : index
    %swap3A_81 = vector.load %arg15[%swap3A_80] : memref<4096xf32, #tpu.memory_space<vmem>>, vector<4096xf32>
    tpu.vector_store %arg15[%swap3A_80], %mul3A_79 {strides = array<i32>} : memref<4096xf32, #tpu.memory_space<vmem>>, vector<4096xf32>,
    return
  }
  func.func @transform_0(%arg0: i32) -> (i32, i32) {
    %c0_i32 = arith.constant 0 : i32
    %c0_i32_0 = arith.constant 0 : i32
    return %arg0, %c0_i32 : i32, i32
  }
  func.func @transform_1(%arg0: i32) -> i32 {
    %c0_i32 = arith.constant 0 : i32
    return %arg0 : i32
  }
  func.func @transform_2(%arg0: i32) -> i32 {
    %c0_i32 = arith.constant 0 : i32
    return %arg0 : i32
  }
  func.func @transform_3(%arg0: i32) -> i32 {
    %c0_i32 = arith.constant 0 : i32
    return %arg0 : i32
  }
  func.func @transform_4(%arg0: i32) -> i32 {
    %c0_i32 = arith.constant 0 : i32
    return %arg0 : i32
  }
  func.func @transform_5(%arg0: i32) -> (i32, i32) {
    %c0_i32 = arith.constant 0 : i32
    %c0_i32_0 = arith.constant 0 : i32
    %c0_i32_1 = arith.constant 0 : i32
    return %c0_i32, %c0_i32_0 : i32, i32
  }
  func.func @transform_6(%arg0: i32) -> (i32, i32) {
    %c0_i32 = arith.constant 0 : i32
    %c0_i32_0 = arith.constant 0 : i32
    %c0_i32_1 = arith.constant 0 : i32
    return %c0_i32, %c0_i32_0 : i32, i32
  }
  func.func @transform_7(%arg0: i32) -> (i32, i32) {
    %c0_i32 = arith.constant 0 : i32
    %c0_i32_0 = arith.constant 0 : i32
    %c0_i32_1 = arith.constant 0 : i32
    return %c0_i32, %c0_i32_0 : i32, i32
  }
  func.func @transform_8(%arg0: i32) -> (i32, i32) {
    %c0_i32 = arith.constant 0 : i32
    %c0_i32_0 = arith.constant 0 : i32
    %c0_i32_1 = arith.constant 0 : i32
    return %c0_i32, %c0_i32_0 : i32, i32
  }
  func.func @transform_9(%arg0: i32) -> (i32, i32) {
    %c0_i32 = arith.constant 0 : i32
    %c0_i32_0 = arith.constant 0 : i32
    %c0_i32_1 = arith.constant 0 : i32
    return %c0_i32, %c0_i32_0 : i32, i32
  }
  func.func @transform_10(%arg0: i32) -> (i32, i32) {
    %c0_i32 = arith.constant 0 : i32
    %c0_i32_0 = arith.constant 0 : i32
    %c0_i32_1 = arith.constant 0 : i32
    return %c0_i32, %c0_i32_0 : i32, i32
  }
  func.func @transform_11(%arg0: i32) -> (i32, i32) {
    %c0_i32 = arith.constant 0 : i32
    %c0_i32_0 = arith.constant 0 : i32
    return %arg0, %c0_i32 : i32, i32
  }
  func.func @transform_12(%arg0: i32) -> i32 {
    %c0_i32 = arith.constant 0 : i32
    return %arg0 : i32
  }
  func.func @transform_13(%arg0: i32) -> i32 {
    %c0_i32 = arith.constant 0 : i32
    return %arg0 : i32
  }
  func.func @transform_14(%arg0: i32) -> i32 {
    %c0_i32 = arith.constant 0 : i32
    return %arg0 : i32
  }
}

module attributes {stable_mosaic.version = 14 : i64} {
  func.func @k5_body(%arg0: i32, %arg1: memref<640x128xf32, #tpu.memory_space<vmem>>, %arg2: memref<640x4xf32, #tpu.memory_space<vmem>>, %arg3: memref<640x128xf32, #tpu.memory_space<vmem>>, %arg4: memref<640x128xf32, #tpu.memory_space<vmem>>, %arg5: memref<32x640xf32, #tpu.memory_space<vmem>>, %arg6: memref<32x640xf32, #tpu.memory_space<vmem>>, %arg7: memref<32x640xf32, #tpu.memory_space<vmem>>, %arg8: memref<32x640xf32, #tpu.memory_space<vmem>>, %arg9: memref<128x128xbf16, #tpu.memory_space<vmem>>, %arg10: memref<128x128xbf16, #tpu.memory_space<vmem>>, %arg11: memref<1x128xf32, #tpu.memory_space<vmem>>, %arg12: memref<128x128xbf16, #tpu.memory_space<vmem>>, %arg13: memref<1x128xf32, #tpu.memory_space<vmem>>, %arg14: memref<640x128xf32, #tpu.memory_space<vmem>>, %arg15: memref<640x4xf32, #tpu.memory_space<vmem>>) attributes {dimension_semantics = [#tpu.dimension_semantics<arbitrary>], iteration_bounds = array<i64: 16>, scalar_prefetch = 0 : i64, scratch_operands = 0 : i64, tpu.core_type = #tpu.core_type<tc>, window_params = [{transform_indices = @transform_0, window_bounds = array<i64: 640, 128>}, {transform_indices = @transform_1, window_bounds = array<i64: 640, 4>}, {transform_indices = @transform_2, window_bounds = array<i64: 640, 128>}, {transform_indices = @transform_3, window_bounds = array<i64: 640, 128>}, {transform_indices = @transform_4, window_bounds = array<i64: 32, 640>}, {transform_indices = @transform_5, window_bounds = array<i64: 32, 640>}, {transform_indices = @transform_6, window_bounds = array<i64: 32, 640>}, {transform_indices = @transform_7, window_bounds = array<i64: 32, 640>}, {pipeline_mode = #tpu.pipeline_mode<synchronous>, transform_indices = @transform_8, window_bounds = array<i64: 128, 128>}, {pipeline_mode = #tpu.pipeline_mode<synchronous>, transform_indices = @transform_9, window_bounds = array<i64: 128, 128>}, {pipeline_mode = #tpu.pipeline_mode<synchronous>, transform_indices = @transform_10, window_bounds = array<i64: 1, 128>}, {pipeline_mode = #tpu.pipeline_mode<synchronous>, transform_indices = @transform_11, window_bounds = array<i64: 128, 128>}, {pipeline_mode = #tpu.pipeline_mode<synchronous>, transform_indices = @transform_12, window_bounds = array<i64: 1, 128>}, {transform_indices = @transform_13, window_bounds = array<i64: 640, 128>}, {transform_indices = @transform_14, window_bounds = array<i64: 640, 4>}]} {
    %get3A = arith.constant 0 : index
    %get3A_0 = arith.constant 0 : index
    %get3A_1 = vector.load %arg3[%get3A, %get3A_0] : memref<640x128xf32, #tpu.memory_space<vmem>>, vector<640x128xf32>
    %get3A_2 = arith.constant 0 : index
    %get3A_3 = arith.constant 0 : index
    %get3A_4 = vector.load %arg4[%get3A_2, %get3A_3] : memref<640x128xf32, #tpu.memory_space<vmem>>, vector<640x128xf32>
    %add3A = arith.addf %get3A_1, %get3A_4 : vector<640x128xf32>
    %get3A_5 = arith.constant 0 : index
    %get3A_6 = arith.constant 0 : index
    %get3A_7 = vector.load %arg5[%get3A_5, %get3A_6] : memref<32x640xf32, #tpu.memory_space<vmem>>, vector<32x640xf32>
    %reduce_sum3A = arith.constant dense<0.000000e+00> : vector<640xf32>
    %reduce_sum3A_8 = vector.multi_reduction <add>, %get3A_7, %reduce_sum3A [0] : vector<32x640xf32> to vector<640xf32>
    %reshape3A = vector.shape_cast %reduce_sum3A_8 : vector<640xf32> to vector<640x1xf32>
    %get3A_9 = arith.constant 0 : index
    %get3A_10 = arith.constant 0 : index
    %get3A_11 = vector.load %arg6[%get3A_9, %get3A_10] : memref<32x640xf32, #tpu.memory_space<vmem>>, vector<32x640xf32>
    %reduce_sum3A_12 = arith.constant dense<0.000000e+00> : vector<640xf32>
    %reduce_sum3A_13 = vector.multi_reduction <add>, %get3A_11, %reduce_sum3A_12 [0] : vector<32x640xf32> to vector<640xf32>
    %reshape3A_14 = vector.shape_cast %reduce_sum3A_13 : vector<640xf32> to vector<640x1xf32>
    %get3A_15 = arith.constant 0 : index
    %get3A_16 = arith.constant 0 : index
    %get3A_17 = vector.load %arg7[%get3A_15, %get3A_16] : memref<32x640xf32, #tpu.memory_space<vmem>>, vector<32x640xf32>
    %reduce_sum3A_18 = arith.constant dense<0.000000e+00> : vector<640xf32>
    %reduce_sum3A_19 = vector.multi_reduction <add>, %get3A_17, %reduce_sum3A_18 [0] : vector<32x640xf32> to vector<640xf32>
    %reshape3A_20 = vector.shape_cast %reduce_sum3A_19 : vector<640xf32> to vector<640x1xf32>
    %get3A_21 = arith.constant 0 : index
    %get3A_22 = arith.constant 0 : index
    %get3A_23 = vector.load %arg8[%get3A_21, %get3A_22] : memref<32x640xf32, #tpu.memory_space<vmem>>, vector<32x640xf32>
    %reduce_sum3A_24 = arith.constant dense<0.000000e+00> : vector<640xf32>
    %reduce_sum3A_25 = vector.multi_reduction <add>, %get3A_23, %reduce_sum3A_24 [0] : vector<32x640xf32> to vector<640xf32>
    %reshape3A_26 = vector.shape_cast %reduce_sum3A_25 : vector<640xf32> to vector<640x1xf32>
    %max3A = arith.constant 1.000000e+00 : f32
    %max3A_27 = vector.broadcast %max3A : f32 to vector<640x1xf32>
    %max3A_28 = arith.maximumf %reshape3A_26, %max3A_27 : vector<640x1xf32>
    %div3A = arith.constant 1.000000e+00 : f32
    %div3A_29 = vector.broadcast %div3A : f32 to vector<640x1xf32>
    %div3A_30 = arith.divf %div3A_29, %max3A_28 : vector<640x1xf32>
    %mul3A = vector.broadcast %div3A_30 : vector<640x1xf32> to vector<640x128xf32>
    %mul3A_31 = arith.mulf %add3A, %mul3A : vector<640x128xf32>
    %get3A_32 = arith.constant 0 : index
    %get3A_33 = arith.constant 0 : index
    %get3A_34 = vector.load %arg1[%get3A_32, %get3A_33] : memref<640x128xf32, #tpu.memory_space<vmem>>, vector<640x128xf32>
    %convert_element_type3A = arith.truncf %get3A_34 : vector<640x128xf32> to vector<640x128xbf16>
    %get3A_35 = arith.constant 0 : index
    %get3A_36 = arith.constant 0 : index
    %get3A_37 = vector.load %arg9[%get3A_35, %get3A_36] : memref<128x128xbf16, #tpu.memory_space<vmem>>, vector<128x128xbf16>
    %dot_general3A = arith.constant dense<0.000000e+00> : vector<640x128xf32>
    %dot_general3A_38 = tpu.matmul %convert_element_type3A, %get3A_37, %dot_general3A {dimension_numbers = #tpu.dot_dimension_numbers<[1], [0], [0], [1], [0, 0, 1, 1], [], []>, transpose_lhs_hint = false} : vector<640x128xbf16>, vector<128x128xbf16>, vector<640x128xf32> -> vector<640x128xf32>
    %convert_element_type3A_39 = arith.truncf %mul3A_31 : vector<640x128xf32> to vector<640x128xbf16>
    %get3A_40 = arith.constant 0 : index
    %get3A_41 = arith.constant 0 : index
    %get3A_42 = vector.load %arg10[%get3A_40, %get3A_41] : memref<128x128xbf16, #tpu.memory_space<vmem>>, vector<128x128xbf16>
    %dot_general3A_43 = arith.constant dense<0.000000e+00> : vector<640x128xf32>
    %dot_general3A_44 = tpu.matmul %convert_element_type3A_39, %get3A_42, %dot_general3A_43 {dimension_numbers = #tpu.dot_dimension_numbers<[1], [0], [0], [1], [0, 0, 1, 1], [], []>, transpose_lhs_hint = false} : vector<640x128xbf16>, vector<128x128xbf16>, vector<640x128xf32> -> vector<640x128xf32>
    %add3A_45 = arith.addf %dot_general3A_38, %dot_general3A_44 : vector<640x128xf32>
    %get3A_46 = arith.constant 0 : index
    %get3A_47 = arith.constant 0 : index
    %get3A_48 = vector.load %arg11[%get3A_46, %get3A_47] : memref<1x128xf32, #tpu.memory_space<vmem>>, vector<1x128xf32>
    %add3A_49 = vector.broadcast %get3A_48 : vector<1x128xf32> to vector<640x128xf32>
    %add3A_50 = arith.addf %add3A_45, %add3A_49 : vector<640x128xf32>
    %neg3A = arith.constant 0.000000e+00 : f32
    %neg3A_51 = vector.broadcast %neg3A : f32 to vector<640x128xf32>
    %neg3A_52 = arith.subf %neg3A_51, %add3A_50 : vector<640x128xf32>
    %exp3A = math.exp %neg3A_52 : vector<640x128xf32>
    %add3A_53 = arith.constant 1.000000e+00 : f32
    %add3A_54 = vector.broadcast %add3A_53 : f32 to vector<640x128xf32>
    %add3A_55 = arith.addf %add3A_54, %exp3A : vector<640x128xf32>
    %div3A_56 = arith.constant 1.000000e+00 : f32
    %div3A_57 = vector.broadcast %div3A_56 : f32 to vector<640x128xf32>
    %div3A_58 = arith.divf %div3A_57, %add3A_55 : vector<640x128xf32>
    %mul3A_59 = arith.mulf %add3A_50, %div3A_58 : vector<640x128xf32>
    %convert_element_type3A_60 = arith.truncf %mul3A_59 : vector<640x128xf32> to vector<640x128xbf16>
    %get3A_61 = arith.constant 0 : index
    %get3A_62 = arith.constant 0 : index
    %get3A_63 = vector.load %arg12[%get3A_61, %get3A_62] : memref<128x128xbf16, #tpu.memory_space<vmem>>, vector<128x128xbf16>
    %dot_general3A_64 = arith.constant dense<0.000000e+00> : vector<640x128xf32>
    %dot_general3A_65 = tpu.matmul %convert_element_type3A_60, %get3A_63, %dot_general3A_64 {dimension_numbers = #tpu.dot_dimension_numbers<[1], [0], [0], [1], [0, 0, 1, 1], [], []>, transpose_lhs_hint = false} : vector<640x128xbf16>, vector<128x128xbf16>, vector<640x128xf32> -> vector<640x128xf32>
    %add3A_66 = arith.addf %get3A_34, %dot_general3A_65 : vector<640x128xf32>
    %get3A_67 = arith.constant 0 : index
    %get3A_68 = arith.constant 0 : index
    %get3A_69 = vector.load %arg13[%get3A_67, %get3A_68] : memref<1x128xf32, #tpu.memory_space<vmem>>, vector<1x128xf32>
    %add3A_70 = vector.broadcast %get3A_69 : vector<1x128xf32> to vector<640x128xf32>
    %add3A_71 = arith.addf %add3A_66, %add3A_70 : vector<640x128xf32>
    %swap3A = arith.constant 0 : index
    %swap3A_72 = arith.constant 0 : index
    %swap3A_73 = vector.load %arg14[%swap3A, %swap3A_72] : memref<640x128xf32, #tpu.memory_space<vmem>>, vector<640x128xf32>
    tpu.vector_store %arg14[%swap3A, %swap3A_72], %add3A_71 {strides = array<i32>} : memref<640x128xf32, #tpu.memory_space<vmem>>, vector<640x128xf32>,
    %get3A_74 = arith.constant 0 : index
    %get3A_75 = arith.constant 0 : index
    %get3A_76 = vector.load %arg2[%get3A_74, %get3A_75] : memref<640x4xf32, #tpu.memory_space<vmem>>, vector<640x4xf32>
    %mul3A_77 = arith.mulf %reshape3A, %div3A_30 : vector<640x1xf32>
    %mul3A_78 = arith.mulf %reshape3A_14, %div3A_30 : vector<640x1xf32>
    %mul3A_79 = arith.mulf %reshape3A_20, %div3A_30 : vector<640x1xf32>
    %mul3A_80 = arith.mulf %reshape3A_26, %div3A_30 : vector<640x1xf32>
    %concatenate3A = tpu.concatenate %mul3A_77, %mul3A_78, %mul3A_79, %mul3A_80 in 1 : vector<640x1xf32>, vector<640x1xf32>, vector<640x1xf32>, vector<640x1xf32> -> vector<640x4xf32>
    %add3A_81 = arith.addf %get3A_76, %concatenate3A : vector<640x4xf32>
    %swap3A_82 = arith.constant 0 : index
    %swap3A_83 = arith.constant 0 : index
    %swap3A_84 = vector.load %arg15[%swap3A_82, %swap3A_83] : memref<640x4xf32, #tpu.memory_space<vmem>>, vector<640x4xf32>
    tpu.vector_store %arg15[%swap3A_82, %swap3A_83], %add3A_81 {strides = array<i32>} : memref<640x4xf32, #tpu.memory_space<vmem>>, vector<640x4xf32>,
    return
  }
  func.func @transform_0(%arg0: i32) -> (i32, i32) {
    %c0_i32 = arith.constant 0 : i32
    %c0_i32_0 = arith.constant 0 : i32
    return %arg0, %c0_i32 : i32, i32
  }
  func.func @transform_1(%arg0: i32) -> (i32, i32) {
    %c0_i32 = arith.constant 0 : i32
    %c0_i32_0 = arith.constant 0 : i32
    return %arg0, %c0_i32 : i32, i32
  }
  func.func @transform_2(%arg0: i32) -> (i32, i32) {
    %c0_i32 = arith.constant 0 : i32
    %c0_i32_0 = arith.constant 0 : i32
    return %arg0, %c0_i32 : i32, i32
  }
  func.func @transform_3(%arg0: i32) -> (i32, i32) {
    %c0_i32 = arith.constant 0 : i32
    %c0_i32_0 = arith.constant 0 : i32
    return %arg0, %c0_i32 : i32, i32
  }
  func.func @transform_4(%arg0: i32) -> (i32, i32) {
    %c0_i32 = arith.constant 0 : i32
    %c0_i32_0 = arith.constant 0 : i32
    return %c0_i32, %arg0 : i32, i32
  }
  func.func @transform_5(%arg0: i32) -> (i32, i32) {
    %add3A = arith.constant 16 : i32
    %add3A_0 = arith.addi %add3A, %arg0 : i32
    %c0_i32 = arith.constant 0 : i32
    %c0_i32_1 = arith.constant 0 : i32
    return %c0_i32, %add3A_0 : i32, i32
  }
  func.func @transform_6(%arg0: i32) -> (i32, i32) {
    %add3A = arith.constant 32 : i32
    %add3A_0 = arith.addi %add3A, %arg0 : i32
    %c0_i32 = arith.constant 0 : i32
    %c0_i32_1 = arith.constant 0 : i32
    return %c0_i32, %add3A_0 : i32, i32
  }
  func.func @transform_7(%arg0: i32) -> (i32, i32) {
    %add3A = arith.constant 48 : i32
    %add3A_0 = arith.addi %add3A, %arg0 : i32
    %c0_i32 = arith.constant 0 : i32
    %c0_i32_1 = arith.constant 0 : i32
    return %c0_i32, %add3A_0 : i32, i32
  }
  func.func @transform_8(%arg0: i32) -> (i32, i32) {
    %c0_i32 = arith.constant 0 : i32
    %c0_i32_0 = arith.constant 0 : i32
    %c0_i32_1 = arith.constant 0 : i32
    return %c0_i32, %c0_i32_0 : i32, i32
  }
  func.func @transform_9(%arg0: i32) -> (i32, i32) {
    %c0_i32 = arith.constant 0 : i32
    %c0_i32_0 = arith.constant 0 : i32
    %c0_i32_1 = arith.constant 0 : i32
    return %c0_i32, %c0_i32_0 : i32, i32
  }
  func.func @transform_10(%arg0: i32) -> (i32, i32) {
    %c0_i32 = arith.constant 0 : i32
    %c0_i32_0 = arith.constant 0 : i32
    %c0_i32_1 = arith.constant 0 : i32
    return %c0_i32, %c0_i32_0 : i32, i32
  }
  func.func @transform_11(%arg0: i32) -> (i32, i32) {
    %c0_i32 = arith.constant 0 : i32
    %c0_i32_0 = arith.constant 0 : i32
    %c0_i32_1 = arith.constant 0 : i32
    return %c0_i32, %c0_i32_0 : i32, i32
  }
  func.func @transform_12(%arg0: i32) -> (i32, i32) {
    %c0_i32 = arith.constant 0 : i32
    %c0_i32_0 = arith.constant 0 : i32
    %c0_i32_1 = arith.constant 0 : i32
    return %c0_i32, %c0_i32_0 : i32, i32
  }
  func.func @transform_13(%arg0: i32) -> (i32, i32) {
    %c0_i32 = arith.constant 0 : i32
    %c0_i32_0 = arith.constant 0 : i32
    return %arg0, %c0_i32 : i32, i32
  }
  func.func @transform_14(%arg0: i32) -> (i32, i32) {
    %c0_i32 = arith.constant 0 : i32
    %c0_i32_0 = arith.constant 0 : i32
    return %arg0, %c0_i32 : i32, i32
  }
}

</mosaic_0001>

<sc_bundles>
// kernel: kernel.11.cloned.1.call-start
scs
__scs_entry_jumppad:
0x0: {  	(pc) =	sbr.rel $0x88, $3  }
0x1: {  	(tag) =	ssettag $0x0;
	lr =	simm.s32 $0x1  }
0x2: {  	[smem:$0x3F93] =	sst lr;
	_ =	strace $0xD0000000  }
0x3: {  	_ = 	snop  }
0x4: {  	_ = 	snop  }
0x5: {  	_ = 	snop  }
0x6: {  	_ = 	snop  }
0x7: {  	_ = 	snop  }
__scs_overlays_trampoline_lowered:
0x8: {  	[smem:$0x3FA2] =	sst s0  }
0x9: {  	[smem:$0x3FA3] =	sst s1  }
0xa: {  	[smem:$0x3FA4] =	sst s2  }
0xb: {  	[smem:$0x3FA5] =	sst s3  }
0xc: {  	[smem:$0x3FA6] =	sst s4  }
0xd: {  	[smem:$0x3FA7] =	sst s5  }
0xe: {  	[smem:$0x3FA8] =	sst s6  }
0xf: {  	[smem:$0x3FA9] =	sst s7  }
0x10: {  	[smem:$0x3FAA] =	sst s8  }
0x11: {  	[smem:$0x3FAB] =	sst s9;
	s0 =	simm.s32 @!p0 $0x0  }
0x12: {  	s1 =	sld [smem:$0x3F91];
	s0 =	simm.s32 @p0 $0x1  }
0x13: {  	[smem:$0x3FAC] =	sst s0;
	s0 =	simm.s32 @!p1 $0x0  }
0x14: {  	s2 =	sld [smem:$0x3F90];
	s0 =	simm.s32 @p1 $0x1  }
0x15: {  	[smem:$0x3FAD] =	sst s0;
	s0 =	simm.s32 @!p2 $0x0  }
0x16: {  	s3 =	sld [smem:$0x3FDB];
	s0 =	simm.s32 @p2 $0x1  }
0x17: {  	s4 =	simm.s32 $0x1BF5;
	[smem:$0x3FAF] =	sst s0  }
0x18: {  	s0 =	sld [smem:$0x3F92];
	_ =	swait.ge [sflag:s4], $0x0  }
0x19: {  	s7 =	sld [smem:$0x3F93]  }
0x1a: {  	s8 =	sadd.s32 $0xFFFFE003, lr  }
0x1b: {  	s9 =	sadd.s32 $0xFFFFFEF7, lr;
	s5 =	simm.s32 $0xFFFFFFFF;
	p2 =	slt.u32 s8, $0xFFFFF086  }
0x1c: {  	p1 =	slt.u32 s9, $0xF7A;
	s5 =	simm.s32 @!p2 $0x0  }
0x1d: {  	s5 =	simm.s32 @p1 $0x1;
	p0 =	seq.s32 s7, s2  }
0x1e: {  	s7 =	smul.u32 @!p0 $0xF7A, s2;
	p2 =	seq.s32 @!p0 s5, $0x0  }
0x1f: {  	s9 =	smul.u32 $0xF7A, s1;
	s8 =	simm.s32 @!p0 $0x1BF5;
	p2 =	por !p2, p0  }
0x20: {  	[sflag:s8] =	ssyncset.s32 @!p0 $0xFFFFF086;
	s6 =	sadd.s32 @!p0 s3, s7;
	s7 =	simm.s32 @!p0 $0x108  }
0x21: {  	s3 =	sadd.s32 s3, s9;
	s6 =	sadd.s32 @!p0 $0x88, s6;
	s7 =	simm.s32 @p2 $0x1082  }
0x22: {  	[simem:s7], [sflag:s8] =	dma.local @!p0 [hbm:s6], $0xF7A  }
0x23: {  	s9 =	sor.u32 $0xD0000000, s2;
	s6 =	simm.s32 $0x108;
	_ =	swait.ge @!p0 [sflag:s8], $0x0  }
0x24: {  	s3 =	sadd.s32 $0x88, s3;
	s6 =	simm.s32 @!p1 $0x1082;
	[sflag:s4] =	ssyncset.s32 $0xFFFFF086  }
0x25: {  	[simem:s6], [sflag:s4] =	dma.local [hbm:s3], $0xF7A  }
0x26: {  	[smem:$0x3F93] =	sst s1;
	(tag) =	ssettag s2;
	_ =	strace s9  }
0x27: {  	s1 =	sld [smem:$0x3FA3]  }
0x28: {  	s2 =	sld [smem:$0x3FA4]  }
0x29: {  	s4 =	sld [smem:$0x3FA6]  }
0x2a: {  	p0 =	seq.s32 s5, $0x0;
	s5 =	sld [smem:$0x3FA7]  }
0x2b: {  	s6 =	sld [smem:$0x3FA8]  }
0x2c: {  	s7 =	sld [smem:$0x3FA9]  }
0x2d: {  	s3 =	simm.s32 $0x108;
	s8 =	sld [smem:$0x3FAA]  }
0x2e: {  	s3 =	simm.s32 @!p0 $0x1082;
	s9 =	sld [smem:$0x3FAB]  }
0x2f: {  	lr =	sadd.s32 s0, s3;
	s0 =	sld [smem:$0x3FA2]  }
0x30: {  	s3 =	sld [smem:$0x3FA5]  }
0x31: {  	[smem:$0x3FAE] =	sst s10  }
0x32: {  	s10 =	sld [smem:$0x3FAC];
	_ =	sdelay $0x3  }
0x33: {  	p0 =	seq.s32 s10, $0x1;
	s10 =	sld [smem:$0x3FAE];
	_ =	sdelay $0x3  }
0x34: {  	[smem:$0x3FAE] =	sst s10  }
0x35: {  	s10 =	sld [smem:$0x3FAD];
	_ =	sdelay $0x3  }
0x36: {  	p1 =	seq.s32 s10, $0x1;
	s10 =	sld [smem:$0x3FAE];
	_ =	sdelay $0x3  }
0x37: {  	[smem:$0x3FAE] =	sst s10  }
0x38: {  	s10 =	sld [smem:$0x3FAF]  }
0x39: {  	_ = 	snop;
	(pc) =	sbr.ind lr, $3  }
0x3a: {  	_ = 	snop  }
0x3b: {  	_ = 	snop  }
0x3c: {  	p2 =	seq.s32 s10, $0x1;
	s10 =	sld [smem:$0x3FAE]  }
0x3d: {  	_ =	shalt  }
0x3e: {  	_ =	shalt  }
0x3f: {  	_ =	shalt  }
0x40: {  	_ =	shalt  }
0x41: {  	_ =	shalt  }
0x42: {  	_ =	shalt  }
0x43: {  	_ =	shalt  }
0x44: {  	_ =	shalt  }
0x45: {  	_ =	shalt  }
0x46: {  	_ =	shalt  }
0x47: {  	_ =	shalt  }
0x48: {  	_ =	shalt  }
0x49: {  	_ =	shalt  }
0x4a: {  	_ =	shalt  }
0x4b: {  	_ =	shalt  }
0x4c: {  	_ =	shalt  }
0x4d: {  	_ =	shalt  }
0x4e: {  	_ =	shalt  }
0x4f: {  	_ =	shalt  }
0x50: {  	_ =	shalt  }
0x51: {  	_ =	shalt  }
0x52: {  	_ =	shalt  }
0x53: {  	_ =	shalt  }
0x54: {  	_ =	shalt  }
0x55: {  	_ =	shalt  }
0x56: {  	_ =	shalt  }
0x57: {  	_ =	shalt  }
0x58: {  	_ =	shalt  }
0x59: {  	_ =	shalt  }
0x5a: {  	_ =	shalt  }
0x5b: {  	_ =	shalt  }
0x5c: {  	_ =	shalt  }
0x5d: {  	_ =	shalt  }
0x5e: {  	_ =	shalt  }
0x5f: {  	_ =	shalt  }
0x60: {  	_ =	shalt  }
0x61: {  	_ =	shalt  }
0x62: {  	_ =	shalt  }
0x63: {  	_ =	shalt  }
0x64: {  	_ =	shalt  }
0x65: {  	_ =	shalt  }
0x66: {  	_ =	shalt  }
0x67: {  	_ =	shalt  }
0x68: {  	_ =	shalt  }
0x69: {  	_ =	shalt  }
0x6a: {  	_ =	shalt  }
0x6b: {  	_ =	shalt  }
0x6c: {  	_ =	shalt  }
0x6d: {  	_ =	shalt  }
0x6e: {  	_ =	shalt  }
0x6f: {  	_ =	shalt  }
0x70: {  	_ =	shalt  }
0x71: {  	_ =	shalt  }
0x72: {  	_ =	shalt  }
0x73: {  	_ =	shalt  }
0x74: {  	_ =	shalt  }
0x75: {  	_ =	shalt  }
0x76: {  	_ =	shalt  }
0x77: {  	_ =	shalt  }
0x78: {  	_ =	shalt  }
0x79: {  	_ =	shalt  }
0x7a: {  	_ =	shalt  }
0x7b: {  	_ =	shalt  }
0x7c: {  	_ =	shalt  }
0x7d: {  	_ =	shalt  }
0x7e: {  	_ =	shalt  }
0x7f: {  	_ =	shalt  }
0x80: {  	_ =	shalt  }
0x81: {  	_ =	shalt  }
0x82: {  	_ =	shalt  }
0x83: {  	_ =	shalt  }
0x84: {  	_ =	shalt  }
0x85: {  	_ =	shalt  }
0x86: {  	_ =	shalt  }
0x87: {  	_ =	shalt  }
.Lfunc_end0:
.L_simem_size_0:
called_computation.1_lowered:
.L_overlay_start_0:
0x88: {  	s2 =	sld [smem:$0x3FD9]  }
0x89: {  	s3 =	sld [smem:$0x3FFE];
	_ =	sdelay $0x1  }
0x8a: {  	s1 =	srdreg.scid  }
0x8b: {  	s0 =	sand.u32 $0x1, s1  }
0x8c: {  	s15 =	sshll.u32 s0, $0xA;
	s2 =	sadd.s32 s3, s2  }
0x8d: {  	s2 =	sadd.s32 s2, s15  }
0x8e: {  	[smem:$0x3FBA] =	sst s2  }
0x8f: {  	_ = 	snop  }
0x90: {  	s2 =	sld [smem:$0x3FD0];
	_ =	sdelay $0x2  }
0x91: {  	s16 =	simm.s32 $0xB;
	s4 =	simm.s32 $0x10  }
0x92: {  	[smem:s4], [sflag:s16] =	dma.local [hbm:s2], $0x1  }
0x93: {  	_ =	swait.eq [sflag:s16], $0x1  }
0x94: {  	[sflag:s16] =	ssyncset.done $0x0  }
0x95: {  	[sflag:s16] =	ssyncadd.s32 $0xFFFFFFFF  }
0x96: {  	s17 =	sld [smem:$0x10];
	(tm) =	ssettm $0x1  }
0x97: {  	s18 =	sld [smem:$0x3FFB];
	_ =	sdelay $0x3  }
0x98: {  	_ =	strace s18  }
0x99: {  	s2 =	sld [smem:$0x3FFC];
	_ =	sdelay $0x3  }
0x9a: {  	_ =	strace s2  }
0x9b: {  	s2 =	sld [smem:$0x3FFD];
	_ =	sdelay $0x3  }
0x9c: {  	_ =	strace s2  }
0x9d: {  	_ =	strace $0x8FFFFFFF  }
0x9e: {  	s19 =	sld [smem:$0x3FDB];
	_ =	sdelay $0x1  }
0x9f: {  	s20 =	simm.s32 $_scs_section_size  }
0xa0: {  	s5 =	simm.s32 $_size__tile_overlayer_lowered;
	s6 =	simm.s32 $_tile_overlayer_lowered  }
0xa1: {  	s7 =	simm.s32 $0x1BFF;
	s21 =	sshll.u32 s6, $0x1;
	s4 =	sadd.s32 s20, s19  }
0xa2: {  	s22 =	simm.s32 $0x0;
	s5 =	sshll.u32 s5, $0x1;
	s6 =	sadd.s32 s21, s4  }
0xa3: {  	[timem:s22], [sflag:s7] =	dma.local [hbm:s6], s5  }
0xa4: {  	_ =	swait.ge [sflag:s7], s5  }
0xa5: {  	s5 =	ssub.s32 $0x0, s5;
	[sflag:s7] =	ssyncset.done $0x0  }
0xa6: {  	[sflag:s7] =	ssyncadd.s32 s5;
	_ =	sdelay $0x1  }
0xa7: {  	s23 =	simm.s32 $0x1B8B  }
0xa8: {  	_ =	swait.ge [sflag:s23], $0x1  }
0xa9: {  	[sflag:s23] =	ssyncset.done $0x0  }
0xaa: {  	[sflag:s23] =	ssyncadd.s32 $0xFFFFFFFF  }
0xab: {  	s5 =	sld [smem:$0x0]  }
0xac: {  	s6 =	sand.u32 $0xFFFFFFFE, s1  }
0xad: {  	p0 =	sne.s32 s1, s6  }
0xae: {  	s6 =	sshll.u32 @p0 s6, $0xE  }
0xaf: {  	s6 =	sadd.s32 @p0 $0x11B8D, s6;
	s7 =	sshll.u32 @p0 s5, $0x11  }
0xb0: {  	s6 =	sor.u32 @p0 s7, s6  }
0xb1: {  	[sflag:s6] =	ssyncadd.remote.s32 @p0 $0x1;
	_ =	sdelay $0x1  }
0xb2: {  	s6 =	simm.s32 @p0 $0x1B8D  }
0xb3: {  	_ =	swait.eq @p0 [sflag:s6], $0x1  }
0xb4: {  	[sflag:s6] =	ssyncadd.s32 @p0 $0xFFFFFFFF  }
0xb5: {  	s7 =	sshll.u32 @!p0 s1, $0xE  }
0xb6: {  	s7 =	sor.u32 @!p0 $0x4000, s7;
	s6 =	simm.s32 @!p0 $0x1B8D  }
0xb7: {  	s5 =	sshll.u32 @!p0 s5, $0x11;
	s7 =	sadd.s32 @!p0 $0x11B8D, s7;
	_ =	swait.eq @!p0 [sflag:s6], $0x1  }
0xb8: {  	s5 =	sor.u32 @!p0 s5, s7;
	[sflag:s6] =	ssyncadd.s32 @!p0 $0xFFFFFFFF  }
0xb9: {  	s25 =	simm.s32 $0x1B8E;
	s24 =	sld [smem:$0x3FFE];
	[sflag:s5] =	ssyncadd.remote.s32 @!p0 $0x1  }
0xba: {  	s26 =	simm.s32 $execute0_lowered;
	[smem:$0x3FD2] =	sst s25  }
0xbb: {  	s6 =	sshll.u32 s26, $0x1;
	_ =	strace $0x8000004C;
	[dreg:$0x1] =	wrdreg $0xFFFFFFFF  }
0xbc: {  	s28 =	simm.s32 $_size_execute0_lowered;
	s4 =	sadd.s32 s4, s6;
	[dreg:$0x0] =	wrdreg $0x0  }
0xbd: {  	s6 =	sshll.u32 s28, $0x1;
	[dreg:$0x2] =	wrdreg s4  }
0xbe: {  	[dreg:$0x3] =	wrdreg s6  }
0xbf: {  	[dreg:$0x4] =	wrdreg $0xC0  }
0xc0: {  	_ =	task [dreg:s22], $0x5FFFF  }
0xc1: {  	[dreg:$0x1] =	wrdreg $0xFFFFFFFF  }
0xc2: {  	[dreg:$0x0] =	wrdreg $0x60  }
0xc3: {  	[dreg:$0x2] =	wrdreg s24  }
0xc4: {  	[dreg:$0x3] =	wrdreg s17  }
0xc5: {  	[dreg:$0x4] =	wrdreg $0xA8000  }
0xc6: {  	[dreg:$0x5] =	wrdreg $0x9  }
0xc7: {  	_ =	task.clear_ibuf [dreg:s22], $0x6FFFF;
	_ =	strace $0x9000004C  }
0xc8: {  	s29 =	simm.s32 $0x9;
	_ =	strace $0x8000004E  }
0xc9: {  	_ =	swait.ge [sflag:s29], $0x1  }
0xca: {  	[sflag:s29] =	ssyncadd.s32 $0xFFFFFFFF  }
0xcb: {  	_ =	strace $0x9000004E  }
0xcc: {  	_ =	sfence  }
0xcd: {  	s30 =	sld [smem:$0x0];
	_ =	sdelay $0x2  }
0xce: {  	s31 =	sshll.u32 s1, $0xD;
	s1 =	sshrl.u32 s1, $0x2  }
0xcf: {  	s4 =	sand.u32 $0x4000, s31;
	s1 =	sadd.s32 s1, s30  }
0xd0: {  	s0 =	sor.u32 s4, s0;
	s1 =	sshll.u32 s1, $0x11  }
0xd1: {  	s0 =	sor.u32 s1, s0  }
0xd2: {  	s0 =	sadd.s32 $0x8F2B, s0  }
0xd3: {  	[sflag:s0] =	ssyncadd.remote.s32 $0x1  }
0xd4: {  	_ =	sfence.sel $0xFFFF  }
0xd5: {  	[dreg:$0x0] =	wrdreg $0xFFFFFFFF;
	(pc) =	sbr.abs _section_cstart, $3  }
0xd6: {  	[dreg:$0x1] =	wrdreg $0xFFFFFFFF  }
0xd7: {  	_ =	task.clear_ibuf [dreg:s22], $0x2FFFF;
	_ =	strace $0x9FFFFFFF  }
0xd8: {  	(tm) =	ssettm $0x7FFFFFFF  }
0xd9: {  	_ =	shalt  }
tec
execute0_lowered:
.L_overlay_start_1:
0x0: {  	(tag) =	ssettag $0x1  }
0x1: {  	s4 =	rddreg [dreg:$0x0]  }
0x2: {  	s6 =	rddreg [dreg:$0x1]  }
0x3: {  	s1 =	rddreg [dreg:$0x2]  }
0x4: {  	s0 =	rddreg [dreg:$0x3];
	s3 =	simm.s32 $0x0  }
0x5: {  	s2 =	stileid.u32;
	s7 =	srdreg.scid;
	s16 =	simm.s32 $0x6800  }
0x6: {  	s17 =	simm.s32 $0x80;
	s18 =	simm.s32 $0x4;
	s19 =	simm.s32 $0x2  }
0x7: {  	s20 =	simm.s32 $0x2700;
	s21 =	simm.s32 $0x0;
	s5 =	smul.u32 $0x2800, s2  }
0x8: {  	[smem:$0x7FF] =	sst s3;
	s10 =	sadd.s32 $0x5A0600, s4;
	s9 =	smul.u32 $0x50000, s2  }
0x9: {  	s7 =	sand.u32 $0x1, s7;
	s8 =	sshll.u32 s2, $0x1;
	s29 =	smul.u32 $0x9E, s2  }
0xa: {  	s30 =	sshll.u32 s2, $0x6;
	_ =	strace $0x8000004D;
	s26 =	ssub.s32 $0x2, s7  }
0xb: {  	s8 =	sor.u32 s7, s8;
	s15 =	smul.u32 $0x4F, s7;
	p0 =	seq.s32 s7, $0x1  }
0xc: {  	s11 =	sadd.s32 s5, s4;
	s28 =	sshrl.u32 s26, $0x1;
	s12 =	smul.u32 $0x500, s8  }
0xd: {  	s9 =	sshrl.u32 s9, $0x2;
	s5 =	sor.u32 $0x1C03, s30;
	s8 =	smul.u32 $0x27800, s8  }
0xe: {  	s13 =	ssub.s32 s26, s28;
	s14 =	sadd.s32 s9, s1;
	s4 =	sadd.s32 $0x74800, s11  }
0xf: {  	s9 =	sadd.s32 s15, s29;
	s6 =	sadd.s32 s6, s12;
	s12 =	simm.s32 $0xC4800  }
0x10: {  	s7 =	sadd.s32 s10, s8;
	s15 =	sshll.u32 s9, $0xB;
	s8 =	smax.u32 s13, $0x1  }
0x11: {  	s13 =	simm.s32 $0x3;
	s12 =	simm.s32 @!p0 $0x9C800;
	s31 =	sadd.s32 s15, s10  }
0x12: {  	s15 =	simm.s32 $0x1;
	s9 =	sadd.s32 s12, s11;
	s10 =	sadd.s32 $0x1000, s31  }
0x13: {  	s11 =	sadd.s32 $0x800, s31;
	s12 =	sshrl.u32 s14, $0x3;
	s14 =	simm.s32 $0x2800  }
.LBB2_1:
0x14: {  	[spmem:s12], [sflag:s5] =	dma.local [hbm:s4], $0x2800  }
0x15: {  	_ =	swait.ge [sflag:s13], $0x2800  }
0x16: {  	[sflag:s13] =	ssyncset.done $0x0  }
0x17: {  	[sflag:s13] =	ssyncadd.s32 $0xFFFFD800  }
0x18: {  	[tilespmem:s3], [sflag:$0x3] =	stream.linear.gather [hbm4b:s6+s3], $0x2780, $0x38;
	[tilespmem:$0x1E800] =	vst v63  }
0x19: {  	_ =	swait.ge [sflag:s13], $0x2780  }
0x1a: {  	[sflag:s13] =	ssyncset.done $0x0  }
0x1b: {  	[sflag:s13] =	ssyncadd.s32 $0xFFFFD880  }
0x1c: {  	[bflag:$0x0] =	sbarrier.arrive $0xFFFF  }
0x1d: {  	[tilespmem:s14], [sflag:$0x1] =	stream.linear.gather [hbm4b:s7+s3], $0x4000, $0x38;
	[tilespmem:$0x1E800] =	vst v63  }
0x1e: {  	_ =	swait.ge [sflag:s15], $0x4000  }
0x1f: {  	[sflag:s15] =	ssyncset.done $0x0  }
0x20: {  	s22 =	sadd.s32 $0x0, s11;
	[sflag:s15] =	ssyncadd.s32 $0xFFFFC000  }
0x21: {  	[tilespmem:s16], [sflag:$0x2] =	stream.linear.gather [hbm4b:s22+s3], $0x4000, $0x38;
	[tilespmem:$0x1E800] =	vst v63  }
0x22: {  	_ = 	snop  }
0x23: {  	[spmem:s1] =	stream.indirect.scatter.add.f32 [tilespmem:s14], [sflag:$0x4], $0x80, s3, s17, $0xb8;
	[tilespmem:$0x1E800] =	vst v63  }
0x24: {  	_ =	swait.ge [sflag:s18], $0x4000  }
0x25: {  	[sflag:s18] =	ssyncset.done $0x0  }
0x26: {  	[sflag:s18] =	ssyncadd.s32 $0xFFFFC000  }
0x27: {  	_ =	swait.ge [sflag:s19], $0x4000  }
0x28: {  	[sflag:s19] =	ssyncset.done $0x0  }
0x29: {  	s30 =	sadd.s32 $0x0, s10;
	[sflag:s19] =	ssyncadd.s32 $0xFFFFC000  }
0x2a: {  	[tilespmem:s14], [sflag:$0x1] =	stream.linear.gather [hbm4b:s30+s3], $0x4000, $0x38;
	[tilespmem:$0x1E800] =	vst v63  }
0x2b: {  	s31 =	simm.s32 $0x80  }
0x2c: {  	[spmem:s1] =	stream.indirect.scatter.add.f32 [tilespmem:s16], [sflag:$0x3], $0x80, s31, s17, $0xb8;
	[tilespmem:$0x1E800] =	vst v63  }
0x2d: {  	_ =	swait.ge [sflag:s13], $0x4000  }
0x2e: {  	s23 =	simm.s32 $0x0;
	s22 =	simm.s32 $0x1000;
	[sflag:s13] =	ssyncset.done $0x0  }
.LBB2_2:
0x2f: {  	p0 =	sne.s32 s22, $0x26000;
	[sflag:s13] =	ssyncadd.s32 $0xFFFFC000;
	s23 =	sadd.s32 $0x100, s23  }
0x30: {  	s24 =	smov.u32 s22;
	s22 =	sadd.s32 $0x1000, s22  }
0x31: {  	_ =	swait.ge [sflag:s15], $0x4000  }
0x32: {  	[sflag:s15] =	ssyncset.done $0x0  }
0x33: {  	s25 =	sadd.s32 s24, s11;
	[sflag:s15] =	ssyncadd.s32 $0xFFFFC000  }
0x34: {  	[tilespmem:s16], [sflag:$0x2] =	stream.linear.gather [hbm4b:s25+s3], $0x4000, $0x38;
	[tilespmem:$0x1E800] =	vst v63  }
0x35: {  	_ = 	snop  }
0x36: {  	[spmem:s1] =	stream.indirect.scatter.add.f32 [tilespmem:s14], [sflag:$0x4], $0x80, s23, s17, $0xb8;
	[tilespmem:$0x1E800] =	vst v63  }
0x37: {  	_ =	swait.ge [sflag:s18], $0x4000  }
0x38: {  	[sflag:s18] =	ssyncset.done $0x0  }
0x39: {  	[sflag:s18] =	ssyncadd.s32 $0xFFFFC000  }
0x3a: {  	_ =	swait.ge [sflag:s19], $0x4000  }
0x3b: {  	[sflag:s19] =	ssyncset.done $0x0  }
0x3c: {  	s24 =	sadd.s32 s24, s10;
	[sflag:s19] =	ssyncadd.s32 $0xFFFFC000  }
0x3d: {  	[tilespmem:s14], [sflag:$0x1] =	stream.linear.gather [hbm4b:s24+s3], $0x4000, $0x38;
	[tilespmem:$0x1E800] =	vst v63  }
.Ltmp0:
0x3e: {  	_ = 	snop;
	(pc) =	sbr.rel @p0 .LBB2_2-.Ltmp0, $4  }
0x3f: {  	s24 =	sadd.s32 $0x80, s23  }
0x40: {  	[spmem:s1] =	stream.indirect.scatter.add.f32 [tilespmem:s16], [sflag:$0x3], $0x80, s24, s17, $0xb8;
	[tilespmem:$0x1E800] =	vst v63  }
0x41: {  	_ =	swait.ge [sflag:s13], $0x4000  }
0x42: {  	[sflag:s13] =	ssyncset.done $0x0  }
0x43: {  	[sflag:s13] =	ssyncadd.s32 $0xFFFFC000  }
0x44: {  	_ =	swait.ge [sflag:s15], $0x4000  }
0x45: {  	[sflag:s15] =	ssyncset.done $0x0  }
0x46: {  	[sflag:s15] =	ssyncadd.s32 $0xFFFFC000  }
0x47: {  	[spmem:s1] =	stream.indirect.scatter.add.f32 [tilespmem:s14], [sflag:$0x4], $0x80, s20, s17, $0xb8;
	[tilespmem:$0x1E800] =	vst v63  }
0x48: {  	_ =	swait.ge [sflag:s18], $0x4000  }
0x49: {  	s21 =	sadd.s32 $0x1, s21;
	[sflag:s18] =	ssyncset.done $0x0  }
0x4a: {  	p0 =	sne.s32 s21, s8;
	[sflag:s18] =	ssyncadd.s32 $0xFFFFC000  }
.Ltmp1:
0x4b: {  	[bflag:$0x0] =	sbarrier.arrive $0xFFFF;
	(pc) =	sbr.rel @p0 .LBB2_1-.Ltmp1, $4  }
0x4c: {  	[hbm:s9], [sflag:s5] =	dma.local [spmem:s12], $0x2800  }
0x4d: {  	_ =	swait.ge [sflag:s13], $0x2800  }
0x4e: {  	[sflag:s13] =	ssyncset.done $0x0  }
0x4f: {  	[sflag:s13] =	ssyncadd.s32 $0xFFFFD800  }
0x50: {  	_ =	sfence.sel $0x180000  }
0x51: {  	[bflag:$0x0] =	sbarrier.arrive $0xFFFF  }
0x52: {  	p0 =	sne.s32 s2, $0x0;
	_ =	strace $0x9000004D  }
0x53: {  	s0 =	sadd.s32 @!p0 $0x100000, s0;
	[bflag:$0x2] =	sbarrier.arrive $0xFFFF  }
0x54: {  	[sflag:s0] =	ssyncadd.tile.s32 @!p0 $0x1;
	_ =	shalt  }
.Lfunc_end2:
_tile_overlayer_lowered:
.L_overlay_start_2:
0x55: {  	(tag) =	ssettag $0x2  }
0x56: {  	s0 =	rddreg [dreg:$0x0];
	s2 =	stileid.u32  }
0x57: {  	s1 =	rddreg [dreg:$0x1];
	p0 =	sne.s32 s2, $0x0  }
0x58: {  	s3 =	rddreg [dreg:$0x2];
	[bflag:$0x3] =	sbarrier.arrive $0xFFFF;
	s2 =	simm.s32 @!p0 $0x1C03  }
0x59: {  	[timem:s3], [sflag:s2] =	dma.local @!p0 [hbm:s0], s1  }
0x5a: {  	s0 =	simm.s32 @!p0 $0x3  }
0x5b: {  	_ =	swait.ge @!p0 [sflag:s0], s1  }
0x5c: {  	s1 =	ssub.s32 @!p0 $0x0, s1;
	[sflag:s0] =	ssyncset.done @!p0 $0x0  }
0x5d: {  	[sflag:s0] =	ssyncadd.s32 @!p0 s1  }
0x5e: {  	[bflag:$0x3] =	sbarrier.arrive $0xFFFF  }
0x5f: {  	_ =	shalt  }

// kernel: kernel.14.cloned.1.call-start
scs
__scs_entry_jumppad:
0x0: {  	(pc) =	sbr.rel $0x88, $3  }
0x1: {  	(tag) =	ssettag $0x0;
	lr =	simm.s32 $0x1  }
0x2: {  	[smem:$0x3F93] =	sst lr;
	_ =	strace $0xD0000000  }
0x3: {  	_ = 	snop  }
0x4: {  	_ = 	snop  }
0x5: {  	_ = 	snop  }
0x6: {  	_ = 	snop  }
0x7: {  	_ = 	snop  }
__scs_overlays_trampoline_lowered:
0x8: {  	[smem:$0x3FA2] =	sst s0  }
0x9: {  	[smem:$0x3FA3] =	sst s1  }
0xa: {  	[smem:$0x3FA4] =	sst s2  }
0xb: {  	[smem:$0x3FA5] =	sst s3  }
0xc: {  	[smem:$0x3FA6] =	sst s4  }
0xd: {  	[smem:$0x3FA7] =	sst s5  }
0xe: {  	[smem:$0x3FA8] =	sst s6  }
0xf: {  	[smem:$0x3FA9] =	sst s7  }
0x10: {  	[smem:$0x3FAA] =	sst s8  }
0x11: {  	[smem:$0x3FAB] =	sst s9;
	s0 =	simm.s32 @!p0 $0x0  }
0x12: {  	s1 =	sld [smem:$0x3F91];
	s0 =	simm.s32 @p0 $0x1  }
0x13: {  	[smem:$0x3FAC] =	sst s0;
	s0 =	simm.s32 @!p1 $0x0  }
0x14: {  	s2 =	sld [smem:$0x3F90];
	s0 =	simm.s32 @p1 $0x1  }
0x15: {  	[smem:$0x3FAD] =	sst s0;
	s0 =	simm.s32 @!p2 $0x0  }
0x16: {  	s3 =	sld [smem:$0x3FDB];
	s0 =	simm.s32 @p2 $0x1  }
0x17: {  	s4 =	simm.s32 $0x1BF5;
	[smem:$0x3FAF] =	sst s0  }
0x18: {  	s0 =	sld [smem:$0x3F92];
	_ =	swait.ge [sflag:s4], $0x0  }
0x19: {  	s7 =	sld [smem:$0x3F93]  }
0x1a: {  	s8 =	sadd.s32 $0xFFFFE003, lr  }
0x1b: {  	s9 =	sadd.s32 $0xFFFFFEF7, lr;
	s5 =	simm.s32 $0xFFFFFFFF;
	p2 =	slt.u32 s8, $0xFFFFF086  }
0x1c: {  	p1 =	slt.u32 s9, $0xF7A;
	s5 =	simm.s32 @!p2 $0x0  }
0x1d: {  	s5 =	simm.s32 @p1 $0x1;
	p0 =	seq.s32 s7, s2  }
0x1e: {  	s7 =	smul.u32 @!p0 $0xF7A, s2;
	p2 =	seq.s32 @!p0 s5, $0x0  }
0x1f: {  	s9 =	smul.u32 $0xF7A, s1;
	s8 =	simm.s32 @!p0 $0x1BF5;
	p2 =	por !p2, p0  }
0x20: {  	[sflag:s8] =	ssyncset.s32 @!p0 $0xFFFFF086;
	s6 =	sadd.s32 @!p0 s3, s7;
	s7 =	simm.s32 @!p0 $0x108  }
0x21: {  	s3 =	sadd.s32 s3, s9;
	s6 =	sadd.s32 @!p0 $0x88, s6;
	s7 =	simm.s32 @p2 $0x1082  }
0x22: {  	[simem:s7], [sflag:s8] =	dma.local @!p0 [hbm:s6], $0xF7A  }
0x23: {  	s9 =	sor.u32 $0xD0000000, s2;
	s6 =	simm.s32 $0x108;
	_ =	swait.ge @!p0 [sflag:s8], $0x0  }
0x24: {  	s3 =	sadd.s32 $0x88, s3;
	s6 =	simm.s32 @!p1 $0x1082;
	[sflag:s4] =	ssyncset.s32 $0xFFFFF086  }
0x25: {  	[simem:s6], [sflag:s4] =	dma.local [hbm:s3], $0xF7A  }
0x26: {  	[smem:$0x3F93] =	sst s1;
	(tag) =	ssettag s2;
	_ =	strace s9  }
0x27: {  	s1 =	sld [smem:$0x3FA3]  }
0x28: {  	s2 =	sld [smem:$0x3FA4]  }
0x29: {  	s4 =	sld [smem:$0x3FA6]  }
0x2a: {  	p0 =	seq.s32 s5, $0x0;
	s5 =	sld [smem:$0x3FA7]  }
0x2b: {  	s6 =	sld [smem:$0x3FA8]  }
0x2c: {  	s7 =	sld [smem:$0x3FA9]  }
0x2d: {  	s3 =	simm.s32 $0x108;
	s8 =	sld [smem:$0x3FAA]  }
0x2e: {  	s3 =	simm.s32 @!p0 $0x1082;
	s9 =	sld [smem:$0x3FAB]  }
0x2f: {  	lr =	sadd.s32 s0, s3;
	s0 =	sld [smem:$0x3FA2]  }
0x30: {  	s3 =	sld [smem:$0x3FA5]  }
0x31: {  	[smem:$0x3FAE] =	sst s10  }
0x32: {  	s10 =	sld [smem:$0x3FAC];
	_ =	sdelay $0x3  }
0x33: {  	p0 =	seq.s32 s10, $0x1;
	s10 =	sld [smem:$0x3FAE];
	_ =	sdelay $0x3  }
0x34: {  	[smem:$0x3FAE] =	sst s10  }
0x35: {  	s10 =	sld [smem:$0x3FAD];
	_ =	sdelay $0x3  }
0x36: {  	p1 =	seq.s32 s10, $0x1;
	s10 =	sld [smem:$0x3FAE];
	_ =	sdelay $0x3  }
0x37: {  	[smem:$0x3FAE] =	sst s10  }
0x38: {  	s10 =	sld [smem:$0x3FAF]  }
0x39: {  	_ = 	snop;
	(pc) =	sbr.ind lr, $3  }
0x3a: {  	_ = 	snop  }
0x3b: {  	_ = 	snop  }
0x3c: {  	p2 =	seq.s32 s10, $0x1;
	s10 =	sld [smem:$0x3FAE]  }
0x3d: {  	_ =	shalt  }
0x3e: {  	_ =	shalt  }
0x3f: {  	_ =	shalt  }
0x40: {  	_ =	shalt  }
0x41: {  	_ =	shalt  }
0x42: {  	_ =	shalt  }
0x43: {  	_ =	shalt  }
0x44: {  	_ =	shalt  }
0x45: {  	_ =	shalt  }
0x46: {  	_ =	shalt  }
0x47: {  	_ =	shalt  }
0x48: {  	_ =	shalt  }
0x49: {  	_ =	shalt  }
0x4a: {  	_ =	shalt  }
0x4b: {  	_ =	shalt  }
0x4c: {  	_ =	shalt  }
0x4d: {  	_ =	shalt  }
0x4e: {  	_ =	shalt  }
0x4f: {  	_ =	shalt  }
0x50: {  	_ =	shalt  }
0x51: {  	_ =	shalt  }
0x52: {  	_ =	shalt  }
0x53: {  	_ =	shalt  }
0x54: {  	_ =	shalt  }
0x55: {  	_ =	shalt  }
0x56: {  	_ =	shalt  }
0x57: {  	_ =	shalt  }
0x58: {  	_ =	shalt  }
0x59: {  	_ =	shalt  }
0x5a: {  	_ =	shalt  }
0x5b: {  	_ =	shalt  }
0x5c: {  	_ =	shalt  }
0x5d: {  	_ =	shalt  }
0x5e: {  	_ =	shalt  }
0x5f: {  	_ =	shalt  }
0x60: {  	_ =	shalt  }
0x61: {  	_ =	shalt  }
0x62: {  	_ =	shalt  }
0x63: {  	_ =	shalt  }
0x64: {  	_ =	shalt  }
0x65: {  	_ =	shalt  }
0x66: {  	_ =	shalt  }
0x67: {  	_ =	shalt  }
0x68: {  	_ =	shalt  }
0x69: {  	_ =	shalt  }
0x6a: {  	_ =	shalt  }
0x6b: {  	_ =	shalt  }
0x6c: {  	_ =	shalt  }
0x6d: {  	_ =	shalt  }
0x6e: {  	_ =	shalt  }
0x6f: {  	_ =	shalt  }
0x70: {  	_ =	shalt  }
0x71: {  	_ =	shalt  }
0x72: {  	_ =	shalt  }
0x73: {  	_ =	shalt  }
0x74: {  	_ =	shalt  }
0x75: {  	_ =	shalt  }
0x76: {  	_ =	shalt  }
0x77: {  	_ =	shalt  }
0x78: {  	_ =	shalt  }
0x79: {  	_ =	shalt  }
0x7a: {  	_ =	shalt  }
0x7b: {  	_ =	shalt  }
0x7c: {  	_ =	shalt  }
0x7d: {  	_ =	shalt  }
0x7e: {  	_ =	shalt  }
0x7f: {  	_ =	shalt  }
0x80: {  	_ =	shalt  }
0x81: {  	_ =	shalt  }
0x82: {  	_ =	shalt  }
0x83: {  	_ =	shalt  }
0x84: {  	_ =	shalt  }
0x85: {  	_ =	shalt  }
0x86: {  	_ =	shalt  }
0x87: {  	_ =	shalt  }
.Lfunc_end0:
.L_simem_size_0:
called_computation.2_lowered:
.L_overlay_start_0:
0x88: {  	s2 =	sld [smem:$0x3FD9]  }
0x89: {  	s3 =	sld [smem:$0x3FFE];
	_ =	sdelay $0x1  }
0x8a: {  	s1 =	srdreg.scid  }
0x8b: {  	s0 =	sand.u32 $0x1, s1  }
0x8c: {  	s14 =	sshll.u32 s0, $0xA;
	s2 =	sadd.s32 s3, s2  }
0x8d: {  	s2 =	sadd.s32 s2, s14  }
0x8e: {  	[smem:$0x3FBA] =	sst s2  }
0x8f: {  	_ = 	snop  }
0x90: {  	s2 =	sld [smem:$0x3FD0];
	_ =	sdelay $0x2  }
0x91: {  	s15 =	simm.s32 $0xB;
	s4 =	simm.s32 $0x10  }
0x92: {  	[smem:s4], [sflag:s15] =	dma.local [hbm:s2], $0x1  }
0x93: {  	_ =	swait.eq [sflag:s15], $0x1  }
0x94: {  	[sflag:s15] =	ssyncset.done $0x0  }
0x95: {  	[sflag:s15] =	ssyncadd.s32 $0xFFFFFFFF  }
0x96: {  	s16 =	sld [smem:$0x10];
	(tm) =	ssettm $0x1  }
0x97: {  	s17 =	sld [smem:$0x3FFB];
	_ =	sdelay $0x3  }
0x98: {  	_ =	strace s17  }
0x99: {  	s3 =	sld [smem:$0x3FFC];
	_ =	sdelay $0x3  }
0x9a: {  	_ =	strace s3  }
0x9b: {  	s3 =	sld [smem:$0x3FFD];
	_ =	sdelay $0x3  }
0x9c: {  	_ =	strace s3  }
0x9d: {  	_ =	strace $0x8FFFFFFF  }
0x9e: {  	s18 =	sld [smem:$0x3FDB];
	_ =	sdelay $0x1  }
0x9f: {  	s19 =	simm.s32 $_scs_section_size  }
0xa0: {  	s5 =	simm.s32 $_size__tile_overlayer_lowered;
	s6 =	simm.s32 $_tile_overlayer_lowered  }
0xa1: {  	s22 =	simm.s32 $0x1BFF;
	s21 =	sshll.u32 s6, $0x1;
	s3 =	sadd.s32 s19, s18  }
0xa2: {  	s7 =	simm.s32 $0x0;
	s20 =	sshll.u32 s5, $0x1;
	s5 =	sadd.s32 s21, s3  }
0xa3: {  	[timem:s7], [sflag:s22] =	dma.local [hbm:s5], s20  }
0xa4: {  	_ =	swait.ge [sflag:s22], s20  }
0xa5: {  	s4 =	ssub.s32 $0x0, s20;
	[sflag:s22] =	ssyncset.done $0x0  }
0xa6: {  	[sflag:s22] =	ssyncadd.s32 s4;
	_ =	sdelay $0x1  }
0xa7: {  	s23 =	simm.s32 $0x1B8B  }
0xa8: {  	_ =	swait.ge [sflag:s23], $0x1  }
0xa9: {  	[sflag:s23] =	ssyncset.done $0x0  }
0xaa: {  	s25 =	simm.s32 $0x1B8E;
	s24 =	sld [smem:$0x3FFE];
	[sflag:s23] =	ssyncadd.s32 $0xFFFFFFFF  }
0xab: {  	s26 =	simm.s32 $execute0_lowered;
	[smem:$0x3FD2] =	sst s25  }
0xac: {  	s5 =	sshll.u32 s26, $0x1;
	_ =	strace $0x80000049;
	[dreg:$0x1] =	wrdreg $0xFFFFFFFF  }
0xad: {  	s28 =	simm.s32 $_size_execute0_lowered;
	s3 =	sadd.s32 s3, s5;
	[dreg:$0x0] =	wrdreg $0x0  }
0xae: {  	s5 =	sshll.u32 s28, $0x1;
	[dreg:$0x2] =	wrdreg s3  }
0xaf: {  	[dreg:$0x3] =	wrdreg s5  }
0xb0: {  	[dreg:$0x4] =	wrdreg $0xC0  }
0xb1: {  	_ =	task [dreg:s7], $0x5FFFF  }
0xb2: {  	[dreg:$0x1] =	wrdreg $0xFFFFFFFF  }
0xb3: {  	[dreg:$0x0] =	wrdreg $0x60  }
0xb4: {  	[dreg:$0x2] =	wrdreg s24  }
0xb5: {  	[dreg:$0x3] =	wrdreg s16  }
0xb6: {  	[dreg:$0x4] =	wrdreg $0xA  }
0xb7: {  	_ =	task.clear_ibuf [dreg:s7], $0x5FFFF;
	_ =	strace $0x90000049  }
0xb8: {  	s29 =	simm.s32 $0xA;
	_ =	strace $0x8000004B  }
0xb9: {  	_ =	swait.ge [sflag:s29], $0x1  }
0xba: {  	[sflag:s29] =	ssyncadd.s32 $0xFFFFFFFF  }
0xbb: {  	_ =	strace $0x9000004B  }
0xbc: {  	_ =	sfence  }
0xbd: {  	s30 =	sld [smem:$0x0];
	_ =	sdelay $0x2  }
0xbe: {  	s31 =	sshll.u32 s1, $0xD;
	s1 =	sshrl.u32 s1, $0x2  }
0xbf: {  	s3 =	sand.u32 $0x4000, s31;
	s1 =	sadd.s32 s1, s30  }
0xc0: {  	s0 =	sor.u32 s3, s0;
	s1 =	sshll.u32 s1, $0x11  }
0xc1: {  	s0 =	sor.u32 s1, s0  }
0xc2: {  	s0 =	sadd.s32 $0x8F2B, s0  }
0xc3: {  	[sflag:s0] =	ssyncadd.remote.s32 $0x1  }
0xc4: {  	_ =	sfence.sel $0xFFFF  }
0xc5: {  	[dreg:$0x0] =	wrdreg $0xFFFFFFFF;
	(pc) =	sbr.abs _section_cstart, $3  }
0xc6: {  	[dreg:$0x1] =	wrdreg $0xFFFFFFFF  }
0xc7: {  	_ =	task.clear_ibuf [dreg:s7], $0x2FFFF;
	_ =	strace $0x9FFFFFFF  }
0xc8: {  	(tm) =	ssettm $0x7FFFFFFF  }
0xc9: {  	_ =	shalt  }
tec
execute0_lowered:
.L_overlay_start_1:
0x0: {  	(tag) =	ssettag $0x1  }
0x1: {  	s4 =	rddreg [dreg:$0x0]  }
0x2: {  	s5 =	rddreg [dreg:$0x1];
	s1 =	simm.s32 $0x0  }
0x3: {  	s3 =	srdreg.scid;
	s2 =	stileid.u32;
	s18 =	simm.s32 $0x2800  }
0x4: {  	s19 =	simm.s32 $0x2880;
	s20 =	simm.s32 $0x2900;
	s21 =	simm.s32 $0x1  }
0x5: {  	s22 =	simm.s32 $0x2;
	s23 =	simm.s32 $0x80;
	s24 =	simm.s32 $0x400  }
0x6: {  	s25 =	simm.s32 $0x0;
	[smem:$0x7FF] =	sst s1;
	s15 =	sadd.s32 $0x2DA00, s4  }
0x7: {  	s6 =	sand.u32 $0x1, s3;
	s26 =	sshll.u32 s2, $0x1;
	s7 =	sshrl.u32 s2, $0x2  }
0x8: {  	s14 =	sadd.s32 $0x37800, s4;
	s13 =	sadd.s32 $0x41600, s4;
	s11 =	smul.u32 $0x9E, s2  }
0x9: {  	s3 =	sadd.s32 $0x4B400, s4;
	_ =	strace $0x8000004A;
	s7 =	smul.u32 $0x50000, s7  }
0xa: {  	s8 =	sor.u32 s6, s26;
	s28 =	ssub.s32 $0x2, s6;
	s6 =	smul.u32 $0x4F, s6  }
0xb: {  	s9 =	sshll.u32 s8, $0x7;
	s10 =	smul.u32 $0x500, s8;
	s12 =	sshrl.u32 s28, $0x1  }
0xc: {  	s8 =	smul.u32 $0x4F0, s8;
	s9 =	sand.u32 $0x380, s9;
	s6 =	sadd.s32 s6, s11  }
0xd: {  	s7 =	sor.u32 s7, s9;
	s9 =	ssub.s32 s28, s12;
	s11 =	sshll.u32 s6, $0x4  }
0xe: {  	s6 =	sadd.s32 s14, s8;
	s7 =	sshrl.u32 s7, $0x3;
	s29 =	sadd.s32 s11, s15  }
0xf: {  	s9 =	smax.u32 s9, $0x1;
	s30 =	sadd.s32 s11, s14;
	s31 =	sadd.s32 s11, s13  }
.Ltmp0:
0x10: {  	s17 =	sadd.s32 $0x10, s11;
	s16 =	sadd.s32 s7, s4;
	(pc) =	sbr.rel .LBB2_1-.Ltmp0, $4  }
0x11: {  	s4 =	sadd.s32 s5, s10;
	s5 =	sadd.s32 s15, s8;
	s7 =	sadd.s32 s13, s8  }
0x12: {  	s10 =	sadd.s32 $0x20, s29;
	s11 =	sadd.s32 $0x20, s30;
	s12 =	sadd.s32 $0x20, s31  }
0x13: {  	s13 =	sadd.s32 s17, s13;
	s14 =	sadd.s32 s17, s14;
	s15 =	sadd.s32 s17, s15  }
0x14: {  	v0 =	vimm.f32 $1.000000000e+00;
	s17 =	simm.s32 $0x3;
	s8 =	sadd.s32 $0x4C800, s16;
	s16 =	simm.s32 $0x2C00  }
.LBB2_5:
0x15: {  	s25 =	sadd.s32 $0x1, s25  }
0x16: {  	p0 =	sne.s32 s25, s9  }
.Ltmp1:
0x17: {  	_ = 	snop;
	(pc) =	sbr.rel @!p0 .LBB2_6-.Ltmp1, $4  }
0x18: {  	[hbm4b:s8+s23] =	stream.strided.scatter [tilespmem:s16], [sflag:$0x3], $0xA000, s24, s23, $0x38;
	[tilespmem:$0xCC00] =	vst v63  }
0x19: {  	_ =	swait.ge [sflag:s17], $0xA000  }
0x1a: {  	[sflag:s17] =	ssyncset.done $0x0  }
0x1b: {  	[sflag:s17] =	ssyncadd.s32 $0xFFFF6000  }
.LBB2_1:
0x1c: {  	[tilespmem:s16], [sflag:$0x3] =	stream.linear.gather [hbm4b:s3+s1], $0xA000, $0x38;
	[tilespmem:$0xCC00] =	vst v63  }
0x1d: {  	_ =	swait.ge [sflag:s17], $0xA000  }
0x1e: {  	[sflag:s17] =	ssyncset.done $0x0  }
0x1f: {  	[sflag:s17] =	ssyncadd.s32 $0xFFFF6000  }
0x20: {  	[tilespmem:s1], [sflag:$0x3] =	stream.linear.gather [hbm4b:s4+s1], $0x2780, $0x38;
	[tilespmem:$0xCC00] =	vst v63  }
0x21: {  	_ =	swait.ge [sflag:s17], $0x2780  }
0x22: {  	[sflag:s17] =	ssyncset.done $0x0  }
0x23: {  	[sflag:s17] =	ssyncadd.s32 $0xFFFFD880  }
0x24: {  	[tilespmem:s18], [sflag:$0x1] =	stream.linear.gather [hbm4b:s5+s1], $0x80, $0x38;
	[tilespmem:$0xCC00] =	vst v63  }
.Ltmp2:
0x25: {  	_ = 	snop;
	(pc) =	sbr.rel .LBB2_2-.Ltmp2, $4  }
0x26: {  	_ = 	snop  }
0x27: {  	[tilespmem:s19], [sflag:$0x1] =	stream.linear.gather [hbm4b:s6+s1], $0x80, $0x38;
	[tilespmem:$0xCC00] =	vst v63  }
0x28: {  	s26 =	simm.s32 $0x80;
	s28 =	simm.s32 $0x1;
	s29 =	simm.s32 $0x0  }
0x29: {  	[tilespmem:s20], [sflag:$0x1] =	stream.linear.gather [hbm4b:s7+s1], $0x80, $0x38;
	[tilespmem:$0xCC00] =	vst v63  }
.LBB2_4:
0x2a: {  	s29 =	sadd.s32 $0x20, s29  }
0x2b: {  	p0 =	sne.s32 s29, $0x500  }
.Ltmp3:
0x2c: {  	_ = 	snop;
	(pc) =	sbr.rel @!p0 .LBB2_5-.Ltmp3, $2  }
0x2d: {  	_ =	sdelay $0x2  }
0x2e: {  	s28 =	sadd.s32 $0x2, s28;
	s26 =	sadd.s32 $0x100, s26  }
.LBB2_2:
0x2f: {  	_ =	swait.ge [sflag:s21], $0x80  }
0x30: {  	[sflag:s21] =	ssyncset.done $0x0  }
0x31: {  	[sflag:s21] =	ssyncadd.s32 $0xFFFFFF80  }
0x32: {  	_ =	swait.ge [sflag:s21], $0x80  }
0x33: {  	[sflag:s21] =	ssyncset.done $0x0  }
0x34: {  	[sflag:s21] =	ssyncadd.s32 $0xFFFFFF80  }
0x35: {  	p0 =	sgt.u32 s28, $0x4E;
	_ =	swait.ge [sflag:s21], $0x80  }
0x36: {  	s30 =	sadd.s32 @!p0 s29, s15;
	[sflag:s21] =	ssyncset.done $0x0  }
0x37: {  	s31 =	simm.s32 @!p0 $0x0;
	s0 =	simm.s32 @!p0 $0x2A00;
	[sflag:s21] =	ssyncadd.s32 $0xFFFFFF80  }
0x38: {  	[tilespmem:s0], [sflag:$0x2] =	stream.linear.gather @!p0 [hbm4b:s30+s31], $0x80, $0x38;
	[tilespmem:$0xCC00] =	vst v63  }
0x39: {  	s0 =	sadd.s32 @!p0 s29, s14;
	s30 =	simm.s32 @!p0 $0x2A80  }
0x3a: {  	[tilespmem:s30], [sflag:$0x2] =	stream.linear.gather @!p0 [hbm4b:s0+s31], $0x80, $0x38;
	[tilespmem:$0xCC00] =	vst v63  }
0x3b: {  	s0 =	sadd.s32 @!p0 s29, s13;
	s30 =	simm.s32 @!p0 $0x2B00  }
0x3c: {  	[tilespmem:s30], [sflag:$0x2] =	stream.linear.gather @!p0 [hbm4b:s0+s31], $0x80, $0x38;
	[tilespmem:$0xCC00] =	vst v63  }
0x3d: {  	v1 =	vld [tilespmem:s26+$0xFFFFFF80];
	_ =	sdelay $0x2  }
0x3e: {  	v2 =	vld [tilespmem:$0x2800];
	_ =	sdelay $0x4  }
0x3f: {  	[tilespmem:v1+s16+$0x0] =	vst.idx.add.f32.msk $0xffff, v2  }
0x40: {  	v3 =	vadd.s32 $0x2800, v1;
	v2 =	vld [tilespmem:$0x2880];
	_ =	sdelay $0x4  }
0x41: {  	[tilespmem:v3+s16+$0x0] =	vst.idx.add.f32.msk $0xffff, v2  }
0x42: {  	v3 =	vadd.s32 $0x5000, v1;
	v2 =	vld [tilespmem:$0x2900]  }
0x43: {  	v1 =	vadd.s32 $0x7800, v1;
	_ =	sdelay $0x3  }
0x44: {  	[tilespmem:v3+s16+$0x0] =	vst.idx.add.f32.msk $0xffff, v2  }
0x45: {  	[tilespmem:v1+s16+$0x0] =	vst.idx.add.f32.msk $0xffff, v0  }
0x46: {  	v1 =	vld [tilespmem:s26+$0xFFFFFF90];
	_ =	sdelay $0x2  }
0x47: {  	v2 =	vld [tilespmem:$0x2810];
	_ =	sdelay $0x4  }
0x48: {  	[tilespmem:v1+s16+$0x0] =	vst.idx.add.f32.msk $0xffff, v2  }
0x49: {  	v3 =	vadd.s32 $0x2800, v1;
	v2 =	vld [tilespmem:$0x2890];
	_ =	sdelay $0x4  }
0x4a: {  	[tilespmem:v3+s16+$0x0] =	vst.idx.add.f32.msk $0xffff, v2  }
0x4b: {  	v3 =	vadd.s32 $0x5000, v1;
	v2 =	vld [tilespmem:$0x2910]  }
0x4c: {  	v1 =	vadd.s32 $0x7800, v1;
	_ =	sdelay $0x3  }
0x4d: {  	[tilespmem:v3+s16+$0x0] =	vst.idx.add.f32.msk $0xffff, v2  }
0x4e: {  	[tilespmem:v1+s16+$0x0] =	vst.idx.add.f32.msk $0xffff, v0  }
0x4f: {  	v1 =	vld [tilespmem:s26+$0xFFFFFFA0];
	_ =	sdelay $0x2  }
0x50: {  	v2 =	vld [tilespmem:$0x2820];
	_ =	sdelay $0x4  }
0x51: {  	[tilespmem:v1+s16+$0x0] =	vst.idx.add.f32.msk $0xffff, v2  }
0x52: {  	v3 =	vadd.s32 $0x2800, v1;
	v2 =	vld [tilespmem:$0x28A0];
	_ =	sdelay $0x4  }
0x53: {  	[tilespmem:v3+s16+$0x0] =	vst.idx.add.f32.msk $0xffff, v2  }
0x54: {  	v3 =	vadd.s32 $0x5000, v1;
	v2 =	vld [tilespmem:$0x2920]  }
0x55: {  	v1 =	vadd.s32 $0x7800, v1;
	_ =	sdelay $0x3  }
0x56: {  	[tilespmem:v3+s16+$0x0] =	vst.idx.add.f32.msk $0xffff, v2  }
0x57: {  	[tilespmem:v1+s16+$0x0] =	vst.idx.add.f32.msk $0xffff, v0  }
0x58: {  	v1 =	vld [tilespmem:s26+$0xFFFFFFB0];
	_ =	sdelay $0x2  }
0x59: {  	v2 =	vld [tilespmem:$0x2830];
	_ =	sdelay $0x4  }
0x5a: {  	[tilespmem:v1+s16+$0x0] =	vst.idx.add.f32.msk $0xffff, v2  }
0x5b: {  	v3 =	vadd.s32 $0x2800, v1;
	v2 =	vld [tilespmem:$0x28B0];
	_ =	sdelay $0x4  }
0x5c: {  	[tilespmem:v3+s16+$0x0] =	vst.idx.add.f32.msk $0xffff, v2  }
0x5d: {  	v3 =	vadd.s32 $0x5000, v1;
	v2 =	vld [tilespmem:$0x2930]  }
0x5e: {  	v1 =	vadd.s32 $0x7800, v1;
	_ =	sdelay $0x3  }
0x5f: {  	[tilespmem:v3+s16+$0x0] =	vst.idx.add.f32.msk $0xffff, v2  }
0x60: {  	[tilespmem:v1+s16+$0x0] =	vst.idx.add.f32.msk $0xffff, v0  }
0x61: {  	v1 =	vld [tilespmem:s26+$0xFFFFFFC0];
	_ =	sdelay $0x2  }
0x62: {  	v2 =	vld [tilespmem:$0x2840];
	_ =	sdelay $0x4  }
0x63: {  	[tilespmem:v1+s16+$0x0] =	vst.idx.add.f32.msk $0xffff, v2  }
0x64: {  	v3 =	vadd.s32 $0x2800, v1;
	v2 =	vld [tilespmem:$0x28C0];
	_ =	sdelay $0x4  }
0x65: {  	[tilespmem:v3+s16+$0x0] =	vst.idx.add.f32.msk $0xffff, v2  }
0x66: {  	v3 =	vadd.s32 $0x5000, v1;
	v2 =	vld [tilespmem:$0x2940]  }
0x67: {  	v1 =	vadd.s32 $0x7800, v1;
	_ =	sdelay $0x3  }
0x68: {  	[tilespmem:v3+s16+$0x0] =	vst.idx.add.f32.msk $0xffff, v2  }
0x69: {  	[tilespmem:v1+s16+$0x0] =	vst.idx.add.f32.msk $0xffff, v0  }
0x6a: {  	v1 =	vld [tilespmem:s26+$0xFFFFFFD0];
	_ =	sdelay $0x2  }
0x6b: {  	v2 =	vld [tilespmem:$0x2850];
	_ =	sdelay $0x4  }
0x6c: {  	[tilespmem:v1+s16+$0x0] =	vst.idx.add.f32.msk $0xffff, v2  }
0x6d: {  	v3 =	vadd.s32 $0x2800, v1;
	v2 =	vld [tilespmem:$0x28D0];
	_ =	sdelay $0x4  }
0x6e: {  	[tilespmem:v3+s16+$0x0] =	vst.idx.add.f32.msk $0xffff, v2  }
0x6f: {  	v3 =	vadd.s32 $0x5000, v1;
	v2 =	vld [tilespmem:$0x2950]  }
0x70: {  	v1 =	vadd.s32 $0x7800, v1;
	_ =	sdelay $0x3  }
0x71: {  	[tilespmem:v3+s16+$0x0] =	vst.idx.add.f32.msk $0xffff, v2  }
0x72: {  	[tilespmem:v1+s16+$0x0] =	vst.idx.add.f32.msk $0xffff, v0  }
0x73: {  	v1 =	vld [tilespmem:s26+$0xFFFFFFE0];
	_ =	sdelay $0x2  }
0x74: {  	v2 =	vld [tilespmem:$0x2860];
	_ =	sdelay $0x4  }
0x75: {  	[tilespmem:v1+s16+$0x0] =	vst.idx.add.f32.msk $0xffff, v2  }
0x76: {  	v3 =	vadd.s32 $0x2800, v1;
	v2 =	vld [tilespmem:$0x28E0];
	_ =	sdelay $0x4  }
0x77: {  	[tilespmem:v3+s16+$0x0] =	vst.idx.add.f32.msk $0xffff, v2  }
0x78: {  	v3 =	vadd.s32 $0x5000, v1;
	v2 =	vld [tilespmem:$0x2960]  }
0x79: {  	v1 =	vadd.s32 $0x7800, v1;
	_ =	sdelay $0x3  }
0x7a: {  	[tilespmem:v3+s16+$0x0] =	vst.idx.add.f32.msk $0xffff, v2  }
0x7b: {  	[tilespmem:v1+s16+$0x0] =	vst.idx.add.f32.msk $0xffff, v0  }
0x7c: {  	v1 =	vld [tilespmem:s26+$0xFFFFFFF0];
	_ =	sdelay $0x2  }
0x7d: {  	v2 =	vld [tilespmem:$0x2870];
	_ =	sdelay $0x4  }
0x7e: {  	[tilespmem:v1+s16+$0x0] =	vst.idx.add.f32.msk $0xffff, v2  }
0x7f: {  	v3 =	vadd.s32 $0x2800, v1;
	v2 =	vld [tilespmem:$0x28F0];
	_ =	sdelay $0x4  }
0x80: {  	[tilespmem:v3+s16+$0x0] =	vst.idx.add.f32.msk $0xffff, v2  }
0x81: {  	v3 =	vadd.s32 $0x5000, v1;
	v2 =	vld [tilespmem:$0x2970]  }
0x82: {  	v1 =	vadd.s32 $0x7800, v1  }
.Ltmp4:
0x83: {  	_ = 	snop;
	(pc) =	sbr.rel @p0 .LBB2_4-.Ltmp4, $3  }
0x84: {  	_ =	sdelay $0x1  }
0x85: {  	[tilespmem:v3+s16+$0x0] =	vst.idx.add.f32.msk $0xffff, v2  }
0x86: {  	[tilespmem:v1+s16+$0x0] =	vst.idx.add.f32.msk $0xffff, v0  }
0x87: {  	_ =	swait.ge [sflag:s22], $0x80  }
0x88: {  	[sflag:s22] =	ssyncset.done $0x0  }
0x89: {  	[sflag:s22] =	ssyncadd.s32 $0xFFFFFF80  }
0x8a: {  	_ =	swait.ge [sflag:s22], $0x80  }
0x8b: {  	[sflag:s22] =	ssyncset.done $0x0  }
0x8c: {  	[sflag:s22] =	ssyncadd.s32 $0xFFFFFF80  }
0x8d: {  	_ =	swait.ge [sflag:s22], $0x80  }
0x8e: {  	[sflag:s22] =	ssyncset.done $0x0  }
0x8f: {  	s0 =	sadd.s32 s29, s10;
	[sflag:s22] =	ssyncadd.s32 $0xFFFFFF80  }
0x90: {  	[tilespmem:s18], [sflag:$0x1] =	stream.linear.gather [hbm4b:s0+s1], $0x80, $0x38;
	[tilespmem:$0xCC00] =	vst v63  }
0x91: {  	s30 =	sadd.s32 s29, s11  }
0x92: {  	[tilespmem:s19], [sflag:$0x1] =	stream.linear.gather [hbm4b:s30+s1], $0x80, $0x38;
	[tilespmem:$0xCC00] =	vst v63  }
0x93: {  	s31 =	sadd.s32 s29, s12  }
0x94: {  	[tilespmem:s20], [sflag:$0x1] =	stream.linear.gather [hbm4b:s31+s1], $0x80, $0x38;
	[tilespmem:$0xCC00] =	vst v63  }
0x95: {  	v1 =	vld [tilespmem:s26+$0x0];
	_ =	sdelay $0x2  }
0x96: {  	v2 =	vld [tilespmem:$0x2A00];
	_ =	sdelay $0x4  }
0x97: {  	[tilespmem:v1+s16+$0x0] =	vst.idx.add.f32.msk $0xffff, v2  }
0x98: {  	v3 =	vadd.s32 $0x2800, v1;
	v2 =	vld [tilespmem:$0x2A80];
	_ =	sdelay $0x4  }
0x99: {  	[tilespmem:v3+s16+$0x0] =	vst.idx.add.f32.msk $0xffff, v2  }
0x9a: {  	v3 =	vadd.s32 $0x5000, v1;
	v2 =	vld [tilespmem:$0x2B00]  }
0x9b: {  	v1 =	vadd.s32 $0x7800, v1;
	_ =	sdelay $0x3  }
0x9c: {  	[tilespmem:v3+s16+$0x0] =	vst.idx.add.f32.msk $0xffff, v2  }
0x9d: {  	[tilespmem:v1+s16+$0x0] =	vst.idx.add.f32.msk $0xffff, v0  }
0x9e: {  	v1 =	vld [tilespmem:s26+$0x10];
	_ =	sdelay $0x2  }
0x9f: {  	v2 =	vld [tilespmem:$0x2A10];
	_ =	sdelay $0x4  }
0xa0: {  	[tilespmem:v1+s16+$0x0] =	vst.idx.add.f32.msk $0xffff, v2  }
0xa1: {  	v3 =	vadd.s32 $0x2800, v1;
	v2 =	vld [tilespmem:$0x2A90];
	_ =	sdelay $0x4  }
0xa2: {  	[tilespmem:v3+s16+$0x0] =	vst.idx.add.f32.msk $0xffff, v2  }
0xa3: {  	v3 =	vadd.s32 $0x5000, v1;
	v2 =	vld [tilespmem:$0x2B10]  }
0xa4: {  	v1 =	vadd.s32 $0x7800, v1;
	_ =	sdelay $0x3  }
0xa5: {  	[tilespmem:v3+s16+$0x0] =	vst.idx.add.f32.msk $0xffff, v2  }
0xa6: {  	[tilespmem:v1+s16+$0x0] =	vst.idx.add.f32.msk $0xffff, v0  }
0xa7: {  	v1 =	vld [tilespmem:s26+$0x20];
	_ =	sdelay $0x2  }
0xa8: {  	v2 =	vld [tilespmem:$0x2A20];
	_ =	sdelay $0x4  }
0xa9: {  	[tilespmem:v1+s16+$0x0] =	vst.idx.add.f32.msk $0xffff, v2  }
0xaa: {  	v3 =	vadd.s32 $0x2800, v1;
	v2 =	vld [tilespmem:$0x2AA0];
	_ =	sdelay $0x4  }
0xab: {  	[tilespmem:v3+s16+$0x0] =	vst.idx.add.f32.msk $0xffff, v2  }
0xac: {  	v3 =	vadd.s32 $0x5000, v1;
	v2 =	vld [tilespmem:$0x2B20]  }
0xad: {  	v1 =	vadd.s32 $0x7800, v1;
	_ =	sdelay $0x3  }
0xae: {  	[tilespmem:v3+s16+$0x0] =	vst.idx.add.f32.msk $0xffff, v2  }
0xaf: {  	[tilespmem:v1+s16+$0x0] =	vst.idx.add.f32.msk $0xffff, v0  }
0xb0: {  	v1 =	vld [tilespmem:s26+$0x30];
	_ =	sdelay $0x2  }
0xb1: {  	v2 =	vld [tilespmem:$0x2A30];
	_ =	sdelay $0x4  }
0xb2: {  	[tilespmem:v1+s16+$0x0] =	vst.idx.add.f32.msk $0xffff, v2  }
0xb3: {  	v3 =	vadd.s32 $0x2800, v1;
	v2 =	vld [tilespmem:$0x2AB0];
	_ =	sdelay $0x4  }
0xb4: {  	[tilespmem:v3+s16+$0x0] =	vst.idx.add.f32.msk $0xffff, v2  }
0xb5: {  	v3 =	vadd.s32 $0x5000, v1;
	v2 =	vld [tilespmem:$0x2B30]  }
0xb6: {  	v1 =	vadd.s32 $0x7800, v1;
	_ =	sdelay $0x3  }
0xb7: {  	[tilespmem:v3+s16+$0x0] =	vst.idx.add.f32.msk $0xffff, v2  }
0xb8: {  	[tilespmem:v1+s16+$0x0] =	vst.idx.add.f32.msk $0xffff, v0  }
0xb9: {  	v1 =	vld [tilespmem:s26+$0x40];
	_ =	sdelay $0x2  }
0xba: {  	v2 =	vld [tilespmem:$0x2A40];
	_ =	sdelay $0x4  }
0xbb: {  	[tilespmem:v1+s16+$0x0] =	vst.idx.add.f32.msk $0xffff, v2  }
0xbc: {  	v3 =	vadd.s32 $0x2800, v1;
	v2 =	vld [tilespmem:$0x2AC0];
	_ =	sdelay $0x4  }
0xbd: {  	[tilespmem:v3+s16+$0x0] =	vst.idx.add.f32.msk $0xffff, v2  }
0xbe: {  	v3 =	vadd.s32 $0x5000, v1;
	v2 =	vld [tilespmem:$0x2B40]  }
0xbf: {  	v1 =	vadd.s32 $0x7800, v1;
	_ =	sdelay $0x3  }
0xc0: {  	[tilespmem:v3+s16+$0x0] =	vst.idx.add.f32.msk $0xffff, v2  }
0xc1: {  	[tilespmem:v1+s16+$0x0] =	vst.idx.add.f32.msk $0xffff, v0  }
0xc2: {  	v1 =	vld [tilespmem:s26+$0x50];
	_ =	sdelay $0x2  }
0xc3: {  	v2 =	vld [tilespmem:$0x2A50];
	_ =	sdelay $0x4  }
0xc4: {  	[tilespmem:v1+s16+$0x0] =	vst.idx.add.f32.msk $0xffff, v2  }
0xc5: {  	v3 =	vadd.s32 $0x2800, v1;
	v2 =	vld [tilespmem:$0x2AD0];
	_ =	sdelay $0x4  }
0xc6: {  	[tilespmem:v3+s16+$0x0] =	vst.idx.add.f32.msk $0xffff, v2  }
0xc7: {  	v3 =	vadd.s32 $0x5000, v1;
	v2 =	vld [tilespmem:$0x2B50]  }
0xc8: {  	v1 =	vadd.s32 $0x7800, v1;
	_ =	sdelay $0x3  }
0xc9: {  	[tilespmem:v3+s16+$0x0] =	vst.idx.add.f32.msk $0xffff, v2  }
0xca: {  	[tilespmem:v1+s16+$0x0] =	vst.idx.add.f32.msk $0xffff, v0  }
0xcb: {  	v1 =	vld [tilespmem:s26+$0x60];
	_ =	sdelay $0x2  }
0xcc: {  	v2 =	vld [tilespmem:$0x2A60];
	_ =	sdelay $0x4  }
0xcd: {  	[tilespmem:v1+s16+$0x0] =	vst.idx.add.f32.msk $0xffff, v2  }
0xce: {  	v3 =	vadd.s32 $0x2800, v1;
	v2 =	vld [tilespmem:$0x2AE0];
	_ =	sdelay $0x4  }
0xcf: {  	[tilespmem:v3+s16+$0x0] =	vst.idx.add.f32.msk $0xffff, v2  }
0xd0: {  	v3 =	vadd.s32 $0x5000, v1;
	v2 =	vld [tilespmem:$0x2B60]  }
0xd1: {  	v1 =	vadd.s32 $0x7800, v1;
	_ =	sdelay $0x3  }
0xd2: {  	[tilespmem:v3+s16+$0x0] =	vst.idx.add.f32.msk $0xffff, v2  }
0xd3: {  	[tilespmem:v1+s16+$0x0] =	vst.idx.add.f32.msk $0xffff, v0  }
0xd4: {  	v1 =	vld [tilespmem:s26+$0x70];
	_ =	sdelay $0x2  }
0xd5: {  	v2 =	vld [tilespmem:$0x2A70];
	_ =	sdelay $0x4  }
0xd6: {  	[tilespmem:v1+s16+$0x0] =	vst.idx.add.f32.msk $0xffff, v2  }
0xd7: {  	v3 =	vadd.s32 $0x2800, v1;
	v2 =	vld [tilespmem:$0x2AF0];
	_ =	sdelay $0x4  }
0xd8: {  	[tilespmem:v3+s16+$0x0] =	vst.idx.add.f32.msk $0xffff, v2  }
0xd9: {  	v3 =	vadd.s32 $0x5000, v1;
	v2 =	vld [tilespmem:$0x2B70]  }
0xda: {  	v1 =	vadd.s32 $0x7800, v1  }
.Ltmp5:
0xdb: {  	_ = 	snop;
	(pc) =	sbr.rel .LBB2_4-.Ltmp5, $3  }
0xdc: {  	_ =	sdelay $0x1  }
0xdd: {  	[tilespmem:v3+s16+$0x0] =	vst.idx.add.f32.msk $0xffff, v2  }
0xde: {  	[tilespmem:v1+s16+$0x0] =	vst.idx.add.f32.msk $0xffff, v0  }
.LBB2_6:
0xdf: {  	_ =	sfence.sel $0x180000  }
0xe0: {  	[bflag:$0x0] =	sbarrier.arrive $0xFFFF  }
0xe1: {  	_ =	strace $0x9000004A  }
0xe2: {  	[bflag:$0x2] =	sbarrier.arrive $0xFFFF  }
0xe3: {  	p0 =	sne.s32 s2, $0x0;
	s0 =	rddreg [dreg:$0x2]  }
0xe4: {  	s0 =	sadd.s32 @!p0 $0x100000, s0  }
0xe5: {  	[sflag:s0] =	ssyncadd.tile.s32 @!p0 $0x1;
	_ =	shalt  }
.Lfunc_end2:
_tile_overlayer_lowered:
.L_overlay_start_2:
0xe6: {  	(tag) =	ssettag $0x2  }
0xe7: {  	s0 =	rddreg [dreg:$0x0];
	s2 =	stileid.u32  }
0xe8: {  	s1 =	rddreg [dreg:$0x1];
	p0 =	sne.s32 s2, $0x0  }
0xe9: {  	s3 =	rddreg [dreg:$0x2];
	[bflag:$0x3] =	sbarrier.arrive $0xFFFF;
	s2 =	simm.s32 @!p0 $0x1C03  }
0xea: {  	[timem:s3], [sflag:s2] =	dma.local @!p0 [hbm:s0], s1  }
0xeb: {  	s0 =	simm.s32 @!p0 $0x3  }
0xec: {  	_ =	swait.ge @!p0 [sflag:s0], s1  }
0xed: {  	s1 =	ssub.s32 @!p0 $0x0, s1;
	[sflag:s0] =	ssyncset.done @!p0 $0x0  }
0xee: {  	[sflag:s0] =	ssyncadd.s32 @!p0 s1  }
0xef: {  	[bflag:$0x3] =	sbarrier.arrive $0xFFFF  }
0xf0: {  	_ =	shalt  }

// kernel: kernel.8.cloned.1.call-start
scs
__scs_entry_jumppad:
0x0: {  	(pc) =	sbr.rel $0x88, $3  }
0x1: {  	(tag) =	ssettag $0x0;
	lr =	simm.s32 $0x1  }
0x2: {  	[smem:$0x3F93] =	sst lr;
	_ =	strace $0xD0000000  }
0x3: {  	_ = 	snop  }
0x4: {  	_ = 	snop  }
0x5: {  	_ = 	snop  }
0x6: {  	_ = 	snop  }
0x7: {  	_ = 	snop  }
__scs_overlays_trampoline_lowered:
0x8: {  	[smem:$0x3FA2] =	sst s0  }
0x9: {  	[smem:$0x3FA3] =	sst s1  }
0xa: {  	[smem:$0x3FA4] =	sst s2  }
0xb: {  	[smem:$0x3FA5] =	sst s3  }
0xc: {  	[smem:$0x3FA6] =	sst s4  }
0xd: {  	[smem:$0x3FA7] =	sst s5  }
0xe: {  	[smem:$0x3FA8] =	sst s6  }
0xf: {  	[smem:$0x3FA9] =	sst s7  }
0x10: {  	[smem:$0x3FAA] =	sst s8  }
0x11: {  	[smem:$0x3FAB] =	sst s9;
	s0 =	simm.s32 @!p0 $0x0  }
0x12: {  	s1 =	sld [smem:$0x3F91];
	s0 =	simm.s32 @p0 $0x1  }
0x13: {  	[smem:$0x3FAC] =	sst s0;
	s0 =	simm.s32 @!p1 $0x0  }
0x14: {  	s2 =	sld [smem:$0x3F90];
	s0 =	simm.s32 @p1 $0x1  }
0x15: {  	[smem:$0x3FAD] =	sst s0;
	s0 =	simm.s32 @!p2 $0x0  }
0x16: {  	s3 =	sld [smem:$0x3FDB];
	s0 =	simm.s32 @p2 $0x1  }
0x17: {  	s4 =	simm.s32 $0x1BF5;
	[smem:$0x3FAF] =	sst s0  }
0x18: {  	s0 =	sld [smem:$0x3F92];
	_ =	swait.ge [sflag:s4], $0x0  }
0x19: {  	s7 =	sld [smem:$0x3F93]  }
0x1a: {  	s8 =	sadd.s32 $0xFFFFE003, lr  }
0x1b: {  	s9 =	sadd.s32 $0xFFFFFEF7, lr;
	s5 =	simm.s32 $0xFFFFFFFF;
	p2 =	slt.u32 s8, $0xFFFFF086  }
0x1c: {  	p1 =	slt.u32 s9, $0xF7A;
	s5 =	simm.s32 @!p2 $0x0  }
0x1d: {  	s5 =	simm.s32 @p1 $0x1;
	p0 =	seq.s32 s7, s2  }
0x1e: {  	s7 =	smul.u32 @!p0 $0xF7A, s2;
	p2 =	seq.s32 @!p0 s5, $0x0  }
0x1f: {  	s9 =	smul.u32 $0xF7A, s1;
	s8 =	simm.s32 @!p0 $0x1BF5;
	p2 =	por !p2, p0  }
0x20: {  	[sflag:s8] =	ssyncset.s32 @!p0 $0xFFFFF086;
	s6 =	sadd.s32 @!p0 s3, s7;
	s7 =	simm.s32 @!p0 $0x108  }
0x21: {  	s3 =	sadd.s32 s3, s9;
	s6 =	sadd.s32 @!p0 $0x88, s6;
	s7 =	simm.s32 @p2 $0x1082  }
0x22: {  	[simem:s7], [sflag:s8] =	dma.local @!p0 [hbm:s6], $0xF7A  }
0x23: {  	s9 =	sor.u32 $0xD0000000, s2;
	s6 =	simm.s32 $0x108;
	_ =	swait.ge @!p0 [sflag:s8], $0x0  }
0x24: {  	s3 =	sadd.s32 $0x88, s3;
	s6 =	simm.s32 @!p1 $0x1082;
	[sflag:s4] =	ssyncset.s32 $0xFFFFF086  }
0x25: {  	[simem:s6], [sflag:s4] =	dma.local [hbm:s3], $0xF7A  }
0x26: {  	[smem:$0x3F93] =	sst s1;
	(tag) =	ssettag s2;
	_ =	strace s9  }
0x27: {  	s1 =	sld [smem:$0x3FA3]  }
0x28: {  	s2 =	sld [smem:$0x3FA4]  }
0x29: {  	s4 =	sld [smem:$0x3FA6]  }
0x2a: {  	p0 =	seq.s32 s5, $0x0;
	s5 =	sld [smem:$0x3FA7]  }
0x2b: {  	s6 =	sld [smem:$0x3FA8]  }
0x2c: {  	s7 =	sld [smem:$0x3FA9]  }
0x2d: {  	s3 =	simm.s32 $0x108;
	s8 =	sld [smem:$0x3FAA]  }
0x2e: {  	s3 =	simm.s32 @!p0 $0x1082;
	s9 =	sld [smem:$0x3FAB]  }
0x2f: {  	lr =	sadd.s32 s0, s3;
	s0 =	sld [smem:$0x3FA2]  }
0x30: {  	s3 =	sld [smem:$0x3FA5]  }
0x31: {  	[smem:$0x3FAE] =	sst s10  }
0x32: {  	s10 =	sld [smem:$0x3FAC];
	_ =	sdelay $0x3  }
0x33: {  	p0 =	seq.s32 s10, $0x1;
	s10 =	sld [smem:$0x3FAE];
	_ =	sdelay $0x3  }
0x34: {  	[smem:$0x3FAE] =	sst s10  }
0x35: {  	s10 =	sld [smem:$0x3FAD];
	_ =	sdelay $0x3  }
0x36: {  	p1 =	seq.s32 s10, $0x1;
	s10 =	sld [smem:$0x3FAE];
	_ =	sdelay $0x3  }
0x37: {  	[smem:$0x3FAE] =	sst s10  }
0x38: {  	s10 =	sld [smem:$0x3FAF]  }
0x39: {  	_ = 	snop;
	(pc) =	sbr.ind lr, $3  }
0x3a: {  	_ = 	snop  }
0x3b: {  	_ = 	snop  }
0x3c: {  	p2 =	seq.s32 s10, $0x1;
	s10 =	sld [smem:$0x3FAE]  }
0x3d: {  	_ =	shalt  }
0x3e: {  	_ =	shalt  }
0x3f: {  	_ =	shalt  }
0x40: {  	_ =	shalt  }
0x41: {  	_ =	shalt  }
0x42: {  	_ =	shalt  }
0x43: {  	_ =	shalt  }
0x44: {  	_ =	shalt  }
0x45: {  	_ =	shalt  }
0x46: {  	_ =	shalt  }
0x47: {  	_ =	shalt  }
0x48: {  	_ =	shalt  }
0x49: {  	_ =	shalt  }
0x4a: {  	_ =	shalt  }
0x4b: {  	_ =	shalt  }
0x4c: {  	_ =	shalt  }
0x4d: {  	_ =	shalt  }
0x4e: {  	_ =	shalt  }
0x4f: {  	_ =	shalt  }
0x50: {  	_ =	shalt  }
0x51: {  	_ =	shalt  }
0x52: {  	_ =	shalt  }
0x53: {  	_ =	shalt  }
0x54: {  	_ =	shalt  }
0x55: {  	_ =	shalt  }
0x56: {  	_ =	shalt  }
0x57: {  	_ =	shalt  }
0x58: {  	_ =	shalt  }
0x59: {  	_ =	shalt  }
0x5a: {  	_ =	shalt  }
0x5b: {  	_ =	shalt  }
0x5c: {  	_ =	shalt  }
0x5d: {  	_ =	shalt  }
0x5e: {  	_ =	shalt  }
0x5f: {  	_ =	shalt  }
0x60: {  	_ =	shalt  }
0x61: {  	_ =	shalt  }
0x62: {  	_ =	shalt  }
0x63: {  	_ =	shalt  }
0x64: {  	_ =	shalt  }
0x65: {  	_ =	shalt  }
0x66: {  	_ =	shalt  }
0x67: {  	_ =	shalt  }
0x68: {  	_ =	shalt  }
0x69: {  	_ =	shalt  }
0x6a: {  	_ =	shalt  }
0x6b: {  	_ =	shalt  }
0x6c: {  	_ =	shalt  }
0x6d: {  	_ =	shalt  }
0x6e: {  	_ =	shalt  }
0x6f: {  	_ =	shalt  }
0x70: {  	_ =	shalt  }
0x71: {  	_ =	shalt  }
0x72: {  	_ =	shalt  }
0x73: {  	_ =	shalt  }
0x74: {  	_ =	shalt  }
0x75: {  	_ =	shalt  }
0x76: {  	_ =	shalt  }
0x77: {  	_ =	shalt  }
0x78: {  	_ =	shalt  }
0x79: {  	_ =	shalt  }
0x7a: {  	_ =	shalt  }
0x7b: {  	_ =	shalt  }
0x7c: {  	_ =	shalt  }
0x7d: {  	_ =	shalt  }
0x7e: {  	_ =	shalt  }
0x7f: {  	_ =	shalt  }
0x80: {  	_ =	shalt  }
0x81: {  	_ =	shalt  }
0x82: {  	_ =	shalt  }
0x83: {  	_ =	shalt  }
0x84: {  	_ =	shalt  }
0x85: {  	_ =	shalt  }
0x86: {  	_ =	shalt  }
0x87: {  	_ =	shalt  }
.Lfunc_end0:
.L_simem_size_0:
called_computation_lowered:
.L_overlay_start_0:
0x88: {  	s2 =	sld [smem:$0x3FD9]  }
0x89: {  	s3 =	sld [smem:$0x3FFE];
	_ =	sdelay $0x1  }
0x8a: {  	s1 =	srdreg.scid  }
0x8b: {  	s0 =	sand.u32 $0x1, s1  }
0x8c: {  	s14 =	sshll.u32 s0, $0xA;
	s2 =	sadd.s32 s3, s2  }
0x8d: {  	s2 =	sadd.s32 s2, s14  }
0x8e: {  	[smem:$0x3FBA] =	sst s2  }
0x8f: {  	_ = 	snop  }
0x90: {  	s2 =	sld [smem:$0x3FD0];
	_ =	sdelay $0x2  }
0x91: {  	s15 =	simm.s32 $0xB;
	s4 =	simm.s32 $0x10  }
0x92: {  	[smem:s4], [sflag:s15] =	dma.local [hbm:s2], $0x1  }
0x93: {  	_ =	swait.eq [sflag:s15], $0x1  }
0x94: {  	[sflag:s15] =	ssyncset.done $0x0  }
0x95: {  	[sflag:s15] =	ssyncadd.s32 $0xFFFFFFFF  }
0x96: {  	s16 =	sld [smem:$0x10];
	(tm) =	ssettm $0x1  }
0x97: {  	s17 =	sld [smem:$0x3FFB];
	_ =	sdelay $0x3  }
0x98: {  	_ =	strace s17  }
0x99: {  	s3 =	sld [smem:$0x3FFC];
	_ =	sdelay $0x3  }
0x9a: {  	_ =	strace s3  }
0x9b: {  	s3 =	sld [smem:$0x3FFD];
	_ =	sdelay $0x3  }
0x9c: {  	_ =	strace s3  }
0x9d: {  	_ =	strace $0x8FFFFFFF  }
0x9e: {  	s18 =	sld [smem:$0x3FDB];
	_ =	sdelay $0x1  }
0x9f: {  	s19 =	simm.s32 $_scs_section_size  }
0xa0: {  	s5 =	simm.s32 $_size__tile_overlayer_lowered;
	s6 =	simm.s32 $_tile_overlayer_lowered  }
0xa1: {  	s22 =	simm.s32 $0x1BFF;
	s21 =	sshll.u32 s6, $0x1;
	s3 =	sadd.s32 s19, s18  }
0xa2: {  	s7 =	simm.s32 $0x0;
	s20 =	sshll.u32 s5, $0x1;
	s5 =	sadd.s32 s21, s3  }
0xa3: {  	[timem:s7], [sflag:s22] =	dma.local [hbm:s5], s20  }
0xa4: {  	_ =	swait.ge [sflag:s22], s20  }
0xa5: {  	s4 =	ssub.s32 $0x0, s20;
	[sflag:s22] =	ssyncset.done $0x0  }
0xa6: {  	[sflag:s22] =	ssyncadd.s32 s4;
	_ =	sdelay $0x1  }
0xa7: {  	s23 =	simm.s32 $0x1B8B  }
0xa8: {  	_ =	swait.ge [sflag:s23], $0x1  }
0xa9: {  	[sflag:s23] =	ssyncset.done $0x0  }
0xaa: {  	s25 =	simm.s32 $0x1B8E;
	s24 =	sld [smem:$0x3FFE];
	[sflag:s23] =	ssyncadd.s32 $0xFFFFFFFF  }
0xab: {  	s26 =	simm.s32 $execute0_lowered;
	[smem:$0x3FD2] =	sst s25  }
0xac: {  	s5 =	sshll.u32 s26, $0x1;
	_ =	strace $0x80000046;
	[dreg:$0x1] =	wrdreg $0xFFFFFFFF  }
0xad: {  	s28 =	simm.s32 $_size_execute0_lowered;
	s3 =	sadd.s32 s3, s5;
	[dreg:$0x0] =	wrdreg $0x0  }
0xae: {  	s5 =	sshll.u32 s28, $0x1;
	[dreg:$0x2] =	wrdreg s3  }
0xaf: {  	[dreg:$0x3] =	wrdreg s5  }
0xb0: {  	[dreg:$0x4] =	wrdreg $0xC0  }
0xb1: {  	_ =	task [dreg:s7], $0x5FFFF  }
0xb2: {  	[dreg:$0x1] =	wrdreg $0xFFFFFFFF  }
0xb3: {  	[dreg:$0x0] =	wrdreg $0x60  }
0xb4: {  	[dreg:$0x2] =	wrdreg s24  }
0xb5: {  	[dreg:$0x3] =	wrdreg s16  }
0xb6: {  	[dreg:$0x4] =	wrdreg $0x9  }
0xb7: {  	_ =	task.clear_ibuf [dreg:s7], $0x5FFFF;
	_ =	strace $0x90000046  }
0xb8: {  	s29 =	simm.s32 $0x9;
	_ =	strace $0x80000048  }
0xb9: {  	_ =	swait.ge [sflag:s29], $0x1  }
0xba: {  	[sflag:s29] =	ssyncadd.s32 $0xFFFFFFFF  }
0xbb: {  	_ =	strace $0x90000048  }
0xbc: {  	_ =	sfence  }
0xbd: {  	s30 =	sld [smem:$0x0];
	_ =	sdelay $0x2  }
0xbe: {  	s31 =	sshll.u32 s1, $0xD;
	s1 =	sshrl.u32 s1, $0x2  }
0xbf: {  	s3 =	sand.u32 $0x4000, s31;
	s1 =	sadd.s32 s1, s30  }
0xc0: {  	s0 =	sor.u32 s3, s0;
	s1 =	sshll.u32 s1, $0x11  }
0xc1: {  	s0 =	sor.u32 s1, s0  }
0xc2: {  	s0 =	sadd.s32 $0x8F2B, s0  }
0xc3: {  	[sflag:s0] =	ssyncadd.remote.s32 $0x1  }
0xc4: {  	_ =	sfence.sel $0xFFFF  }
0xc5: {  	[dreg:$0x0] =	wrdreg $0xFFFFFFFF;
	(pc) =	sbr.abs _section_cstart, $3  }
0xc6: {  	[dreg:$0x1] =	wrdreg $0xFFFFFFFF  }
0xc7: {  	_ =	task.clear_ibuf [dreg:s7], $0x2FFFF;
	_ =	strace $0x9FFFFFFF  }
0xc8: {  	(tm) =	ssettm $0x7FFFFFFF  }
0xc9: {  	_ =	shalt  }
tec
execute0_lowered:
.L_overlay_start_1:
0x0: {  	(tag) =	ssettag $0x1  }
0x1: {  	s0 =	rddreg [dreg:$0x0]  }
0x2: {  	s1 =	srdreg.scid;
	s17 =	stileid.u32  }
0x3: {  	s5 =	rddreg [dreg:$0x1];
	s2 =	simm.s32 $0x0;
	s28 =	simm.s32 $0x17080  }
0x4: {  	s29 =	simm.s32 $0x17100;
	s30 =	simm.s32 $0x17180;
	s31 =	simm.s32 $0x2  }
0x5: {  	s1 =	sand.u32 $0x1, s1;
	s3 =	sshll.u32 s17, $0x1;
	s10 =	smul.u32 $0x4F000, s17  }
0x6: {  	[smem:$0x7FF] =	sst s2;
	s4 =	sadd.s32 $0x60E00, s0;
	s15 =	smul.u32 $0x9E0, s17  }
0x7: {  	s8 =	sadd.s32 $0x2DA00, s0;
	s25 =	sadd.s32 $0xB0600, s0;
	s19 =	smul.u32 $0x9E, s17  }
0x8: {  	s9 =	sadd.s32 $0x88E00, s0;
	s14 =	sadd.s32 $0x92C00, s0;
	s12 =	smul.u32 $0x27800, s1  }
0x9: {  	s16 =	sadd.s32 $0x9CA00, s0;
	s3 =	sor.u32 s1, s3;
	s26 =	smul.u32 $0x4F0, s1  }
0xa: {  	_ =	strace $0x80000047;
	s11 =	ssub.s32 $0x2, s1;
	s1 =	smul.u32 $0x4F, s1  }
0xb: {  	[dreg:$0x3] =	wrdreg s8;
	s6 =	smul.u32 $0x500, s3;
	s3 =	sadd.s32 $0x38E00, s0  }
0xc: {  	s13 =	sshrl.u32 s11, $0x1;
	s20 =	sadd.s32 s10, s25;
	s21 =	sadd.s32 s15, s9  }
0xd: {  	s22 =	sadd.s32 s15, s14;
	s23 =	sadd.s32 s15, s16;
	s11 =	ssub.s32 s11, s13  }
0xe: {  	s10 =	sadd.s32 s26, s21;
	s1 =	sadd.s32 s1, s19;
	s21 =	simm.s32 $0x5000  }
0xf: {  	s7 =	sadd.s32 s6, s0;
	s0 =	sadd.s32 $0xA6800, s0;
	s5 =	sadd.s32 s5, s6  }
0x10: {  	s18 =	smax.u32 s11, $0x1;
	s11 =	sadd.s32 s26, s22;
	s6 =	sshll.u32 s1, $0xB  }
0x11: {  	s1 =	sshll.u32 s1, $0x4;
	s22 =	simm.s32 $0x80;
	[dreg:$0x4] =	wrdreg s5  }
0x12: {  	s13 =	sadd.s32 $0x2EE00, s7;
	[dreg:$0x6] =	wrdreg s18;
	s7 =	sadd.s32 s12, s20  }
0x13: {  	s12 =	sadd.s32 s26, s23;
	s24 =	sadd.s32 s15, s0;
	s6 =	sadd.s32 s25, s6  }
0x14: {  	s1 =	sadd.s32 $0x10, s1;
	s23 =	simm.s32 $0xF000;
	[dreg:$0x5] =	wrdreg s13  }
0x15: {  	s20 =	simm.s32 $0x4;
	[dreg:$0x7] =	wrdreg s7;
	s13 =	sadd.s32 s26, s24  }
.Ltmp0:
0x16: {  	s25 =	sadd.s32 $0x800, s6;
	s0 =	sadd.s32 s1, s0;
	(pc) =	sbr.rel .LBB2_1-.Ltmp0, $4  }
0x17: {  	s26 =	sadd.s32 s1, s16;
	s17 =	sadd.s32 s1, s14;
	[dreg:$0x8] =	wrdreg s25  }
0x18: {  	s18 =	sadd.s32 s1, s9;
	s24 =	simm.s32 $0x1;
	[dreg:$0x9] =	wrdreg s0  }
0x19: {  	s1 =	simm.s32 $0x13000;
	s7 =	simm.s32 $0x0;
	[dreg:$0xa] =	wrdreg s26  }
0x1a: {  	s25 =	simm.s32 $0x3;
	s26 =	simm.s32 $0x17000;
	s0 =	simm.s32 $0x5  }
.LBB2_5:
0x1b: {  	_ =	swait.ge [sflag:s0], $0x4000  }
0x1c: {  	[sflag:s0] =	ssyncset.done $0x0  }
0x1d: {  	[sflag:s0] =	ssyncadd.s32 $0xFFFFC000  }
0x1e: {  	_ =	swait.ge [sflag:s0], $0x80  }
0x1f: {  	[sflag:s0] =	ssyncset.done $0x0  }
0x20: {  	[sflag:s0] =	ssyncadd.s32 $0xFFFFFF80  }
0x21: {  	_ =	swait.ge [sflag:s0], $0x80  }
0x22: {  	[sflag:s0] =	ssyncset.done $0x0  }
0x23: {  	[sflag:s0] =	ssyncadd.s32 $0xFFFFFF80  }
0x24: {  	_ =	swait.ge [sflag:s0], $0x80  }
0x25: {  	[sflag:s0] =	ssyncset.done $0x0  }
0x26: {  	[sflag:s0] =	ssyncadd.s32 $0xFFFFFF80  }
0x27: {  	_ =	swait.ge [sflag:s0], $0x80  }
0x28: {  	[sflag:s0] =	ssyncset.done $0x0  }
0x29: {  	s6 =	simm.s32 $0x6;
	[sflag:s0] =	ssyncadd.s32 $0xFFFFFF80  }
0x2a: {  	_ =	swait.ge [sflag:s6], $0x4000  }
0x2b: {  	[sflag:s6] =	ssyncset.done $0x0  }
0x2c: {  	[sflag:s6] =	ssyncadd.s32 $0xFFFFC000  }
0x2d: {  	_ =	swait.ge [sflag:s6], $0x80  }
0x2e: {  	[sflag:s6] =	ssyncset.done $0x0  }
0x2f: {  	[sflag:s6] =	ssyncadd.s32 $0xFFFFFF80  }
0x30: {  	_ =	swait.ge [sflag:s6], $0x80  }
0x31: {  	[sflag:s6] =	ssyncset.done $0x0  }
0x32: {  	[sflag:s6] =	ssyncadd.s32 $0xFFFFFF80  }
0x33: {  	_ =	swait.ge [sflag:s6], $0x80  }
0x34: {  	[sflag:s6] =	ssyncset.done $0x0  }
0x35: {  	[sflag:s6] =	ssyncadd.s32 $0xFFFFFF80  }
0x36: {  	_ =	swait.ge [sflag:s6], $0x80  }
0x37: {  	s7 =	rddreg [dreg:$0xb]  }
0x38: {  	s5 =	rddreg [dreg:$0x6];
	s7 =	sadd.s32 $0x1, s7  }
0x39: {  	p0 =	sne.s32 s7, s5  }
.Ltmp1:
0x3a: {  	_ = 	snop;
	(pc) =	sbr.rel @!p0 .LBB2_6-.Ltmp1, $3  }
0x3b: {  	_ =	sdelay $0x1  }
0x3c: {  	[sflag:s6] =	ssyncset.done $0x0  }
0x3d: {  	[sflag:s6] =	ssyncadd.s32 $0xFFFFFF80  }
.LBB2_1:
0x3e: {  	[dreg:$0xb] =	wrdreg s7  }
0x3f: {  	s5 =	rddreg [dreg:$0x4];
	s6 =	simm.s32 $0x7  }
0x40: {  	[tilespmem:s2], [sflag:$0x7] =	stream.linear.gather [hbm4b:s5+s2], $0x2780, $0x38;
	[tilespmem:$0x17400] =	vst v63  }
0x41: {  	_ =	swait.ge [sflag:s6], $0x2780  }
0x42: {  	[sflag:s6] =	ssyncset.done $0x0  }
0x43: {  	s16 =	simm.s32 $0x2800;
	s15 =	rddreg [dreg:$0x5];
	[sflag:s6] =	ssyncadd.s32 $0xFFFFD880  }
0x44: {  	[tilespmem:s16], [sflag:$0x7] =	stream.linear.gather [hbm4b:s15+s2], $0x2780, $0x38;
	[tilespmem:$0x17400] =	vst v63  }
0x45: {  	_ =	swait.ge [sflag:s6], $0x2780  }
0x46: {  	[sflag:s6] =	ssyncset.done $0x0  }
0x47: {  	s19 =	rddreg [dreg:$0x3];
	[sflag:s6] =	ssyncadd.s32 $0xFFFFD880  }
0x48: {  	[tilespmem:s21], [sflag:$0x7] =	stream.linear.gather [hbm4b:s19+s2], $0xA000, $0x38;
	[tilespmem:$0x17400] =	vst v63  }
.Ltmp2:
0x49: {  	_ = 	snop;
	(pc) =	sbr.rel .LBB2_2-.Ltmp2, $4  }
0x4a: {  	s14 =	simm.s32 $0x1;
	_ =	swait.ge [sflag:s6], $0xA000  }
0x4b: {  	s5 =	simm.s32 $0x0;
	[sflag:s6] =	ssyncset.done $0x0;
	s19 =	rddreg [dreg:$0x8]  }
0x4c: {  	s9 =	rddreg [dreg:$0x7];
	[sflag:s6] =	ssyncadd.s32 $0xFFFF6000;
	s6 =	simm.s32 $0x0  }
0x4d: {  	[tilespmem:s23], [sflag:$0x1] =	stream.indirect.gather [hbm4b:s3+s22], $0x80, s2, s22, $0xb8;
	[tilespmem:$0x17400] =	vst v63  }
.LBB2_4:
0x4e: {  	s6 =	sadd.s32 $0x20, s6  }
0x4f: {  	p0 =	sne.s32 s6, $0x500  }
.Ltmp3:
0x50: {  	_ = 	snop;
	(pc) =	sbr.rel @!p0 .LBB2_5-.Ltmp3, $3  }
0x51: {  	_ =	sdelay $0x1  }
0x52: {  	s5 =	sadd.s32 $0x400, s5  }
0x53: {  	s9 =	sadd.s32 $0x1000, s9;
	s14 =	sadd.s32 $0x2, s14;
	s19 =	sadd.s32 $0x1000, s19  }
.LBB2_2:
0x54: {  	s7 =	sshra.s32 s5, $0x2  }
0x55: {  	v0 =	vld [tilespmem:s7+$0x0]  }
0x56: {  	v1 =	vld [tilespmem:s7+$0x2800];
	_ =	sdelay $0x3  }
0x57: {  	v0 =	vshll.u32 v0, $0x2  }
0x58: {  	v1 =	vshll.u32 v1, $0x2;
	_ =	sdelay $0x3  }
0x59: {  	v2 =	vld.idx.msk [tilespmem:v0+s21+$0x0], $0xffff  }
0x5a: {  	v3 =	vld.idx.msk [tilespmem:v1+s21+$0x0], $0xffff;
	_ =	sdelay $0x2  }
0x5b: {  	v4 =	vor.u32 $0x1, v0  }
0x5c: {  	v5 =	vor.u32 $0x1, v1  }
0x5d: {  	v2 =	vsub.f32 v2, v3;
	_ =	sdelay $0x1  }
0x5e: {  	[tilespmem:$0x17000] =	vst v2  }
0x5f: {  	v62 =	vld.idx.msk [tilespmem:v4+s21+$0x0], $0xffff  }
0x60: {  	v63 =	vld.idx.msk [tilespmem:v5+s21+$0x0], $0xffff;
	_ =	sdelay $0x2  }
0x61: {  	v0 =	vor.u32 $0x2, v0  }
0x62: {  	v1 =	vor.u32 $0x2, v1  }
0x63: {  	v3 =	vsub.f32 v62, v63;
	_ =	sdelay $0x1  }
0x64: {  	[tilespmem:$0x17080] =	vst v3  }
0x65: {  	v0 =	vld.idx.msk [tilespmem:v0+s21+$0x0], $0xffff  }
0x66: {  	v1 =	vld.idx.msk [tilespmem:v1+s21+$0x0], $0xffff;
	_ =	sdelay $0x4  }
0x67: {  	v2 =	vmul.f32 v2, v2;
	v3 =	vmul.f32 v3, v3;
	v0 =	vsub.f32 v0, v1;
	_ =	sdelay $0x1  }
0x68: {  	v6 =	vadd.f32 v3, v2;
	v7 =	vmul.f32 v0, v0;
	_ =	sdelay $0x1  }
0x69: {  	v1 =	vadd.f32 v7, v6  }
0x6a: {  	[tilespmem:$0x17100] =	vst v0  }
0x6b: {  	[tilespmem:$0x17180] =	vst v1  }
0x6c: {  	v0 =	vld [tilespmem:s7+$0x10]  }
0x6d: {  	v1 =	vld [tilespmem:s7+$0x2810];
	_ =	sdelay $0x3  }
0x6e: {  	v0 =	vshll.u32 v0, $0x2  }
0x6f: {  	v1 =	vshll.u32 v1, $0x2;
	_ =	sdelay $0x3  }
0x70: {  	v8 =	vld.idx.msk [tilespmem:v0+s21+$0x0], $0xffff  }
0x71: {  	v9 =	vld.idx.msk [tilespmem:v1+s21+$0x0], $0xffff;
	_ =	sdelay $0x2  }
0x72: {  	v10 =	vor.u32 $0x1, v0  }
0x73: {  	v11 =	vor.u32 $0x1, v1  }
0x74: {  	v2 =	vsub.f32 v8, v9;
	_ =	sdelay $0x1  }
0x75: {  	[tilespmem:$0x17010] =	vst v2  }
0x76: {  	v12 =	vld.idx.msk [tilespmem:v10+s21+$0x0], $0xffff  }
0x77: {  	v13 =	vld.idx.msk [tilespmem:v11+s21+$0x0], $0xffff;
	_ =	sdelay $0x2  }
0x78: {  	v0 =	vor.u32 $0x2, v0  }
0x79: {  	v1 =	vor.u32 $0x2, v1  }
0x7a: {  	v3 =	vsub.f32 v12, v13;
	_ =	sdelay $0x1  }
0x7b: {  	[tilespmem:$0x17090] =	vst v3  }
0x7c: {  	v0 =	vld.idx.msk [tilespmem:v0+s21+$0x0], $0xffff  }
0x7d: {  	v1 =	vld.idx.msk [tilespmem:v1+s21+$0x0], $0xffff;
	_ =	sdelay $0x4  }
0x7e: {  	v2 =	vmul.f32 v2, v2;
	v3 =	vmul.f32 v3, v3;
	v0 =	vsub.f32 v0, v1;
	_ =	sdelay $0x1  }
0x7f: {  	v14 =	vadd.f32 v3, v2;
	v15 =	vmul.f32 v0, v0;
	_ =	sdelay $0x1  }
0x80: {  	v1 =	vadd.f32 v15, v14  }
0x81: {  	[tilespmem:$0x17110] =	vst v0  }
0x82: {  	[tilespmem:$0x17190] =	vst v1  }
0x83: {  	v0 =	vld [tilespmem:s7+$0x20]  }
0x84: {  	v1 =	vld [tilespmem:s7+$0x2820];
	_ =	sdelay $0x3  }
0x85: {  	v0 =	vshll.u32 v0, $0x2  }
0x86: {  	v1 =	vshll.u32 v1, $0x2;
	_ =	sdelay $0x3  }
0x87: {  	v16 =	vld.idx.msk [tilespmem:v0+s21+$0x0], $0xffff  }
0x88: {  	v17 =	vld.idx.msk [tilespmem:v1+s21+$0x0], $0xffff;
	_ =	sdelay $0x2  }
0x89: {  	v18 =	vor.u32 $0x1, v0  }
0x8a: {  	v19 =	vor.u32 $0x1, v1  }
0x8b: {  	v2 =	vsub.f32 v16, v17;
	_ =	sdelay $0x1  }
0x8c: {  	[tilespmem:$0x17020] =	vst v2  }
0x8d: {  	v20 =	vld.idx.msk [tilespmem:v18+s21+$0x0], $0xffff  }
0x8e: {  	v21 =	vld.idx.msk [tilespmem:v19+s21+$0x0], $0xffff;
	_ =	sdelay $0x2  }
0x8f: {  	v0 =	vor.u32 $0x2, v0  }
0x90: {  	v1 =	vor.u32 $0x2, v1  }
0x91: {  	v3 =	vsub.f32 v20, v21;
	_ =	sdelay $0x1  }
0x92: {  	[tilespmem:$0x170A0] =	vst v3  }
0x93: {  	v0 =	vld.idx.msk [tilespmem:v0+s21+$0x0], $0xffff  }
0x94: {  	v1 =	vld.idx.msk [tilespmem:v1+s21+$0x0], $0xffff;
	_ =	sdelay $0x4  }
0x95: {  	v2 =	vmul.f32 v2, v2;
	v3 =	vmul.f32 v3, v3;
	v0 =	vsub.f32 v0, v1;
	_ =	sdelay $0x1  }
0x96: {  	v22 =	vadd.f32 v3, v2;
	v23 =	vmul.f32 v0, v0;
	_ =	sdelay $0x1  }
0x97: {  	v1 =	vadd.f32 v23, v22  }
0x98: {  	[tilespmem:$0x17120] =	vst v0  }
0x99: {  	[tilespmem:$0x171A0] =	vst v1  }
0x9a: {  	v0 =	vld [tilespmem:s7+$0x30]  }
0x9b: {  	v1 =	vld [tilespmem:s7+$0x2830];
	_ =	sdelay $0x3  }
0x9c: {  	v0 =	vshll.u32 v0, $0x2  }
0x9d: {  	v1 =	vshll.u32 v1, $0x2;
	_ =	sdelay $0x3  }
0x9e: {  	v24 =	vld.idx.msk [tilespmem:v0+s21+$0x0], $0xffff  }
0x9f: {  	v25 =	vld.idx.msk [tilespmem:v1+s21+$0x0], $0xffff;
	_ =	sdelay $0x2  }
0xa0: {  	v26 =	vor.u32 $0x1, v0  }
0xa1: {  	v27 =	vor.u32 $0x1, v1  }
0xa2: {  	v2 =	vsub.f32 v24, v25;
	_ =	sdelay $0x1  }
0xa3: {  	[tilespmem:$0x17030] =	vst v2  }
0xa4: {  	v28 =	vld.idx.msk [tilespmem:v26+s21+$0x0], $0xffff  }
0xa5: {  	v29 =	vld.idx.msk [tilespmem:v27+s21+$0x0], $0xffff;
	_ =	sdelay $0x2  }
0xa6: {  	v0 =	vor.u32 $0x2, v0  }
0xa7: {  	v1 =	vor.u32 $0x2, v1  }
0xa8: {  	v3 =	vsub.f32 v28, v29;
	_ =	sdelay $0x1  }
0xa9: {  	[tilespmem:$0x170B0] =	vst v3  }
0xaa: {  	v0 =	vld.idx.msk [tilespmem:v0+s21+$0x0], $0xffff  }
0xab: {  	v1 =	vld.idx.msk [tilespmem:v1+s21+$0x0], $0xffff;
	_ =	sdelay $0x4  }
0xac: {  	v2 =	vmul.f32 v2, v2;
	v3 =	vmul.f32 v3, v3;
	v0 =	vsub.f32 v0, v1;
	_ =	sdelay $0x1  }
0xad: {  	v30 =	vadd.f32 v3, v2;
	v31 =	vmul.f32 v0, v0;
	_ =	sdelay $0x1  }
0xae: {  	v1 =	vadd.f32 v31, v30  }
0xaf: {  	[tilespmem:$0x17130] =	vst v0  }
0xb0: {  	[tilespmem:$0x171B0] =	vst v1  }
0xb1: {  	v0 =	vld [tilespmem:s7+$0x40]  }
0xb2: {  	v1 =	vld [tilespmem:s7+$0x2840];
	_ =	sdelay $0x3  }
0xb3: {  	v0 =	vshll.u32 v0, $0x2  }
0xb4: {  	v1 =	vshll.u32 v1, $0x2;
	_ =	sdelay $0x3  }
0xb5: {  	v32 =	vld.idx.msk [tilespmem:v0+s21+$0x0], $0xffff  }
0xb6: {  	v33 =	vld.idx.msk [tilespmem:v1+s21+$0x0], $0xffff;
	_ =	sdelay $0x2  }
0xb7: {  	v34 =	vor.u32 $0x1, v0  }
0xb8: {  	v35 =	vor.u32 $0x1, v1  }
0xb9: {  	v2 =	vsub.f32 v32, v33;
	_ =	sdelay $0x1  }
0xba: {  	[tilespmem:$0x17040] =	vst v2  }
0xbb: {  	v36 =	vld.idx.msk [tilespmem:v34+s21+$0x0], $0xffff  }
0xbc: {  	v37 =	vld.idx.msk [tilespmem:v35+s21+$0x0], $0xffff;
	_ =	sdelay $0x2  }
0xbd: {  	v0 =	vor.u32 $0x2, v0  }
0xbe: {  	v1 =	vor.u32 $0x2, v1  }
0xbf: {  	v3 =	vsub.f32 v36, v37;
	_ =	sdelay $0x1  }
0xc0: {  	[tilespmem:$0x170C0] =	vst v3  }
0xc1: {  	v0 =	vld.idx.msk [tilespmem:v0+s21+$0x0], $0xffff  }
0xc2: {  	v1 =	vld.idx.msk [tilespmem:v1+s21+$0x0], $0xffff;
	_ =	sdelay $0x4  }
0xc3: {  	v2 =	vmul.f32 v2, v2;
	v3 =	vmul.f32 v3, v3;
	v0 =	vsub.f32 v0, v1;
	_ =	sdelay $0x1  }
0xc4: {  	v38 =	vadd.f32 v3, v2;
	v39 =	vmul.f32 v0, v0;
	_ =	sdelay $0x1  }
0xc5: {  	v1 =	vadd.f32 v39, v38  }
0xc6: {  	[tilespmem:$0x17140] =	vst v0  }
0xc7: {  	[tilespmem:$0x171C0] =	vst v1  }
0xc8: {  	v0 =	vld [tilespmem:s7+$0x50]  }
0xc9: {  	v1 =	vld [tilespmem:s7+$0x2850];
	_ =	sdelay $0x3  }
0xca: {  	v0 =	vshll.u32 v0, $0x2  }
0xcb: {  	v1 =	vshll.u32 v1, $0x2;
	_ =	sdelay $0x3  }
0xcc: {  	v40 =	vld.idx.msk [tilespmem:v0+s21+$0x0], $0xffff  }
0xcd: {  	v41 =	vld.idx.msk [tilespmem:v1+s21+$0x0], $0xffff;
	_ =	sdelay $0x2  }
0xce: {  	v42 =	vor.u32 $0x1, v0  }
0xcf: {  	v43 =	vor.u32 $0x1, v1  }
0xd0: {  	v2 =	vsub.f32 v40, v41;
	_ =	sdelay $0x1  }
0xd1: {  	[tilespmem:$0x17050] =	vst v2  }
0xd2: {  	v44 =	vld.idx.msk [tilespmem:v42+s21+$0x0], $0xffff  }
0xd3: {  	v45 =	vld.idx.msk [tilespmem:v43+s21+$0x0], $0xffff;
	_ =	sdelay $0x2  }
0xd4: {  	v0 =	vor.u32 $0x2, v0  }
0xd5: {  	v1 =	vor.u32 $0x2, v1  }
0xd6: {  	v3 =	vsub.f32 v44, v45;
	_ =	sdelay $0x1  }
0xd7: {  	[tilespmem:$0x170D0] =	vst v3  }
0xd8: {  	v0 =	vld.idx.msk [tilespmem:v0+s21+$0x0], $0xffff  }
0xd9: {  	v1 =	vld.idx.msk [tilespmem:v1+s21+$0x0], $0xffff;
	_ =	sdelay $0x4  }
0xda: {  	v2 =	vmul.f32 v2, v2;
	v3 =	vmul.f32 v3, v3;
	v0 =	vsub.f32 v0, v1;
	_ =	sdelay $0x1  }
0xdb: {  	v46 =	vadd.f32 v3, v2;
	v47 =	vmul.f32 v0, v0;
	_ =	sdelay $0x1  }
0xdc: {  	v1 =	vadd.f32 v47, v46  }
0xdd: {  	[tilespmem:$0x17150] =	vst v0  }
0xde: {  	[tilespmem:$0x171D0] =	vst v1  }
0xdf: {  	v0 =	vld [tilespmem:s7+$0x60]  }
0xe0: {  	v1 =	vld [tilespmem:s7+$0x2860];
	_ =	sdelay $0x3  }
0xe1: {  	v0 =	vshll.u32 v0, $0x2  }
0xe2: {  	v1 =	vshll.u32 v1, $0x2;
	_ =	sdelay $0x3  }
0xe3: {  	v48 =	vld.idx.msk [tilespmem:v0+s21+$0x0], $0xffff  }
0xe4: {  	v49 =	vld.idx.msk [tilespmem:v1+s21+$0x0], $0xffff;
	_ =	sdelay $0x2  }
0xe5: {  	v50 =	vor.u32 $0x1, v0  }
0xe6: {  	v51 =	vor.u32 $0x1, v1  }
0xe7: {  	v2 =	vsub.f32 v48, v49;
	_ =	sdelay $0x1  }
0xe8: {  	[tilespmem:$0x17060] =	vst v2  }
0xe9: {  	v52 =	vld.idx.msk [tilespmem:v50+s21+$0x0], $0xffff  }
0xea: {  	v53 =	vld.idx.msk [tilespmem:v51+s21+$0x0], $0xffff;
	_ =	sdelay $0x2  }
0xeb: {  	v0 =	vor.u32 $0x2, v0  }
0xec: {  	v1 =	vor.u32 $0x2, v1  }
0xed: {  	v3 =	vsub.f32 v52, v53;
	_ =	sdelay $0x1  }
0xee: {  	[tilespmem:$0x170E0] =	vst v3  }
0xef: {  	v0 =	vld.idx.msk [tilespmem:v0+s21+$0x0], $0xffff  }
0xf0: {  	v1 =	vld.idx.msk [tilespmem:v1+s21+$0x0], $0xffff;
	_ =	sdelay $0x4  }
0xf1: {  	v2 =	vmul.f32 v2, v2;
	v3 =	vmul.f32 v3, v3;
	v0 =	vsub.f32 v0, v1;
	_ =	sdelay $0x1  }
0xf2: {  	v54 =	vadd.f32 v3, v2;
	v55 =	vmul.f32 v0, v0;
	_ =	sdelay $0x1  }
0xf3: {  	v1 =	vadd.f32 v55, v54  }
0xf4: {  	[tilespmem:$0x17160] =	vst v0  }
0xf5: {  	[tilespmem:$0x171E0] =	vst v1  }
0xf6: {  	v0 =	vld [tilespmem:s7+$0x70]  }
0xf7: {  	v1 =	vld [tilespmem:s7+$0x2870];
	_ =	sdelay $0x3  }
0xf8: {  	v0 =	vshll.u32 v0, $0x2  }
0xf9: {  	v1 =	vshll.u32 v1, $0x2;
	_ =	sdelay $0x3  }
0xfa: {  	v56 =	vld.idx.msk [tilespmem:v0+s21+$0x0], $0xffff  }
0xfb: {  	v57 =	vld.idx.msk [tilespmem:v1+s21+$0x0], $0xffff;
	_ =	sdelay $0x2  }
0xfc: {  	v58 =	vor.u32 $0x1, v0  }
0xfd: {  	v59 =	vor.u32 $0x1, v1  }
0xfe: {  	v2 =	vsub.f32 v56, v57;
	_ =	sdelay $0x1  }
0xff: {  	[tilespmem:$0x17070] =	vst v2  }
0x100: {  	v60 =	vld.idx.msk [tilespmem:v58+s21+$0x0], $0xffff  }
0x101: {  	v61 =	vld.idx.msk [tilespmem:v59+s21+$0x0], $0xffff;
	_ =	sdelay $0x2  }
0x102: {  	v0 =	vor.u32 $0x2, v0  }
0x103: {  	v1 =	vor.u32 $0x2, v1  }
0x104: {  	v3 =	vsub.f32 v60, v61;
	_ =	sdelay $0x1  }
0x105: {  	[tilespmem:$0x170F0] =	vst v3  }
0x106: {  	v0 =	vld.idx.msk [tilespmem:v0+s21+$0x0], $0xffff  }
0x107: {  	v1 =	vld.idx.msk [tilespmem:v1+s21+$0x0], $0xffff;
	_ =	sdelay $0x4  }
0x108: {  	v2 =	vmul.f32 v2, v2;
	v3 =	vmul.f32 v3, v3;
	v0 =	vsub.f32 v0, v1;
	_ =	sdelay $0x1  }
0x109: {  	v62 =	vadd.f32 v3, v2;
	v63 =	vmul.f32 v0, v0;
	_ =	sdelay $0x1  }
0x10a: {  	v1 =	vadd.f32 v63, v62  }
0x10b: {  	[tilespmem:$0x17170] =	vst v0  }
0x10c: {  	[tilespmem:$0x171F0] =	vst v1  }
0x10d: {  	p0 =	sgt.u32 s14, $0x4E;
	_ =	swait.ge [sflag:s24], $0x4000  }
0x10e: {  	p1 =	seq.s32 @!p0 s6, $0x0;
	[sflag:s24] =	ssyncset.done $0x0  }
0x10f: {  	s8 =	sadd.s32 $0x2800, s7;
	p1 =	por p1, p0;
	[sflag:s24] =	ssyncadd.s32 $0xFFFFC000  }
0x110: {  	[tilespmem:s23], [sflag:$0x3] =	stream.indirect.gather.add.f32 [hbm:s4], $0x80, s8, s22, $0xb8;
	[tilespmem:$0x17400] =	vst v63  }
0x111: {  	s8 =	simm.s32 @!p1 $0x6  }
0x112: {  	_ =	swait.ge @!p1 [sflag:s8], $0x4000  }
0x113: {  	[sflag:s8] =	ssyncset.done @!p1 $0x0  }
0x114: {  	[sflag:s8] =	ssyncadd.s32 @!p1 $0xFFFFC000  }
0x115: {  	_ =	swait.ge @!p1 [sflag:s8], $0x80  }
0x116: {  	[sflag:s8] =	ssyncset.done @!p1 $0x0  }
0x117: {  	[sflag:s8] =	ssyncadd.s32 @!p1 $0xFFFFFF80  }
0x118: {  	_ =	swait.ge @!p1 [sflag:s8], $0x80  }
0x119: {  	[sflag:s8] =	ssyncset.done @!p1 $0x0  }
0x11a: {  	[sflag:s8] =	ssyncadd.s32 @!p1 $0xFFFFFF80  }
0x11b: {  	_ =	swait.ge @!p1 [sflag:s8], $0x80  }
0x11c: {  	[sflag:s8] =	ssyncset.done @!p1 $0x0  }
0x11d: {  	[sflag:s8] =	ssyncadd.s32 @!p1 $0xFFFFFF80  }
0x11e: {  	_ =	swait.ge @!p1 [sflag:s8], $0x80  }
0x11f: {  	[sflag:s8] =	ssyncset.done @!p1 $0x0  }
0x120: {  	[sflag:s8] =	ssyncadd.s32 @!p1 $0xFFFFFF80;
	s8 =	sshra.s32 @!p0 s5, $0x2  }
0x121: {  	s15 =	simm.s32 @!p0 $0x80;
	s16 =	simm.s32 @!p0 $0x13000;
	s8 =	sadd.s32 @!p0 $0x80, s8  }
0x122: {  	[tilespmem:s16], [sflag:$0x2] =	stream.indirect.gather @!p0 [hbm4b:s3+s15], $0x80, s8, s15, $0xb8;
	[tilespmem:$0x17400] =	vst v63  }
0x123: {  	_ =	swait.ge [sflag:s25], $0x4000  }
0x124: {  	[sflag:s25] =	ssyncset.done $0x0  }
0x125: {  	[sflag:s25] =	ssyncadd.s32 $0xFFFFC000  }
0x126: {  	[hbm4b:s9+s2] =	stream.linear.scatter [tilespmem:s23], [sflag:$0x5], $0x4000, $0x38;
	[tilespmem:$0x17400] =	vst v63  }
0x127: {  	s15 =	sadd.s32 s6, s10  }
0x128: {  	[hbm4b:s15+s2] =	stream.linear.scatter [tilespmem:s26], [sflag:$0x5], $0x80, $0x38;
	[tilespmem:$0x17400] =	vst v63  }
0x129: {  	s16 =	sadd.s32 s6, s11  }
0x12a: {  	[hbm4b:s16+s2] =	stream.linear.scatter [tilespmem:s28], [sflag:$0x5], $0x80, $0x38;
	[tilespmem:$0x17400] =	vst v63  }
.Ltmp4:
0x12b: {  	_ = 	snop;
	(pc) =	sbr.rel @p0 .LBB2_4-.Ltmp4, $4  }
0x12c: {  	s15 =	sadd.s32 s6, s12  }
0x12d: {  	[hbm4b:s15+s2] =	stream.linear.scatter [tilespmem:s29], [sflag:$0x5], $0x80, $0x38;
	[tilespmem:$0x17400] =	vst v63  }
0x12e: {  	s16 =	sadd.s32 s6, s13  }
0x12f: {  	[hbm4b:s16+s2] =	stream.linear.scatter [tilespmem:s30], [sflag:$0x5], $0x80, $0x38;
	[tilespmem:$0x17400] =	vst v63  }
0x130: {  	v0 =	vld [tilespmem:s7+$0x80]  }
0x131: {  	v1 =	vld [tilespmem:s7+$0x2880];
	_ =	sdelay $0x3  }
0x132: {  	v0 =	vshll.u32 v0, $0x2  }
0x133: {  	v1 =	vshll.u32 v1, $0x2;
	_ =	sdelay $0x3  }
0x134: {  	v2 =	vld.idx.msk [tilespmem:v0+s21+$0x0], $0xffff  }
0x135: {  	v3 =	vld.idx.msk [tilespmem:v1+s21+$0x0], $0xffff;
	_ =	sdelay $0x2  }
0x136: {  	v4 =	vor.u32 $0x1, v0  }
0x137: {  	v5 =	vor.u32 $0x1, v1  }
0x138: {  	v2 =	vsub.f32 v2, v3;
	_ =	sdelay $0x1  }
0x139: {  	[tilespmem:$0x17200] =	vst v2  }
0x13a: {  	v62 =	vld.idx.msk [tilespmem:v4+s21+$0x0], $0xffff  }
0x13b: {  	v63 =	vld.idx.msk [tilespmem:v5+s21+$0x0], $0xffff;
	_ =	sdelay $0x2  }
0x13c: {  	v0 =	vor.u32 $0x2, v0  }
0x13d: {  	v1 =	vor.u32 $0x2, v1  }
0x13e: {  	v3 =	vsub.f32 v62, v63;
	_ =	sdelay $0x1  }
0x13f: {  	[tilespmem:$0x17280] =	vst v3  }
0x140: {  	v0 =	vld.idx.msk [tilespmem:v0+s21+$0x0], $0xffff  }
0x141: {  	v1 =	vld.idx.msk [tilespmem:v1+s21+$0x0], $0xffff;
	_ =	sdelay $0x4  }
0x142: {  	v2 =	vmul.f32 v2, v2;
	v3 =	vmul.f32 v3, v3;
	v0 =	vsub.f32 v0, v1;
	_ =	sdelay $0x1  }
0x143: {  	v6 =	vadd.f32 v3, v2;
	v7 =	vmul.f32 v0, v0;
	_ =	sdelay $0x1  }
0x144: {  	v1 =	vadd.f32 v7, v6  }
0x145: {  	[tilespmem:$0x17300] =	vst v0  }
0x146: {  	[tilespmem:$0x17380] =	vst v1  }
0x147: {  	v0 =	vld [tilespmem:s7+$0x90]  }
0x148: {  	v1 =	vld [tilespmem:s7+$0x2890];
	_ =	sdelay $0x3  }
0x149: {  	v0 =	vshll.u32 v0, $0x2  }
0x14a: {  	v1 =	vshll.u32 v1, $0x2;
	_ =	sdelay $0x3  }
0x14b: {  	v8 =	vld.idx.msk [tilespmem:v0+s21+$0x0], $0xffff  }
0x14c: {  	v9 =	vld.idx.msk [tilespmem:v1+s21+$0x0], $0xffff;
	_ =	sdelay $0x2  }
0x14d: {  	v10 =	vor.u32 $0x1, v0  }
0x14e: {  	v11 =	vor.u32 $0x1, v1  }
0x14f: {  	v2 =	vsub.f32 v8, v9;
	_ =	sdelay $0x1  }
0x150: {  	[tilespmem:$0x17210] =	vst v2  }
0x151: {  	v12 =	vld.idx.msk [tilespmem:v10+s21+$0x0], $0xffff  }
0x152: {  	v13 =	vld.idx.msk [tilespmem:v11+s21+$0x0], $0xffff;
	_ =	sdelay $0x2  }
0x153: {  	v0 =	vor.u32 $0x2, v0  }
0x154: {  	v1 =	vor.u32 $0x2, v1  }
0x155: {  	v3 =	vsub.f32 v12, v13;
	_ =	sdelay $0x1  }
0x156: {  	[tilespmem:$0x17290] =	vst v3  }
0x157: {  	v0 =	vld.idx.msk [tilespmem:v0+s21+$0x0], $0xffff  }
0x158: {  	v1 =	vld.idx.msk [tilespmem:v1+s21+$0x0], $0xffff;
	_ =	sdelay $0x4  }
0x159: {  	v2 =	vmul.f32 v2, v2;
	v3 =	vmul.f32 v3, v3;
	v0 =	vsub.f32 v0, v1;
	_ =	sdelay $0x1  }
0x15a: {  	v14 =	vadd.f32 v3, v2;
	v15 =	vmul.f32 v0, v0;
	_ =	sdelay $0x1  }
0x15b: {  	v1 =	vadd.f32 v15, v14  }
0x15c: {  	[tilespmem:$0x17310] =	vst v0  }
0x15d: {  	[tilespmem:$0x17390] =	vst v1  }
0x15e: {  	v0 =	vld [tilespmem:s7+$0xA0]  }
0x15f: {  	v1 =	vld [tilespmem:s7+$0x28A0];
	_ =	sdelay $0x3  }
0x160: {  	v0 =	vshll.u32 v0, $0x2  }
0x161: {  	v1 =	vshll.u32 v1, $0x2;
	_ =	sdelay $0x3  }
0x162: {  	v16 =	vld.idx.msk [tilespmem:v0+s21+$0x0], $0xffff  }
0x163: {  	v17 =	vld.idx.msk [tilespmem:v1+s21+$0x0], $0xffff;
	_ =	sdelay $0x2  }
0x164: {  	v18 =	vor.u32 $0x1, v0  }
0x165: {  	v19 =	vor.u32 $0x1, v1  }
0x166: {  	v2 =	vsub.f32 v16, v17;
	_ =	sdelay $0x1  }
0x167: {  	[tilespmem:$0x17220] =	vst v2  }
0x168: {  	v20 =	vld.idx.msk [tilespmem:v18+s21+$0x0], $0xffff  }
0x169: {  	v21 =	vld.idx.msk [tilespmem:v19+s21+$0x0], $0xffff;
	_ =	sdelay $0x2  }
0x16a: {  	v0 =	vor.u32 $0x2, v0  }
0x16b: {  	v1 =	vor.u32 $0x2, v1  }
0x16c: {  	v3 =	vsub.f32 v20, v21;
	_ =	sdelay $0x1  }
0x16d: {  	[tilespmem:$0x172A0] =	vst v3  }
0x16e: {  	v0 =	vld.idx.msk [tilespmem:v0+s21+$0x0], $0xffff  }
0x16f: {  	v1 =	vld.idx.msk [tilespmem:v1+s21+$0x0], $0xffff;
	_ =	sdelay $0x4  }
0x170: {  	v2 =	vmul.f32 v2, v2;
	v3 =	vmul.f32 v3, v3;
	v0 =	vsub.f32 v0, v1;
	_ =	sdelay $0x1  }
0x171: {  	v22 =	vadd.f32 v3, v2;
	v23 =	vmul.f32 v0, v0;
	_ =	sdelay $0x1  }
0x172: {  	v1 =	vadd.f32 v23, v22  }
0x173: {  	[tilespmem:$0x17320] =	vst v0  }
0x174: {  	[tilespmem:$0x173A0] =	vst v1  }
0x175: {  	v0 =	vld [tilespmem:s7+$0xB0]  }
0x176: {  	v1 =	vld [tilespmem:s7+$0x28B0];
	_ =	sdelay $0x3  }
0x177: {  	v0 =	vshll.u32 v0, $0x2  }
0x178: {  	v1 =	vshll.u32 v1, $0x2;
	_ =	sdelay $0x3  }
0x179: {  	v24 =	vld.idx.msk [tilespmem:v0+s21+$0x0], $0xffff  }
0x17a: {  	v25 =	vld.idx.msk [tilespmem:v1+s21+$0x0], $0xffff;
	_ =	sdelay $0x2  }
0x17b: {  	v26 =	vor.u32 $0x1, v0  }
0x17c: {  	v27 =	vor.u32 $0x1, v1  }
0x17d: {  	v2 =	vsub.f32 v24, v25;
	_ =	sdelay $0x1  }
0x17e: {  	[tilespmem:$0x17230] =	vst v2  }
0x17f: {  	v28 =	vld.idx.msk [tilespmem:v26+s21+$0x0], $0xffff  }
0x180: {  	v29 =	vld.idx.msk [tilespmem:v27+s21+$0x0], $0xffff;
	_ =	sdelay $0x2  }
0x181: {  	v0 =	vor.u32 $0x2, v0  }
0x182: {  	v1 =	vor.u32 $0x2, v1  }
0x183: {  	v3 =	vsub.f32 v28, v29;
	_ =	sdelay $0x1  }
0x184: {  	[tilespmem:$0x172B0] =	vst v3  }
0x185: {  	v0 =	vld.idx.msk [tilespmem:v0+s21+$0x0], $0xffff  }
0x186: {  	v1 =	vld.idx.msk [tilespmem:v1+s21+$0x0], $0xffff;
	_ =	sdelay $0x4  }
0x187: {  	v2 =	vmul.f32 v2, v2;
	v3 =	vmul.f32 v3, v3;
	v0 =	vsub.f32 v0, v1;
	_ =	sdelay $0x1  }
0x188: {  	v30 =	vadd.f32 v3, v2;
	v31 =	vmul.f32 v0, v0;
	_ =	sdelay $0x1  }
0x189: {  	v1 =	vadd.f32 v31, v30  }
0x18a: {  	[tilespmem:$0x17330] =	vst v0  }
0x18b: {  	[tilespmem:$0x173B0] =	vst v1  }
0x18c: {  	v0 =	vld [tilespmem:s7+$0xC0]  }
0x18d: {  	v1 =	vld [tilespmem:s7+$0x28C0];
	_ =	sdelay $0x3  }
0x18e: {  	v0 =	vshll.u32 v0, $0x2  }
0x18f: {  	v1 =	vshll.u32 v1, $0x2;
	_ =	sdelay $0x3  }
0x190: {  	v32 =	vld.idx.msk [tilespmem:v0+s21+$0x0], $0xffff  }
0x191: {  	v33 =	vld.idx.msk [tilespmem:v1+s21+$0x0], $0xffff;
	_ =	sdelay $0x2  }
0x192: {  	v34 =	vor.u32 $0x1, v0  }
0x193: {  	v35 =	vor.u32 $0x1, v1  }
0x194: {  	v2 =	vsub.f32 v32, v33;
	_ =	sdelay $0x1  }
0x195: {  	[tilespmem:$0x17240] =	vst v2  }
0x196: {  	v36 =	vld.idx.msk [tilespmem:v34+s21+$0x0], $0xffff  }
0x197: {  	v37 =	vld.idx.msk [tilespmem:v35+s21+$0x0], $0xffff;
	_ =	sdelay $0x2  }
0x198: {  	v0 =	vor.u32 $0x2, v0  }
0x199: {  	v1 =	vor.u32 $0x2, v1  }
0x19a: {  	v3 =	vsub.f32 v36, v37;
	_ =	sdelay $0x1  }
0x19b: {  	[tilespmem:$0x172C0] =	vst v3  }
0x19c: {  	v0 =	vld.idx.msk [tilespmem:v0+s21+$0x0], $0xffff  }
0x19d: {  	v1 =	vld.idx.msk [tilespmem:v1+s21+$0x0], $0xffff;
	_ =	sdelay $0x4  }
0x19e: {  	v2 =	vmul.f32 v2, v2;
	v3 =	vmul.f32 v3, v3;
	v0 =	vsub.f32 v0, v1;
	_ =	sdelay $0x1  }
0x19f: {  	v38 =	vadd.f32 v3, v2;
	v39 =	vmul.f32 v0, v0;
	_ =	sdelay $0x1  }
0x1a0: {  	v1 =	vadd.f32 v39, v38  }
0x1a1: {  	[tilespmem:$0x17340] =	vst v0  }
0x1a2: {  	[tilespmem:$0x173C0] =	vst v1  }
0x1a3: {  	v0 =	vld [tilespmem:s7+$0xD0]  }
0x1a4: {  	v1 =	vld [tilespmem:s7+$0x28D0];
	_ =	sdelay $0x3  }
0x1a5: {  	v0 =	vshll.u32 v0, $0x2  }
0x1a6: {  	v1 =	vshll.u32 v1, $0x2;
	_ =	sdelay $0x3  }
0x1a7: {  	v40 =	vld.idx.msk [tilespmem:v0+s21+$0x0], $0xffff  }
0x1a8: {  	v41 =	vld.idx.msk [tilespmem:v1+s21+$0x0], $0xffff;
	_ =	sdelay $0x2  }
0x1a9: {  	v42 =	vor.u32 $0x1, v0  }
0x1aa: {  	v43 =	vor.u32 $0x1, v1  }
0x1ab: {  	v2 =	vsub.f32 v40, v41;
	_ =	sdelay $0x1  }
0x1ac: {  	[tilespmem:$0x17250] =	vst v2  }
0x1ad: {  	v44 =	vld.idx.msk [tilespmem:v42+s21+$0x0], $0xffff  }
0x1ae: {  	v45 =	vld.idx.msk [tilespmem:v43+s21+$0x0], $0xffff;
	_ =	sdelay $0x2  }
0x1af: {  	v0 =	vor.u32 $0x2, v0  }
0x1b0: {  	v1 =	vor.u32 $0x2, v1  }
0x1b1: {  	v3 =	vsub.f32 v44, v45;
	_ =	sdelay $0x1  }
0x1b2: {  	[tilespmem:$0x172D0] =	vst v3  }
0x1b3: {  	v0 =	vld.idx.msk [tilespmem:v0+s21+$0x0], $0xffff  }
0x1b4: {  	v1 =	vld.idx.msk [tilespmem:v1+s21+$0x0], $0xffff;
	_ =	sdelay $0x4  }
0x1b5: {  	v2 =	vmul.f32 v2, v2;
	v3 =	vmul.f32 v3, v3;
	v0 =	vsub.f32 v0, v1;
	_ =	sdelay $0x1  }
0x1b6: {  	v46 =	vadd.f32 v3, v2;
	v47 =	vmul.f32 v0, v0;
	_ =	sdelay $0x1  }
0x1b7: {  	v1 =	vadd.f32 v47, v46  }
0x1b8: {  	[tilespmem:$0x17350] =	vst v0  }
0x1b9: {  	[tilespmem:$0x173D0] =	vst v1  }
0x1ba: {  	v0 =	vld [tilespmem:s7+$0xE0]  }
0x1bb: {  	v1 =	vld [tilespmem:s7+$0x28E0];
	_ =	sdelay $0x3  }
0x1bc: {  	v0 =	vshll.u32 v0, $0x2  }
0x1bd: {  	v1 =	vshll.u32 v1, $0x2;
	_ =	sdelay $0x3  }
0x1be: {  	v48 =	vld.idx.msk [tilespmem:v0+s21+$0x0], $0xffff  }
0x1bf: {  	v49 =	vld.idx.msk [tilespmem:v1+s21+$0x0], $0xffff;
	_ =	sdelay $0x2  }
0x1c0: {  	v50 =	vor.u32 $0x1, v0  }
0x1c1: {  	v51 =	vor.u32 $0x1, v1  }
0x1c2: {  	v2 =	vsub.f32 v48, v49;
	_ =	sdelay $0x1  }
0x1c3: {  	[tilespmem:$0x17260] =	vst v2  }
0x1c4: {  	v52 =	vld.idx.msk [tilespmem:v50+s21+$0x0], $0xffff  }
0x1c5: {  	v53 =	vld.idx.msk [tilespmem:v51+s21+$0x0], $0xffff;
	_ =	sdelay $0x2  }
0x1c6: {  	v0 =	vor.u32 $0x2, v0  }
0x1c7: {  	v1 =	vor.u32 $0x2, v1  }
0x1c8: {  	v3 =	vsub.f32 v52, v53;
	_ =	sdelay $0x1  }
0x1c9: {  	[tilespmem:$0x172E0] =	vst v3  }
0x1ca: {  	v0 =	vld.idx.msk [tilespmem:v0+s21+$0x0], $0xffff  }
0x1cb: {  	v1 =	vld.idx.msk [tilespmem:v1+s21+$0x0], $0xffff;
	_ =	sdelay $0x4  }
0x1cc: {  	v2 =	vmul.f32 v2, v2;
	v3 =	vmul.f32 v3, v3;
	v0 =	vsub.f32 v0, v1;
	_ =	sdelay $0x1  }
0x1cd: {  	v54 =	vadd.f32 v3, v2;
	v55 =	vmul.f32 v0, v0;
	_ =	sdelay $0x1  }
0x1ce: {  	v1 =	vadd.f32 v55, v54  }
0x1cf: {  	[tilespmem:$0x17360] =	vst v0  }
0x1d0: {  	[tilespmem:$0x173E0] =	vst v1  }
0x1d1: {  	v0 =	vld [tilespmem:s7+$0xF0]  }
0x1d2: {  	v1 =	vld [tilespmem:s7+$0x28F0];
	_ =	sdelay $0x3  }
0x1d3: {  	v0 =	vshll.u32 v0, $0x2  }
0x1d4: {  	v1 =	vshll.u32 v1, $0x2;
	_ =	sdelay $0x3  }
0x1d5: {  	v56 =	vld.idx.msk [tilespmem:v0+s21+$0x0], $0xffff  }
0x1d6: {  	v57 =	vld.idx.msk [tilespmem:v1+s21+$0x0], $0xffff;
	_ =	sdelay $0x2  }
0x1d7: {  	v58 =	vor.u32 $0x1, v0  }
0x1d8: {  	v59 =	vor.u32 $0x1, v1  }
0x1d9: {  	v2 =	vsub.f32 v56, v57;
	_ =	sdelay $0x1  }
0x1da: {  	[tilespmem:$0x17270] =	vst v2  }
0x1db: {  	v60 =	vld.idx.msk [tilespmem:v58+s21+$0x0], $0xffff  }
0x1dc: {  	v61 =	vld.idx.msk [tilespmem:v59+s21+$0x0], $0xffff;
	_ =	sdelay $0x2  }
0x1dd: {  	v0 =	vor.u32 $0x2, v0  }
0x1de: {  	v1 =	vor.u32 $0x2, v1  }
0x1df: {  	v3 =	vsub.f32 v60, v61;
	_ =	sdelay $0x1  }
0x1e0: {  	[tilespmem:$0x172F0] =	vst v3  }
0x1e1: {  	v0 =	vld.idx.msk [tilespmem:v0+s21+$0x0], $0xffff  }
0x1e2: {  	v1 =	vld.idx.msk [tilespmem:v1+s21+$0x0], $0xffff;
	_ =	sdelay $0x4  }
0x1e3: {  	v2 =	vmul.f32 v2, v2;
	v3 =	vmul.f32 v3, v3;
	v0 =	vsub.f32 v0, v1;
	_ =	sdelay $0x1  }
0x1e4: {  	v62 =	vadd.f32 v3, v2;
	v63 =	vmul.f32 v0, v0;
	_ =	sdelay $0x1  }
0x1e5: {  	v1 =	vadd.f32 v63, v62  }
0x1e6: {  	[tilespmem:$0x17370] =	vst v0  }
0x1e7: {  	[tilespmem:$0x173F0] =	vst v1  }
0x1e8: {  	_ =	swait.ge [sflag:s31], $0x4000  }
0x1e9: {  	[sflag:s31] =	ssyncset.done $0x0  }
0x1ea: {  	s8 =	sadd.s32 $0x2880, s7;
	[sflag:s31] =	ssyncadd.s32 $0xFFFFC000  }
0x1eb: {  	[tilespmem:s1], [sflag:$0x4] =	stream.indirect.gather.add.f32 [hbm:s4], $0x80, s8, s22, $0xb8;
	[tilespmem:$0x17400] =	vst v63  }
0x1ec: {  	_ =	swait.ge [sflag:s0], $0x4000  }
0x1ed: {  	[sflag:s0] =	ssyncset.done $0x0  }
0x1ee: {  	[sflag:s0] =	ssyncadd.s32 $0xFFFFC000  }
0x1ef: {  	_ =	swait.ge [sflag:s0], $0x80  }
0x1f0: {  	[sflag:s0] =	ssyncset.done $0x0  }
0x1f1: {  	[sflag:s0] =	ssyncadd.s32 $0xFFFFFF80  }
0x1f2: {  	_ =	swait.ge [sflag:s0], $0x80  }
0x1f3: {  	[sflag:s0] =	ssyncset.done $0x0  }
0x1f4: {  	[sflag:s0] =	ssyncadd.s32 $0xFFFFFF80  }
0x1f5: {  	_ =	swait.ge [sflag:s0], $0x80  }
0x1f6: {  	[sflag:s0] =	ssyncset.done $0x0  }
0x1f7: {  	[sflag:s0] =	ssyncadd.s32 $0xFFFFFF80  }
0x1f8: {  	_ =	swait.ge [sflag:s0], $0x80  }
0x1f9: {  	[sflag:s0] =	ssyncset.done $0x0  }
0x1fa: {  	s8 =	sadd.s32 $0x100, s7;
	[sflag:s0] =	ssyncadd.s32 $0xFFFFFF80  }
0x1fb: {  	[tilespmem:s23], [sflag:$0x1] =	stream.indirect.gather [hbm4b:s3+s22], $0x80, s8, s22, $0xb8;
	[tilespmem:$0x17400] =	vst v63  }
0x1fc: {  	_ =	swait.ge [sflag:s20], $0x4000  }
0x1fd: {  	[sflag:s20] =	ssyncset.done $0x0  }
0x1fe: {  	[sflag:s20] =	ssyncadd.s32 $0xFFFFC000  }
0x1ff: {  	[hbm4b:s19+s2] =	stream.linear.scatter [tilespmem:s1], [sflag:$0x6], $0x4000, $0x38;
	[tilespmem:$0x17400] =	vst v63  }
0x200: {  	s15 =	sadd.s32 s6, s18;
	s16 =	simm.s32 $0x17200  }
0x201: {  	[hbm4b:s15+s2] =	stream.linear.scatter [tilespmem:s16], [sflag:$0x6], $0x80, $0x38;
	[tilespmem:$0x17400] =	vst v63  }
0x202: {  	s15 =	sadd.s32 s6, s17;
	s16 =	simm.s32 $0x17280  }
0x203: {  	[hbm4b:s15+s2] =	stream.linear.scatter [tilespmem:s16], [sflag:$0x6], $0x80, $0x38;
	[tilespmem:$0x17400] =	vst v63  }
.Ltmp5:
0x204: {  	s15 =	rddreg [dreg:$0xa];
	(pc) =	sbr.rel .LBB2_4-.Ltmp5, $4  }
0x205: {  	s16 =	simm.s32 $0x17300;
	s7 =	sadd.s32 s6, s15;
	s15 =	rddreg [dreg:$0x9]  }
0x206: {  	[hbm4b:s7+s2] =	stream.linear.scatter [tilespmem:s16], [sflag:$0x6], $0x80, $0x38;
	[tilespmem:$0x17400] =	vst v63  }
0x207: {  	s7 =	sadd.s32 s6, s15;
	s16 =	simm.s32 $0x17380  }
0x208: {  	[hbm4b:s7+s2] =	stream.linear.scatter [tilespmem:s16], [sflag:$0x6], $0x80, $0x38;
	[tilespmem:$0x17400] =	vst v63  }
.LBB2_6:
0x209: {  	_ =	sfence.sel $0x180000  }
0x20a: {  	[bflag:$0x0] =	sbarrier.arrive $0xFFFF  }
0x20b: {  	_ =	strace $0x90000047  }
0x20c: {  	s0 =	stileid.u32;
	[bflag:$0x2] =	sbarrier.arrive $0xFFFF  }
0x20d: {  	p0 =	sne.s32 s0, $0x0;
	s0 =	rddreg [dreg:$0x2]  }
0x20e: {  	s0 =	sadd.s32 @!p0 $0x100000, s0  }
0x20f: {  	[sflag:s0] =	ssyncadd.tile.s32 @!p0 $0x1;
	_ =	shalt  }
.Lfunc_end2:
_tile_overlayer_lowered:
.L_overlay_start_2:
0x210: {  	(tag) =	ssettag $0x2  }
0x211: {  	s0 =	rddreg [dreg:$0x0];
	s2 =	stileid.u32  }
0x212: {  	s1 =	rddreg [dreg:$0x1];
	p0 =	sne.s32 s2, $0x0  }
0x213: {  	s3 =	rddreg [dreg:$0x2];
	[bflag:$0x3] =	sbarrier.arrive $0xFFFF;
	s2 =	simm.s32 @!p0 $0x1C07  }
0x214: {  	[timem:s3], [sflag:s2] =	dma.local @!p0 [hbm:s0], s1  }
0x215: {  	s0 =	simm.s32 @!p0 $0x7  }
0x216: {  	_ =	swait.ge @!p0 [sflag:s0], s1  }
0x217: {  	s1 =	ssub.s32 @!p0 $0x0, s1;
	[sflag:s0] =	ssyncset.done @!p0 $0x0  }
0x218: {  	[sflag:s0] =	ssyncadd.s32 @!p0 s1  }
0x219: {  	[bflag:$0x3] =	sbarrier.arrive $0xFFFF  }
0x21a: {  	_ =	shalt  }

</sc_bundles>
